<compile_context>
chip_gen: v7x
topology: tpu7x:2x2x1
jax: 0.10.2.dev20260603
libtpu: 0.0.44.dev20260713+nightly
codegen_flags: <defaults>
</compile_context>

<pallas_src>
import functools

import jax
import jax.numpy as jnp
from jax import lax
from jax.experimental import pallas as pl
from jax.experimental.pallas import tpu as pltpu
from jax.experimental.pallas import tpu_sc as plsc

N = 10000
E = 320000
NNFEAT = 128
H = 256
OUT = 1024
NUM_GRAPHS = 16

NC = 2
NS = 16
NW = NC * NS
L = 16

K = 80
EPW = E // NW
EPS = E // NS
NPS = N // NS
HC = 128
HW = HC // 2
WR = 624

_MESH = plsc.VectorSubcoreMesh(core_axis_name="c", subcore_axis_name="s")


def _dosd_body(tab_hbm, fidx_hbm, out_hbm, fidx0, fidx1, vbuf0, vbuf1,
               isem0, isem1, gsem0, gsem1):
    c = lax.axis_index("c")
    s = lax.axis_index("s")
    wid = s * NC + c
    base0 = wid * EPW
    sets = ((fidx0, vbuf0, isem0, gsem0), (fidx1, vbuf1, isem1, gsem1))

    def issue_idx(j, p):
        fi, _, ise, _ = sets[p]
        pltpu.async_copy(fidx_hbm.at[pl.ds(base0 + j * K, K)], fi, ise)

    def issue_gather(p):
        fi, vb, ise, gse = sets[p]
        pltpu.make_async_copy(fidx_hbm.at[pl.ds(0, K)], fi, ise).wait()
        pltpu.async_copy(tab_hbm.at[fi], vb, gse)

    def drain(j, p):
        fi, vb, _, gse = sets[p]
        pltpu.make_async_copy(tab_hbm.at[fi], vb, gse).wait()
        pltpu.sync_copy(vb, out_hbm.at[pl.ds(base0 + j * K, K)])

    issue_idx(0, 0)
    issue_idx(1, 1)
    issue_gather(0)

    def pair(t, _):
        j = t * 2

        def half(j, p):
            pl.when(j + 1 < EPW // K)(lambda: issue_gather(1 - p))
            drain(j, p)
            pl.when(j + 2 < EPW // K)(lambda: issue_idx(j + 2, p))

        half(j, 0)
        half(j + 1, 1)
        return 0

    lax.fori_loop(0, EPW // (2 * K), pair, 0)
    if (EPW // K) % 2:
        drain(EPW // K - 1, 0)


_dosd_gather = functools.partial(
    pl.kernel,
    out_type=jax.ShapeDtypeStruct((E,), jnp.float32),
    mesh=_MESH,
    scratch_types=[
        pltpu.VMEM((K,), jnp.int32),
        pltpu.VMEM((K,), jnp.int32),
        pltpu.VMEM((K,), jnp.float32),
        pltpu.VMEM((K,), jnp.float32),
        pltpu.SemaphoreType.DMA,
        pltpu.SemaphoreType.DMA,
        pltpu.SemaphoreType.DMA,
        pltpu.SemaphoreType.DMA,
    ],
)(_dosd_body)


def _edge_body(esplit, h_hbm, eaw_hbm, src_hbm, dst_hbm, out_hbm,
               sidx0, didx0, gidx0, dscat0, hbuf0, ebuf0,
               sidx1, didx1, gidx1, dscat1, hbuf1, ebuf1,
               aggr_sh,
               isem0, gsem0, esem0, ssem0, isem1, gsem1, esem1, ssem1):
    c = lax.axis_index("c")
    s = lax.axis_index("s")

    def zrow(r, _):
        for cc in range(HC // L):
            hbuf0[r, pl.ds(cc * L, L)] = jnp.zeros((L,), jnp.float32)
        return 0

    lax.fori_loop(0, K, zrow, 0)

    def zcopy(j, _):
        pltpu.sync_copy(hbuf0, aggr_sh.at[pl.ds(s * NPS + j * K, K)])
        return 0

    lax.fori_loop(0, NPS // K, zcopy, 0)
    pltpu.sync_copy(hbuf0.at[pl.ds(0, NPS - (NPS // K) * K)],
                    aggr_sh.at[pl.ds(s * NPS + (NPS // K) * K,
                                     NPS - (NPS // K) * K)])
    plsc.subcore_barrier()

    if esplit:
        base0 = (c * NS + s) * EPW
        goff = 0
        eoff = 0
        nchunks = EPW // K
    else:
        base0 = s * EPS
        goff = c * N
        eoff = c * E
        nchunks = EPS // K

    sets = ((sidx0, didx0, gidx0, dscat0, hbuf0, ebuf0, isem0, gsem0, esem0,
             ssem0),
            (sidx1, didx1, gidx1, dscat1, hbuf1, ebuf1, isem1, gsem1, esem1,
             ssem1))

    def issue_idx(j, p):
        b = base0 + j * K
        si, di, _, _, _, _, ise, _, _, _ = sets[p]
        pltpu.async_copy(src_hbm.at[pl.ds(b, K)], si, ise)
        pltpu.async_copy(dst_hbm.at[pl.ds(b, K)], di, ise)

    def wait_idx(p):
        si, di, _, _, _, _, ise, _, _, _ = sets[p]
        pltpu.make_async_copy(src_hbm.at[pl.ds(0, K)], si, ise).wait()
        pltpu.make_async_copy(dst_hbm.at[pl.ds(0, K)], di, ise).wait()

    def issue_fetch(j, p):
        b = base0 + j * K
        si, di, gi, dsc, hb, eb, _, gse, ese, _ = sets[p]
        for i in range(K // L):
            sl = pl.ds(i * L, L)
            gi[sl] = si[sl] + goff
            dsc[sl] = di[sl]
        pltpu.async_copy(h_hbm.at[gi], hb, gse)
        pltpu.async_copy(eaw_hbm.at[pl.ds(eoff + b, K)], eb, ese)

    def wait_fetch(p):
        _, _, gi, _, hb, eb, _, gse, ese, _ = sets[p]
        pltpu.make_async_copy(h_hbm.at[gi], hb, gse).wait()
        pltpu.make_async_copy(eaw_hbm.at[pl.ds(0, K)], eb, ese).wait()

    def compute(p):
        hb, eb = sets[p][4], sets[p][5]

        def row(r, _):
            for g in range(HC // 32):
                w = eb[r, pl.ds(g * L, L)]
                lo = plsc.bitcast(w << 16, jnp.float32)
                hi = plsc.bitcast(w & jnp.int32(-65536), jnp.float32)
                sll = pl.ds(g * 32, L)
                slh = pl.ds(g * 32 + L, L)
                hb[r, sll] = jnp.maximum(hb[r, sll] + lo, 0.0)
                hb[r, slh] = jnp.maximum(hb[r, slh] + hi, 0.0)
            return 0

        lax.fori_loop(0, K, row, 0)

    def issue_scatter(p):
        _, _, _, dsc, hb, _, _, _, _, sse = sets[p]
        pltpu.async_copy(hb, aggr_sh.at[dsc], sse, add=True)

    def wait_scatter(p):
        _, _, _, dsc, hb, _, _, _, _, sse = sets[p]
        pltpu.make_async_copy(hb, aggr_sh.at[dsc], sse).wait()

    def body(j, p, static_last=False):
        pbar = 1 - p

        if not static_last:
            @pl.when(j + 1 < nchunks)
            def _():
                pl.when(j >= 1)(lambda: wait_scatter(pbar))
                wait_idx(pbar)
                issue_fetch(j + 1, pbar)
                pl.when(j + 2 < nchunks)(lambda: issue_idx(j + 2, p))

        wait_fetch(p)
        compute(p)
        issue_scatter(p)

    issue_idx(0, 0)
    issue_idx(1, 1)
    wait_idx(0)
    issue_fetch(0, 0)

    def pair(t, _):
        body(t * 2, 0)
        body(t * 2 + 1, 1)
        return 0

    lax.fori_loop(0, nchunks // 2, pair, 0)
    if nchunks % 2:
        body(nchunks - 1, 0, static_last=True)
    wait_scatter(nchunks % 2)
    wait_scatter((nchunks + 1) % 2)
    plsc.subcore_barrier()
    pltpu.sync_copy(aggr_sh.at[pl.ds(s * WR, WR)],
                    out_hbm.at[pl.ds(c * N + s * WR, WR)])

    @pl.when(s == 0)
    def _():
        pltpu.sync_copy(aggr_sh.at[pl.ds(NS * WR, N - NS * WR)],
                        out_hbm.at[pl.ds(c * N + NS * WR, N - NS * WR)])


@functools.cache
def _edge_stage(esplit):
    return functools.partial(
        pl.kernel,
        out_type=jax.ShapeDtypeStruct((2 * N, HC), jnp.float32),
        mesh=_MESH,
        compiler_params=pltpu.CompilerParams(needs_layout_passes=False),
        scratch_types=(
            [pltpu.VMEM((K,), jnp.int32)] * 4
            + [pltpu.VMEM((K, HC), jnp.float32),
               pltpu.VMEM((K, HW), jnp.int32)]
            + [pltpu.VMEM((K,), jnp.int32)] * 4
            + [pltpu.VMEM((K, HC), jnp.float32),
               pltpu.VMEM((K, HW), jnp.int32)]
            + [pltpu.VMEM_SHARED((N, HC), jnp.float32)]
            + [pltpu.SemaphoreType.DMA] * 8
        ),
    )(functools.partial(_edge_body, esplit))


EB = 2560


def _eaw_body(ea_ref, *refs):
    ws = refs[:20]
    outs = refs[20:]
    ea = ea_ref[...]
    dn = (((0,), (0,)), ((), ()))

    def packed(k):
        wlo, blo, whi, bhi = ws[4 * k:4 * k + 4]
        ra = lax.dot_general(ea, wlo[...], dn,
                             preferred_element_type=jnp.float32) + blo[...]
        rb = lax.dot_general(ea, whi[...], dn,
                             preferred_element_type=jnp.float32) + bhi[...]
        ba = lax.bitcast_convert_type(ra.astype(jnp.bfloat16),
                                      jnp.uint16).astype(jnp.uint32)
        bb = lax.bitcast_convert_type(rb.astype(jnp.bfloat16),
                                      jnp.uint16).astype(jnp.uint32)
        return lax.bitcast_convert_type(ba | (bb << jnp.uint32(16)),
                                        jnp.int32)

    o1, o2, o3 = outs
    o1[...] = packed(0)
    o2[0] = packed(1)
    o2[1] = packed(2)
    o3[0] = packed(3)
    o3[1] = packed(4)


def _eaw_all(ea18_t, params):
    p = params
    lo_perm = [g * 32 + i for g in range(4) for i in range(16)]
    hi_perm = [g * 32 + 16 + i for g in range(4) for i in range(16)]
    wargs = []
    wspecs = []
    for l, h in ((1, 0), (2, 0), (2, 1), (3, 0), (3, 1)):
        we = p[f"We{l}"]
        be = p[f"be{l}"]
        for perm in (lo_perm, hi_perm):
            cols = jnp.asarray([h * 128 + q for q in perm])
            wargs += [we[:, cols], be[cols].reshape(1, HW)]
            wspecs += [pl.BlockSpec((18, HW), lambda i: (0, 0)),
                       pl.BlockSpec((1, HW), lambda i: (0, 0))]
    return pl.pallas_call(
        _eaw_body,
        grid=(E // EB,),
        in_specs=[pl.BlockSpec((18, EB), lambda i: (0, i))] + wspecs,
        out_specs=[pl.BlockSpec((EB, HW), lambda i: (i, 0)),
                   pl.BlockSpec((2, EB, HW), lambda i: (0, i, 0)),
                   pl.BlockSpec((2, EB, HW), lambda i: (0, i, 0))],
        out_shape=[jax.ShapeDtypeStruct((E, HW), jnp.int32),
                   jax.ShapeDtypeStruct((2, E, HW), jnp.int32),
                   jax.ShapeDtypeStruct((2, E, HW), jnp.int32)],
    )(ea18_t, *wargs)


NB = 2000


def _node_body(first, last, alo_ref, ahi_ref, hlo_ref, hhi_ref, xa_ref,
               wg_ref, bg_ref, wa_ref, ba_ref, wb_ref, bb_ref, wf_ref,
               bf_ref, *rest):
    if last:
        b_ref, ps_ref, cnt_ref = rest
    else:
        o_ref, = rest
    gt = jnp.dot(xa_ref[...], wg_ref[...],
                 preferred_element_type=jnp.float32) + bg_ref[...]
    if first:
        inp = alo_ref[...] + ahi_ref[...] + hlo_ref[...] + gt
    else:
        inp = jnp.concatenate(
            [alo_ref[...] + hlo_ref[...], ahi_ref[...] + hhi_ref[...]],
            axis=1) + gt
    bf = jnp.bfloat16
    t1 = jax.nn.relu(jnp.dot(inp.astype(bf), wa_ref[...].astype(bf),
                             preferred_element_type=jnp.float32) + ba_ref[...])
    t2 = jax.nn.relu(jnp.dot(t1.astype(bf), wb_ref[...].astype(bf),
                             preferred_element_type=jnp.float32) + bb_ref[...])
    h3 = jnp.dot(t2.astype(bf), wf_ref[...].astype(bf),
                 preferred_element_type=jnp.float32) + bf_ref[...]
    if not last:
        h3 = jax.nn.relu(h3)
        o_ref[0] = h3[:, :HC]
        o_ref[1] = h3[:, HC:]
    else:
        i = pl.program_id(0)
        mask = (lax.broadcasted_iota(jnp.int32, (NUM_GRAPHS, NB), 0)
                == b_ref[0]).astype(jnp.float32)
        ps = jnp.dot(mask, h3, preferred_element_type=jnp.float32)
        cnt = jnp.sum(mask, axis=1, keepdims=True)

        @pl.when(i == 0)
        def _():
            ps_ref[...] = jnp.zeros_like(ps_ref)
            cnt_ref[...] = jnp.zeros_like(cnt_ref)

        ps_ref[...] += ps
        cnt_ref[...] += cnt


def _node_mlp(l, aggr_flat, h_flat, xA, params, batch_row=None):
    p = params
    cin = NNFEAT if l == 1 else H
    first = l == 1
    hcin = cin if first else cin // 2
    last = l == 3
    nblk = N // NB
    args = [aggr_flat, aggr_flat, h_flat, h_flat,
            xA.reshape(1, 21), p[f"Wg{l}"], p[f"bg{l}"].reshape(1, cin),
            p[f"W{l}a"], p[f"b{l}a"].reshape(1, H),
            p[f"W{l}b"], p[f"b{l}b"].reshape(1, OUT),
            p[f"Wf{l}"], p[f"bf{l}"].reshape(1, H)]
    in_specs = [
        pl.BlockSpec((NB, HC), lambda i: (i, 0)),
        pl.BlockSpec((NB, HC), lambda i: (i + nblk, 0)),
        pl.BlockSpec((NB, hcin), lambda i: (i, 0)),
        pl.BlockSpec((NB, hcin), lambda i: (i, 0) if first
                     else (i + nblk, 0)),
        pl.BlockSpec((1, 21), lambda i: (0, 0)),
        pl.BlockSpec((21, cin), lambda i: (0, 0)),
        pl.BlockSpec((1, cin), lambda i: (0, 0)),
        pl.BlockSpec((cin, H), lambda i: (0, 0)),
        pl.BlockSpec((1, H), lambda i: (0, 0)),
        pl.BlockSpec((H, OUT), lambda i: (0, 0)),
        pl.BlockSpec((1, OUT), lambda i: (0, 0)),
        pl.BlockSpec((OUT, H), lambda i: (0, 0)),
        pl.BlockSpec((1, H), lambda i: (0, 0)),
    ]
    if last:
        args.append(batch_row)
        in_specs.append(pl.BlockSpec((1, 1, NB), lambda i: (i, 0, 0)))
        out_spec = [pl.BlockSpec((NUM_GRAPHS, H), lambda i: (0, 0)),
                    pl.BlockSpec((NUM_GRAPHS, 1), lambda i: (0, 0))]
        out_shape = [jax.ShapeDtypeStruct((NUM_GRAPHS, H), jnp.float32),
                     jax.ShapeDtypeStruct((NUM_GRAPHS, 1), jnp.float32)]
    else:
        out_spec = pl.BlockSpec((2, NB, HC), lambda i: (0, i, 0))
        out_shape = jax.ShapeDtypeStruct((2, N, HC), jnp.float32)
    return pl.pallas_call(
        functools.partial(_node_body, first, last),
        grid=(nblk,),
        in_specs=in_specs,
        out_specs=out_spec,
        out_shape=out_shape,
    )(*args)


def _head_body(ps_ref, cnt_ref, w_ref, b_ref, o_ref):
    pooled = ps_ref[...] / jnp.maximum(cnt_ref[...], 1.0)
    o_ref[...] = jax.nn.sigmoid(
        jnp.dot(pooled, w_ref[...], preferred_element_type=jnp.float32)
        + b_ref[...]) * 0.5


def _head(ps, cnt, wfc, bfc):
    return pl.pallas_call(
        _head_body,
        out_shape=jax.ShapeDtypeStruct((NUM_GRAPHS, 1), jnp.float32),
    )(ps, cnt, wfc, bfc.reshape(1, 1))


def kernel(x, edge_index, edge_attr, xA, dosd_distances, batch, params):
    p = params
    src = edge_index[0]
    dst = edge_index[1]

    flat = src * N + dst
    dosd_vals = _dosd_gather(dosd_distances.reshape(N * N), flat)
    ea18_t = jnp.concatenate([edge_attr.T, dosd_vals.reshape(1, E)], axis=0)

    batch_row = batch.reshape(N // NB, 1, NB)

    eaw1, eaw2, eaw3 = _eaw_all(ea18_t, p)
    aggr1 = _edge_stage(True)(x, eaw1, src, dst)
    h2 = _node_mlp(1, aggr1, x, xA, p).reshape(2 * N, HC)
    aggr2 = _edge_stage(False)(h2, eaw2.reshape(2 * E, HW), src, dst)
    h3 = _node_mlp(2, aggr2, h2, xA, p).reshape(2 * N, HC)
    aggr3 = _edge_stage(False)(h3, eaw3.reshape(2 * E, HW), src, dst)
    ps, cnt = _node_mlp(3, aggr3, h3, xA, p, batch_row)
    return _head(ps, cnt, p["Wfc"], p["bfc"])

# --- scband reference (transcript-rebuilt; emitter-appended) ---
"""Pipeline reference for scband-time-prediction-model-graph-6124623364176 (READ-ONLY COPY).

The authoritative reference and input builder live on the scoring server;
editing this copy changes nothing except your own understanding.
"""

import jax, jax.numpy as jnp
import numpy as np

N = 10000
E = 320000
NNFEAT = 128
NHEAD = 2
H = 2 * NNFEAT
OUT = 2 * NNFEAT * 2 * NHEAD
GDIM = 21
EDIM = 18
NUM_GRAPHS = 16


def _lin(key, fi, fo):
    k1, k2 = jax.random.split(key)
    s = 1.0 / np.sqrt(fi)
    W = jax.random.uniform(k1, (fi, fo), minval=-s, maxval=s, dtype=jnp.float32)
    b = jax.random.uniform(k2, (fo,), minval=-s, maxval=s, dtype=jnp.float32)
    return W, b


def _make_params(key):
    ks = jax.random.split(key, 20)
    p = {}
    ins = [NNFEAT, H, H]
    i = 0
    for l, cin in enumerate(ins, start=1):
        p[f"W{l}a"], p[f"b{l}a"] = _lin(ks[i], cin, H); i += 1
        p[f"W{l}b"], p[f"b{l}b"] = _lin(ks[i], H, OUT); i += 1
        p[f"We{l}"], p[f"be{l}"] = _lin(ks[i], EDIM, cin); i += 1
        p[f"Wg{l}"], p[f"bg{l}"] = _lin(ks[i], GDIM, cin); i += 1
        p[f"Wf{l}"], p[f"bf{l}"] = _lin(ks[i], OUT, H); i += 1
    p["Wfc"], p["bfc"] = _lin(ks[i], H, 1)
    return p


def setup_inputs(seed: int = 0) -> dict:
    key = jax.random.key(seed)
    ks = jax.random.split(key, 8)
    return {
        "x": jax.random.normal(ks[0], (N, NNFEAT), dtype=jnp.float32),
        "edge_index": jax.random.randint(ks[1], (2, E), 0, N, dtype=jnp.int32),
        "edge_attr": jax.random.normal(ks[2], (E, EDIM - 1), dtype=jnp.float32),
        "xA": jax.random.normal(ks[3], (GDIM,), dtype=jnp.float32),
        "dosd_distances": jax.random.uniform(ks[4], (N, N), dtype=jnp.float32),
        "batch": jnp.sort(jax.random.randint(ks[5], (N,), 0, NUM_GRAPHS, dtype=jnp.int32)),
        "params": _make_params(ks[6]),
    }


def _gine(x, ea, src, dst, g, We, be, Wg, bg, Wa, ba, Wb, bb):
    # GINEConv message: relu(x_j + lin(edge_attr)); aggregate: sum at dst
    m = jax.nn.relu(x[src] + ea @ We + be)
    aggr = jax.ops.segment_sum(m, dst, num_segments=x.shape[0])
    gt = g @ Wg + bg
    out = aggr + (1.0 + 0.0) * x + gt[None, :]
    h = jax.nn.relu(out @ Wa + ba)
    return h @ Wb + bb


def _forward(x, edge_attr, xA, dosd, edge_index, batch, p):
    src, dst = edge_index[0], edge_index[1]
    dosd_vals = dosd[src, dst][:, None]
    ea = jnp.concatenate([edge_attr, dosd_vals], axis=1)
    h = x
    for l in (1, 2, 3):
        h = jax.nn.relu(_gine(h, ea, src, dst, xA,
                              p[f"We{l}"], p[f"be{l}"],
                              p[f"Wg{l}"], p[f"bg{l}"],
                              p[f"W{l}a"], p[f"b{l}a"],
                              p[f"W{l}b"], p[f"b{l}b"]))
        h = h @ p[f"Wf{l}"] + p[f"bf{l}"]
        if l < 3:
            h = jax.nn.relu(h)
    # global_mean_pool
    sums = jax.ops.segment_sum(h, batch, num_segments=NUM_GRAPHS)
    cnt = jax.ops.segment_sum(jnp.ones((h.shape[0],), jnp.float32), batch, num_segments=NUM_GRAPHS)
    pooled = sums / jnp.clip(cnt, 1.0)[:, None]
    return jax.nn.sigmoid(pooled @ p["Wfc"] + p["bfc"]) * 0.5


def reference(x, edge_index, edge_attr, xA, dosd_distances, batch, params):
    return _forward(x, edge_attr, xA, dosd_distances, edge_index, batch, params)

if __name__ == "__main__":
    import jax
    _d = setup_inputs()
    print(jax.jit(kernel)(*tuple(_d.values())))

</pallas_src>

<mosaic_0001>
#map = affine_map<(d0, d1) -> (0, 0)>
#map1 = affine_map<(d0, d1) -> (0)>
module attributes {stable_mosaic.version = 14 : i64} {
  func.func @_edge_body(%arg0: i32, %arg1: i32, %arg2: memref<20000x128xf32, #tpu.memory_space<hbm>>, %arg3: memref<640000x64xi32, #tpu.memory_space<hbm>>, %arg4: memref<320000xi32, #tpu.memory_space<hbm>>, %arg5: memref<320000xi32, #tpu.memory_space<hbm>>, %arg6: memref<20000x128xf32, #tpu.memory_space<hbm>>, %arg7: memref<80xi32, #tpu.memory_space<vmem>>, %arg8: memref<80xi32, #tpu.memory_space<vmem>>, %arg9: memref<80xi32, #tpu.memory_space<vmem>>, %arg10: memref<80xi32, #tpu.memory_space<vmem>>, %arg11: memref<80x128xf32, #tpu.memory_space<vmem>>, %arg12: memref<80x64xi32, #tpu.memory_space<vmem>>, %arg13: memref<80xi32, #tpu.memory_space<vmem>>, %arg14: memref<80xi32, #tpu.memory_space<vmem>>, %arg15: memref<80xi32, #tpu.memory_space<vmem>>, %arg16: memref<80xi32, #tpu.memory_space<vmem>>, %arg17: memref<80x128xf32, #tpu.memory_space<vmem>>, %arg18: memref<80x64xi32, #tpu.memory_space<vmem>>, %arg19: memref<10000x128xf32, #tpu.memory_space<vmem_shared>>, %arg20: memref<!tpu.dma_semaphore, #tpu.memory_space<semaphore_mem>>, %arg21: memref<!tpu.dma_semaphore, #tpu.memory_space<semaphore_mem>>, %arg22: memref<!tpu.dma_semaphore, #tpu.memory_space<semaphore_mem>>, %arg23: memref<!tpu.dma_semaphore, #tpu.memory_space<semaphore_mem>>, %arg24: memref<!tpu.dma_semaphore, #tpu.memory_space<semaphore_mem>>, %arg25: memref<!tpu.dma_semaphore, #tpu.memory_space<semaphore_mem>>, %arg26: memref<!tpu.dma_semaphore, #tpu.memory_space<semaphore_mem>>, %arg27: memref<!tpu.dma_semaphore, #tpu.memory_space<semaphore_mem>>) attributes {dimension_semantics = [#tpu.dimension_semantics<core_parallel>, #tpu.dimension_semantics<subcore_parallel>], iteration_bounds = array<i64: 2, 16>, scalar_prefetch = 0 : i64, scratch_operands = 21 : i64, tpu.core_type = #tpu.core_type<sc_vector_subcore>, window_params = [{transform_indices = #map}, {transform_indices = #map}, {transform_indices = #map1}, {transform_indices = #map1}, {transform_indices = #map}]} {
    %scan3A = arith.constant 0 : i32
    %scan3A_0 = arith.constant 0 : i32
    %scan3A_1 = arith.constant 80 : i32
    %scan3A_2 = arith.addi %scan3A_0, %scan3A_1 : i32
    %scan3A_3 = arith.constant 1 : i32
    %scan3A_4 = scf.for %scan3A_120 = %scan3A_0 to %scan3A_2 step %scan3A_3 iter_args(%scan3A_121 = %scan3A) -> (i32)  : i32 {
      %broadcast_in_dim3A = arith.constant 0.000000e+00 : f32
      %broadcast_in_dim3A_122 = vector.broadcast %broadcast_in_dim3A : f32 to vector<16xf32>
      %swap3A_123 = arith.index_cast %scan3A_120 : i32 to index
      %swap3A_124 = arith.constant 0 : index
      %swap3A_125 = tpu.vector_load %arg11[%swap3A_123, %swap3A_124] {strides = array<i32>} : memref<80x128xf32, #tpu.memory_space<vmem>>, vector<16xf32>,
      tpu.vector_store %arg11[%swap3A_123, %swap3A_124], %broadcast_in_dim3A_122 {strides = array<i32>} : memref<80x128xf32, #tpu.memory_space<vmem>>, vector<16xf32>,
      %broadcast_in_dim3A_126 = arith.constant 0.000000e+00 : f32
      %broadcast_in_dim3A_127 = vector.broadcast %broadcast_in_dim3A_126 : f32 to vector<16xf32>
      %swap3A_128 = arith.index_cast %scan3A_120 : i32 to index
      %swap3A_129 = arith.constant 16 : index
      %swap3A_130 = tpu.vector_load %arg11[%swap3A_128, %swap3A_129] {strides = array<i32>} : memref<80x128xf32, #tpu.memory_space<vmem>>, vector<16xf32>,
      tpu.vector_store %arg11[%swap3A_128, %swap3A_129], %broadcast_in_dim3A_127 {strides = array<i32>} : memref<80x128xf32, #tpu.memory_space<vmem>>, vector<16xf32>,
      %broadcast_in_dim3A_131 = arith.constant 0.000000e+00 : f32
      %broadcast_in_dim3A_132 = vector.broadcast %broadcast_in_dim3A_131 : f32 to vector<16xf32>
      %swap3A_133 = arith.index_cast %scan3A_120 : i32 to index
      %swap3A_134 = arith.constant 32 : index
      %swap3A_135 = tpu.vector_load %arg11[%swap3A_133, %swap3A_134] {strides = array<i32>} : memref<80x128xf32, #tpu.memory_space<vmem>>, vector<16xf32>,
      tpu.vector_store %arg11[%swap3A_133, %swap3A_134], %broadcast_in_dim3A_132 {strides = array<i32>} : memref<80x128xf32, #tpu.memory_space<vmem>>, vector<16xf32>,
      %broadcast_in_dim3A_136 = arith.constant 0.000000e+00 : f32
      %broadcast_in_dim3A_137 = vector.broadcast %broadcast_in_dim3A_136 : f32 to vector<16xf32>
      %swap3A_138 = arith.index_cast %scan3A_120 : i32 to index
      %swap3A_139 = arith.constant 48 : index
      %swap3A_140 = tpu.vector_load %arg11[%swap3A_138, %swap3A_139] {strides = array<i32>} : memref<80x128xf32, #tpu.memory_space<vmem>>, vector<16xf32>,
      tpu.vector_store %arg11[%swap3A_138, %swap3A_139], %broadcast_in_dim3A_137 {strides = array<i32>} : memref<80x128xf32, #tpu.memory_space<vmem>>, vector<16xf32>,
      %broadcast_in_dim3A_141 = arith.constant 0.000000e+00 : f32
      %broadcast_in_dim3A_142 = vector.broadcast %broadcast_in_dim3A_141 : f32 to vector<16xf32>
      %swap3A_143 = arith.index_cast %scan3A_120 : i32 to index
      %swap3A_144 = arith.constant 64 : index
      %swap3A_145 = tpu.vector_load %arg11[%swap3A_143, %swap3A_144] {strides = array<i32>} : memref<80x128xf32, #tpu.memory_space<vmem>>, vector<16xf32>,
      tpu.vector_store %arg11[%swap3A_143, %swap3A_144], %broadcast_in_dim3A_142 {strides = array<i32>} : memref<80x128xf32, #tpu.memory_space<vmem>>, vector<16xf32>,
      %broadcast_in_dim3A_146 = arith.constant 0.000000e+00 : f32
      %broadcast_in_dim3A_147 = vector.broadcast %broadcast_in_dim3A_146 : f32 to vector<16xf32>
      %swap3A_148 = arith.index_cast %scan3A_120 : i32 to index
      %swap3A_149 = arith.constant 80 : index
      %swap3A_150 = tpu.vector_load %arg11[%swap3A_148, %swap3A_149] {strides = array<i32>} : memref<80x128xf32, #tpu.memory_space<vmem>>, vector<16xf32>,
      tpu.vector_store %arg11[%swap3A_148, %swap3A_149], %broadcast_in_dim3A_147 {strides = array<i32>} : memref<80x128xf32, #tpu.memory_space<vmem>>, vector<16xf32>,
      %broadcast_in_dim3A_151 = arith.constant 0.000000e+00 : f32
      %broadcast_in_dim3A_152 = vector.broadcast %broadcast_in_dim3A_151 : f32 to vector<16xf32>
      %swap3A_153 = arith.index_cast %scan3A_120 : i32 to index
      %swap3A_154 = arith.constant 96 : index
      %swap3A_155 = tpu.vector_load %arg11[%swap3A_153, %swap3A_154] {strides = array<i32>} : memref<80x128xf32, #tpu.memory_space<vmem>>, vector<16xf32>,
      tpu.vector_store %arg11[%swap3A_153, %swap3A_154], %broadcast_in_dim3A_152 {strides = array<i32>} : memref<80x128xf32, #tpu.memory_space<vmem>>, vector<16xf32>,
      %broadcast_in_dim3A_156 = arith.constant 0.000000e+00 : f32
      %broadcast_in_dim3A_157 = vector.broadcast %broadcast_in_dim3A_156 : f32 to vector<16xf32>
      %swap3A_158 = arith.index_cast %scan3A_120 : i32 to index
      %swap3A_159 = arith.constant 112 : index
      %swap3A_160 = tpu.vector_load %arg11[%swap3A_158, %swap3A_159] {strides = array<i32>} : memref<80x128xf32, #tpu.memory_space<vmem>>, vector<16xf32>,
      tpu.vector_store %arg11[%swap3A_158, %swap3A_159], %broadcast_in_dim3A_157 {strides = array<i32>} : memref<80x128xf32, #tpu.memory_space<vmem>>, vector<16xf32>,
      %scan3A_161 = arith.constant 0 : i32
      scf.yield %scan3A_161 : i32
    }
    %scan3A_5 = arith.constant 80 : i32
    %scan3A_6 = arith.constant 0 : i32
    %scan3A_7 = arith.constant 0 : i32
    %scan3A_8 = arith.constant 7 : i32
    %scan3A_9 = arith.addi %scan3A_7, %scan3A_8 : i32
    %scan3A_10 = arith.constant 1 : i32
    %scan3A_11 = scf.for %scan3A_120 = %scan3A_7 to %scan3A_9 step %scan3A_10 iter_args(%scan3A_121 = %scan3A_6) -> (i32)  : i32 {
      %mul3A_122 = arith.constant 625 : i32
      %mul3A_123 = arith.muli %arg1, %mul3A_122 : i32
      %mul3A_124 = arith.constant 80 : i32
      %mul3A_125 = arith.muli %scan3A_120, %mul3A_124 : i32
      %add3A_126 = arith.addi %mul3A_123, %mul3A_125 : i32
      "tpu.region"() ({
        %run_scoped3A = tpu.sem_alloc : memref<!tpu.dma_semaphore, #tpu.memory_space<semaphore_mem>>
        %dma_start3A_128 = arith.constant 0 : i32
        %dma_start3A_129 = tpu.memref_slice %arg19[%add3A_126, %dma_start3A_128] : memref<10000x128xf32, #tpu.memory_space<vmem_shared>> -> memref<80x128xf32, #tpu.memory_space<vmem_shared>>
        %dma_start3A_130 = arith.constant 0 : i32
        %dma_start3A_131 = tpu.memref_slice %arg19[%add3A_126, %dma_start3A_130] : memref<10000x128xf32, #tpu.memory_space<vmem_shared>> -> memref<80x128xf32, #tpu.memory_space<vmem_shared>>
        tpu.enqueue_dma source(%arg11 : memref<80x128xf32, #tpu.memory_space<vmem>>) target(%dma_start3A_131 : memref<80x128xf32, #tpu.memory_space<vmem_shared>>) target_semaphore(%run_scoped3A : memref<!tpu.dma_semaphore, #tpu.memory_space<semaphore_mem>>)
        %dma_wait3A_132 = arith.constant 0 : i32
        %dma_wait3A_133 = tpu.memref_slice %arg19[%add3A_126, %dma_wait3A_132] : memref<10000x128xf32, #tpu.memory_space<vmem_shared>> -> memref<80x128xf32, #tpu.memory_space<vmem_shared>>
        %dma_wait3A_134 = arith.constant 0 : i32
        %dma_wait3A_135 = tpu.memref_slice %arg19[%add3A_126, %dma_wait3A_134] : memref<10000x128xf32, #tpu.memory_space<vmem_shared>> -> memref<80x128xf32, #tpu.memory_space<vmem_shared>>
        tpu.wait_dma2 semaphore(%run_scoped3A : memref<!tpu.dma_semaphore, #tpu.memory_space<semaphore_mem>>) src(%arg11 : memref<80x128xf32, #tpu.memory_space<vmem>>) dst(%dma_wait3A_135 : memref<80x128xf32, #tpu.memory_space<vmem_shared>>)
        tpu.yield
      }) : () -> ()
      %scan3A_127 = arith.constant 0 : i32
      scf.yield %scan3A_127 : i32
    }
    %scan3A_12 = arith.constant 7 : i32
    %mul3A = arith.constant 625 : i32
    %mul3A_13 = arith.muli %arg1, %mul3A : i32
    %add3A = arith.constant 560 : i32
    %add3A_14 = arith.addi %mul3A_13, %add3A : i32
    "tpu.region"() ({
      %run_scoped3A = tpu.sem_alloc : memref<!tpu.dma_semaphore, #tpu.memory_space<semaphore_mem>>
      %dma_start3A_120 = arith.constant 0 : i32
      %dma_start3A_121 = arith.constant 0 : i32
      %dma_start3A_122 = tpu.memref_slice %arg11[%dma_start3A_120, %dma_start3A_121] : memref<80x128xf32, #tpu.memory_space<vmem>> -> memref<65x128xf32, #tpu.memory_space<vmem>>
      %dma_start3A_123 = arith.constant 0 : i32
      %dma_start3A_124 = tpu.memref_slice %arg19[%add3A_14, %dma_start3A_123] : memref<10000x128xf32, #tpu.memory_space<vmem_shared>> -> memref<65x128xf32, #tpu.memory_space<vmem_shared>>
      %dma_start3A_125 = arith.constant 0 : i32
      %dma_start3A_126 = tpu.memref_slice %arg19[%add3A_14, %dma_start3A_125] : memref<10000x128xf32, #tpu.memory_space<vmem_shared>> -> memref<65x128xf32, #tpu.memory_space<vmem_shared>>
      %dma_start3A_127 = arith.constant 0 : i32
      %dma_start3A_128 = arith.constant 0 : i32
      %dma_start3A_129 = tpu.memref_slice %arg11[%dma_start3A_127, %dma_start3A_128] : memref<80x128xf32, #tpu.memory_space<vmem>> -> memref<65x128xf32, #tpu.memory_space<vmem>>
      tpu.enqueue_dma source(%dma_start3A_129 : memref<65x128xf32, #tpu.memory_space<vmem>>) target(%dma_start3A_126 : memref<65x128xf32, #tpu.memory_space<vmem_shared>>) target_semaphore(%run_scoped3A : memref<!tpu.dma_semaphore, #tpu.memory_space<semaphore_mem>>)
      %dma_wait3A_130 = arith.constant 0 : i32
      %dma_wait3A_131 = arith.constant 0 : i32
      %dma_wait3A_132 = tpu.memref_slice %arg11[%dma_wait3A_130, %dma_wait3A_131] : memref<80x128xf32, #tpu.memory_space<vmem>> -> memref<65x128xf32, #tpu.memory_space<vmem>>
      %dma_wait3A_133 = arith.constant 0 : i32
      %dma_wait3A_134 = tpu.memref_slice %arg19[%add3A_14, %dma_wait3A_133] : memref<10000x128xf32, #tpu.memory_space<vmem_shared>> -> memref<65x128xf32, #tpu.memory_space<vmem_shared>>
      %dma_wait3A_135 = arith.constant 0 : i32
      %dma_wait3A_136 = tpu.memref_slice %arg19[%add3A_14, %dma_wait3A_135] : memref<10000x128xf32, #tpu.memory_space<vmem_shared>> -> memref<65x128xf32, #tpu.memory_space<vmem_shared>>
      %dma_wait3A_137 = arith.constant 0 : i32
      %dma_wait3A_138 = arith.constant 0 : i32
      %dma_wait3A_139 = tpu.memref_slice %arg11[%dma_wait3A_137, %dma_wait3A_138] : memref<80x128xf32, #tpu.memory_space<vmem>> -> memref<65x128xf32, #tpu.memory_space<vmem>>
      tpu.wait_dma2 semaphore(%run_scoped3A : memref<!tpu.dma_semaphore, #tpu.memory_space<semaphore_mem>>) src(%dma_wait3A_139 : memref<65x128xf32, #tpu.memory_space<vmem>>) dst(%dma_wait3A_136 : memref<65x128xf32, #tpu.memory_space<vmem_shared>>)
      tpu.yield
    }) : () -> ()
    %barrier3A = arith.constant 0 : index
    tpu.barrier barrier_id(%barrier3A)
    %mul3A_15 = arith.constant 20000 : i32
    %mul3A_16 = arith.muli %arg1, %mul3A_15 : i32
    %mul3A_17 = arith.constant 10000 : i32
    %mul3A_18 = arith.muli %arg0, %mul3A_17 : i32
    %mul3A_19 = arith.constant 320000 : i32
    %mul3A_20 = arith.muli %arg0, %mul3A_19 : i32
    %add3A_21 = arith.constant 0 : i32
    %add3A_22 = arith.addi %mul3A_16, %add3A_21 : i32
    %dma_start3A = tpu.memref_slice %arg4[%add3A_22] : memref<320000xi32, #tpu.memory_space<hbm>> -> memref<80xi32, #tpu.memory_space<hbm>>
    %dma_start3A_23 = tpu.memref_slice %arg4[%add3A_22] : memref<320000xi32, #tpu.memory_space<hbm>> -> memref<80xi32, #tpu.memory_space<hbm>>
    tpu.enqueue_dma source(%dma_start3A_23 : memref<80xi32, #tpu.memory_space<hbm>>) target(%arg7 : memref<80xi32, #tpu.memory_space<vmem>>) target_semaphore(%arg20 : memref<!tpu.dma_semaphore, #tpu.memory_space<semaphore_mem>>)
    %dma_start3A_24 = tpu.memref_slice %arg5[%add3A_22] : memref<320000xi32, #tpu.memory_space<hbm>> -> memref<80xi32, #tpu.memory_space<hbm>>
    %dma_start3A_25 = tpu.memref_slice %arg5[%add3A_22] : memref<320000xi32, #tpu.memory_space<hbm>> -> memref<80xi32, #tpu.memory_space<hbm>>
    tpu.enqueue_dma source(%dma_start3A_25 : memref<80xi32, #tpu.memory_space<hbm>>) target(%arg8 : memref<80xi32, #tpu.memory_space<vmem>>) target_semaphore(%arg20 : memref<!tpu.dma_semaphore, #tpu.memory_space<semaphore_mem>>)
    %add3A_26 = arith.constant 80 : i32
    %add3A_27 = arith.addi %mul3A_16, %add3A_26 : i32
    %dma_start3A_28 = tpu.memref_slice %arg4[%add3A_27] : memref<320000xi32, #tpu.memory_space<hbm>> -> memref<80xi32, #tpu.memory_space<hbm>>
    %dma_start3A_29 = tpu.memref_slice %arg4[%add3A_27] : memref<320000xi32, #tpu.memory_space<hbm>> -> memref<80xi32, #tpu.memory_space<hbm>>
    tpu.enqueue_dma source(%dma_start3A_29 : memref<80xi32, #tpu.memory_space<hbm>>) target(%arg13 : memref<80xi32, #tpu.memory_space<vmem>>) target_semaphore(%arg24 : memref<!tpu.dma_semaphore, #tpu.memory_space<semaphore_mem>>)
    %dma_start3A_30 = tpu.memref_slice %arg5[%add3A_27] : memref<320000xi32, #tpu.memory_space<hbm>> -> memref<80xi32, #tpu.memory_space<hbm>>
    %dma_start3A_31 = tpu.memref_slice %arg5[%add3A_27] : memref<320000xi32, #tpu.memory_space<hbm>> -> memref<80xi32, #tpu.memory_space<hbm>>
    tpu.enqueue_dma source(%dma_start3A_31 : memref<80xi32, #tpu.memory_space<hbm>>) target(%arg14 : memref<80xi32, #tpu.memory_space<vmem>>) target_semaphore(%arg24 : memref<!tpu.dma_semaphore, #tpu.memory_space<semaphore_mem>>)
    %dma_wait3A = arith.constant 0 : i32
    %dma_wait3A_32 = tpu.memref_slice %arg4[%dma_wait3A] : memref<320000xi32, #tpu.memory_space<hbm>> -> memref<80xi32, #tpu.memory_space<hbm>>
    %dma_wait3A_33 = arith.constant 0 : i32
    %dma_wait3A_34 = tpu.memref_slice %arg4[%dma_wait3A_33] : memref<320000xi32, #tpu.memory_space<hbm>> -> memref<80xi32, #tpu.memory_space<hbm>>
    tpu.wait_dma2 semaphore(%arg20 : memref<!tpu.dma_semaphore, #tpu.memory_space<semaphore_mem>>) src(%dma_wait3A_34 : memref<80xi32, #tpu.memory_space<hbm>>) dst(%arg7 : memref<80xi32, #tpu.memory_space<vmem>>)
    %dma_wait3A_35 = arith.constant 0 : i32
    %dma_wait3A_36 = tpu.memref_slice %arg5[%dma_wait3A_35] : memref<320000xi32, #tpu.memory_space<hbm>> -> memref<80xi32, #tpu.memory_space<hbm>>
    %dma_wait3A_37 = arith.constant 0 : i32
    %dma_wait3A_38 = tpu.memref_slice %arg5[%dma_wait3A_37] : memref<320000xi32, #tpu.memory_space<hbm>> -> memref<80xi32, #tpu.memory_space<hbm>>
    tpu.wait_dma2 semaphore(%arg20 : memref<!tpu.dma_semaphore, #tpu.memory_space<semaphore_mem>>) src(%dma_wait3A_38 : memref<80xi32, #tpu.memory_space<hbm>>) dst(%arg8 : memref<80xi32, #tpu.memory_space<vmem>>)
    %add3A_39 = arith.constant 0 : i32
    %add3A_40 = arith.addi %mul3A_16, %add3A_39 : i32
    %get3A = arith.constant 0 : index
    %get3A_41 = tpu.vector_load %arg7[%get3A] {strides = array<i32>} : memref<80xi32, #tpu.memory_space<vmem>>, vector<16xi32>,
    %add3A_42 = vector.broadcast %mul3A_18 : i32 to vector<16xi32>
    %add3A_43 = arith.addi %get3A_41, %add3A_42 : vector<16xi32>
    %swap3A = arith.constant 0 : index
    %swap3A_44 = tpu.vector_load %arg9[%swap3A] {strides = array<i32>} : memref<80xi32, #tpu.memory_space<vmem>>, vector<16xi32>,
    tpu.vector_store %arg9[%swap3A], %add3A_43 {strides = array<i32>} : memref<80xi32, #tpu.memory_space<vmem>>, vector<16xi32>,
    %get3A_45 = arith.constant 0 : index
    %get3A_46 = tpu.vector_load %arg8[%get3A_45] {strides = array<i32>} : memref<80xi32, #tpu.memory_space<vmem>>, vector<16xi32>,
    %swap3A_47 = arith.constant 0 : index
    %swap3A_48 = tpu.vector_load %arg10[%swap3A_47] {strides = array<i32>} : memref<80xi32, #tpu.memory_space<vmem>>, vector<16xi32>,
    tpu.vector_store %arg10[%swap3A_47], %get3A_46 {strides = array<i32>} : memref<80xi32, #tpu.memory_space<vmem>>, vector<16xi32>,
    %get3A_49 = arith.constant 16 : index
    %get3A_50 = tpu.vector_load %arg7[%get3A_49] {strides = array<i32>} : memref<80xi32, #tpu.memory_space<vmem>>, vector<16xi32>,
    %add3A_51 = vector.broadcast %mul3A_18 : i32 to vector<16xi32>
    %add3A_52 = arith.addi %get3A_50, %add3A_51 : vector<16xi32>
    %swap3A_53 = arith.constant 16 : index
    %swap3A_54 = tpu.vector_load %arg9[%swap3A_53] {strides = array<i32>} : memref<80xi32, #tpu.memory_space<vmem>>, vector<16xi32>,
    tpu.vector_store %arg9[%swap3A_53], %add3A_52 {strides = array<i32>} : memref<80xi32, #tpu.memory_space<vmem>>, vector<16xi32>,
    %get3A_55 = arith.constant 16 : index
    %get3A_56 = tpu.vector_load %arg8[%get3A_55] {strides = array<i32>} : memref<80xi32, #tpu.memory_space<vmem>>, vector<16xi32>,
    %swap3A_57 = arith.constant 16 : index
    %swap3A_58 = tpu.vector_load %arg10[%swap3A_57] {strides = array<i32>} : memref<80xi32, #tpu.memory_space<vmem>>, vector<16xi32>,
    tpu.vector_store %arg10[%swap3A_57], %get3A_56 {strides = array<i32>} : memref<80xi32, #tpu.memory_space<vmem>>, vector<16xi32>,
    %get3A_59 = arith.constant 32 : index
    %get3A_60 = tpu.vector_load %arg7[%get3A_59] {strides = array<i32>} : memref<80xi32, #tpu.memory_space<vmem>>, vector<16xi32>,
    %add3A_61 = vector.broadcast %mul3A_18 : i32 to vector<16xi32>
    %add3A_62 = arith.addi %get3A_60, %add3A_61 : vector<16xi32>
    %swap3A_63 = arith.constant 32 : index
    %swap3A_64 = tpu.vector_load %arg9[%swap3A_63] {strides = array<i32>} : memref<80xi32, #tpu.memory_space<vmem>>, vector<16xi32>,
    tpu.vector_store %arg9[%swap3A_63], %add3A_62 {strides = array<i32>} : memref<80xi32, #tpu.memory_space<vmem>>, vector<16xi32>,
    %get3A_65 = arith.constant 32 : index
    %get3A_66 = tpu.vector_load %arg8[%get3A_65] {strides = array<i32>} : memref<80xi32, #tpu.memory_space<vmem>>, vector<16xi32>,
    %swap3A_67 = arith.constant 32 : index
    %swap3A_68 = tpu.vector_load %arg10[%swap3A_67] {strides = array<i32>} : memref<80xi32, #tpu.memory_space<vmem>>, vector<16xi32>,
    tpu.vector_store %arg10[%swap3A_67], %get3A_66 {strides = array<i32>} : memref<80xi32, #tpu.memory_space<vmem>>, vector<16xi32>,
    %get3A_69 = arith.constant 48 : index
    %get3A_70 = tpu.vector_load %arg7[%get3A_69] {strides = array<i32>} : memref<80xi32, #tpu.memory_space<vmem>>, vector<16xi32>,
    %add3A_71 = vector.broadcast %mul3A_18 : i32 to vector<16xi32>
    %add3A_72 = arith.addi %get3A_70, %add3A_71 : vector<16xi32>
    %swap3A_73 = arith.constant 48 : index
    %swap3A_74 = tpu.vector_load %arg9[%swap3A_73] {strides = array<i32>} : memref<80xi32, #tpu.memory_space<vmem>>, vector<16xi32>,
    tpu.vector_store %arg9[%swap3A_73], %add3A_72 {strides = array<i32>} : memref<80xi32, #tpu.memory_space<vmem>>, vector<16xi32>,
    %get3A_75 = arith.constant 48 : index
    %get3A_76 = tpu.vector_load %arg8[%get3A_75] {strides = array<i32>} : memref<80xi32, #tpu.memory_space<vmem>>, vector<16xi32>,
    %swap3A_77 = arith.constant 48 : index
    %swap3A_78 = tpu.vector_load %arg10[%swap3A_77] {strides = array<i32>} : memref<80xi32, #tpu.memory_space<vmem>>, vector<16xi32>,
    tpu.vector_store %arg10[%swap3A_77], %get3A_76 {strides = array<i32>} : memref<80xi32, #tpu.memory_space<vmem>>, vector<16xi32>,
    %get3A_79 = arith.constant 64 : index
    %get3A_80 = tpu.vector_load %arg7[%get3A_79] {strides = array<i32>} : memref<80xi32, #tpu.memory_space<vmem>>, vector<16xi32>,
    %add3A_81 = vector.broadcast %mul3A_18 : i32 to vector<16xi32>
    %add3A_82 = arith.addi %get3A_80, %add3A_81 : vector<16xi32>
    %swap3A_83 = arith.constant 64 : index
    %swap3A_84 = tpu.vector_load %arg9[%swap3A_83] {strides = array<i32>} : memref<80xi32, #tpu.memory_space<vmem>>, vector<16xi32>,
    tpu.vector_store %arg9[%swap3A_83], %add3A_82 {strides = array<i32>} : memref<80xi32, #tpu.memory_space<vmem>>, vector<16xi32>,
    %get3A_85 = arith.constant 64 : index
    %get3A_86 = tpu.vector_load %arg8[%get3A_85] {strides = array<i32>} : memref<80xi32, #tpu.memory_space<vmem>>, vector<16xi32>,
    %swap3A_87 = arith.constant 64 : index
    %swap3A_88 = tpu.vector_load %arg10[%swap3A_87] {strides = array<i32>} : memref<80xi32, #tpu.memory_space<vmem>>, vector<16xi32>,
    tpu.vector_store %arg10[%swap3A_87], %get3A_86 {strides = array<i32>} : memref<80xi32, #tpu.memory_space<vmem>>, vector<16xi32>,
    %dma_start3A_89 = arith.constant 0 : i32
    %dma_start3A_90 = arith.constant 0 : i32
    %dma_start3A_91 = tpu.memref_slice %arg2[%dma_start3A_89, %dma_start3A_90] : memref<20000x128xf32, #tpu.memory_space<hbm>> -> memref<20000x128xf32, #tpu.memory_space<hbm>>
    tpu.enqueue_indirect_dma source(%dma_start3A_91 : memref<20000x128xf32, #tpu.memory_space<hbm>>) target(%arg11 : memref<80x128xf32, #tpu.memory_space<vmem>>) offsets(%arg9 : memref<80xi32, #tpu.memory_space<vmem>>) semaphore(%arg21 : memref<!tpu.dma_semaphore, #tpu.memory_space<semaphore_mem>>)
    %add3A_92 = arith.addi %mul3A_20, %add3A_40 : i32
    %dma_start3A_93 = arith.constant 0 : i32
    %dma_start3A_94 = tpu.memref_slice %arg3[%add3A_92, %dma_start3A_93] : memref<640000x64xi32, #tpu.memory_space<hbm>> -> memref<80x64xi32, #tpu.memory_space<hbm>>
    %dma_start3A_95 = arith.constant 0 : i32
    %dma_start3A_96 = tpu.memref_slice %arg3[%add3A_92, %dma_start3A_95] : memref<640000x64xi32, #tpu.memory_space<hbm>> -> memref<80x64xi32, #tpu.memory_space<hbm>>
    tpu.enqueue_dma source(%dma_start3A_96 : memref<80x64xi32, #tpu.memory_space<hbm>>) target(%arg12 : memref<80x64xi32, #tpu.memory_space<vmem>>) target_semaphore(%arg22 : memref<!tpu.dma_semaphore, #tpu.memory_space<semaphore_mem>>)
    %scan3A_97 = arith.constant 0 : i32
    %scan3A_98 = arith.constant 0 : i32
    %scan3A_99 = arith.constant 125 : i32
    %scan3A_100 = arith.addi %scan3A_98, %scan3A_99 : i32
    %scan3A_101 = arith.constant 1 : i32
    %scan3A_102 = scf.for %scan3A_120 = %scan3A_98 to %scan3A_100 step %scan3A_101 iter_args(%scan3A_121 = %scan3A_97) -> (i32)  : i32 {
      %mul3A_122 = arith.constant 2 : i32
      %mul3A_123 = arith.muli %scan3A_120, %mul3A_122 : i32
      %add3A_124 = arith.constant 1 : i32
      %add3A_125 = arith.addi %mul3A_123, %add3A_124 : i32
      %lt3A = arith.constant 250 : i32
      %lt3A_126 = arith.cmpi slt, %add3A_125, %lt3A : i32
      %convert_element_type3A_127 = arith.extui %lt3A_126 : i1 to i32
      %cond3A_128 = arith.constant 0 : i32
      %cond3A_129 = arith.cmpi ne, %convert_element_type3A_127, %cond3A_128 : i32
      scf.if %cond3A_129 {
        %ge3A = arith.constant 1 : i32
        %ge3A_180 = arith.cmpi sge, %mul3A_123, %ge3A : i32
        %convert_element_type3A_181 = arith.extui %ge3A_180 : i1 to i32
        %cond3A_182 = arith.constant 0 : i32
        %cond3A_183 = arith.cmpi ne, %convert_element_type3A_181, %cond3A_182 : i32
        scf.if %cond3A_183 {
          %dma_wait3A_262 = arith.constant 0 : i32
          %dma_wait3A_263 = arith.constant 0 : i32
          %dma_wait3A_264 = tpu.memref_slice %arg19[%dma_wait3A_262, %dma_wait3A_263] : memref<10000x128xf32, #tpu.memory_space<vmem_shared>> -> memref<10000x128xf32, #tpu.memory_space<vmem_shared>>
          tpu.wait_indirect_dma semaphore(%arg27 : memref<!tpu.dma_semaphore, #tpu.memory_space<semaphore_mem>>) src(%arg17 : memref<80x128xf32, #tpu.memory_space<vmem>>) dst(%dma_wait3A_264 : memref<10000x128xf32, #tpu.memory_space<vmem_shared>>)
        } else {
        }
        %dma_wait3A_184 = arith.constant 0 : i32
        %dma_wait3A_185 = tpu.memref_slice %arg4[%dma_wait3A_184] : memref<320000xi32, #tpu.memory_space<hbm>> -> memref<80xi32, #tpu.memory_space<hbm>>
        %dma_wait3A_186 = arith.constant 0 : i32
        %dma_wait3A_187 = tpu.memref_slice %arg4[%dma_wait3A_186] : memref<320000xi32, #tpu.memory_space<hbm>> -> memref<80xi32, #tpu.memory_space<hbm>>
        tpu.wait_dma2 semaphore(%arg24 : memref<!tpu.dma_semaphore, #tpu.memory_space<semaphore_mem>>) src(%dma_wait3A_187 : memref<80xi32, #tpu.memory_space<hbm>>) dst(%arg13 : memref<80xi32, #tpu.memory_space<vmem>>)
        %dma_wait3A_188 = arith.constant 0 : i32
        %dma_wait3A_189 = tpu.memref_slice %arg5[%dma_wait3A_188] : memref<320000xi32, #tpu.memory_space<hbm>> -> memref<80xi32, #tpu.memory_space<hbm>>
        %dma_wait3A_190 = arith.constant 0 : i32
        %dma_wait3A_191 = tpu.memref_slice %arg5[%dma_wait3A_190] : memref<320000xi32, #tpu.memory_space<hbm>> -> memref<80xi32, #tpu.memory_space<hbm>>
        tpu.wait_dma2 semaphore(%arg24 : memref<!tpu.dma_semaphore, #tpu.memory_space<semaphore_mem>>) src(%dma_wait3A_191 : memref<80xi32, #tpu.memory_space<hbm>>) dst(%arg14 : memref<80xi32, #tpu.memory_space<vmem>>)
        %add3A_192 = arith.constant 1 : i32
        %add3A_193 = arith.addi %mul3A_123, %add3A_192 : i32
        %mul3A_194 = arith.constant 80 : i32
        %mul3A_195 = arith.muli %add3A_193, %mul3A_194 : i32
        %add3A_196 = arith.addi %mul3A_16, %mul3A_195 : i32
        %get3A_197 = arith.constant 0 : index
        %get3A_198 = tpu.vector_load %arg13[%get3A_197] {strides = array<i32>} : memref<80xi32, #tpu.memory_space<vmem>>, vector<16xi32>,
        %add3A_199 = vector.broadcast %mul3A_18 : i32 to vector<16xi32>
        %add3A_200 = arith.addi %get3A_198, %add3A_199 : vector<16xi32>
        %swap3A_201 = arith.constant 0 : index
        %swap3A_202 = tpu.vector_load %arg15[%swap3A_201] {strides = array<i32>} : memref<80xi32, #tpu.memory_space<vmem>>, vector<16xi32>,
        tpu.vector_store %arg15[%swap3A_201], %add3A_200 {strides = array<i32>} : memref<80xi32, #tpu.memory_space<vmem>>, vector<16xi32>,
        %get3A_203 = arith.constant 0 : index
        %get3A_204 = tpu.vector_load %arg14[%get3A_203] {strides = array<i32>} : memref<80xi32, #tpu.memory_space<vmem>>, vector<16xi32>,
        %swap3A_205 = arith.constant 0 : index
        %swap3A_206 = tpu.vector_load %arg16[%swap3A_205] {strides = array<i32>} : memref<80xi32, #tpu.memory_space<vmem>>, vector<16xi32>,
        tpu.vector_store %arg16[%swap3A_205], %get3A_204 {strides = array<i32>} : memref<80xi32, #tpu.memory_space<vmem>>, vector<16xi32>,
        %get3A_207 = arith.constant 16 : index
        %get3A_208 = tpu.vector_load %arg13[%get3A_207] {strides = array<i32>} : memref<80xi32, #tpu.memory_space<vmem>>, vector<16xi32>,
        %add3A_209 = vector.broadcast %mul3A_18 : i32 to vector<16xi32>
        %add3A_210 = arith.addi %get3A_208, %add3A_209 : vector<16xi32>
        %swap3A_211 = arith.constant 16 : index
        %swap3A_212 = tpu.vector_load %arg15[%swap3A_211] {strides = array<i32>} : memref<80xi32, #tpu.memory_space<vmem>>, vector<16xi32>,
        tpu.vector_store %arg15[%swap3A_211], %add3A_210 {strides = array<i32>} : memref<80xi32, #tpu.memory_space<vmem>>, vector<16xi32>,
        %get3A_213 = arith.constant 16 : index
        %get3A_214 = tpu.vector_load %arg14[%get3A_213] {strides = array<i32>} : memref<80xi32, #tpu.memory_space<vmem>>, vector<16xi32>,
        %swap3A_215 = arith.constant 16 : index
        %swap3A_216 = tpu.vector_load %arg16[%swap3A_215] {strides = array<i32>} : memref<80xi32, #tpu.memory_space<vmem>>, vector<16xi32>,
        tpu.vector_store %arg16[%swap3A_215], %get3A_214 {strides = array<i32>} : memref<80xi32, #tpu.memory_space<vmem>>, vector<16xi32>,
        %get3A_217 = arith.constant 32 : index
        %get3A_218 = tpu.vector_load %arg13[%get3A_217] {strides = array<i32>} : memref<80xi32, #tpu.memory_space<vmem>>, vector<16xi32>,
        %add3A_219 = vector.broadcast %mul3A_18 : i32 to vector<16xi32>
        %add3A_220 = arith.addi %get3A_218, %add3A_219 : vector<16xi32>
        %swap3A_221 = arith.constant 32 : index
        %swap3A_222 = tpu.vector_load %arg15[%swap3A_221] {strides = array<i32>} : memref<80xi32, #tpu.memory_space<vmem>>, vector<16xi32>,
        tpu.vector_store %arg15[%swap3A_221], %add3A_220 {strides = array<i32>} : memref<80xi32, #tpu.memory_space<vmem>>, vector<16xi32>,
        %get3A_223 = arith.constant 32 : index
        %get3A_224 = tpu.vector_load %arg14[%get3A_223] {strides = array<i32>} : memref<80xi32, #tpu.memory_space<vmem>>, vector<16xi32>,
        %swap3A_225 = arith.constant 32 : index
        %swap3A_226 = tpu.vector_load %arg16[%swap3A_225] {strides = array<i32>} : memref<80xi32, #tpu.memory_space<vmem>>, vector<16xi32>,
        tpu.vector_store %arg16[%swap3A_225], %get3A_224 {strides = array<i32>} : memref<80xi32, #tpu.memory_space<vmem>>, vector<16xi32>,
        %get3A_227 = arith.constant 48 : index
        %get3A_228 = tpu.vector_load %arg13[%get3A_227] {strides = array<i32>} : memref<80xi32, #tpu.memory_space<vmem>>, vector<16xi32>,
        %add3A_229 = vector.broadcast %mul3A_18 : i32 to vector<16xi32>
        %add3A_230 = arith.addi %get3A_228, %add3A_229 : vector<16xi32>
        %swap3A_231 = arith.constant 48 : index
        %swap3A_232 = tpu.vector_load %arg15[%swap3A_231] {strides = array<i32>} : memref<80xi32, #tpu.memory_space<vmem>>, vector<16xi32>,
        tpu.vector_store %arg15[%swap3A_231], %add3A_230 {strides = array<i32>} : memref<80xi32, #tpu.memory_space<vmem>>, vector<16xi32>,
        %get3A_233 = arith.constant 48 : index
        %get3A_234 = tpu.vector_load %arg14[%get3A_233] {strides = array<i32>} : memref<80xi32, #tpu.memory_space<vmem>>, vector<16xi32>,
        %swap3A_235 = arith.constant 48 : index
        %swap3A_236 = tpu.vector_load %arg16[%swap3A_235] {strides = array<i32>} : memref<80xi32, #tpu.memory_space<vmem>>, vector<16xi32>,
        tpu.vector_store %arg16[%swap3A_235], %get3A_234 {strides = array<i32>} : memref<80xi32, #tpu.memory_space<vmem>>, vector<16xi32>,
        %get3A_237 = arith.constant 64 : index
        %get3A_238 = tpu.vector_load %arg13[%get3A_237] {strides = array<i32>} : memref<80xi32, #tpu.memory_space<vmem>>, vector<16xi32>,
        %add3A_239 = vector.broadcast %mul3A_18 : i32 to vector<16xi32>
        %add3A_240 = arith.addi %get3A_238, %add3A_239 : vector<16xi32>
        %swap3A_241 = arith.constant 64 : index
        %swap3A_242 = tpu.vector_load %arg15[%swap3A_241] {strides = array<i32>} : memref<80xi32, #tpu.memory_space<vmem>>, vector<16xi32>,
        tpu.vector_store %arg15[%swap3A_241], %add3A_240 {strides = array<i32>} : memref<80xi32, #tpu.memory_space<vmem>>, vector<16xi32>,
        %get3A_243 = arith.constant 64 : index
        %get3A_244 = tpu.vector_load %arg14[%get3A_243] {strides = array<i32>} : memref<80xi32, #tpu.memory_space<vmem>>, vector<16xi32>,
        %swap3A_245 = arith.constant 64 : index
        %swap3A_246 = tpu.vector_load %arg16[%swap3A_245] {strides = array<i32>} : memref<80xi32, #tpu.memory_space<vmem>>, vector<16xi32>,
        tpu.vector_store %arg16[%swap3A_245], %get3A_244 {strides = array<i32>} : memref<80xi32, #tpu.memory_space<vmem>>, vector<16xi32>,
        %dma_start3A_247 = arith.constant 0 : i32
        %dma_start3A_248 = arith.constant 0 : i32
        %dma_start3A_249 = tpu.memref_slice %arg2[%dma_start3A_247, %dma_start3A_248] : memref<20000x128xf32, #tpu.memory_space<hbm>> -> memref<20000x128xf32, #tpu.memory_space<hbm>>
        tpu.enqueue_indirect_dma source(%dma_start3A_249 : memref<20000x128xf32, #tpu.memory_space<hbm>>) target(%arg17 : memref<80x128xf32, #tpu.memory_space<vmem>>) offsets(%arg15 : memref<80xi32, #tpu.memory_space<vmem>>) semaphore(%arg25 : memref<!tpu.dma_semaphore, #tpu.memory_space<semaphore_mem>>)
        %add3A_250 = arith.addi %mul3A_20, %add3A_196 : i32
        %dma_start3A_251 = arith.constant 0 : i32
        %dma_start3A_252 = tpu.memref_slice %arg3[%add3A_250, %dma_start3A_251] : memref<640000x64xi32, #tpu.memory_space<hbm>> -> memref<80x64xi32, #tpu.memory_space<hbm>>
        %dma_start3A_253 = arith.constant 0 : i32
        %dma_start3A_254 = tpu.memref_slice %arg3[%add3A_250, %dma_start3A_253] : memref<640000x64xi32, #tpu.memory_space<hbm>> -> memref<80x64xi32, #tpu.memory_space<hbm>>
        tpu.enqueue_dma source(%dma_start3A_254 : memref<80x64xi32, #tpu.memory_space<hbm>>) target(%arg18 : memref<80x64xi32, #tpu.memory_space<vmem>>) target_semaphore(%arg26 : memref<!tpu.dma_semaphore, #tpu.memory_space<semaphore_mem>>)
        %add3A_255 = arith.constant 2 : i32
        %add3A_256 = arith.addi %mul3A_123, %add3A_255 : i32
        %lt3A_257 = arith.constant 250 : i32
        %lt3A_258 = arith.cmpi slt, %add3A_256, %lt3A_257 : i32
        %convert_element_type3A_259 = arith.extui %lt3A_258 : i1 to i32
        %cond3A_260 = arith.constant 0 : i32
        %cond3A_261 = arith.cmpi ne, %convert_element_type3A_259, %cond3A_260 : i32
        scf.if %cond3A_261 {
          %add3A_262 = arith.constant 2 : i32
          %add3A_263 = arith.addi %mul3A_123, %add3A_262 : i32
          %mul3A_264 = arith.constant 80 : i32
          %mul3A_265 = arith.muli %add3A_263, %mul3A_264 : i32
          %add3A_266 = arith.addi %mul3A_16, %mul3A_265 : i32
          %dma_start3A_267 = tpu.memref_slice %arg4[%add3A_266] : memref<320000xi32, #tpu.memory_space<hbm>> -> memref<80xi32, #tpu.memory_space<hbm>>
          %dma_start3A_268 = tpu.memref_slice %arg4[%add3A_266] : memref<320000xi32, #tpu.memory_space<hbm>> -> memref<80xi32, #tpu.memory_space<hbm>>
          tpu.enqueue_dma source(%dma_start3A_268 : memref<80xi32, #tpu.memory_space<hbm>>) target(%arg7 : memref<80xi32, #tpu.memory_space<vmem>>) target_semaphore(%arg20 : memref<!tpu.dma_semaphore, #tpu.memory_space<semaphore_mem>>)
          %dma_start3A_269 = tpu.memref_slice %arg5[%add3A_266] : memref<320000xi32, #tpu.memory_space<hbm>> -> memref<80xi32, #tpu.memory_space<hbm>>
          %dma_start3A_270 = tpu.memref_slice %arg5[%add3A_266] : memref<320000xi32, #tpu.memory_space<hbm>> -> memref<80xi32, #tpu.memory_space<hbm>>
          tpu.enqueue_dma source(%dma_start3A_270 : memref<80xi32, #tpu.memory_space<hbm>>) target(%arg8 : memref<80xi32, #tpu.memory_space<vmem>>) target_semaphore(%arg20 : memref<!tpu.dma_semaphore, #tpu.memory_space<semaphore_mem>>)
        } else {
        }
      } else {
      }
      %dma_wait3A_130 = arith.constant 0 : i32
      %dma_wait3A_131 = arith.constant 0 : i32
      %dma_wait3A_132 = tpu.memref_slice %arg2[%dma_wait3A_130, %dma_wait3A_131] : memref<20000x128xf32, #tpu.memory_space<hbm>> -> memref<20000x128xf32, #tpu.memory_space<hbm>>
      tpu.wait_indirect_dma semaphore(%arg21 : memref<!tpu.dma_semaphore, #tpu.memory_space<semaphore_mem>>) src(%dma_wait3A_132 : memref<20000x128xf32, #tpu.memory_space<hbm>>) dst(%arg11 : memref<80x128xf32, #tpu.memory_space<vmem>>)
      %dma_wait3A_133 = arith.constant 0 : i32
      %dma_wait3A_134 = arith.constant 0 : i32
      %dma_wait3A_135 = tpu.memref_slice %arg3[%dma_wait3A_133, %dma_wait3A_134] : memref<640000x64xi32, #tpu.memory_space<hbm>> -> memref<80x64xi32, #tpu.memory_space<hbm>>
      %dma_wait3A_136 = arith.constant 0 : i32
      %dma_wait3A_137 = arith.constant 0 : i32
      %dma_wait3A_138 = tpu.memref_slice %arg3[%dma_wait3A_136, %dma_wait3A_137] : memref<640000x64xi32, #tpu.memory_space<hbm>> -> memref<80x64xi32, #tpu.memory_space<hbm>>
      tpu.wait_dma2 semaphore(%arg22 : memref<!tpu.dma_semaphore, #tpu.memory_space<semaphore_mem>>) src(%dma_wait3A_138 : memref<80x64xi32, #tpu.memory_space<hbm>>) dst(%arg12 : memref<80x64xi32, #tpu.memory_space<vmem>>)
      %scan3A_139 = arith.constant 0 : i32
      %scan3A_140 = arith.constant 0 : i32
      %scan3A_141 = arith.constant 80 : i32
      %scan3A_142 = arith.addi %scan3A_140, %scan3A_141 : i32
      %scan3A_143 = arith.constant 1 : i32
      %scan3A_144 = scf.for %scan3A_180 = %scan3A_140 to %scan3A_142 step %scan3A_143 iter_args(%scan3A_181 = %scan3A_139) -> (i32)  : i32 {
        %get3A_182 = arith.index_cast %scan3A_180 : i32 to index
        %get3A_183 = arith.constant 0 : index
        %get3A_184 = tpu.vector_load %arg12[%get3A_182, %get3A_183] {strides = array<i32>} : memref<80x64xi32, #tpu.memory_space<vmem>>, vector<16xi32>,
        %shift_left3A = arith.constant 16 : i32
        %shift_left3A_185 = vector.broadcast %shift_left3A : i32 to vector<16xi32>
        %shift_left3A_186 = arith.shli %get3A_184, %shift_left3A_185 : vector<16xi32>
        %bitcast3A = vector.bitcast %shift_left3A_186 : vector<16xi32> to vector<16xf32>
        %and3A = arith.constant -65536 : i32
        %and3A_187 = vector.broadcast %and3A : i32 to vector<16xi32>
        %and3A_188 = arith.andi %get3A_184, %and3A_187 : vector<16xi32>
        %bitcast3A_189 = vector.bitcast %and3A_188 : vector<16xi32> to vector<16xf32>
        %get3A_190 = arith.index_cast %scan3A_180 : i32 to index
        %get3A_191 = arith.constant 0 : index
        %get3A_192 = tpu.vector_load %arg11[%get3A_190, %get3A_191] {strides = array<i32>} : memref<80x128xf32, #tpu.memory_space<vmem>>, vector<16xf32>,
        %add3A_193 = arith.addf %get3A_192, %bitcast3A : vector<16xf32>
        %max3A = arith.constant 0.000000e+00 : f32
        %max3A_194 = vector.broadcast %max3A : f32 to vector<16xf32>
        %max3A_195 = arith.maximumf %add3A_193, %max3A_194 : vector<16xf32>
        %swap3A_196 = arith.index_cast %scan3A_180 : i32 to index
        %swap3A_197 = arith.constant 0 : index
        %swap3A_198 = tpu.vector_load %arg11[%swap3A_196, %swap3A_197] {strides = array<i32>} : memref<80x128xf32, #tpu.memory_space<vmem>>, vector<16xf32>,
        tpu.vector_store %arg11[%swap3A_196, %swap3A_197], %max3A_195 {strides = array<i32>} : memref<80x128xf32, #tpu.memory_space<vmem>>, vector<16xf32>,
        %get3A_199 = arith.index_cast %scan3A_180 : i32 to index
        %get3A_200 = arith.constant 16 : index
        %get3A_201 = tpu.vector_load %arg11[%get3A_199, %get3A_200] {strides = array<i32>} : memref<80x128xf32, #tpu.memory_space<vmem>>, vector<16xf32>,
        %add3A_202 = arith.addf %get3A_201, %bitcast3A_189 : vector<16xf32>
        %max3A_203 = arith.constant 0.000000e+00 : f32
        %max3A_204 = vector.broadcast %max3A_203 : f32 to vector<16xf32>
        %max3A_205 = arith.maximumf %add3A_202, %max3A_204 : vector<16xf32>
        %swap3A_206 = arith.index_cast %scan3A_180 : i32 to index
        %swap3A_207 = arith.constant 16 : index
        %swap3A_208 = tpu.vector_load %arg11[%swap3A_206, %swap3A_207] {strides = array<i32>} : memref<80x128xf32, #tpu.memory_space<vmem>>, vector<16xf32>,
        tpu.vector_store %arg11[%swap3A_206, %swap3A_207], %max3A_205 {strides = array<i32>} : memref<80x128xf32, #tpu.memory_space<vmem>>, vector<16xf32>,
        %get3A_209 = arith.index_cast %scan3A_180 : i32 to index
        %get3A_210 = arith.constant 16 : index
        %get3A_211 = tpu.vector_load %arg12[%get3A_209, %get3A_210] {strides = array<i32>} : memref<80x64xi32, #tpu.memory_space<vmem>>, vector<16xi32>,
        %shift_left3A_212 = arith.constant 16 : i32
        %shift_left3A_213 = vector.broadcast %shift_left3A_212 : i32 to vector<16xi32>
        %shift_left3A_214 = arith.shli %get3A_211, %shift_left3A_213 : vector<16xi32>
        %bitcast3A_215 = vector.bitcast %shift_left3A_214 : vector<16xi32> to vector<16xf32>
        %and3A_216 = arith.constant -65536 : i32
        %and3A_217 = vector.broadcast %and3A_216 : i32 to vector<16xi32>
        %and3A_218 = arith.andi %get3A_211, %and3A_217 : vector<16xi32>
        %bitcast3A_219 = vector.bitcast %and3A_218 : vector<16xi32> to vector<16xf32>
        %get3A_220 = arith.index_cast %scan3A_180 : i32 to index
        %get3A_221 = arith.constant 32 : index
        %get3A_222 = tpu.vector_load %arg11[%get3A_220, %get3A_221] {strides = array<i32>} : memref<80x128xf32, #tpu.memory_space<vmem>>, vector<16xf32>,
        %add3A_223 = arith.addf %get3A_222, %bitcast3A_215 : vector<16xf32>
        %max3A_224 = arith.constant 0.000000e+00 : f32
        %max3A_225 = vector.broadcast %max3A_224 : f32 to vector<16xf32>
        %max3A_226 = arith.maximumf %add3A_223, %max3A_225 : vector<16xf32>
        %swap3A_227 = arith.index_cast %scan3A_180 : i32 to index
        %swap3A_228 = arith.constant 32 : index
        %swap3A_229 = tpu.vector_load %arg11[%swap3A_227, %swap3A_228] {strides = array<i32>} : memref<80x128xf32, #tpu.memory_space<vmem>>, vector<16xf32>,
        tpu.vector_store %arg11[%swap3A_227, %swap3A_228], %max3A_226 {strides = array<i32>} : memref<80x128xf32, #tpu.memory_space<vmem>>, vector<16xf32>,
        %get3A_230 = arith.index_cast %scan3A_180 : i32 to index
        %get3A_231 = arith.constant 48 : index
        %get3A_232 = tpu.vector_load %arg11[%get3A_230, %get3A_231] {strides = array<i32>} : memref<80x128xf32, #tpu.memory_space<vmem>>, vector<16xf32>,
        %add3A_233 = arith.addf %get3A_232, %bitcast3A_219 : vector<16xf32>
        %max3A_234 = arith.constant 0.000000e+00 : f32
        %max3A_235 = vector.broadcast %max3A_234 : f32 to vector<16xf32>
        %max3A_236 = arith.maximumf %add3A_233, %max3A_235 : vector<16xf32>
        %swap3A_237 = arith.index_cast %scan3A_180 : i32 to index
        %swap3A_238 = arith.constant 48 : index
        %swap3A_239 = tpu.vector_load %arg11[%swap3A_237, %swap3A_238] {strides = array<i32>} : memref<80x128xf32, #tpu.memory_space<vmem>>, vector<16xf32>,
        tpu.vector_store %arg11[%swap3A_237, %swap3A_238], %max3A_236 {strides = array<i32>} : memref<80x128xf32, #tpu.memory_space<vmem>>, vector<16xf32>,
        %get3A_240 = arith.index_cast %scan3A_180 : i32 to index
        %get3A_241 = arith.constant 32 : index
        %get3A_242 = tpu.vector_load %arg12[%get3A_240, %get3A_241] {strides = array<i32>} : memref<80x64xi32, #tpu.memory_space<vmem>>, vector<16xi32>,
        %shift_left3A_243 = arith.constant 16 : i32
        %shift_left3A_244 = vector.broadcast %shift_left3A_243 : i32 to vector<16xi32>
        %shift_left3A_245 = arith.shli %get3A_242, %shift_left3A_244 : vector<16xi32>
        %bitcast3A_246 = vector.bitcast %shift_left3A_245 : vector<16xi32> to vector<16xf32>
        %and3A_247 = arith.constant -65536 : i32
        %and3A_248 = vector.broadcast %and3A_247 : i32 to vector<16xi32>
        %and3A_249 = arith.andi %get3A_242, %and3A_248 : vector<16xi32>
        %bitcast3A_250 = vector.bitcast %and3A_249 : vector<16xi32> to vector<16xf32>
        %get3A_251 = arith.index_cast %scan3A_180 : i32 to index
        %get3A_252 = arith.constant 64 : index
        %get3A_253 = tpu.vector_load %arg11[%get3A_251, %get3A_252] {strides = array<i32>} : memref<80x128xf32, #tpu.memory_space<vmem>>, vector<16xf32>,
        %add3A_254 = arith.addf %get3A_253, %bitcast3A_246 : vector<16xf32>
        %max3A_255 = arith.constant 0.000000e+00 : f32
        %max3A_256 = vector.broadcast %max3A_255 : f32 to vector<16xf32>
        %max3A_257 = arith.maximumf %add3A_254, %max3A_256 : vector<16xf32>
        %swap3A_258 = arith.index_cast %scan3A_180 : i32 to index
        %swap3A_259 = arith.constant 64 : index
        %swap3A_260 = tpu.vector_load %arg11[%swap3A_258, %swap3A_259] {strides = array<i32>} : memref<80x128xf32, #tpu.memory_space<vmem>>, vector<16xf32>,
        tpu.vector_store %arg11[%swap3A_258, %swap3A_259], %max3A_257 {strides = array<i32>} : memref<80x128xf32, #tpu.memory_space<vmem>>, vector<16xf32>,
        %get3A_261 = arith.index_cast %scan3A_180 : i32 to index
        %get3A_262 = arith.constant 80 : index
        %get3A_263 = tpu.vector_load %arg11[%get3A_261, %get3A_262] {strides = array<i32>} : memref<80x128xf32, #tpu.memory_space<vmem>>, vector<16xf32>,
        %add3A_264 = arith.addf %get3A_263, %bitcast3A_250 : vector<16xf32>
        %max3A_265 = arith.constant 0.000000e+00 : f32
        %max3A_266 = vector.broadcast %max3A_265 : f32 to vector<16xf32>
        %max3A_267 = arith.maximumf %add3A_264, %max3A_266 : vector<16xf32>
        %swap3A_268 = arith.index_cast %scan3A_180 : i32 to index
        %swap3A_269 = arith.constant 80 : index
        %swap3A_270 = tpu.vector_load %arg11[%swap3A_268, %swap3A_269] {strides = array<i32>} : memref<80x128xf32, #tpu.memory_space<vmem>>, vector<16xf32>,
        tpu.vector_store %arg11[%swap3A_268, %swap3A_269], %max3A_267 {strides = array<i32>} : memref<80x128xf32, #tpu.memory_space<vmem>>, vector<16xf32>,
        %get3A_271 = arith.index_cast %scan3A_180 : i32 to index
        %get3A_272 = arith.constant 48 : index
        %get3A_273 = tpu.vector_load %arg12[%get3A_271, %get3A_272] {strides = array<i32>} : memref<80x64xi32, #tpu.memory_space<vmem>>, vector<16xi32>,
        %shift_left3A_274 = arith.constant 16 : i32
        %shift_left3A_275 = vector.broadcast %shift_left3A_274 : i32 to vector<16xi32>
        %shift_left3A_276 = arith.shli %get3A_273, %shift_left3A_275 : vector<16xi32>
        %bitcast3A_277 = vector.bitcast %shift_left3A_276 : vector<16xi32> to vector<16xf32>
        %and3A_278 = arith.constant -65536 : i32
        %and3A_279 = vector.broadcast %and3A_278 : i32 to vector<16xi32>
        %and3A_280 = arith.andi %get3A_273, %and3A_279 : vector<16xi32>
        %bitcast3A_281 = vector.bitcast %and3A_280 : vector<16xi32> to vector<16xf32>
        %get3A_282 = arith.index_cast %scan3A_180 : i32 to index
        %get3A_283 = arith.constant 96 : index
        %get3A_284 = tpu.vector_load %arg11[%get3A_282, %get3A_283] {strides = array<i32>} : memref<80x128xf32, #tpu.memory_space<vmem>>, vector<16xf32>,
        %add3A_285 = arith.addf %get3A_284, %bitcast3A_277 : vector<16xf32>
        %max3A_286 = arith.constant 0.000000e+00 : f32
        %max3A_287 = vector.broadcast %max3A_286 : f32 to vector<16xf32>
        %max3A_288 = arith.maximumf %add3A_285, %max3A_287 : vector<16xf32>
        %swap3A_289 = arith.index_cast %scan3A_180 : i32 to index
        %swap3A_290 = arith.constant 96 : index
        %swap3A_291 = tpu.vector_load %arg11[%swap3A_289, %swap3A_290] {strides = array<i32>} : memref<80x128xf32, #tpu.memory_space<vmem>>, vector<16xf32>,
        tpu.vector_store %arg11[%swap3A_289, %swap3A_290], %max3A_288 {strides = array<i32>} : memref<80x128xf32, #tpu.memory_space<vmem>>, vector<16xf32>,
        %get3A_292 = arith.index_cast %scan3A_180 : i32 to index
        %get3A_293 = arith.constant 112 : index
        %get3A_294 = tpu.vector_load %arg11[%get3A_292, %get3A_293] {strides = array<i32>} : memref<80x128xf32, #tpu.memory_space<vmem>>, vector<16xf32>,
        %add3A_295 = arith.addf %get3A_294, %bitcast3A_281 : vector<16xf32>
        %max3A_296 = arith.constant 0.000000e+00 : f32
        %max3A_297 = vector.broadcast %max3A_296 : f32 to vector<16xf32>
        %max3A_298 = arith.maximumf %add3A_295, %max3A_297 : vector<16xf32>
        %swap3A_299 = arith.index_cast %scan3A_180 : i32 to index
        %swap3A_300 = arith.constant 112 : index
        %swap3A_301 = tpu.vector_load %arg11[%swap3A_299, %swap3A_300] {strides = array<i32>} : memref<80x128xf32, #tpu.memory_space<vmem>>, vector<16xf32>,
        tpu.vector_store %arg11[%swap3A_299, %swap3A_300], %max3A_298 {strides = array<i32>} : memref<80x128xf32, #tpu.memory_space<vmem>>, vector<16xf32>,
        %scan3A_302 = arith.constant 0 : i32
        scf.yield %scan3A_302 : i32
      }
      %scan3A_145 = arith.constant 80 : i32
      %dma_start3A_146 = arith.constant 0 : i32
      %dma_start3A_147 = arith.constant 0 : i32
      %dma_start3A_148 = tpu.memref_slice %arg19[%dma_start3A_146, %dma_start3A_147] : memref<10000x128xf32, #tpu.memory_space<vmem_shared>> -> memref<10000x128xf32, #tpu.memory_space<vmem_shared>>
      tpu.enqueue_indirect_dma source(%arg11 : memref<80x128xf32, #tpu.memory_space<vmem>>) target(%dma_start3A_148 : memref<10000x128xf32, #tpu.memory_space<vmem_shared>>) offsets(%arg10 : memref<80xi32, #tpu.memory_space<vmem>>) semaphore(%arg23 : memref<!tpu.dma_semaphore, #tpu.memory_space<semaphore_mem>>) {add = true}
      %mul3A_149 = arith.constant 2 : i32
      %mul3A_150 = arith.muli %scan3A_120, %mul3A_149 : i32
      %add3A_151 = arith.constant 1 : i32
      %add3A_152 = arith.addi %mul3A_150, %add3A_151 : i32
      %add3A_153 = arith.constant 1 : i32
      %add3A_154 = arith.addi %add3A_152, %add3A_153 : i32
      %lt3A_155 = arith.constant 250 : i32
      %lt3A_156 = arith.cmpi slt, %add3A_154, %lt3A_155 : i32
      %convert_element_type3A_157 = arith.extui %lt3A_156 : i1 to i32
      %cond3A_158 = arith.constant 0 : i32
      %cond3A_159 = arith.cmpi ne, %convert_element_type3A_157, %cond3A_158 : i32
      scf.if %cond3A_159 {
        %ge3A = arith.constant 1 : i32
        %ge3A_180 = arith.cmpi sge, %add3A_152, %ge3A : i32
        %convert_element_type3A_181 = arith.extui %ge3A_180 : i1 to i32
        %cond3A_182 = arith.constant 0 : i32
        %cond3A_183 = arith.cmpi ne, %convert_element_type3A_181, %cond3A_182 : i32
        scf.if %cond3A_183 {
          %dma_wait3A_262 = arith.constant 0 : i32
          %dma_wait3A_263 = arith.constant 0 : i32
          %dma_wait3A_264 = tpu.memref_slice %arg19[%dma_wait3A_262, %dma_wait3A_263] : memref<10000x128xf32, #tpu.memory_space<vmem_shared>> -> memref<10000x128xf32, #tpu.memory_space<vmem_shared>>
          tpu.wait_indirect_dma semaphore(%arg23 : memref<!tpu.dma_semaphore, #tpu.memory_space<semaphore_mem>>) src(%arg11 : memref<80x128xf32, #tpu.memory_space<vmem>>) dst(%dma_wait3A_264 : memref<10000x128xf32, #tpu.memory_space<vmem_shared>>)
        } else {
        }
        %dma_wait3A_184 = arith.constant 0 : i32
        %dma_wait3A_185 = tpu.memref_slice %arg4[%dma_wait3A_184] : memref<320000xi32, #tpu.memory_space<hbm>> -> memref<80xi32, #tpu.memory_space<hbm>>
        %dma_wait3A_186 = arith.constant 0 : i32
        %dma_wait3A_187 = tpu.memref_slice %arg4[%dma_wait3A_186] : memref<320000xi32, #tpu.memory_space<hbm>> -> memref<80xi32, #tpu.memory_space<hbm>>
        tpu.wait_dma2 semaphore(%arg20 : memref<!tpu.dma_semaphore, #tpu.memory_space<semaphore_mem>>) src(%dma_wait3A_187 : memref<80xi32, #tpu.memory_space<hbm>>) dst(%arg7 : memref<80xi32, #tpu.memory_space<vmem>>)
        %dma_wait3A_188 = arith.constant 0 : i32
        %dma_wait3A_189 = tpu.memref_slice %arg5[%dma_wait3A_188] : memref<320000xi32, #tpu.memory_space<hbm>> -> memref<80xi32, #tpu.memory_space<hbm>>
        %dma_wait3A_190 = arith.constant 0 : i32
        %dma_wait3A_191 = tpu.memref_slice %arg5[%dma_wait3A_190] : memref<320000xi32, #tpu.memory_space<hbm>> -> memref<80xi32, #tpu.memory_space<hbm>>
        tpu.wait_dma2 semaphore(%arg20 : memref<!tpu.dma_semaphore, #tpu.memory_space<semaphore_mem>>) src(%dma_wait3A_191 : memref<80xi32, #tpu.memory_space<hbm>>) dst(%arg8 : memref<80xi32, #tpu.memory_space<vmem>>)
        %add3A_192 = arith.constant 1 : i32
        %add3A_193 = arith.addi %add3A_152, %add3A_192 : i32
        %mul3A_194 = arith.constant 80 : i32
        %mul3A_195 = arith.muli %add3A_193, %mul3A_194 : i32
        %add3A_196 = arith.addi %mul3A_16, %mul3A_195 : i32
        %get3A_197 = arith.constant 0 : index
        %get3A_198 = tpu.vector_load %arg7[%get3A_197] {strides = array<i32>} : memref<80xi32, #tpu.memory_space<vmem>>, vector<16xi32>,
        %add3A_199 = vector.broadcast %mul3A_18 : i32 to vector<16xi32>
        %add3A_200 = arith.addi %get3A_198, %add3A_199 : vector<16xi32>
        %swap3A_201 = arith.constant 0 : index
        %swap3A_202 = tpu.vector_load %arg9[%swap3A_201] {strides = array<i32>} : memref<80xi32, #tpu.memory_space<vmem>>, vector<16xi32>,
        tpu.vector_store %arg9[%swap3A_201], %add3A_200 {strides = array<i32>} : memref<80xi32, #tpu.memory_space<vmem>>, vector<16xi32>,
        %get3A_203 = arith.constant 0 : index
        %get3A_204 = tpu.vector_load %arg8[%get3A_203] {strides = array<i32>} : memref<80xi32, #tpu.memory_space<vmem>>, vector<16xi32>,
        %swap3A_205 = arith.constant 0 : index
        %swap3A_206 = tpu.vector_load %arg10[%swap3A_205] {strides = array<i32>} : memref<80xi32, #tpu.memory_space<vmem>>, vector<16xi32>,
        tpu.vector_store %arg10[%swap3A_205], %get3A_204 {strides = array<i32>} : memref<80xi32, #tpu.memory_space<vmem>>, vector<16xi32>,
        %get3A_207 = arith.constant 16 : index
        %get3A_208 = tpu.vector_load %arg7[%get3A_207] {strides = array<i32>} : memref<80xi32, #tpu.memory_space<vmem>>, vector<16xi32>,
        %add3A_209 = vector.broadcast %mul3A_18 : i32 to vector<16xi32>
        %add3A_210 = arith.addi %get3A_208, %add3A_209 : vector<16xi32>
        %swap3A_211 = arith.constant 16 : index
        %swap3A_212 = tpu.vector_load %arg9[%swap3A_211] {strides = array<i32>} : memref<80xi32, #tpu.memory_space<vmem>>, vector<16xi32>,
        tpu.vector_store %arg9[%swap3A_211], %add3A_210 {strides = array<i32>} : memref<80xi32, #tpu.memory_space<vmem>>, vector<16xi32>,
        %get3A_213 = arith.constant 16 : index
        %get3A_214 = tpu.vector_load %arg8[%get3A_213] {strides = array<i32>} : memref<80xi32, #tpu.memory_space<vmem>>, vector<16xi32>,
        %swap3A_215 = arith.constant 16 : index
        %swap3A_216 = tpu.vector_load %arg10[%swap3A_215] {strides = array<i32>} : memref<80xi32, #tpu.memory_space<vmem>>, vector<16xi32>,
        tpu.vector_store %arg10[%swap3A_215], %get3A_214 {strides = array<i32>} : memref<80xi32, #tpu.memory_space<vmem>>, vector<16xi32>,
        %get3A_217 = arith.constant 32 : index
        %get3A_218 = tpu.vector_load %arg7[%get3A_217] {strides = array<i32>} : memref<80xi32, #tpu.memory_space<vmem>>, vector<16xi32>,
        %add3A_219 = vector.broadcast %mul3A_18 : i32 to vector<16xi32>
        %add3A_220 = arith.addi %get3A_218, %add3A_219 : vector<16xi32>
        %swap3A_221 = arith.constant 32 : index
        %swap3A_222 = tpu.vector_load %arg9[%swap3A_221] {strides = array<i32>} : memref<80xi32, #tpu.memory_space<vmem>>, vector<16xi32>,
        tpu.vector_store %arg9[%swap3A_221], %add3A_220 {strides = array<i32>} : memref<80xi32, #tpu.memory_space<vmem>>, vector<16xi32>,
        %get3A_223 = arith.constant 32 : index
        %get3A_224 = tpu.vector_load %arg8[%get3A_223] {strides = array<i32>} : memref<80xi32, #tpu.memory_space<vmem>>, vector<16xi32>,
        %swap3A_225 = arith.constant 32 : index
        %swap3A_226 = tpu.vector_load %arg10[%swap3A_225] {strides = array<i32>} : memref<80xi32, #tpu.memory_space<vmem>>, vector<16xi32>,
        tpu.vector_store %arg10[%swap3A_225], %get3A_224 {strides = array<i32>} : memref<80xi32, #tpu.memory_space<vmem>>, vector<16xi32>,
        %get3A_227 = arith.constant 48 : index
        %get3A_228 = tpu.vector_load %arg7[%get3A_227] {strides = array<i32>} : memref<80xi32, #tpu.memory_space<vmem>>, vector<16xi32>,
        %add3A_229 = vector.broadcast %mul3A_18 : i32 to vector<16xi32>
        %add3A_230 = arith.addi %get3A_228, %add3A_229 : vector<16xi32>
        %swap3A_231 = arith.constant 48 : index
        %swap3A_232 = tpu.vector_load %arg9[%swap3A_231] {strides = array<i32>} : memref<80xi32, #tpu.memory_space<vmem>>, vector<16xi32>,
        tpu.vector_store %arg9[%swap3A_231], %add3A_230 {strides = array<i32>} : memref<80xi32, #tpu.memory_space<vmem>>, vector<16xi32>,
        %get3A_233 = arith.constant 48 : index
        %get3A_234 = tpu.vector_load %arg8[%get3A_233] {strides = array<i32>} : memref<80xi32, #tpu.memory_space<vmem>>, vector<16xi32>,
        %swap3A_235 = arith.constant 48 : index
        %swap3A_236 = tpu.vector_load %arg10[%swap3A_235] {strides = array<i32>} : memref<80xi32, #tpu.memory_space<vmem>>, vector<16xi32>,
        tpu.vector_store %arg10[%swap3A_235], %get3A_234 {strides = array<i32>} : memref<80xi32, #tpu.memory_space<vmem>>, vector<16xi32>,
        %get3A_237 = arith.constant 64 : index
        %get3A_238 = tpu.vector_load %arg7[%get3A_237] {strides = array<i32>} : memref<80xi32, #tpu.memory_space<vmem>>, vector<16xi32>,
        %add3A_239 = vector.broadcast %mul3A_18 : i32 to vector<16xi32>
        %add3A_240 = arith.addi %get3A_238, %add3A_239 : vector<16xi32>
        %swap3A_241 = arith.constant 64 : index
        %swap3A_242 = tpu.vector_load %arg9[%swap3A_241] {strides = array<i32>} : memref<80xi32, #tpu.memory_space<vmem>>, vector<16xi32>,
        tpu.vector_store %arg9[%swap3A_241], %add3A_240 {strides = array<i32>} : memref<80xi32, #tpu.memory_space<vmem>>, vector<16xi32>,
        %get3A_243 = arith.constant 64 : index
        %get3A_244 = tpu.vector_load %arg8[%get3A_243] {strides = array<i32>} : memref<80xi32, #tpu.memory_space<vmem>>, vector<16xi32>,
        %swap3A_245 = arith.constant 64 : index
        %swap3A_246 = tpu.vector_load %arg10[%swap3A_245] {strides = array<i32>} : memref<80xi32, #tpu.memory_space<vmem>>, vector<16xi32>,
        tpu.vector_store %arg10[%swap3A_245], %get3A_244 {strides = array<i32>} : memref<80xi32, #tpu.memory_space<vmem>>, vector<16xi32>,
        %dma_start3A_247 = arith.constant 0 : i32
        %dma_start3A_248 = arith.constant 0 : i32
        %dma_start3A_249 = tpu.memref_slice %arg2[%dma_start3A_247, %dma_start3A_248] : memref<20000x128xf32, #tpu.memory_space<hbm>> -> memref<20000x128xf32, #tpu.memory_space<hbm>>
        tpu.enqueue_indirect_dma source(%dma_start3A_249 : memref<20000x128xf32, #tpu.memory_space<hbm>>) target(%arg11 : memref<80x128xf32, #tpu.memory_space<vmem>>) offsets(%arg9 : memref<80xi32, #tpu.memory_space<vmem>>) semaphore(%arg21 : memref<!tpu.dma_semaphore, #tpu.memory_space<semaphore_mem>>)
        %add3A_250 = arith.addi %mul3A_20, %add3A_196 : i32
        %dma_start3A_251 = arith.constant 0 : i32
        %dma_start3A_252 = tpu.memref_slice %arg3[%add3A_250, %dma_start3A_251] : memref<640000x64xi32, #tpu.memory_space<hbm>> -> memref<80x64xi32, #tpu.memory_space<hbm>>
        %dma_start3A_253 = arith.constant 0 : i32
        %dma_start3A_254 = tpu.memref_slice %arg3[%add3A_250, %dma_start3A_253] : memref<640000x64xi32, #tpu.memory_space<hbm>> -> memref<80x64xi32, #tpu.memory_space<hbm>>
        tpu.enqueue_dma source(%dma_start3A_254 : memref<80x64xi32, #tpu.memory_space<hbm>>) target(%arg12 : memref<80x64xi32, #tpu.memory_space<vmem>>) target_semaphore(%arg22 : memref<!tpu.dma_semaphore, #tpu.memory_space<semaphore_mem>>)
        %add3A_255 = arith.constant 2 : i32
        %add3A_256 = arith.addi %add3A_152, %add3A_255 : i32
        %lt3A_257 = arith.constant 250 : i32
        %lt3A_258 = arith.cmpi slt, %add3A_256, %lt3A_257 : i32
        %convert_element_type3A_259 = arith.extui %lt3A_258 : i1 to i32
        %cond3A_260 = arith.constant 0 : i32
        %cond3A_261 = arith.cmpi ne, %convert_element_type3A_259, %cond3A_260 : i32
        scf.if %cond3A_261 {
          %add3A_262 = arith.constant 2 : i32
          %add3A_263 = arith.addi %add3A_152, %add3A_262 : i32
          %mul3A_264 = arith.constant 80 : i32
          %mul3A_265 = arith.muli %add3A_263, %mul3A_264 : i32
          %add3A_266 = arith.addi %mul3A_16, %mul3A_265 : i32
          %dma_start3A_267 = tpu.memref_slice %arg4[%add3A_266] : memref<320000xi32, #tpu.memory_space<hbm>> -> memref<80xi32, #tpu.memory_space<hbm>>
          %dma_start3A_268 = tpu.memref_slice %arg4[%add3A_266] : memref<320000xi32, #tpu.memory_space<hbm>> -> memref<80xi32, #tpu.memory_space<hbm>>
          tpu.enqueue_dma source(%dma_start3A_268 : memref<80xi32, #tpu.memory_space<hbm>>) target(%arg13 : memref<80xi32, #tpu.memory_space<vmem>>) target_semaphore(%arg24 : memref<!tpu.dma_semaphore, #tpu.memory_space<semaphore_mem>>)
          %dma_start3A_269 = tpu.memref_slice %arg5[%add3A_266] : memref<320000xi32, #tpu.memory_space<hbm>> -> memref<80xi32, #tpu.memory_space<hbm>>
          %dma_start3A_270 = tpu.memref_slice %arg5[%add3A_266] : memref<320000xi32, #tpu.memory_space<hbm>> -> memref<80xi32, #tpu.memory_space<hbm>>
          tpu.enqueue_dma source(%dma_start3A_270 : memref<80xi32, #tpu.memory_space<hbm>>) target(%arg14 : memref<80xi32, #tpu.memory_space<vmem>>) target_semaphore(%arg24 : memref<!tpu.dma_semaphore, #tpu.memory_space<semaphore_mem>>)
        } else {
        }
      } else {
      }
      %dma_wait3A_160 = arith.constant 0 : i32
      %dma_wait3A_161 = arith.constant 0 : i32
      %dma_wait3A_162 = tpu.memref_slice %arg2[%dma_wait3A_160, %dma_wait3A_161] : memref<20000x128xf32, #tpu.memory_space<hbm>> -> memref<20000x128xf32, #tpu.memory_space<hbm>>
      tpu.wait_indirect_dma semaphore(%arg25 : memref<!tpu.dma_semaphore, #tpu.memory_space<semaphore_mem>>) src(%dma_wait3A_162 : memref<20000x128xf32, #tpu.memory_space<hbm>>) dst(%arg17 : memref<80x128xf32, #tpu.memory_space<vmem>>)
      %dma_wait3A_163 = arith.constant 0 : i32
      %dma_wait3A_164 = arith.constant 0 : i32
      %dma_wait3A_165 = tpu.memref_slice %arg3[%dma_wait3A_163, %dma_wait3A_164] : memref<640000x64xi32, #tpu.memory_space<hbm>> -> memref<80x64xi32, #tpu.memory_space<hbm>>
      %dma_wait3A_166 = arith.constant 0 : i32
      %dma_wait3A_167 = arith.constant 0 : i32
      %dma_wait3A_168 = tpu.memref_slice %arg3[%dma_wait3A_166, %dma_wait3A_167] : memref<640000x64xi32, #tpu.memory_space<hbm>> -> memref<80x64xi32, #tpu.memory_space<hbm>>
      tpu.wait_dma2 semaphore(%arg26 : memref<!tpu.dma_semaphore, #tpu.memory_space<semaphore_mem>>) src(%dma_wait3A_168 : memref<80x64xi32, #tpu.memory_space<hbm>>) dst(%arg18 : memref<80x64xi32, #tpu.memory_space<vmem>>)
      %scan3A_169 = arith.constant 0 : i32
      %scan3A_170 = arith.constant 0 : i32
      %scan3A_171 = arith.constant 80 : i32
      %scan3A_172 = arith.addi %scan3A_170, %scan3A_171 : i32
      %scan3A_173 = arith.constant 1 : i32
      %scan3A_174 = scf.for %scan3A_180 = %scan3A_170 to %scan3A_172 step %scan3A_173 iter_args(%scan3A_181 = %scan3A_169) -> (i32)  : i32 {
        %get3A_182 = arith.index_cast %scan3A_180 : i32 to index
        %get3A_183 = arith.constant 0 : index
        %get3A_184 = tpu.vector_load %arg18[%get3A_182, %get3A_183] {strides = array<i32>} : memref<80x64xi32, #tpu.memory_space<vmem>>, vector<16xi32>,
        %shift_left3A = arith.constant 16 : i32
        %shift_left3A_185 = vector.broadcast %shift_left3A : i32 to vector<16xi32>
        %shift_left3A_186 = arith.shli %get3A_184, %shift_left3A_185 : vector<16xi32>
        %bitcast3A = vector.bitcast %shift_left3A_186 : vector<16xi32> to vector<16xf32>
        %and3A = arith.constant -65536 : i32
        %and3A_187 = vector.broadcast %and3A : i32 to vector<16xi32>
        %and3A_188 = arith.andi %get3A_184, %and3A_187 : vector<16xi32>
        %bitcast3A_189 = vector.bitcast %and3A_188 : vector<16xi32> to vector<16xf32>
        %get3A_190 = arith.index_cast %scan3A_180 : i32 to index
        %get3A_191 = arith.constant 0 : index
        %get3A_192 = tpu.vector_load %arg17[%get3A_190, %get3A_191] {strides = array<i32>} : memref<80x128xf32, #tpu.memory_space<vmem>>, vector<16xf32>,
        %add3A_193 = arith.addf %get3A_192, %bitcast3A : vector<16xf32>
        %max3A = arith.constant 0.000000e+00 : f32
        %max3A_194 = vector.broadcast %max3A : f32 to vector<16xf32>
        %max3A_195 = arith.maximumf %add3A_193, %max3A_194 : vector<16xf32>
        %swap3A_196 = arith.index_cast %scan3A_180 : i32 to index
        %swap3A_197 = arith.constant 0 : index
        %swap3A_198 = tpu.vector_load %arg17[%swap3A_196, %swap3A_197] {strides = array<i32>} : memref<80x128xf32, #tpu.memory_space<vmem>>, vector<16xf32>,
        tpu.vector_store %arg17[%swap3A_196, %swap3A_197], %max3A_195 {strides = array<i32>} : memref<80x128xf32, #tpu.memory_space<vmem>>, vector<16xf32>,
        %get3A_199 = arith.index_cast %scan3A_180 : i32 to index
        %get3A_200 = arith.constant 16 : index
        %get3A_201 = tpu.vector_load %arg17[%get3A_199, %get3A_200] {strides = array<i32>} : memref<80x128xf32, #tpu.memory_space<vmem>>, vector<16xf32>,
        %add3A_202 = arith.addf %get3A_201, %bitcast3A_189 : vector<16xf32>
        %max3A_203 = arith.constant 0.000000e+00 : f32
        %max3A_204 = vector.broadcast %max3A_203 : f32 to vector<16xf32>
        %max3A_205 = arith.maximumf %add3A_202, %max3A_204 : vector<16xf32>
        %swap3A_206 = arith.index_cast %scan3A_180 : i32 to index
        %swap3A_207 = arith.constant 16 : index
        %swap3A_208 = tpu.vector_load %arg17[%swap3A_206, %swap3A_207] {strides = array<i32>} : memref<80x128xf32, #tpu.memory_space<vmem>>, vector<16xf32>,
        tpu.vector_store %arg17[%swap3A_206, %swap3A_207], %max3A_205 {strides = array<i32>} : memref<80x128xf32, #tpu.memory_space<vmem>>, vector<16xf32>,
        %get3A_209 = arith.index_cast %scan3A_180 : i32 to index
        %get3A_210 = arith.constant 16 : index
        %get3A_211 = tpu.vector_load %arg18[%get3A_209, %get3A_210] {strides = array<i32>} : memref<80x64xi32, #tpu.memory_space<vmem>>, vector<16xi32>,
        %shift_left3A_212 = arith.constant 16 : i32
        %shift_left3A_213 = vector.broadcast %shift_left3A_212 : i32 to vector<16xi32>
        %shift_left3A_214 = arith.shli %get3A_211, %shift_left3A_213 : vector<16xi32>
        %bitcast3A_215 = vector.bitcast %shift_left3A_214 : vector<16xi32> to vector<16xf32>
        %and3A_216 = arith.constant -65536 : i32
        %and3A_217 = vector.broadcast %and3A_216 : i32 to vector<16xi32>
        %and3A_218 = arith.andi %get3A_211, %and3A_217 : vector<16xi32>
        %bitcast3A_219 = vector.bitcast %and3A_218 : vector<16xi32> to vector<16xf32>
        %get3A_220 = arith.index_cast %scan3A_180 : i32 to index
        %get3A_221 = arith.constant 32 : index
        %get3A_222 = tpu.vector_load %arg17[%get3A_220, %get3A_221] {strides = array<i32>} : memref<80x128xf32, #tpu.memory_space<vmem>>, vector<16xf32>,
        %add3A_223 = arith.addf %get3A_222, %bitcast3A_215 : vector<16xf32>
        %max3A_224 = arith.constant 0.000000e+00 : f32
        %max3A_225 = vector.broadcast %max3A_224 : f32 to vector<16xf32>
        %max3A_226 = arith.maximumf %add3A_223, %max3A_225 : vector<16xf32>
        %swap3A_227 = arith.index_cast %scan3A_180 : i32 to index
        %swap3A_228 = arith.constant 32 : index
        %swap3A_229 = tpu.vector_load %arg17[%swap3A_227, %swap3A_228] {strides = array<i32>} : memref<80x128xf32, #tpu.memory_space<vmem>>, vector<16xf32>,
        tpu.vector_store %arg17[%swap3A_227, %swap3A_228], %max3A_226 {strides = array<i32>} : memref<80x128xf32, #tpu.memory_space<vmem>>, vector<16xf32>,
        %get3A_230 = arith.index_cast %scan3A_180 : i32 to index
        %get3A_231 = arith.constant 48 : index
        %get3A_232 = tpu.vector_load %arg17[%get3A_230, %get3A_231] {strides = array<i32>} : memref<80x128xf32, #tpu.memory_space<vmem>>, vector<16xf32>,
        %add3A_233 = arith.addf %get3A_232, %bitcast3A_219 : vector<16xf32>
        %max3A_234 = arith.constant 0.000000e+00 : f32
        %max3A_235 = vector.broadcast %max3A_234 : f32 to vector<16xf32>
        %max3A_236 = arith.maximumf %add3A_233, %max3A_235 : vector<16xf32>
        %swap3A_237 = arith.index_cast %scan3A_180 : i32 to index
        %swap3A_238 = arith.constant 48 : index
        %swap3A_239 = tpu.vector_load %arg17[%swap3A_237, %swap3A_238] {strides = array<i32>} : memref<80x128xf32, #tpu.memory_space<vmem>>, vector<16xf32>,
        tpu.vector_store %arg17[%swap3A_237, %swap3A_238], %max3A_236 {strides = array<i32>} : memref<80x128xf32, #tpu.memory_space<vmem>>, vector<16xf32>,
        %get3A_240 = arith.index_cast %scan3A_180 : i32 to index
        %get3A_241 = arith.constant 32 : index
        %get3A_242 = tpu.vector_load %arg18[%get3A_240, %get3A_241] {strides = array<i32>} : memref<80x64xi32, #tpu.memory_space<vmem>>, vector<16xi32>,
        %shift_left3A_243 = arith.constant 16 : i32
        %shift_left3A_244 = vector.broadcast %shift_left3A_243 : i32 to vector<16xi32>
        %shift_left3A_245 = arith.shli %get3A_242, %shift_left3A_244 : vector<16xi32>
        %bitcast3A_246 = vector.bitcast %shift_left3A_245 : vector<16xi32> to vector<16xf32>
        %and3A_247 = arith.constant -65536 : i32
        %and3A_248 = vector.broadcast %and3A_247 : i32 to vector<16xi32>
        %and3A_249 = arith.andi %get3A_242, %and3A_248 : vector<16xi32>
        %bitcast3A_250 = vector.bitcast %and3A_249 : vector<16xi32> to vector<16xf32>
        %get3A_251 = arith.index_cast %scan3A_180 : i32 to index
        %get3A_252 = arith.constant 64 : index
        %get3A_253 = tpu.vector_load %arg17[%get3A_251, %get3A_252] {strides = array<i32>} : memref<80x128xf32, #tpu.memory_space<vmem>>, vector<16xf32>,
        %add3A_254 = arith.addf %get3A_253, %bitcast3A_246 : vector<16xf32>
        %max3A_255 = arith.constant 0.000000e+00 : f32
        %max3A_256 = vector.broadcast %max3A_255 : f32 to vector<16xf32>
        %max3A_257 = arith.maximumf %add3A_254, %max3A_256 : vector<16xf32>
        %swap3A_258 = arith.index_cast %scan3A_180 : i32 to index
        %swap3A_259 = arith.constant 64 : index
        %swap3A_260 = tpu.vector_load %arg17[%swap3A_258, %swap3A_259] {strides = array<i32>} : memref<80x128xf32, #tpu.memory_space<vmem>>, vector<16xf32>,
        tpu.vector_store %arg17[%swap3A_258, %swap3A_259], %max3A_257 {strides = array<i32>} : memref<80x128xf32, #tpu.memory_space<vmem>>, vector<16xf32>,
        %get3A_261 = arith.index_cast %scan3A_180 : i32 to index
        %get3A_262 = arith.constant 80 : index
        %get3A_263 = tpu.vector_load %arg17[%get3A_261, %get3A_262] {strides = array<i32>} : memref<80x128xf32, #tpu.memory_space<vmem>>, vector<16xf32>,
        %add3A_264 = arith.addf %get3A_263, %bitcast3A_250 : vector<16xf32>
        %max3A_265 = arith.constant 0.000000e+00 : f32
        %max3A_266 = vector.broadcast %max3A_265 : f32 to vector<16xf32>
        %max3A_267 = arith.maximumf %add3A_264, %max3A_266 : vector<16xf32>
        %swap3A_268 = arith.index_cast %scan3A_180 : i32 to index
        %swap3A_269 = arith.constant 80 : index
        %swap3A_270 = tpu.vector_load %arg17[%swap3A_268, %swap3A_269] {strides = array<i32>} : memref<80x128xf32, #tpu.memory_space<vmem>>, vector<16xf32>,
        tpu.vector_store %arg17[%swap3A_268, %swap3A_269], %max3A_267 {strides = array<i32>} : memref<80x128xf32, #tpu.memory_space<vmem>>, vector<16xf32>,
        %get3A_271 = arith.index_cast %scan3A_180 : i32 to index
        %get3A_272 = arith.constant 48 : index
        %get3A_273 = tpu.vector_load %arg18[%get3A_271, %get3A_272] {strides = array<i32>} : memref<80x64xi32, #tpu.memory_space<vmem>>, vector<16xi32>,
        %shift_left3A_274 = arith.constant 16 : i32
        %shift_left3A_275 = vector.broadcast %shift_left3A_274 : i32 to vector<16xi32>
        %shift_left3A_276 = arith.shli %get3A_273, %shift_left3A_275 : vector<16xi32>
        %bitcast3A_277 = vector.bitcast %shift_left3A_276 : vector<16xi32> to vector<16xf32>
        %and3A_278 = arith.constant -65536 : i32
        %and3A_279 = vector.broadcast %and3A_278 : i32 to vector<16xi32>
        %and3A_280 = arith.andi %get3A_273, %and3A_279 : vector<16xi32>
        %bitcast3A_281 = vector.bitcast %and3A_280 : vector<16xi32> to vector<16xf32>
        %get3A_282 = arith.index_cast %scan3A_180 : i32 to index
        %get3A_283 = arith.constant 96 : index
        %get3A_284 = tpu.vector_load %arg17[%get3A_282, %get3A_283] {strides = array<i32>} : memref<80x128xf32, #tpu.memory_space<vmem>>, vector<16xf32>,
        %add3A_285 = arith.addf %get3A_284, %bitcast3A_277 : vector<16xf32>
        %max3A_286 = arith.constant 0.000000e+00 : f32
        %max3A_287 = vector.broadcast %max3A_286 : f32 to vector<16xf32>
        %max3A_288 = arith.maximumf %add3A_285, %max3A_287 : vector<16xf32>
        %swap3A_289 = arith.index_cast %scan3A_180 : i32 to index
        %swap3A_290 = arith.constant 96 : index
        %swap3A_291 = tpu.vector_load %arg17[%swap3A_289, %swap3A_290] {strides = array<i32>} : memref<80x128xf32, #tpu.memory_space<vmem>>, vector<16xf32>,
        tpu.vector_store %arg17[%swap3A_289, %swap3A_290], %max3A_288 {strides = array<i32>} : memref<80x128xf32, #tpu.memory_space<vmem>>, vector<16xf32>,
        %get3A_292 = arith.index_cast %scan3A_180 : i32 to index
        %get3A_293 = arith.constant 112 : index
        %get3A_294 = tpu.vector_load %arg17[%get3A_292, %get3A_293] {strides = array<i32>} : memref<80x128xf32, #tpu.memory_space<vmem>>, vector<16xf32>,
        %add3A_295 = arith.addf %get3A_294, %bitcast3A_281 : vector<16xf32>
        %max3A_296 = arith.constant 0.000000e+00 : f32
        %max3A_297 = vector.broadcast %max3A_296 : f32 to vector<16xf32>
        %max3A_298 = arith.maximumf %add3A_295, %max3A_297 : vector<16xf32>
        %swap3A_299 = arith.index_cast %scan3A_180 : i32 to index
        %swap3A_300 = arith.constant 112 : index
        %swap3A_301 = tpu.vector_load %arg17[%swap3A_299, %swap3A_300] {strides = array<i32>} : memref<80x128xf32, #tpu.memory_space<vmem>>, vector<16xf32>,
        tpu.vector_store %arg17[%swap3A_299, %swap3A_300], %max3A_298 {strides = array<i32>} : memref<80x128xf32, #tpu.memory_space<vmem>>, vector<16xf32>,
        %scan3A_302 = arith.constant 0 : i32
        scf.yield %scan3A_302 : i32
      }
      %scan3A_175 = arith.constant 80 : i32
      %dma_start3A_176 = arith.constant 0 : i32
      %dma_start3A_177 = arith.constant 0 : i32
      %dma_start3A_178 = tpu.memref_slice %arg19[%dma_start3A_176, %dma_start3A_177] : memref<10000x128xf32, #tpu.memory_space<vmem_shared>> -> memref<10000x128xf32, #tpu.memory_space<vmem_shared>>
      tpu.enqueue_indirect_dma source(%arg17 : memref<80x128xf32, #tpu.memory_space<vmem>>) target(%dma_start3A_178 : memref<10000x128xf32, #tpu.memory_space<vmem_shared>>) offsets(%arg16 : memref<80xi32, #tpu.memory_space<vmem>>) semaphore(%arg27 : memref<!tpu.dma_semaphore, #tpu.memory_space<semaphore_mem>>) {add = true}
      %scan3A_179 = arith.constant 0 : i32
      scf.yield %scan3A_179 : i32
    }
    %scan3A_103 = arith.constant 125 : i32
    %dma_wait3A_104 = arith.constant 0 : i32
    %dma_wait3A_105 = arith.constant 0 : i32
    %dma_wait3A_106 = tpu.memref_slice %arg19[%dma_wait3A_104, %dma_wait3A_105] : memref<10000x128xf32, #tpu.memory_space<vmem_shared>> -> memref<10000x128xf32, #tpu.memory_space<vmem_shared>>
    tpu.wait_indirect_dma semaphore(%arg23 : memref<!tpu.dma_semaphore, #tpu.memory_space<semaphore_mem>>) src(%arg11 : memref<80x128xf32, #tpu.memory_space<vmem>>) dst(%dma_wait3A_106 : memref<10000x128xf32, #tpu.memory_space<vmem_shared>>)
    %dma_wait3A_107 = arith.constant 0 : i32
    %dma_wait3A_108 = arith.constant 0 : i32
    %dma_wait3A_109 = tpu.memref_slice %arg19[%dma_wait3A_107, %dma_wait3A_108] : memref<10000x128xf32, #tpu.memory_space<vmem_shared>> -> memref<10000x128xf32, #tpu.memory_space<vmem_shared>>
    tpu.wait_indirect_dma semaphore(%arg27 : memref<!tpu.dma_semaphore, #tpu.memory_space<semaphore_mem>>) src(%arg17 : memref<80x128xf32, #tpu.memory_space<vmem>>) dst(%dma_wait3A_109 : memref<10000x128xf32, #tpu.memory_space<vmem_shared>>)
    %barrier3A_110 = arith.constant 0 : index
    tpu.barrier barrier_id(%barrier3A_110)
    %mul3A_111 = arith.constant 624 : i32
    %mul3A_112 = arith.muli %arg1, %mul3A_111 : i32
    %mul3A_113 = arith.constant 10000 : i32
    %mul3A_114 = arith.muli %arg0, %mul3A_113 : i32
    %mul3A_115 = arith.constant 624 : i32
    %mul3A_116 = arith.muli %arg1, %mul3A_115 : i32
    %add3A_117 = arith.addi %mul3A_114, %mul3A_116 : i32
    "tpu.region"() ({
      %run_scoped3A = tpu.sem_alloc : memref<!tpu.dma_semaphore, #tpu.memory_space<semaphore_mem>>
      %dma_start3A_120 = arith.constant 0 : i32
      %dma_start3A_121 = tpu.memref_slice %arg6[%add3A_117, %dma_start3A_120] : memref<20000x128xf32, #tpu.memory_space<hbm>> -> memref<624x128xf32, #tpu.memory_space<hbm>>
      %dma_start3A_122 = arith.constant 0 : i32
      %dma_start3A_123 = tpu.memref_slice %arg19[%mul3A_112, %dma_start3A_122] : memref<10000x128xf32, #tpu.memory_space<vmem_shared>> -> memref<624x128xf32, #tpu.memory_space<vmem_shared>>
      tpu.enqueue_dma source(%dma_start3A_123 : memref<624x128xf32, #tpu.memory_space<vmem_shared>>) target(%dma_start3A_121 : memref<624x128xf32, #tpu.memory_space<hbm>>) target_semaphore(%run_scoped3A : memref<!tpu.dma_semaphore, #tpu.memory_space<semaphore_mem>>)
      %dma_wait3A_124 = arith.constant 0 : i32
      %dma_wait3A_125 = tpu.memref_slice %arg6[%add3A_117, %dma_wait3A_124] : memref<20000x128xf32, #tpu.memory_space<hbm>> -> memref<624x128xf32, #tpu.memory_space<hbm>>
      %dma_wait3A_126 = arith.constant 0 : i32
      %dma_wait3A_127 = tpu.memref_slice %arg19[%mul3A_112, %dma_wait3A_126] : memref<10000x128xf32, #tpu.memory_space<vmem_shared>> -> memref<624x128xf32, #tpu.memory_space<vmem_shared>>
      tpu.wait_dma2 semaphore(%run_scoped3A : memref<!tpu.dma_semaphore, #tpu.memory_space<semaphore_mem>>) src(%dma_wait3A_127 : memref<624x128xf32, #tpu.memory_space<vmem_shared>>) dst(%dma_wait3A_125 : memref<624x128xf32, #tpu.memory_space<hbm>>)
      tpu.yield
    }) : () -> ()
    %eq3A = arith.constant 0 : i32
    %eq3A_118 = arith.cmpi eq, %arg1, %eq3A : i32
    %convert_element_type3A = arith.extui %eq3A_118 : i1 to i32
    %cond3A = arith.constant 0 : i32
    %cond3A_119 = arith.cmpi ne, %convert_element_type3A, %cond3A : i32
    scf.if %cond3A_119 {
      %mul3A_120 = arith.constant 10000 : i32
      %mul3A_121 = arith.muli %arg0, %mul3A_120 : i32
      %add3A_122 = arith.constant 9984 : i32
      %add3A_123 = arith.addi %mul3A_121, %add3A_122 : i32
      "tpu.region"() ({
        %run_scoped3A = tpu.sem_alloc : memref<!tpu.dma_semaphore, #tpu.memory_space<semaphore_mem>>
        %dma_start3A_124 = arith.constant 0 : i32
        %dma_start3A_125 = tpu.memref_slice %arg6[%add3A_123, %dma_start3A_124] : memref<20000x128xf32, #tpu.memory_space<hbm>> -> memref<16x128xf32, #tpu.memory_space<hbm>>
        %dma_start3A_126 = arith.constant 9984 : i32
        %dma_start3A_127 = arith.constant 0 : i32
        %dma_start3A_128 = tpu.memref_slice %arg19[%dma_start3A_126, %dma_start3A_127] : memref<10000x128xf32, #tpu.memory_space<vmem_shared>> -> memref<16x128xf32, #tpu.memory_space<vmem_shared>>
        tpu.enqueue_dma source(%dma_start3A_128 : memref<16x128xf32, #tpu.memory_space<vmem_shared>>) target(%dma_start3A_125 : memref<16x128xf32, #tpu.memory_space<hbm>>) target_semaphore(%run_scoped3A : memref<!tpu.dma_semaphore, #tpu.memory_space<semaphore_mem>>)
        %dma_wait3A_129 = arith.constant 0 : i32
        %dma_wait3A_130 = tpu.memref_slice %arg6[%add3A_123, %dma_wait3A_129] : memref<20000x128xf32, #tpu.memory_space<hbm>> -> memref<16x128xf32, #tpu.memory_space<hbm>>
        %dma_wait3A_131 = arith.constant 9984 : i32
        %dma_wait3A_132 = arith.constant 0 : i32
        %dma_wait3A_133 = tpu.memref_slice %arg19[%dma_wait3A_131, %dma_wait3A_132] : memref<10000x128xf32, #tpu.memory_space<vmem_shared>> -> memref<16x128xf32, #tpu.memory_space<vmem_shared>>
        tpu.wait_dma2 semaphore(%run_scoped3A : memref<!tpu.dma_semaphore, #tpu.memory_space<semaphore_mem>>) src(%dma_wait3A_133 : memref<16x128xf32, #tpu.memory_space<vmem_shared>>) dst(%dma_wait3A_130 : memref<16x128xf32, #tpu.memory_space<hbm>>)
        tpu.yield
      }) : () -> ()
    } else {
    }
    return
  }
}

#map = affine_map<(d0, d1) -> (0, 0)>
#map1 = affine_map<(d0, d1) -> (0)>
module attributes {stable_mosaic.version = 14 : i64} {
  func.func @_edge_body(%arg0: i32, %arg1: i32, %arg2: memref<20000x128xf32, #tpu.memory_space<hbm>>, %arg3: memref<640000x64xi32, #tpu.memory_space<hbm>>, %arg4: memref<320000xi32, #tpu.memory_space<hbm>>, %arg5: memref<320000xi32, #tpu.memory_space<hbm>>, %arg6: memref<20000x128xf32, #tpu.memory_space<hbm>>, %arg7: memref<80xi32, #tpu.memory_space<vmem>>, %arg8: memref<80xi32, #tpu.memory_space<vmem>>, %arg9: memref<80xi32, #tpu.memory_space<vmem>>, %arg10: memref<80xi32, #tpu.memory_space<vmem>>, %arg11: memref<80x128xf32, #tpu.memory_space<vmem>>, %arg12: memref<80x64xi32, #tpu.memory_space<vmem>>, %arg13: memref<80xi32, #tpu.memory_space<vmem>>, %arg14: memref<80xi32, #tpu.memory_space<vmem>>, %arg15: memref<80xi32, #tpu.memory_space<vmem>>, %arg16: memref<80xi32, #tpu.memory_space<vmem>>, %arg17: memref<80x128xf32, #tpu.memory_space<vmem>>, %arg18: memref<80x64xi32, #tpu.memory_space<vmem>>, %arg19: memref<10000x128xf32, #tpu.memory_space<vmem_shared>>, %arg20: memref<!tpu.dma_semaphore, #tpu.memory_space<semaphore_mem>>, %arg21: memref<!tpu.dma_semaphore, #tpu.memory_space<semaphore_mem>>, %arg22: memref<!tpu.dma_semaphore, #tpu.memory_space<semaphore_mem>>, %arg23: memref<!tpu.dma_semaphore, #tpu.memory_space<semaphore_mem>>, %arg24: memref<!tpu.dma_semaphore, #tpu.memory_space<semaphore_mem>>, %arg25: memref<!tpu.dma_semaphore, #tpu.memory_space<semaphore_mem>>, %arg26: memref<!tpu.dma_semaphore, #tpu.memory_space<semaphore_mem>>, %arg27: memref<!tpu.dma_semaphore, #tpu.memory_space<semaphore_mem>>) attributes {dimension_semantics = [#tpu.dimension_semantics<core_parallel>, #tpu.dimension_semantics<subcore_parallel>], iteration_bounds = array<i64: 2, 16>, scalar_prefetch = 0 : i64, scratch_operands = 21 : i64, tpu.core_type = #tpu.core_type<sc_vector_subcore>, window_params = [{transform_indices = #map}, {transform_indices = #map}, {transform_indices = #map1}, {transform_indices = #map1}, {transform_indices = #map}]} {
    %scan3A = arith.constant 0 : i32
    %scan3A_0 = arith.constant 0 : i32
    %scan3A_1 = arith.constant 80 : i32
    %scan3A_2 = arith.addi %scan3A_0, %scan3A_1 : i32
    %scan3A_3 = arith.constant 1 : i32
    %scan3A_4 = scf.for %scan3A_120 = %scan3A_0 to %scan3A_2 step %scan3A_3 iter_args(%scan3A_121 = %scan3A) -> (i32)  : i32 {
      %broadcast_in_dim3A = arith.constant 0.000000e+00 : f32
      %broadcast_in_dim3A_122 = vector.broadcast %broadcast_in_dim3A : f32 to vector<16xf32>
      %swap3A_123 = arith.index_cast %scan3A_120 : i32 to index
      %swap3A_124 = arith.constant 0 : index
      %swap3A_125 = tpu.vector_load %arg11[%swap3A_123, %swap3A_124] {strides = array<i32>} : memref<80x128xf32, #tpu.memory_space<vmem>>, vector<16xf32>,
      tpu.vector_store %arg11[%swap3A_123, %swap3A_124], %broadcast_in_dim3A_122 {strides = array<i32>} : memref<80x128xf32, #tpu.memory_space<vmem>>, vector<16xf32>,
      %broadcast_in_dim3A_126 = arith.constant 0.000000e+00 : f32
      %broadcast_in_dim3A_127 = vector.broadcast %broadcast_in_dim3A_126 : f32 to vector<16xf32>
      %swap3A_128 = arith.index_cast %scan3A_120 : i32 to index
      %swap3A_129 = arith.constant 16 : index
      %swap3A_130 = tpu.vector_load %arg11[%swap3A_128, %swap3A_129] {strides = array<i32>} : memref<80x128xf32, #tpu.memory_space<vmem>>, vector<16xf32>,
      tpu.vector_store %arg11[%swap3A_128, %swap3A_129], %broadcast_in_dim3A_127 {strides = array<i32>} : memref<80x128xf32, #tpu.memory_space<vmem>>, vector<16xf32>,
      %broadcast_in_dim3A_131 = arith.constant 0.000000e+00 : f32
      %broadcast_in_dim3A_132 = vector.broadcast %broadcast_in_dim3A_131 : f32 to vector<16xf32>
      %swap3A_133 = arith.index_cast %scan3A_120 : i32 to index
      %swap3A_134 = arith.constant 32 : index
      %swap3A_135 = tpu.vector_load %arg11[%swap3A_133, %swap3A_134] {strides = array<i32>} : memref<80x128xf32, #tpu.memory_space<vmem>>, vector<16xf32>,
      tpu.vector_store %arg11[%swap3A_133, %swap3A_134], %broadcast_in_dim3A_132 {strides = array<i32>} : memref<80x128xf32, #tpu.memory_space<vmem>>, vector<16xf32>,
      %broadcast_in_dim3A_136 = arith.constant 0.000000e+00 : f32
      %broadcast_in_dim3A_137 = vector.broadcast %broadcast_in_dim3A_136 : f32 to vector<16xf32>
      %swap3A_138 = arith.index_cast %scan3A_120 : i32 to index
      %swap3A_139 = arith.constant 48 : index
      %swap3A_140 = tpu.vector_load %arg11[%swap3A_138, %swap3A_139] {strides = array<i32>} : memref<80x128xf32, #tpu.memory_space<vmem>>, vector<16xf32>,
      tpu.vector_store %arg11[%swap3A_138, %swap3A_139], %broadcast_in_dim3A_137 {strides = array<i32>} : memref<80x128xf32, #tpu.memory_space<vmem>>, vector<16xf32>,
      %broadcast_in_dim3A_141 = arith.constant 0.000000e+00 : f32
      %broadcast_in_dim3A_142 = vector.broadcast %broadcast_in_dim3A_141 : f32 to vector<16xf32>
      %swap3A_143 = arith.index_cast %scan3A_120 : i32 to index
      %swap3A_144 = arith.constant 64 : index
      %swap3A_145 = tpu.vector_load %arg11[%swap3A_143, %swap3A_144] {strides = array<i32>} : memref<80x128xf32, #tpu.memory_space<vmem>>, vector<16xf32>,
      tpu.vector_store %arg11[%swap3A_143, %swap3A_144], %broadcast_in_dim3A_142 {strides = array<i32>} : memref<80x128xf32, #tpu.memory_space<vmem>>, vector<16xf32>,
      %broadcast_in_dim3A_146 = arith.constant 0.000000e+00 : f32
      %broadcast_in_dim3A_147 = vector.broadcast %broadcast_in_dim3A_146 : f32 to vector<16xf32>
      %swap3A_148 = arith.index_cast %scan3A_120 : i32 to index
      %swap3A_149 = arith.constant 80 : index
      %swap3A_150 = tpu.vector_load %arg11[%swap3A_148, %swap3A_149] {strides = array<i32>} : memref<80x128xf32, #tpu.memory_space<vmem>>, vector<16xf32>,
      tpu.vector_store %arg11[%swap3A_148, %swap3A_149], %broadcast_in_dim3A_147 {strides = array<i32>} : memref<80x128xf32, #tpu.memory_space<vmem>>, vector<16xf32>,
      %broadcast_in_dim3A_151 = arith.constant 0.000000e+00 : f32
      %broadcast_in_dim3A_152 = vector.broadcast %broadcast_in_dim3A_151 : f32 to vector<16xf32>
      %swap3A_153 = arith.index_cast %scan3A_120 : i32 to index
      %swap3A_154 = arith.constant 96 : index
      %swap3A_155 = tpu.vector_load %arg11[%swap3A_153, %swap3A_154] {strides = array<i32>} : memref<80x128xf32, #tpu.memory_space<vmem>>, vector<16xf32>,
      tpu.vector_store %arg11[%swap3A_153, %swap3A_154], %broadcast_in_dim3A_152 {strides = array<i32>} : memref<80x128xf32, #tpu.memory_space<vmem>>, vector<16xf32>,
      %broadcast_in_dim3A_156 = arith.constant 0.000000e+00 : f32
      %broadcast_in_dim3A_157 = vector.broadcast %broadcast_in_dim3A_156 : f32 to vector<16xf32>
      %swap3A_158 = arith.index_cast %scan3A_120 : i32 to index
      %swap3A_159 = arith.constant 112 : index
      %swap3A_160 = tpu.vector_load %arg11[%swap3A_158, %swap3A_159] {strides = array<i32>} : memref<80x128xf32, #tpu.memory_space<vmem>>, vector<16xf32>,
      tpu.vector_store %arg11[%swap3A_158, %swap3A_159], %broadcast_in_dim3A_157 {strides = array<i32>} : memref<80x128xf32, #tpu.memory_space<vmem>>, vector<16xf32>,
      %scan3A_161 = arith.constant 0 : i32
      scf.yield %scan3A_161 : i32
    }
    %scan3A_5 = arith.constant 80 : i32
    %scan3A_6 = arith.constant 0 : i32
    %scan3A_7 = arith.constant 0 : i32
    %scan3A_8 = arith.constant 7 : i32
    %scan3A_9 = arith.addi %scan3A_7, %scan3A_8 : i32
    %scan3A_10 = arith.constant 1 : i32
    %scan3A_11 = scf.for %scan3A_120 = %scan3A_7 to %scan3A_9 step %scan3A_10 iter_args(%scan3A_121 = %scan3A_6) -> (i32)  : i32 {
      %mul3A_122 = arith.constant 625 : i32
      %mul3A_123 = arith.muli %arg1, %mul3A_122 : i32
      %mul3A_124 = arith.constant 80 : i32
      %mul3A_125 = arith.muli %scan3A_120, %mul3A_124 : i32
      %add3A_126 = arith.addi %mul3A_123, %mul3A_125 : i32
      "tpu.region"() ({
        %run_scoped3A = tpu.sem_alloc : memref<!tpu.dma_semaphore, #tpu.memory_space<semaphore_mem>>
        %dma_start3A_128 = arith.constant 0 : i32
        %dma_start3A_129 = tpu.memref_slice %arg19[%add3A_126, %dma_start3A_128] : memref<10000x128xf32, #tpu.memory_space<vmem_shared>> -> memref<80x128xf32, #tpu.memory_space<vmem_shared>>
        %dma_start3A_130 = arith.constant 0 : i32
        %dma_start3A_131 = tpu.memref_slice %arg19[%add3A_126, %dma_start3A_130] : memref<10000x128xf32, #tpu.memory_space<vmem_shared>> -> memref<80x128xf32, #tpu.memory_space<vmem_shared>>
        tpu.enqueue_dma source(%arg11 : memref<80x128xf32, #tpu.memory_space<vmem>>) target(%dma_start3A_131 : memref<80x128xf32, #tpu.memory_space<vmem_shared>>) target_semaphore(%run_scoped3A : memref<!tpu.dma_semaphore, #tpu.memory_space<semaphore_mem>>)
        %dma_wait3A_132 = arith.constant 0 : i32
        %dma_wait3A_133 = tpu.memref_slice %arg19[%add3A_126, %dma_wait3A_132] : memref<10000x128xf32, #tpu.memory_space<vmem_shared>> -> memref<80x128xf32, #tpu.memory_space<vmem_shared>>
        %dma_wait3A_134 = arith.constant 0 : i32
        %dma_wait3A_135 = tpu.memref_slice %arg19[%add3A_126, %dma_wait3A_134] : memref<10000x128xf32, #tpu.memory_space<vmem_shared>> -> memref<80x128xf32, #tpu.memory_space<vmem_shared>>
        tpu.wait_dma2 semaphore(%run_scoped3A : memref<!tpu.dma_semaphore, #tpu.memory_space<semaphore_mem>>) src(%arg11 : memref<80x128xf32, #tpu.memory_space<vmem>>) dst(%dma_wait3A_135 : memref<80x128xf32, #tpu.memory_space<vmem_shared>>)
        tpu.yield
      }) : () -> ()
      %scan3A_127 = arith.constant 0 : i32
      scf.yield %scan3A_127 : i32
    }
    %scan3A_12 = arith.constant 7 : i32
    %mul3A = arith.constant 625 : i32
    %mul3A_13 = arith.muli %arg1, %mul3A : i32
    %add3A = arith.constant 560 : i32
    %add3A_14 = arith.addi %mul3A_13, %add3A : i32
    "tpu.region"() ({
      %run_scoped3A = tpu.sem_alloc : memref<!tpu.dma_semaphore, #tpu.memory_space<semaphore_mem>>
      %dma_start3A_120 = arith.constant 0 : i32
      %dma_start3A_121 = arith.constant 0 : i32
      %dma_start3A_122 = tpu.memref_slice %arg11[%dma_start3A_120, %dma_start3A_121] : memref<80x128xf32, #tpu.memory_space<vmem>> -> memref<65x128xf32, #tpu.memory_space<vmem>>
      %dma_start3A_123 = arith.constant 0 : i32
      %dma_start3A_124 = tpu.memref_slice %arg19[%add3A_14, %dma_start3A_123] : memref<10000x128xf32, #tpu.memory_space<vmem_shared>> -> memref<65x128xf32, #tpu.memory_space<vmem_shared>>
      %dma_start3A_125 = arith.constant 0 : i32
      %dma_start3A_126 = tpu.memref_slice %arg19[%add3A_14, %dma_start3A_125] : memref<10000x128xf32, #tpu.memory_space<vmem_shared>> -> memref<65x128xf32, #tpu.memory_space<vmem_shared>>
      %dma_start3A_127 = arith.constant 0 : i32
      %dma_start3A_128 = arith.constant 0 : i32
      %dma_start3A_129 = tpu.memref_slice %arg11[%dma_start3A_127, %dma_start3A_128] : memref<80x128xf32, #tpu.memory_space<vmem>> -> memref<65x128xf32, #tpu.memory_space<vmem>>
      tpu.enqueue_dma source(%dma_start3A_129 : memref<65x128xf32, #tpu.memory_space<vmem>>) target(%dma_start3A_126 : memref<65x128xf32, #tpu.memory_space<vmem_shared>>) target_semaphore(%run_scoped3A : memref<!tpu.dma_semaphore, #tpu.memory_space<semaphore_mem>>)
      %dma_wait3A_130 = arith.constant 0 : i32
      %dma_wait3A_131 = arith.constant 0 : i32
      %dma_wait3A_132 = tpu.memref_slice %arg11[%dma_wait3A_130, %dma_wait3A_131] : memref<80x128xf32, #tpu.memory_space<vmem>> -> memref<65x128xf32, #tpu.memory_space<vmem>>
      %dma_wait3A_133 = arith.constant 0 : i32
      %dma_wait3A_134 = tpu.memref_slice %arg19[%add3A_14, %dma_wait3A_133] : memref<10000x128xf32, #tpu.memory_space<vmem_shared>> -> memref<65x128xf32, #tpu.memory_space<vmem_shared>>
      %dma_wait3A_135 = arith.constant 0 : i32
      %dma_wait3A_136 = tpu.memref_slice %arg19[%add3A_14, %dma_wait3A_135] : memref<10000x128xf32, #tpu.memory_space<vmem_shared>> -> memref<65x128xf32, #tpu.memory_space<vmem_shared>>
      %dma_wait3A_137 = arith.constant 0 : i32
      %dma_wait3A_138 = arith.constant 0 : i32
      %dma_wait3A_139 = tpu.memref_slice %arg11[%dma_wait3A_137, %dma_wait3A_138] : memref<80x128xf32, #tpu.memory_space<vmem>> -> memref<65x128xf32, #tpu.memory_space<vmem>>
      tpu.wait_dma2 semaphore(%run_scoped3A : memref<!tpu.dma_semaphore, #tpu.memory_space<semaphore_mem>>) src(%dma_wait3A_139 : memref<65x128xf32, #tpu.memory_space<vmem>>) dst(%dma_wait3A_136 : memref<65x128xf32, #tpu.memory_space<vmem_shared>>)
      tpu.yield
    }) : () -> ()
    %barrier3A = arith.constant 0 : index
    tpu.barrier barrier_id(%barrier3A)
    %mul3A_15 = arith.constant 20000 : i32
    %mul3A_16 = arith.muli %arg1, %mul3A_15 : i32
    %mul3A_17 = arith.constant 10000 : i32
    %mul3A_18 = arith.muli %arg0, %mul3A_17 : i32
    %mul3A_19 = arith.constant 320000 : i32
    %mul3A_20 = arith.muli %arg0, %mul3A_19 : i32
    %add3A_21 = arith.constant 0 : i32
    %add3A_22 = arith.addi %mul3A_16, %add3A_21 : i32
    %dma_start3A = tpu.memref_slice %arg4[%add3A_22] : memref<320000xi32, #tpu.memory_space<hbm>> -> memref<80xi32, #tpu.memory_space<hbm>>
    %dma_start3A_23 = tpu.memref_slice %arg4[%add3A_22] : memref<320000xi32, #tpu.memory_space<hbm>> -> memref<80xi32, #tpu.memory_space<hbm>>
    tpu.enqueue_dma source(%dma_start3A_23 : memref<80xi32, #tpu.memory_space<hbm>>) target(%arg7 : memref<80xi32, #tpu.memory_space<vmem>>) target_semaphore(%arg20 : memref<!tpu.dma_semaphore, #tpu.memory_space<semaphore_mem>>)
    %dma_start3A_24 = tpu.memref_slice %arg5[%add3A_22] : memref<320000xi32, #tpu.memory_space<hbm>> -> memref<80xi32, #tpu.memory_space<hbm>>
    %dma_start3A_25 = tpu.memref_slice %arg5[%add3A_22] : memref<320000xi32, #tpu.memory_space<hbm>> -> memref<80xi32, #tpu.memory_space<hbm>>
    tpu.enqueue_dma source(%dma_start3A_25 : memref<80xi32, #tpu.memory_space<hbm>>) target(%arg8 : memref<80xi32, #tpu.memory_space<vmem>>) target_semaphore(%arg20 : memref<!tpu.dma_semaphore, #tpu.memory_space<semaphore_mem>>)
    %add3A_26 = arith.constant 80 : i32
    %add3A_27 = arith.addi %mul3A_16, %add3A_26 : i32
    %dma_start3A_28 = tpu.memref_slice %arg4[%add3A_27] : memref<320000xi32, #tpu.memory_space<hbm>> -> memref<80xi32, #tpu.memory_space<hbm>>
    %dma_start3A_29 = tpu.memref_slice %arg4[%add3A_27] : memref<320000xi32, #tpu.memory_space<hbm>> -> memref<80xi32, #tpu.memory_space<hbm>>
    tpu.enqueue_dma source(%dma_start3A_29 : memref<80xi32, #tpu.memory_space<hbm>>) target(%arg13 : memref<80xi32, #tpu.memory_space<vmem>>) target_semaphore(%arg24 : memref<!tpu.dma_semaphore, #tpu.memory_space<semaphore_mem>>)
    %dma_start3A_30 = tpu.memref_slice %arg5[%add3A_27] : memref<320000xi32, #tpu.memory_space<hbm>> -> memref<80xi32, #tpu.memory_space<hbm>>
    %dma_start3A_31 = tpu.memref_slice %arg5[%add3A_27] : memref<320000xi32, #tpu.memory_space<hbm>> -> memref<80xi32, #tpu.memory_space<hbm>>
    tpu.enqueue_dma source(%dma_start3A_31 : memref<80xi32, #tpu.memory_space<hbm>>) target(%arg14 : memref<80xi32, #tpu.memory_space<vmem>>) target_semaphore(%arg24 : memref<!tpu.dma_semaphore, #tpu.memory_space<semaphore_mem>>)
    %dma_wait3A = arith.constant 0 : i32
    %dma_wait3A_32 = tpu.memref_slice %arg4[%dma_wait3A] : memref<320000xi32, #tpu.memory_space<hbm>> -> memref<80xi32, #tpu.memory_space<hbm>>
    %dma_wait3A_33 = arith.constant 0 : i32
    %dma_wait3A_34 = tpu.memref_slice %arg4[%dma_wait3A_33] : memref<320000xi32, #tpu.memory_space<hbm>> -> memref<80xi32, #tpu.memory_space<hbm>>
    tpu.wait_dma2 semaphore(%arg20 : memref<!tpu.dma_semaphore, #tpu.memory_space<semaphore_mem>>) src(%dma_wait3A_34 : memref<80xi32, #tpu.memory_space<hbm>>) dst(%arg7 : memref<80xi32, #tpu.memory_space<vmem>>)
    %dma_wait3A_35 = arith.constant 0 : i32
    %dma_wait3A_36 = tpu.memref_slice %arg5[%dma_wait3A_35] : memref<320000xi32, #tpu.memory_space<hbm>> -> memref<80xi32, #tpu.memory_space<hbm>>
    %dma_wait3A_37 = arith.constant 0 : i32
    %dma_wait3A_38 = tpu.memref_slice %arg5[%dma_wait3A_37] : memref<320000xi32, #tpu.memory_space<hbm>> -> memref<80xi32, #tpu.memory_space<hbm>>
    tpu.wait_dma2 semaphore(%arg20 : memref<!tpu.dma_semaphore, #tpu.memory_space<semaphore_mem>>) src(%dma_wait3A_38 : memref<80xi32, #tpu.memory_space<hbm>>) dst(%arg8 : memref<80xi32, #tpu.memory_space<vmem>>)
    %add3A_39 = arith.constant 0 : i32
    %add3A_40 = arith.addi %mul3A_16, %add3A_39 : i32
    %get3A = arith.constant 0 : index
    %get3A_41 = tpu.vector_load %arg7[%get3A] {strides = array<i32>} : memref<80xi32, #tpu.memory_space<vmem>>, vector<16xi32>,
    %add3A_42 = vector.broadcast %mul3A_18 : i32 to vector<16xi32>
    %add3A_43 = arith.addi %get3A_41, %add3A_42 : vector<16xi32>
    %swap3A = arith.constant 0 : index
    %swap3A_44 = tpu.vector_load %arg9[%swap3A] {strides = array<i32>} : memref<80xi32, #tpu.memory_space<vmem>>, vector<16xi32>,
    tpu.vector_store %arg9[%swap3A], %add3A_43 {strides = array<i32>} : memref<80xi32, #tpu.memory_space<vmem>>, vector<16xi32>,
    %get3A_45 = arith.constant 0 : index
    %get3A_46 = tpu.vector_load %arg8[%get3A_45] {strides = array<i32>} : memref<80xi32, #tpu.memory_space<vmem>>, vector<16xi32>,
    %swap3A_47 = arith.constant 0 : index
    %swap3A_48 = tpu.vector_load %arg10[%swap3A_47] {strides = array<i32>} : memref<80xi32, #tpu.memory_space<vmem>>, vector<16xi32>,
    tpu.vector_store %arg10[%swap3A_47], %get3A_46 {strides = array<i32>} : memref<80xi32, #tpu.memory_space<vmem>>, vector<16xi32>,
    %get3A_49 = arith.constant 16 : index
    %get3A_50 = tpu.vector_load %arg7[%get3A_49] {strides = array<i32>} : memref<80xi32, #tpu.memory_space<vmem>>, vector<16xi32>,
    %add3A_51 = vector.broadcast %mul3A_18 : i32 to vector<16xi32>
    %add3A_52 = arith.addi %get3A_50, %add3A_51 : vector<16xi32>
    %swap3A_53 = arith.constant 16 : index
    %swap3A_54 = tpu.vector_load %arg9[%swap3A_53] {strides = array<i32>} : memref<80xi32, #tpu.memory_space<vmem>>, vector<16xi32>,
    tpu.vector_store %arg9[%swap3A_53], %add3A_52 {strides = array<i32>} : memref<80xi32, #tpu.memory_space<vmem>>, vector<16xi32>,
    %get3A_55 = arith.constant 16 : index
    %get3A_56 = tpu.vector_load %arg8[%get3A_55] {strides = array<i32>} : memref<80xi32, #tpu.memory_space<vmem>>, vector<16xi32>,
    %swap3A_57 = arith.constant 16 : index
    %swap3A_58 = tpu.vector_load %arg10[%swap3A_57] {strides = array<i32>} : memref<80xi32, #tpu.memory_space<vmem>>, vector<16xi32>,
    tpu.vector_store %arg10[%swap3A_57], %get3A_56 {strides = array<i32>} : memref<80xi32, #tpu.memory_space<vmem>>, vector<16xi32>,
    %get3A_59 = arith.constant 32 : index
    %get3A_60 = tpu.vector_load %arg7[%get3A_59] {strides = array<i32>} : memref<80xi32, #tpu.memory_space<vmem>>, vector<16xi32>,
    %add3A_61 = vector.broadcast %mul3A_18 : i32 to vector<16xi32>
    %add3A_62 = arith.addi %get3A_60, %add3A_61 : vector<16xi32>
    %swap3A_63 = arith.constant 32 : index
    %swap3A_64 = tpu.vector_load %arg9[%swap3A_63] {strides = array<i32>} : memref<80xi32, #tpu.memory_space<vmem>>, vector<16xi32>,
    tpu.vector_store %arg9[%swap3A_63], %add3A_62 {strides = array<i32>} : memref<80xi32, #tpu.memory_space<vmem>>, vector<16xi32>,
    %get3A_65 = arith.constant 32 : index
    %get3A_66 = tpu.vector_load %arg8[%get3A_65] {strides = array<i32>} : memref<80xi32, #tpu.memory_space<vmem>>, vector<16xi32>,
    %swap3A_67 = arith.constant 32 : index
    %swap3A_68 = tpu.vector_load %arg10[%swap3A_67] {strides = array<i32>} : memref<80xi32, #tpu.memory_space<vmem>>, vector<16xi32>,
    tpu.vector_store %arg10[%swap3A_67], %get3A_66 {strides = array<i32>} : memref<80xi32, #tpu.memory_space<vmem>>, vector<16xi32>,
    %get3A_69 = arith.constant 48 : index
    %get3A_70 = tpu.vector_load %arg7[%get3A_69] {strides = array<i32>} : memref<80xi32, #tpu.memory_space<vmem>>, vector<16xi32>,
    %add3A_71 = vector.broadcast %mul3A_18 : i32 to vector<16xi32>
    %add3A_72 = arith.addi %get3A_70, %add3A_71 : vector<16xi32>
    %swap3A_73 = arith.constant 48 : index
    %swap3A_74 = tpu.vector_load %arg9[%swap3A_73] {strides = array<i32>} : memref<80xi32, #tpu.memory_space<vmem>>, vector<16xi32>,
    tpu.vector_store %arg9[%swap3A_73], %add3A_72 {strides = array<i32>} : memref<80xi32, #tpu.memory_space<vmem>>, vector<16xi32>,
    %get3A_75 = arith.constant 48 : index
    %get3A_76 = tpu.vector_load %arg8[%get3A_75] {strides = array<i32>} : memref<80xi32, #tpu.memory_space<vmem>>, vector<16xi32>,
    %swap3A_77 = arith.constant 48 : index
    %swap3A_78 = tpu.vector_load %arg10[%swap3A_77] {strides = array<i32>} : memref<80xi32, #tpu.memory_space<vmem>>, vector<16xi32>,
    tpu.vector_store %arg10[%swap3A_77], %get3A_76 {strides = array<i32>} : memref<80xi32, #tpu.memory_space<vmem>>, vector<16xi32>,
    %get3A_79 = arith.constant 64 : index
    %get3A_80 = tpu.vector_load %arg7[%get3A_79] {strides = array<i32>} : memref<80xi32, #tpu.memory_space<vmem>>, vector<16xi32>,
    %add3A_81 = vector.broadcast %mul3A_18 : i32 to vector<16xi32>
    %add3A_82 = arith.addi %get3A_80, %add3A_81 : vector<16xi32>
    %swap3A_83 = arith.constant 64 : index
    %swap3A_84 = tpu.vector_load %arg9[%swap3A_83] {strides = array<i32>} : memref<80xi32, #tpu.memory_space<vmem>>, vector<16xi32>,
    tpu.vector_store %arg9[%swap3A_83], %add3A_82 {strides = array<i32>} : memref<80xi32, #tpu.memory_space<vmem>>, vector<16xi32>,
    %get3A_85 = arith.constant 64 : index
    %get3A_86 = tpu.vector_load %arg8[%get3A_85] {strides = array<i32>} : memref<80xi32, #tpu.memory_space<vmem>>, vector<16xi32>,
    %swap3A_87 = arith.constant 64 : index
    %swap3A_88 = tpu.vector_load %arg10[%swap3A_87] {strides = array<i32>} : memref<80xi32, #tpu.memory_space<vmem>>, vector<16xi32>,
    tpu.vector_store %arg10[%swap3A_87], %get3A_86 {strides = array<i32>} : memref<80xi32, #tpu.memory_space<vmem>>, vector<16xi32>,
    %dma_start3A_89 = arith.constant 0 : i32
    %dma_start3A_90 = arith.constant 0 : i32
    %dma_start3A_91 = tpu.memref_slice %arg2[%dma_start3A_89, %dma_start3A_90] : memref<20000x128xf32, #tpu.memory_space<hbm>> -> memref<20000x128xf32, #tpu.memory_space<hbm>>
    tpu.enqueue_indirect_dma source(%dma_start3A_91 : memref<20000x128xf32, #tpu.memory_space<hbm>>) target(%arg11 : memref<80x128xf32, #tpu.memory_space<vmem>>) offsets(%arg9 : memref<80xi32, #tpu.memory_space<vmem>>) semaphore(%arg21 : memref<!tpu.dma_semaphore, #tpu.memory_space<semaphore_mem>>)
    %add3A_92 = arith.addi %mul3A_20, %add3A_40 : i32
    %dma_start3A_93 = arith.constant 0 : i32
    %dma_start3A_94 = tpu.memref_slice %arg3[%add3A_92, %dma_start3A_93] : memref<640000x64xi32, #tpu.memory_space<hbm>> -> memref<80x64xi32, #tpu.memory_space<hbm>>
    %dma_start3A_95 = arith.constant 0 : i32
    %dma_start3A_96 = tpu.memref_slice %arg3[%add3A_92, %dma_start3A_95] : memref<640000x64xi32, #tpu.memory_space<hbm>> -> memref<80x64xi32, #tpu.memory_space<hbm>>
    tpu.enqueue_dma source(%dma_start3A_96 : memref<80x64xi32, #tpu.memory_space<hbm>>) target(%arg12 : memref<80x64xi32, #tpu.memory_space<vmem>>) target_semaphore(%arg22 : memref<!tpu.dma_semaphore, #tpu.memory_space<semaphore_mem>>)
    %scan3A_97 = arith.constant 0 : i32
    %scan3A_98 = arith.constant 0 : i32
    %scan3A_99 = arith.constant 125 : i32
    %scan3A_100 = arith.addi %scan3A_98, %scan3A_99 : i32
    %scan3A_101 = arith.constant 1 : i32
    %scan3A_102 = scf.for %scan3A_120 = %scan3A_98 to %scan3A_100 step %scan3A_101 iter_args(%scan3A_121 = %scan3A_97) -> (i32)  : i32 {
      %mul3A_122 = arith.constant 2 : i32
      %mul3A_123 = arith.muli %scan3A_120, %mul3A_122 : i32
      %add3A_124 = arith.constant 1 : i32
      %add3A_125 = arith.addi %mul3A_123, %add3A_124 : i32
      %lt3A = arith.constant 250 : i32
      %lt3A_126 = arith.cmpi slt, %add3A_125, %lt3A : i32
      %convert_element_type3A_127 = arith.extui %lt3A_126 : i1 to i32
      %cond3A_128 = arith.constant 0 : i32
      %cond3A_129 = arith.cmpi ne, %convert_element_type3A_127, %cond3A_128 : i32
      scf.if %cond3A_129 {
        %ge3A = arith.constant 1 : i32
        %ge3A_180 = arith.cmpi sge, %mul3A_123, %ge3A : i32
        %convert_element_type3A_181 = arith.extui %ge3A_180 : i1 to i32
        %cond3A_182 = arith.constant 0 : i32
        %cond3A_183 = arith.cmpi ne, %convert_element_type3A_181, %cond3A_182 : i32
        scf.if %cond3A_183 {
          %dma_wait3A_262 = arith.constant 0 : i32
          %dma_wait3A_263 = arith.constant 0 : i32
          %dma_wait3A_264 = tpu.memref_slice %arg19[%dma_wait3A_262, %dma_wait3A_263] : memref<10000x128xf32, #tpu.memory_space<vmem_shared>> -> memref<10000x128xf32, #tpu.memory_space<vmem_shared>>
          tpu.wait_indirect_dma semaphore(%arg27 : memref<!tpu.dma_semaphore, #tpu.memory_space<semaphore_mem>>) src(%arg17 : memref<80x128xf32, #tpu.memory_space<vmem>>) dst(%dma_wait3A_264 : memref<10000x128xf32, #tpu.memory_space<vmem_shared>>)
        } else {
        }
        %dma_wait3A_184 = arith.constant 0 : i32
        %dma_wait3A_185 = tpu.memref_slice %arg4[%dma_wait3A_184] : memref<320000xi32, #tpu.memory_space<hbm>> -> memref<80xi32, #tpu.memory_space<hbm>>
        %dma_wait3A_186 = arith.constant 0 : i32
        %dma_wait3A_187 = tpu.memref_slice %arg4[%dma_wait3A_186] : memref<320000xi32, #tpu.memory_space<hbm>> -> memref<80xi32, #tpu.memory_space<hbm>>
        tpu.wait_dma2 semaphore(%arg24 : memref<!tpu.dma_semaphore, #tpu.memory_space<semaphore_mem>>) src(%dma_wait3A_187 : memref<80xi32, #tpu.memory_space<hbm>>) dst(%arg13 : memref<80xi32, #tpu.memory_space<vmem>>)
        %dma_wait3A_188 = arith.constant 0 : i32
        %dma_wait3A_189 = tpu.memref_slice %arg5[%dma_wait3A_188] : memref<320000xi32, #tpu.memory_space<hbm>> -> memref<80xi32, #tpu.memory_space<hbm>>
        %dma_wait3A_190 = arith.constant 0 : i32
        %dma_wait3A_191 = tpu.memref_slice %arg5[%dma_wait3A_190] : memref<320000xi32, #tpu.memory_space<hbm>> -> memref<80xi32, #tpu.memory_space<hbm>>
        tpu.wait_dma2 semaphore(%arg24 : memref<!tpu.dma_semaphore, #tpu.memory_space<semaphore_mem>>) src(%dma_wait3A_191 : memref<80xi32, #tpu.memory_space<hbm>>) dst(%arg14 : memref<80xi32, #tpu.memory_space<vmem>>)
        %add3A_192 = arith.constant 1 : i32
        %add3A_193 = arith.addi %mul3A_123, %add3A_192 : i32
        %mul3A_194 = arith.constant 80 : i32
        %mul3A_195 = arith.muli %add3A_193, %mul3A_194 : i32
        %add3A_196 = arith.addi %mul3A_16, %mul3A_195 : i32
        %get3A_197 = arith.constant 0 : index
        %get3A_198 = tpu.vector_load %arg13[%get3A_197] {strides = array<i32>} : memref<80xi32, #tpu.memory_space<vmem>>, vector<16xi32>,
        %add3A_199 = vector.broadcast %mul3A_18 : i32 to vector<16xi32>
        %add3A_200 = arith.addi %get3A_198, %add3A_199 : vector<16xi32>
        %swap3A_201 = arith.constant 0 : index
        %swap3A_202 = tpu.vector_load %arg15[%swap3A_201] {strides = array<i32>} : memref<80xi32, #tpu.memory_space<vmem>>, vector<16xi32>,
        tpu.vector_store %arg15[%swap3A_201], %add3A_200 {strides = array<i32>} : memref<80xi32, #tpu.memory_space<vmem>>, vector<16xi32>,
        %get3A_203 = arith.constant 0 : index
        %get3A_204 = tpu.vector_load %arg14[%get3A_203] {strides = array<i32>} : memref<80xi32, #tpu.memory_space<vmem>>, vector<16xi32>,
        %swap3A_205 = arith.constant 0 : index
        %swap3A_206 = tpu.vector_load %arg16[%swap3A_205] {strides = array<i32>} : memref<80xi32, #tpu.memory_space<vmem>>, vector<16xi32>,
        tpu.vector_store %arg16[%swap3A_205], %get3A_204 {strides = array<i32>} : memref<80xi32, #tpu.memory_space<vmem>>, vector<16xi32>,
        %get3A_207 = arith.constant 16 : index
        %get3A_208 = tpu.vector_load %arg13[%get3A_207] {strides = array<i32>} : memref<80xi32, #tpu.memory_space<vmem>>, vector<16xi32>,
        %add3A_209 = vector.broadcast %mul3A_18 : i32 to vector<16xi32>
        %add3A_210 = arith.addi %get3A_208, %add3A_209 : vector<16xi32>
        %swap3A_211 = arith.constant 16 : index
        %swap3A_212 = tpu.vector_load %arg15[%swap3A_211] {strides = array<i32>} : memref<80xi32, #tpu.memory_space<vmem>>, vector<16xi32>,
        tpu.vector_store %arg15[%swap3A_211], %add3A_210 {strides = array<i32>} : memref<80xi32, #tpu.memory_space<vmem>>, vector<16xi32>,
        %get3A_213 = arith.constant 16 : index
        %get3A_214 = tpu.vector_load %arg14[%get3A_213] {strides = array<i32>} : memref<80xi32, #tpu.memory_space<vmem>>, vector<16xi32>,
        %swap3A_215 = arith.constant 16 : index
        %swap3A_216 = tpu.vector_load %arg16[%swap3A_215] {strides = array<i32>} : memref<80xi32, #tpu.memory_space<vmem>>, vector<16xi32>,
        tpu.vector_store %arg16[%swap3A_215], %get3A_214 {strides = array<i32>} : memref<80xi32, #tpu.memory_space<vmem>>, vector<16xi32>,
        %get3A_217 = arith.constant 32 : index
        %get3A_218 = tpu.vector_load %arg13[%get3A_217] {strides = array<i32>} : memref<80xi32, #tpu.memory_space<vmem>>, vector<16xi32>,
        %add3A_219 = vector.broadcast %mul3A_18 : i32 to vector<16xi32>
        %add3A_220 = arith.addi %get3A_218, %add3A_219 : vector<16xi32>
        %swap3A_221 = arith.constant 32 : index
        %swap3A_222 = tpu.vector_load %arg15[%swap3A_221] {strides = array<i32>} : memref<80xi32, #tpu.memory_space<vmem>>, vector<16xi32>,
        tpu.vector_store %arg15[%swap3A_221], %add3A_220 {strides = array<i32>} : memref<80xi32, #tpu.memory_space<vmem>>, vector<16xi32>,
        %get3A_223 = arith.constant 32 : index
        %get3A_224 = tpu.vector_load %arg14[%get3A_223] {strides = array<i32>} : memref<80xi32, #tpu.memory_space<vmem>>, vector<16xi32>,
        %swap3A_225 = arith.constant 32 : index
        %swap3A_226 = tpu.vector_load %arg16[%swap3A_225] {strides = array<i32>} : memref<80xi32, #tpu.memory_space<vmem>>, vector<16xi32>,
        tpu.vector_store %arg16[%swap3A_225], %get3A_224 {strides = array<i32>} : memref<80xi32, #tpu.memory_space<vmem>>, vector<16xi32>,
        %get3A_227 = arith.constant 48 : index
        %get3A_228 = tpu.vector_load %arg13[%get3A_227] {strides = array<i32>} : memref<80xi32, #tpu.memory_space<vmem>>, vector<16xi32>,
        %add3A_229 = vector.broadcast %mul3A_18 : i32 to vector<16xi32>
        %add3A_230 = arith.addi %get3A_228, %add3A_229 : vector<16xi32>
        %swap3A_231 = arith.constant 48 : index
        %swap3A_232 = tpu.vector_load %arg15[%swap3A_231] {strides = array<i32>} : memref<80xi32, #tpu.memory_space<vmem>>, vector<16xi32>,
        tpu.vector_store %arg15[%swap3A_231], %add3A_230 {strides = array<i32>} : memref<80xi32, #tpu.memory_space<vmem>>, vector<16xi32>,
        %get3A_233 = arith.constant 48 : index
        %get3A_234 = tpu.vector_load %arg14[%get3A_233] {strides = array<i32>} : memref<80xi32, #tpu.memory_space<vmem>>, vector<16xi32>,
        %swap3A_235 = arith.constant 48 : index
        %swap3A_236 = tpu.vector_load %arg16[%swap3A_235] {strides = array<i32>} : memref<80xi32, #tpu.memory_space<vmem>>, vector<16xi32>,
        tpu.vector_store %arg16[%swap3A_235], %get3A_234 {strides = array<i32>} : memref<80xi32, #tpu.memory_space<vmem>>, vector<16xi32>,
        %get3A_237 = arith.constant 64 : index
        %get3A_238 = tpu.vector_load %arg13[%get3A_237] {strides = array<i32>} : memref<80xi32, #tpu.memory_space<vmem>>, vector<16xi32>,
        %add3A_239 = vector.broadcast %mul3A_18 : i32 to vector<16xi32>
        %add3A_240 = arith.addi %get3A_238, %add3A_239 : vector<16xi32>
        %swap3A_241 = arith.constant 64 : index
        %swap3A_242 = tpu.vector_load %arg15[%swap3A_241] {strides = array<i32>} : memref<80xi32, #tpu.memory_space<vmem>>, vector<16xi32>,
        tpu.vector_store %arg15[%swap3A_241], %add3A_240 {strides = array<i32>} : memref<80xi32, #tpu.memory_space<vmem>>, vector<16xi32>,
        %get3A_243 = arith.constant 64 : index
        %get3A_244 = tpu.vector_load %arg14[%get3A_243] {strides = array<i32>} : memref<80xi32, #tpu.memory_space<vmem>>, vector<16xi32>,
        %swap3A_245 = arith.constant 64 : index
        %swap3A_246 = tpu.vector_load %arg16[%swap3A_245] {strides = array<i32>} : memref<80xi32, #tpu.memory_space<vmem>>, vector<16xi32>,
        tpu.vector_store %arg16[%swap3A_245], %get3A_244 {strides = array<i32>} : memref<80xi32, #tpu.memory_space<vmem>>, vector<16xi32>,
        %dma_start3A_247 = arith.constant 0 : i32
        %dma_start3A_248 = arith.constant 0 : i32
        %dma_start3A_249 = tpu.memref_slice %arg2[%dma_start3A_247, %dma_start3A_248] : memref<20000x128xf32, #tpu.memory_space<hbm>> -> memref<20000x128xf32, #tpu.memory_space<hbm>>
        tpu.enqueue_indirect_dma source(%dma_start3A_249 : memref<20000x128xf32, #tpu.memory_space<hbm>>) target(%arg17 : memref<80x128xf32, #tpu.memory_space<vmem>>) offsets(%arg15 : memref<80xi32, #tpu.memory_space<vmem>>) semaphore(%arg25 : memref<!tpu.dma_semaphore, #tpu.memory_space<semaphore_mem>>)
        %add3A_250 = arith.addi %mul3A_20, %add3A_196 : i32
        %dma_start3A_251 = arith.constant 0 : i32
        %dma_start3A_252 = tpu.memref_slice %arg3[%add3A_250, %dma_start3A_251] : memref<640000x64xi32, #tpu.memory_space<hbm>> -> memref<80x64xi32, #tpu.memory_space<hbm>>
        %dma_start3A_253 = arith.constant 0 : i32
        %dma_start3A_254 = tpu.memref_slice %arg3[%add3A_250, %dma_start3A_253] : memref<640000x64xi32, #tpu.memory_space<hbm>> -> memref<80x64xi32, #tpu.memory_space<hbm>>
        tpu.enqueue_dma source(%dma_start3A_254 : memref<80x64xi32, #tpu.memory_space<hbm>>) target(%arg18 : memref<80x64xi32, #tpu.memory_space<vmem>>) target_semaphore(%arg26 : memref<!tpu.dma_semaphore, #tpu.memory_space<semaphore_mem>>)
        %add3A_255 = arith.constant 2 : i32
        %add3A_256 = arith.addi %mul3A_123, %add3A_255 : i32
        %lt3A_257 = arith.constant 250 : i32
        %lt3A_258 = arith.cmpi slt, %add3A_256, %lt3A_257 : i32
        %convert_element_type3A_259 = arith.extui %lt3A_258 : i1 to i32
        %cond3A_260 = arith.constant 0 : i32
        %cond3A_261 = arith.cmpi ne, %convert_element_type3A_259, %cond3A_260 : i32
        scf.if %cond3A_261 {
          %add3A_262 = arith.constant 2 : i32
          %add3A_263 = arith.addi %mul3A_123, %add3A_262 : i32
          %mul3A_264 = arith.constant 80 : i32
          %mul3A_265 = arith.muli %add3A_263, %mul3A_264 : i32
          %add3A_266 = arith.addi %mul3A_16, %mul3A_265 : i32
          %dma_start3A_267 = tpu.memref_slice %arg4[%add3A_266] : memref<320000xi32, #tpu.memory_space<hbm>> -> memref<80xi32, #tpu.memory_space<hbm>>
          %dma_start3A_268 = tpu.memref_slice %arg4[%add3A_266] : memref<320000xi32, #tpu.memory_space<hbm>> -> memref<80xi32, #tpu.memory_space<hbm>>
          tpu.enqueue_dma source(%dma_start3A_268 : memref<80xi32, #tpu.memory_space<hbm>>) target(%arg7 : memref<80xi32, #tpu.memory_space<vmem>>) target_semaphore(%arg20 : memref<!tpu.dma_semaphore, #tpu.memory_space<semaphore_mem>>)
          %dma_start3A_269 = tpu.memref_slice %arg5[%add3A_266] : memref<320000xi32, #tpu.memory_space<hbm>> -> memref<80xi32, #tpu.memory_space<hbm>>
          %dma_start3A_270 = tpu.memref_slice %arg5[%add3A_266] : memref<320000xi32, #tpu.memory_space<hbm>> -> memref<80xi32, #tpu.memory_space<hbm>>
          tpu.enqueue_dma source(%dma_start3A_270 : memref<80xi32, #tpu.memory_space<hbm>>) target(%arg8 : memref<80xi32, #tpu.memory_space<vmem>>) target_semaphore(%arg20 : memref<!tpu.dma_semaphore, #tpu.memory_space<semaphore_mem>>)
        } else {
        }
      } else {
      }
      %dma_wait3A_130 = arith.constant 0 : i32
      %dma_wait3A_131 = arith.constant 0 : i32
      %dma_wait3A_132 = tpu.memref_slice %arg2[%dma_wait3A_130, %dma_wait3A_131] : memref<20000x128xf32, #tpu.memory_space<hbm>> -> memref<20000x128xf32, #tpu.memory_space<hbm>>
      tpu.wait_indirect_dma semaphore(%arg21 : memref<!tpu.dma_semaphore, #tpu.memory_space<semaphore_mem>>) src(%dma_wait3A_132 : memref<20000x128xf32, #tpu.memory_space<hbm>>) dst(%arg11 : memref<80x128xf32, #tpu.memory_space<vmem>>)
      %dma_wait3A_133 = arith.constant 0 : i32
      %dma_wait3A_134 = arith.constant 0 : i32
      %dma_wait3A_135 = tpu.memref_slice %arg3[%dma_wait3A_133, %dma_wait3A_134] : memref<640000x64xi32, #tpu.memory_space<hbm>> -> memref<80x64xi32, #tpu.memory_space<hbm>>
      %dma_wait3A_136 = arith.constant 0 : i32
      %dma_wait3A_137 = arith.constant 0 : i32
      %dma_wait3A_138 = tpu.memref_slice %arg3[%dma_wait3A_136, %dma_wait3A_137] : memref<640000x64xi32, #tpu.memory_space<hbm>> -> memref<80x64xi32, #tpu.memory_space<hbm>>
      tpu.wait_dma2 semaphore(%arg22 : memref<!tpu.dma_semaphore, #tpu.memory_space<semaphore_mem>>) src(%dma_wait3A_138 : memref<80x64xi32, #tpu.memory_space<hbm>>) dst(%arg12 : memref<80x64xi32, #tpu.memory_space<vmem>>)
      %scan3A_139 = arith.constant 0 : i32
      %scan3A_140 = arith.constant 0 : i32
      %scan3A_141 = arith.constant 80 : i32
      %scan3A_142 = arith.addi %scan3A_140, %scan3A_141 : i32
      %scan3A_143 = arith.constant 1 : i32
      %scan3A_144 = scf.for %scan3A_180 = %scan3A_140 to %scan3A_142 step %scan3A_143 iter_args(%scan3A_181 = %scan3A_139) -> (i32)  : i32 {
        %get3A_182 = arith.index_cast %scan3A_180 : i32 to index
        %get3A_183 = arith.constant 0 : index
        %get3A_184 = tpu.vector_load %arg12[%get3A_182, %get3A_183] {strides = array<i32>} : memref<80x64xi32, #tpu.memory_space<vmem>>, vector<16xi32>,
        %shift_left3A = arith.constant 16 : i32
        %shift_left3A_185 = vector.broadcast %shift_left3A : i32 to vector<16xi32>
        %shift_left3A_186 = arith.shli %get3A_184, %shift_left3A_185 : vector<16xi32>
        %bitcast3A = vector.bitcast %shift_left3A_186 : vector<16xi32> to vector<16xf32>
        %and3A = arith.constant -65536 : i32
        %and3A_187 = vector.broadcast %and3A : i32 to vector<16xi32>
        %and3A_188 = arith.andi %get3A_184, %and3A_187 : vector<16xi32>
        %bitcast3A_189 = vector.bitcast %and3A_188 : vector<16xi32> to vector<16xf32>
        %get3A_190 = arith.index_cast %scan3A_180 : i32 to index
        %get3A_191 = arith.constant 0 : index
        %get3A_192 = tpu.vector_load %arg11[%get3A_190, %get3A_191] {strides = array<i32>} : memref<80x128xf32, #tpu.memory_space<vmem>>, vector<16xf32>,
        %add3A_193 = arith.addf %get3A_192, %bitcast3A : vector<16xf32>
        %max3A = arith.constant 0.000000e+00 : f32
        %max3A_194 = vector.broadcast %max3A : f32 to vector<16xf32>
        %max3A_195 = arith.maximumf %add3A_193, %max3A_194 : vector<16xf32>
        %swap3A_196 = arith.index_cast %scan3A_180 : i32 to index
        %swap3A_197 = arith.constant 0 : index
        %swap3A_198 = tpu.vector_load %arg11[%swap3A_196, %swap3A_197] {strides = array<i32>} : memref<80x128xf32, #tpu.memory_space<vmem>>, vector<16xf32>,
        tpu.vector_store %arg11[%swap3A_196, %swap3A_197], %max3A_195 {strides = array<i32>} : memref<80x128xf32, #tpu.memory_space<vmem>>, vector<16xf32>,
        %get3A_199 = arith.index_cast %scan3A_180 : i32 to index
        %get3A_200 = arith.constant 16 : index
        %get3A_201 = tpu.vector_load %arg11[%get3A_199, %get3A_200] {strides = array<i32>} : memref<80x128xf32, #tpu.memory_space<vmem>>, vector<16xf32>,
        %add3A_202 = arith.addf %get3A_201, %bitcast3A_189 : vector<16xf32>
        %max3A_203 = arith.constant 0.000000e+00 : f32
        %max3A_204 = vector.broadcast %max3A_203 : f32 to vector<16xf32>
        %max3A_205 = arith.maximumf %add3A_202, %max3A_204 : vector<16xf32>
        %swap3A_206 = arith.index_cast %scan3A_180 : i32 to index
        %swap3A_207 = arith.constant 16 : index
        %swap3A_208 = tpu.vector_load %arg11[%swap3A_206, %swap3A_207] {strides = array<i32>} : memref<80x128xf32, #tpu.memory_space<vmem>>, vector<16xf32>,
        tpu.vector_store %arg11[%swap3A_206, %swap3A_207], %max3A_205 {strides = array<i32>} : memref<80x128xf32, #tpu.memory_space<vmem>>, vector<16xf32>,
        %get3A_209 = arith.index_cast %scan3A_180 : i32 to index
        %get3A_210 = arith.constant 16 : index
        %get3A_211 = tpu.vector_load %arg12[%get3A_209, %get3A_210] {strides = array<i32>} : memref<80x64xi32, #tpu.memory_space<vmem>>, vector<16xi32>,
        %shift_left3A_212 = arith.constant 16 : i32
        %shift_left3A_213 = vector.broadcast %shift_left3A_212 : i32 to vector<16xi32>
        %shift_left3A_214 = arith.shli %get3A_211, %shift_left3A_213 : vector<16xi32>
        %bitcast3A_215 = vector.bitcast %shift_left3A_214 : vector<16xi32> to vector<16xf32>
        %and3A_216 = arith.constant -65536 : i32
        %and3A_217 = vector.broadcast %and3A_216 : i32 to vector<16xi32>
        %and3A_218 = arith.andi %get3A_211, %and3A_217 : vector<16xi32>
        %bitcast3A_219 = vector.bitcast %and3A_218 : vector<16xi32> to vector<16xf32>
        %get3A_220 = arith.index_cast %scan3A_180 : i32 to index
        %get3A_221 = arith.constant 32 : index
        %get3A_222 = tpu.vector_load %arg11[%get3A_220, %get3A_221] {strides = array<i32>} : memref<80x128xf32, #tpu.memory_space<vmem>>, vector<16xf32>,
        %add3A_223 = arith.addf %get3A_222, %bitcast3A_215 : vector<16xf32>
        %max3A_224 = arith.constant 0.000000e+00 : f32
        %max3A_225 = vector.broadcast %max3A_224 : f32 to vector<16xf32>
        %max3A_226 = arith.maximumf %add3A_223, %max3A_225 : vector<16xf32>
        %swap3A_227 = arith.index_cast %scan3A_180 : i32 to index
        %swap3A_228 = arith.constant 32 : index
        %swap3A_229 = tpu.vector_load %arg11[%swap3A_227, %swap3A_228] {strides = array<i32>} : memref<80x128xf32, #tpu.memory_space<vmem>>, vector<16xf32>,
        tpu.vector_store %arg11[%swap3A_227, %swap3A_228], %max3A_226 {strides = array<i32>} : memref<80x128xf32, #tpu.memory_space<vmem>>, vector<16xf32>,
        %get3A_230 = arith.index_cast %scan3A_180 : i32 to index
        %get3A_231 = arith.constant 48 : index
        %get3A_232 = tpu.vector_load %arg11[%get3A_230, %get3A_231] {strides = array<i32>} : memref<80x128xf32, #tpu.memory_space<vmem>>, vector<16xf32>,
        %add3A_233 = arith.addf %get3A_232, %bitcast3A_219 : vector<16xf32>
        %max3A_234 = arith.constant 0.000000e+00 : f32
        %max3A_235 = vector.broadcast %max3A_234 : f32 to vector<16xf32>
        %max3A_236 = arith.maximumf %add3A_233, %max3A_235 : vector<16xf32>
        %swap3A_237 = arith.index_cast %scan3A_180 : i32 to index
        %swap3A_238 = arith.constant 48 : index
        %swap3A_239 = tpu.vector_load %arg11[%swap3A_237, %swap3A_238] {strides = array<i32>} : memref<80x128xf32, #tpu.memory_space<vmem>>, vector<16xf32>,
        tpu.vector_store %arg11[%swap3A_237, %swap3A_238], %max3A_236 {strides = array<i32>} : memref<80x128xf32, #tpu.memory_space<vmem>>, vector<16xf32>,
        %get3A_240 = arith.index_cast %scan3A_180 : i32 to index
        %get3A_241 = arith.constant 32 : index
        %get3A_242 = tpu.vector_load %arg12[%get3A_240, %get3A_241] {strides = array<i32>} : memref<80x64xi32, #tpu.memory_space<vmem>>, vector<16xi32>,
        %shift_left3A_243 = arith.constant 16 : i32
        %shift_left3A_244 = vector.broadcast %shift_left3A_243 : i32 to vector<16xi32>
        %shift_left3A_245 = arith.shli %get3A_242, %shift_left3A_244 : vector<16xi32>
        %bitcast3A_246 = vector.bitcast %shift_left3A_245 : vector<16xi32> to vector<16xf32>
        %and3A_247 = arith.constant -65536 : i32
        %and3A_248 = vector.broadcast %and3A_247 : i32 to vector<16xi32>
        %and3A_249 = arith.andi %get3A_242, %and3A_248 : vector<16xi32>
        %bitcast3A_250 = vector.bitcast %and3A_249 : vector<16xi32> to vector<16xf32>
        %get3A_251 = arith.index_cast %scan3A_180 : i32 to index
        %get3A_252 = arith.constant 64 : index
        %get3A_253 = tpu.vector_load %arg11[%get3A_251, %get3A_252] {strides = array<i32>} : memref<80x128xf32, #tpu.memory_space<vmem>>, vector<16xf32>,
        %add3A_254 = arith.addf %get3A_253, %bitcast3A_246 : vector<16xf32>
        %max3A_255 = arith.constant 0.000000e+00 : f32
        %max3A_256 = vector.broadcast %max3A_255 : f32 to vector<16xf32>
        %max3A_257 = arith.maximumf %add3A_254, %max3A_256 : vector<16xf32>
        %swap3A_258 = arith.index_cast %scan3A_180 : i32 to index
        %swap3A_259 = arith.constant 64 : index
        %swap3A_260 = tpu.vector_load %arg11[%swap3A_258, %swap3A_259] {strides = array<i32>} : memref<80x128xf32, #tpu.memory_space<vmem>>, vector<16xf32>,
        tpu.vector_store %arg11[%swap3A_258, %swap3A_259], %max3A_257 {strides = array<i32>} : memref<80x128xf32, #tpu.memory_space<vmem>>, vector<16xf32>,
        %get3A_261 = arith.index_cast %scan3A_180 : i32 to index
        %get3A_262 = arith.constant 80 : index
        %get3A_263 = tpu.vector_load %arg11[%get3A_261, %get3A_262] {strides = array<i32>} : memref<80x128xf32, #tpu.memory_space<vmem>>, vector<16xf32>,
        %add3A_264 = arith.addf %get3A_263, %bitcast3A_250 : vector<16xf32>
        %max3A_265 = arith.constant 0.000000e+00 : f32
        %max3A_266 = vector.broadcast %max3A_265 : f32 to vector<16xf32>
        %max3A_267 = arith.maximumf %add3A_264, %max3A_266 : vector<16xf32>
        %swap3A_268 = arith.index_cast %scan3A_180 : i32 to index
        %swap3A_269 = arith.constant 80 : index
        %swap3A_270 = tpu.vector_load %arg11[%swap3A_268, %swap3A_269] {strides = array<i32>} : memref<80x128xf32, #tpu.memory_space<vmem>>, vector<16xf32>,
        tpu.vector_store %arg11[%swap3A_268, %swap3A_269], %max3A_267 {strides = array<i32>} : memref<80x128xf32, #tpu.memory_space<vmem>>, vector<16xf32>,
        %get3A_271 = arith.index_cast %scan3A_180 : i32 to index
        %get3A_272 = arith.constant 48 : index
        %get3A_273 = tpu.vector_load %arg12[%get3A_271, %get3A_272] {strides = array<i32>} : memref<80x64xi32, #tpu.memory_space<vmem>>, vector<16xi32>,
        %shift_left3A_274 = arith.constant 16 : i32
        %shift_left3A_275 = vector.broadcast %shift_left3A_274 : i32 to vector<16xi32>
        %shift_left3A_276 = arith.shli %get3A_273, %shift_left3A_275 : vector<16xi32>
        %bitcast3A_277 = vector.bitcast %shift_left3A_276 : vector<16xi32> to vector<16xf32>
        %and3A_278 = arith.constant -65536 : i32
        %and3A_279 = vector.broadcast %and3A_278 : i32 to vector<16xi32>
        %and3A_280 = arith.andi %get3A_273, %and3A_279 : vector<16xi32>
        %bitcast3A_281 = vector.bitcast %and3A_280 : vector<16xi32> to vector<16xf32>
        %get3A_282 = arith.index_cast %scan3A_180 : i32 to index
        %get3A_283 = arith.constant 96 : index
        %get3A_284 = tpu.vector_load %arg11[%get3A_282, %get3A_283] {strides = array<i32>} : memref<80x128xf32, #tpu.memory_space<vmem>>, vector<16xf32>,
        %add3A_285 = arith.addf %get3A_284, %bitcast3A_277 : vector<16xf32>
        %max3A_286 = arith.constant 0.000000e+00 : f32
        %max3A_287 = vector.broadcast %max3A_286 : f32 to vector<16xf32>
        %max3A_288 = arith.maximumf %add3A_285, %max3A_287 : vector<16xf32>
        %swap3A_289 = arith.index_cast %scan3A_180 : i32 to index
        %swap3A_290 = arith.constant 96 : index
        %swap3A_291 = tpu.vector_load %arg11[%swap3A_289, %swap3A_290] {strides = array<i32>} : memref<80x128xf32, #tpu.memory_space<vmem>>, vector<16xf32>,
        tpu.vector_store %arg11[%swap3A_289, %swap3A_290], %max3A_288 {strides = array<i32>} : memref<80x128xf32, #tpu.memory_space<vmem>>, vector<16xf32>,
        %get3A_292 = arith.index_cast %scan3A_180 : i32 to index
        %get3A_293 = arith.constant 112 : index
        %get3A_294 = tpu.vector_load %arg11[%get3A_292, %get3A_293] {strides = array<i32>} : memref<80x128xf32, #tpu.memory_space<vmem>>, vector<16xf32>,
        %add3A_295 = arith.addf %get3A_294, %bitcast3A_281 : vector<16xf32>
        %max3A_296 = arith.constant 0.000000e+00 : f32
        %max3A_297 = vector.broadcast %max3A_296 : f32 to vector<16xf32>
        %max3A_298 = arith.maximumf %add3A_295, %max3A_297 : vector<16xf32>
        %swap3A_299 = arith.index_cast %scan3A_180 : i32 to index
        %swap3A_300 = arith.constant 112 : index
        %swap3A_301 = tpu.vector_load %arg11[%swap3A_299, %swap3A_300] {strides = array<i32>} : memref<80x128xf32, #tpu.memory_space<vmem>>, vector<16xf32>,
        tpu.vector_store %arg11[%swap3A_299, %swap3A_300], %max3A_298 {strides = array<i32>} : memref<80x128xf32, #tpu.memory_space<vmem>>, vector<16xf32>,
        %scan3A_302 = arith.constant 0 : i32
        scf.yield %scan3A_302 : i32
      }
      %scan3A_145 = arith.constant 80 : i32
      %dma_start3A_146 = arith.constant 0 : i32
      %dma_start3A_147 = arith.constant 0 : i32
      %dma_start3A_148 = tpu.memref_slice %arg19[%dma_start3A_146, %dma_start3A_147] : memref<10000x128xf32, #tpu.memory_space<vmem_shared>> -> memref<10000x128xf32, #tpu.memory_space<vmem_shared>>
      tpu.enqueue_indirect_dma source(%arg11 : memref<80x128xf32, #tpu.memory_space<vmem>>) target(%dma_start3A_148 : memref<10000x128xf32, #tpu.memory_space<vmem_shared>>) offsets(%arg10 : memref<80xi32, #tpu.memory_space<vmem>>) semaphore(%arg23 : memref<!tpu.dma_semaphore, #tpu.memory_space<semaphore_mem>>) {add = true}
      %mul3A_149 = arith.constant 2 : i32
      %mul3A_150 = arith.muli %scan3A_120, %mul3A_149 : i32
      %add3A_151 = arith.constant 1 : i32
      %add3A_152 = arith.addi %mul3A_150, %add3A_151 : i32
      %add3A_153 = arith.constant 1 : i32
      %add3A_154 = arith.addi %add3A_152, %add3A_153 : i32
      %lt3A_155 = arith.constant 250 : i32
      %lt3A_156 = arith.cmpi slt, %add3A_154, %lt3A_155 : i32
      %convert_element_type3A_157 = arith.extui %lt3A_156 : i1 to i32
      %cond3A_158 = arith.constant 0 : i32
      %cond3A_159 = arith.cmpi ne, %convert_element_type3A_157, %cond3A_158 : i32
      scf.if %cond3A_159 {
        %ge3A = arith.constant 1 : i32
        %ge3A_180 = arith.cmpi sge, %add3A_152, %ge3A : i32
        %convert_element_type3A_181 = arith.extui %ge3A_180 : i1 to i32
        %cond3A_182 = arith.constant 0 : i32
        %cond3A_183 = arith.cmpi ne, %convert_element_type3A_181, %cond3A_182 : i32
        scf.if %cond3A_183 {
          %dma_wait3A_262 = arith.constant 0 : i32
          %dma_wait3A_263 = arith.constant 0 : i32
          %dma_wait3A_264 = tpu.memref_slice %arg19[%dma_wait3A_262, %dma_wait3A_263] : memref<10000x128xf32, #tpu.memory_space<vmem_shared>> -> memref<10000x128xf32, #tpu.memory_space<vmem_shared>>
          tpu.wait_indirect_dma semaphore(%arg23 : memref<!tpu.dma_semaphore, #tpu.memory_space<semaphore_mem>>) src(%arg11 : memref<80x128xf32, #tpu.memory_space<vmem>>) dst(%dma_wait3A_264 : memref<10000x128xf32, #tpu.memory_space<vmem_shared>>)
        } else {
        }
        %dma_wait3A_184 = arith.constant 0 : i32
        %dma_wait3A_185 = tpu.memref_slice %arg4[%dma_wait3A_184] : memref<320000xi32, #tpu.memory_space<hbm>> -> memref<80xi32, #tpu.memory_space<hbm>>
        %dma_wait3A_186 = arith.constant 0 : i32
        %dma_wait3A_187 = tpu.memref_slice %arg4[%dma_wait3A_186] : memref<320000xi32, #tpu.memory_space<hbm>> -> memref<80xi32, #tpu.memory_space<hbm>>
        tpu.wait_dma2 semaphore(%arg20 : memref<!tpu.dma_semaphore, #tpu.memory_space<semaphore_mem>>) src(%dma_wait3A_187 : memref<80xi32, #tpu.memory_space<hbm>>) dst(%arg7 : memref<80xi32, #tpu.memory_space<vmem>>)
        %dma_wait3A_188 = arith.constant 0 : i32
        %dma_wait3A_189 = tpu.memref_slice %arg5[%dma_wait3A_188] : memref<320000xi32, #tpu.memory_space<hbm>> -> memref<80xi32, #tpu.memory_space<hbm>>
        %dma_wait3A_190 = arith.constant 0 : i32
        %dma_wait3A_191 = tpu.memref_slice %arg5[%dma_wait3A_190] : memref<320000xi32, #tpu.memory_space<hbm>> -> memref<80xi32, #tpu.memory_space<hbm>>
        tpu.wait_dma2 semaphore(%arg20 : memref<!tpu.dma_semaphore, #tpu.memory_space<semaphore_mem>>) src(%dma_wait3A_191 : memref<80xi32, #tpu.memory_space<hbm>>) dst(%arg8 : memref<80xi32, #tpu.memory_space<vmem>>)
        %add3A_192 = arith.constant 1 : i32
        %add3A_193 = arith.addi %add3A_152, %add3A_192 : i32
        %mul3A_194 = arith.constant 80 : i32
        %mul3A_195 = arith.muli %add3A_193, %mul3A_194 : i32
        %add3A_196 = arith.addi %mul3A_16, %mul3A_195 : i32
        %get3A_197 = arith.constant 0 : index
        %get3A_198 = tpu.vector_load %arg7[%get3A_197] {strides = array<i32>} : memref<80xi32, #tpu.memory_space<vmem>>, vector<16xi32>,
        %add3A_199 = vector.broadcast %mul3A_18 : i32 to vector<16xi32>
        %add3A_200 = arith.addi %get3A_198, %add3A_199 : vector<16xi32>
        %swap3A_201 = arith.constant 0 : index
        %swap3A_202 = tpu.vector_load %arg9[%swap3A_201] {strides = array<i32>} : memref<80xi32, #tpu.memory_space<vmem>>, vector<16xi32>,
        tpu.vector_store %arg9[%swap3A_201], %add3A_200 {strides = array<i32>} : memref<80xi32, #tpu.memory_space<vmem>>, vector<16xi32>,
        %get3A_203 = arith.constant 0 : index
        %get3A_204 = tpu.vector_load %arg8[%get3A_203] {strides = array<i32>} : memref<80xi32, #tpu.memory_space<vmem>>, vector<16xi32>,
        %swap3A_205 = arith.constant 0 : index
        %swap3A_206 = tpu.vector_load %arg10[%swap3A_205] {strides = array<i32>} : memref<80xi32, #tpu.memory_space<vmem>>, vector<16xi32>,
        tpu.vector_store %arg10[%swap3A_205], %get3A_204 {strides = array<i32>} : memref<80xi32, #tpu.memory_space<vmem>>, vector<16xi32>,
        %get3A_207 = arith.constant 16 : index
        %get3A_208 = tpu.vector_load %arg7[%get3A_207] {strides = array<i32>} : memref<80xi32, #tpu.memory_space<vmem>>, vector<16xi32>,
        %add3A_209 = vector.broadcast %mul3A_18 : i32 to vector<16xi32>
        %add3A_210 = arith.addi %get3A_208, %add3A_209 : vector<16xi32>
        %swap3A_211 = arith.constant 16 : index
        %swap3A_212 = tpu.vector_load %arg9[%swap3A_211] {strides = array<i32>} : memref<80xi32, #tpu.memory_space<vmem>>, vector<16xi32>,
        tpu.vector_store %arg9[%swap3A_211], %add3A_210 {strides = array<i32>} : memref<80xi32, #tpu.memory_space<vmem>>, vector<16xi32>,
        %get3A_213 = arith.constant 16 : index
        %get3A_214 = tpu.vector_load %arg8[%get3A_213] {strides = array<i32>} : memref<80xi32, #tpu.memory_space<vmem>>, vector<16xi32>,
        %swap3A_215 = arith.constant 16 : index
        %swap3A_216 = tpu.vector_load %arg10[%swap3A_215] {strides = array<i32>} : memref<80xi32, #tpu.memory_space<vmem>>, vector<16xi32>,
        tpu.vector_store %arg10[%swap3A_215], %get3A_214 {strides = array<i32>} : memref<80xi32, #tpu.memory_space<vmem>>, vector<16xi32>,
        %get3A_217 = arith.constant 32 : index
        %get3A_218 = tpu.vector_load %arg7[%get3A_217] {strides = array<i32>} : memref<80xi32, #tpu.memory_space<vmem>>, vector<16xi32>,
        %add3A_219 = vector.broadcast %mul3A_18 : i32 to vector<16xi32>
        %add3A_220 = arith.addi %get3A_218, %add3A_219 : vector<16xi32>
        %swap3A_221 = arith.constant 32 : index
        %swap3A_222 = tpu.vector_load %arg9[%swap3A_221] {strides = array<i32>} : memref<80xi32, #tpu.memory_space<vmem>>, vector<16xi32>,
        tpu.vector_store %arg9[%swap3A_221], %add3A_220 {strides = array<i32>} : memref<80xi32, #tpu.memory_space<vmem>>, vector<16xi32>,
        %get3A_223 = arith.constant 32 : index
        %get3A_224 = tpu.vector_load %arg8[%get3A_223] {strides = array<i32>} : memref<80xi32, #tpu.memory_space<vmem>>, vector<16xi32>,
        %swap3A_225 = arith.constant 32 : index
        %swap3A_226 = tpu.vector_load %arg10[%swap3A_225] {strides = array<i32>} : memref<80xi32, #tpu.memory_space<vmem>>, vector<16xi32>,
        tpu.vector_store %arg10[%swap3A_225], %get3A_224 {strides = array<i32>} : memref<80xi32, #tpu.memory_space<vmem>>, vector<16xi32>,
        %get3A_227 = arith.constant 48 : index
        %get3A_228 = tpu.vector_load %arg7[%get3A_227] {strides = array<i32>} : memref<80xi32, #tpu.memory_space<vmem>>, vector<16xi32>,
        %add3A_229 = vector.broadcast %mul3A_18 : i32 to vector<16xi32>
        %add3A_230 = arith.addi %get3A_228, %add3A_229 : vector<16xi32>
        %swap3A_231 = arith.constant 48 : index
        %swap3A_232 = tpu.vector_load %arg9[%swap3A_231] {strides = array<i32>} : memref<80xi32, #tpu.memory_space<vmem>>, vector<16xi32>,
        tpu.vector_store %arg9[%swap3A_231], %add3A_230 {strides = array<i32>} : memref<80xi32, #tpu.memory_space<vmem>>, vector<16xi32>,
        %get3A_233 = arith.constant 48 : index
        %get3A_234 = tpu.vector_load %arg8[%get3A_233] {strides = array<i32>} : memref<80xi32, #tpu.memory_space<vmem>>, vector<16xi32>,
        %swap3A_235 = arith.constant 48 : index
        %swap3A_236 = tpu.vector_load %arg10[%swap3A_235] {strides = array<i32>} : memref<80xi32, #tpu.memory_space<vmem>>, vector<16xi32>,
        tpu.vector_store %arg10[%swap3A_235], %get3A_234 {strides = array<i32>} : memref<80xi32, #tpu.memory_space<vmem>>, vector<16xi32>,
        %get3A_237 = arith.constant 64 : index
        %get3A_238 = tpu.vector_load %arg7[%get3A_237] {strides = array<i32>} : memref<80xi32, #tpu.memory_space<vmem>>, vector<16xi32>,
        %add3A_239 = vector.broadcast %mul3A_18 : i32 to vector<16xi32>
        %add3A_240 = arith.addi %get3A_238, %add3A_239 : vector<16xi32>
        %swap3A_241 = arith.constant 64 : index
        %swap3A_242 = tpu.vector_load %arg9[%swap3A_241] {strides = array<i32>} : memref<80xi32, #tpu.memory_space<vmem>>, vector<16xi32>,
        tpu.vector_store %arg9[%swap3A_241], %add3A_240 {strides = array<i32>} : memref<80xi32, #tpu.memory_space<vmem>>, vector<16xi32>,
        %get3A_243 = arith.constant 64 : index
        %get3A_244 = tpu.vector_load %arg8[%get3A_243] {strides = array<i32>} : memref<80xi32, #tpu.memory_space<vmem>>, vector<16xi32>,
        %swap3A_245 = arith.constant 64 : index
        %swap3A_246 = tpu.vector_load %arg10[%swap3A_245] {strides = array<i32>} : memref<80xi32, #tpu.memory_space<vmem>>, vector<16xi32>,
        tpu.vector_store %arg10[%swap3A_245], %get3A_244 {strides = array<i32>} : memref<80xi32, #tpu.memory_space<vmem>>, vector<16xi32>,
        %dma_start3A_247 = arith.constant 0 : i32
        %dma_start3A_248 = arith.constant 0 : i32
        %dma_start3A_249 = tpu.memref_slice %arg2[%dma_start3A_247, %dma_start3A_248] : memref<20000x128xf32, #tpu.memory_space<hbm>> -> memref<20000x128xf32, #tpu.memory_space<hbm>>
        tpu.enqueue_indirect_dma source(%dma_start3A_249 : memref<20000x128xf32, #tpu.memory_space<hbm>>) target(%arg11 : memref<80x128xf32, #tpu.memory_space<vmem>>) offsets(%arg9 : memref<80xi32, #tpu.memory_space<vmem>>) semaphore(%arg21 : memref<!tpu.dma_semaphore, #tpu.memory_space<semaphore_mem>>)
        %add3A_250 = arith.addi %mul3A_20, %add3A_196 : i32
        %dma_start3A_251 = arith.constant 0 : i32
        %dma_start3A_252 = tpu.memref_slice %arg3[%add3A_250, %dma_start3A_251] : memref<640000x64xi32, #tpu.memory_space<hbm>> -> memref<80x64xi32, #tpu.memory_space<hbm>>
        %dma_start3A_253 = arith.constant 0 : i32
        %dma_start3A_254 = tpu.memref_slice %arg3[%add3A_250, %dma_start3A_253] : memref<640000x64xi32, #tpu.memory_space<hbm>> -> memref<80x64xi32, #tpu.memory_space<hbm>>
        tpu.enqueue_dma source(%dma_start3A_254 : memref<80x64xi32, #tpu.memory_space<hbm>>) target(%arg12 : memref<80x64xi32, #tpu.memory_space<vmem>>) target_semaphore(%arg22 : memref<!tpu.dma_semaphore, #tpu.memory_space<semaphore_mem>>)
        %add3A_255 = arith.constant 2 : i32
        %add3A_256 = arith.addi %add3A_152, %add3A_255 : i32
        %lt3A_257 = arith.constant 250 : i32
        %lt3A_258 = arith.cmpi slt, %add3A_256, %lt3A_257 : i32
        %convert_element_type3A_259 = arith.extui %lt3A_258 : i1 to i32
        %cond3A_260 = arith.constant 0 : i32
        %cond3A_261 = arith.cmpi ne, %convert_element_type3A_259, %cond3A_260 : i32
        scf.if %cond3A_261 {
          %add3A_262 = arith.constant 2 : i32
          %add3A_263 = arith.addi %add3A_152, %add3A_262 : i32
          %mul3A_264 = arith.constant 80 : i32
          %mul3A_265 = arith.muli %add3A_263, %mul3A_264 : i32
          %add3A_266 = arith.addi %mul3A_16, %mul3A_265 : i32
          %dma_start3A_267 = tpu.memref_slice %arg4[%add3A_266] : memref<320000xi32, #tpu.memory_space<hbm>> -> memref<80xi32, #tpu.memory_space<hbm>>
          %dma_start3A_268 = tpu.memref_slice %arg4[%add3A_266] : memref<320000xi32, #tpu.memory_space<hbm>> -> memref<80xi32, #tpu.memory_space<hbm>>
          tpu.enqueue_dma source(%dma_start3A_268 : memref<80xi32, #tpu.memory_space<hbm>>) target(%arg13 : memref<80xi32, #tpu.memory_space<vmem>>) target_semaphore(%arg24 : memref<!tpu.dma_semaphore, #tpu.memory_space<semaphore_mem>>)
          %dma_start3A_269 = tpu.memref_slice %arg5[%add3A_266] : memref<320000xi32, #tpu.memory_space<hbm>> -> memref<80xi32, #tpu.memory_space<hbm>>
          %dma_start3A_270 = tpu.memref_slice %arg5[%add3A_266] : memref<320000xi32, #tpu.memory_space<hbm>> -> memref<80xi32, #tpu.memory_space<hbm>>
          tpu.enqueue_dma source(%dma_start3A_270 : memref<80xi32, #tpu.memory_space<hbm>>) target(%arg14 : memref<80xi32, #tpu.memory_space<vmem>>) target_semaphore(%arg24 : memref<!tpu.dma_semaphore, #tpu.memory_space<semaphore_mem>>)
        } else {
        }
      } else {
      }
      %dma_wait3A_160 = arith.constant 0 : i32
      %dma_wait3A_161 = arith.constant 0 : i32
      %dma_wait3A_162 = tpu.memref_slice %arg2[%dma_wait3A_160, %dma_wait3A_161] : memref<20000x128xf32, #tpu.memory_space<hbm>> -> memref<20000x128xf32, #tpu.memory_space<hbm>>
      tpu.wait_indirect_dma semaphore(%arg25 : memref<!tpu.dma_semaphore, #tpu.memory_space<semaphore_mem>>) src(%dma_wait3A_162 : memref<20000x128xf32, #tpu.memory_space<hbm>>) dst(%arg17 : memref<80x128xf32, #tpu.memory_space<vmem>>)
      %dma_wait3A_163 = arith.constant 0 : i32
      %dma_wait3A_164 = arith.constant 0 : i32
      %dma_wait3A_165 = tpu.memref_slice %arg3[%dma_wait3A_163, %dma_wait3A_164] : memref<640000x64xi32, #tpu.memory_space<hbm>> -> memref<80x64xi32, #tpu.memory_space<hbm>>
      %dma_wait3A_166 = arith.constant 0 : i32
      %dma_wait3A_167 = arith.constant 0 : i32
      %dma_wait3A_168 = tpu.memref_slice %arg3[%dma_wait3A_166, %dma_wait3A_167] : memref<640000x64xi32, #tpu.memory_space<hbm>> -> memref<80x64xi32, #tpu.memory_space<hbm>>
      tpu.wait_dma2 semaphore(%arg26 : memref<!tpu.dma_semaphore, #tpu.memory_space<semaphore_mem>>) src(%dma_wait3A_168 : memref<80x64xi32, #tpu.memory_space<hbm>>) dst(%arg18 : memref<80x64xi32, #tpu.memory_space<vmem>>)
      %scan3A_169 = arith.constant 0 : i32
      %scan3A_170 = arith.constant 0 : i32
      %scan3A_171 = arith.constant 80 : i32
      %scan3A_172 = arith.addi %scan3A_170, %scan3A_171 : i32
      %scan3A_173 = arith.constant 1 : i32
      %scan3A_174 = scf.for %scan3A_180 = %scan3A_170 to %scan3A_172 step %scan3A_173 iter_args(%scan3A_181 = %scan3A_169) -> (i32)  : i32 {
        %get3A_182 = arith.index_cast %scan3A_180 : i32 to index
        %get3A_183 = arith.constant 0 : index
        %get3A_184 = tpu.vector_load %arg18[%get3A_182, %get3A_183] {strides = array<i32>} : memref<80x64xi32, #tpu.memory_space<vmem>>, vector<16xi32>,
        %shift_left3A = arith.constant 16 : i32
        %shift_left3A_185 = vector.broadcast %shift_left3A : i32 to vector<16xi32>
        %shift_left3A_186 = arith.shli %get3A_184, %shift_left3A_185 : vector<16xi32>
        %bitcast3A = vector.bitcast %shift_left3A_186 : vector<16xi32> to vector<16xf32>
        %and3A = arith.constant -65536 : i32
        %and3A_187 = vector.broadcast %and3A : i32 to vector<16xi32>
        %and3A_188 = arith.andi %get3A_184, %and3A_187 : vector<16xi32>
        %bitcast3A_189 = vector.bitcast %and3A_188 : vector<16xi32> to vector<16xf32>
        %get3A_190 = arith.index_cast %scan3A_180 : i32 to index
        %get3A_191 = arith.constant 0 : index
        %get3A_192 = tpu.vector_load %arg17[%get3A_190, %get3A_191] {strides = array<i32>} : memref<80x128xf32, #tpu.memory_space<vmem>>, vector<16xf32>,
        %add3A_193 = arith.addf %get3A_192, %bitcast3A : vector<16xf32>
        %max3A = arith.constant 0.000000e+00 : f32
        %max3A_194 = vector.broadcast %max3A : f32 to vector<16xf32>
        %max3A_195 = arith.maximumf %add3A_193, %max3A_194 : vector<16xf32>
        %swap3A_196 = arith.index_cast %scan3A_180 : i32 to index
        %swap3A_197 = arith.constant 0 : index
        %swap3A_198 = tpu.vector_load %arg17[%swap3A_196, %swap3A_197] {strides = array<i32>} : memref<80x128xf32, #tpu.memory_space<vmem>>, vector<16xf32>,
        tpu.vector_store %arg17[%swap3A_196, %swap3A_197], %max3A_195 {strides = array<i32>} : memref<80x128xf32, #tpu.memory_space<vmem>>, vector<16xf32>,
        %get3A_199 = arith.index_cast %scan3A_180 : i32 to index
        %get3A_200 = arith.constant 16 : index
        %get3A_201 = tpu.vector_load %arg17[%get3A_199, %get3A_200] {strides = array<i32>} : memref<80x128xf32, #tpu.memory_space<vmem>>, vector<16xf32>,
        %add3A_202 = arith.addf %get3A_201, %bitcast3A_189 : vector<16xf32>
        %max3A_203 = arith.constant 0.000000e+00 : f32
        %max3A_204 = vector.broadcast %max3A_203 : f32 to vector<16xf32>
        %max3A_205 = arith.maximumf %add3A_202, %max3A_204 : vector<16xf32>
        %swap3A_206 = arith.index_cast %scan3A_180 : i32 to index
        %swap3A_207 = arith.constant 16 : index
        %swap3A_208 = tpu.vector_load %arg17[%swap3A_206, %swap3A_207] {strides = array<i32>} : memref<80x128xf32, #tpu.memory_space<vmem>>, vector<16xf32>,
        tpu.vector_store %arg17[%swap3A_206, %swap3A_207], %max3A_205 {strides = array<i32>} : memref<80x128xf32, #tpu.memory_space<vmem>>, vector<16xf32>,
        %get3A_209 = arith.index_cast %scan3A_180 : i32 to index
        %get3A_210 = arith.constant 16 : index
        %get3A_211 = tpu.vector_load %arg18[%get3A_209, %get3A_210] {strides = array<i32>} : memref<80x64xi32, #tpu.memory_space<vmem>>, vector<16xi32>,
        %shift_left3A_212 = arith.constant 16 : i32
        %shift_left3A_213 = vector.broadcast %shift_left3A_212 : i32 to vector<16xi32>
        %shift_left3A_214 = arith.shli %get3A_211, %shift_left3A_213 : vector<16xi32>
        %bitcast3A_215 = vector.bitcast %shift_left3A_214 : vector<16xi32> to vector<16xf32>
        %and3A_216 = arith.constant -65536 : i32
        %and3A_217 = vector.broadcast %and3A_216 : i32 to vector<16xi32>
        %and3A_218 = arith.andi %get3A_211, %and3A_217 : vector<16xi32>
        %bitcast3A_219 = vector.bitcast %and3A_218 : vector<16xi32> to vector<16xf32>
        %get3A_220 = arith.index_cast %scan3A_180 : i32 to index
        %get3A_221 = arith.constant 32 : index
        %get3A_222 = tpu.vector_load %arg17[%get3A_220, %get3A_221] {strides = array<i32>} : memref<80x128xf32, #tpu.memory_space<vmem>>, vector<16xf32>,
        %add3A_223 = arith.addf %get3A_222, %bitcast3A_215 : vector<16xf32>
        %max3A_224 = arith.constant 0.000000e+00 : f32
        %max3A_225 = vector.broadcast %max3A_224 : f32 to vector<16xf32>
        %max3A_226 = arith.maximumf %add3A_223, %max3A_225 : vector<16xf32>
        %swap3A_227 = arith.index_cast %scan3A_180 : i32 to index
        %swap3A_228 = arith.constant 32 : index
        %swap3A_229 = tpu.vector_load %arg17[%swap3A_227, %swap3A_228] {strides = array<i32>} : memref<80x128xf32, #tpu.memory_space<vmem>>, vector<16xf32>,
        tpu.vector_store %arg17[%swap3A_227, %swap3A_228], %max3A_226 {strides = array<i32>} : memref<80x128xf32, #tpu.memory_space<vmem>>, vector<16xf32>,
        %get3A_230 = arith.index_cast %scan3A_180 : i32 to index
        %get3A_231 = arith.constant 48 : index
        %get3A_232 = tpu.vector_load %arg17[%get3A_230, %get3A_231] {strides = array<i32>} : memref<80x128xf32, #tpu.memory_space<vmem>>, vector<16xf32>,
        %add3A_233 = arith.addf %get3A_232, %bitcast3A_219 : vector<16xf32>
        %max3A_234 = arith.constant 0.000000e+00 : f32
        %max3A_235 = vector.broadcast %max3A_234 : f32 to vector<16xf32>
        %max3A_236 = arith.maximumf %add3A_233, %max3A_235 : vector<16xf32>
        %swap3A_237 = arith.index_cast %scan3A_180 : i32 to index
        %swap3A_238 = arith.constant 48 : index
        %swap3A_239 = tpu.vector_load %arg17[%swap3A_237, %swap3A_238] {strides = array<i32>} : memref<80x128xf32, #tpu.memory_space<vmem>>, vector<16xf32>,
        tpu.vector_store %arg17[%swap3A_237, %swap3A_238], %max3A_236 {strides = array<i32>} : memref<80x128xf32, #tpu.memory_space<vmem>>, vector<16xf32>,
        %get3A_240 = arith.index_cast %scan3A_180 : i32 to index
        %get3A_241 = arith.constant 32 : index
        %get3A_242 = tpu.vector_load %arg18[%get3A_240, %get3A_241] {strides = array<i32>} : memref<80x64xi32, #tpu.memory_space<vmem>>, vector<16xi32>,
        %shift_left3A_243 = arith.constant 16 : i32
        %shift_left3A_244 = vector.broadcast %shift_left3A_243 : i32 to vector<16xi32>
        %shift_left3A_245 = arith.shli %get3A_242, %shift_left3A_244 : vector<16xi32>
        %bitcast3A_246 = vector.bitcast %shift_left3A_245 : vector<16xi32> to vector<16xf32>
        %and3A_247 = arith.constant -65536 : i32
        %and3A_248 = vector.broadcast %and3A_247 : i32 to vector<16xi32>
        %and3A_249 = arith.andi %get3A_242, %and3A_248 : vector<16xi32>
        %bitcast3A_250 = vector.bitcast %and3A_249 : vector<16xi32> to vector<16xf32>
        %get3A_251 = arith.index_cast %scan3A_180 : i32 to index
        %get3A_252 = arith.constant 64 : index
        %get3A_253 = tpu.vector_load %arg17[%get3A_251, %get3A_252] {strides = array<i32>} : memref<80x128xf32, #tpu.memory_space<vmem>>, vector<16xf32>,
        %add3A_254 = arith.addf %get3A_253, %bitcast3A_246 : vector<16xf32>
        %max3A_255 = arith.constant 0.000000e+00 : f32
        %max3A_256 = vector.broadcast %max3A_255 : f32 to vector<16xf32>
        %max3A_257 = arith.maximumf %add3A_254, %max3A_256 : vector<16xf32>
        %swap3A_258 = arith.index_cast %scan3A_180 : i32 to index
        %swap3A_259 = arith.constant 64 : index
        %swap3A_260 = tpu.vector_load %arg17[%swap3A_258, %swap3A_259] {strides = array<i32>} : memref<80x128xf32, #tpu.memory_space<vmem>>, vector<16xf32>,
        tpu.vector_store %arg17[%swap3A_258, %swap3A_259], %max3A_257 {strides = array<i32>} : memref<80x128xf32, #tpu.memory_space<vmem>>, vector<16xf32>,
        %get3A_261 = arith.index_cast %scan3A_180 : i32 to index
        %get3A_262 = arith.constant 80 : index
        %get3A_263 = tpu.vector_load %arg17[%get3A_261, %get3A_262] {strides = array<i32>} : memref<80x128xf32, #tpu.memory_space<vmem>>, vector<16xf32>,
        %add3A_264 = arith.addf %get3A_263, %bitcast3A_250 : vector<16xf32>
        %max3A_265 = arith.constant 0.000000e+00 : f32
        %max3A_266 = vector.broadcast %max3A_265 : f32 to vector<16xf32>
        %max3A_267 = arith.maximumf %add3A_264, %max3A_266 : vector<16xf32>
        %swap3A_268 = arith.index_cast %scan3A_180 : i32 to index
        %swap3A_269 = arith.constant 80 : index
        %swap3A_270 = tpu.vector_load %arg17[%swap3A_268, %swap3A_269] {strides = array<i32>} : memref<80x128xf32, #tpu.memory_space<vmem>>, vector<16xf32>,
        tpu.vector_store %arg17[%swap3A_268, %swap3A_269], %max3A_267 {strides = array<i32>} : memref<80x128xf32, #tpu.memory_space<vmem>>, vector<16xf32>,
        %get3A_271 = arith.index_cast %scan3A_180 : i32 to index
        %get3A_272 = arith.constant 48 : index
        %get3A_273 = tpu.vector_load %arg18[%get3A_271, %get3A_272] {strides = array<i32>} : memref<80x64xi32, #tpu.memory_space<vmem>>, vector<16xi32>,
        %shift_left3A_274 = arith.constant 16 : i32
        %shift_left3A_275 = vector.broadcast %shift_left3A_274 : i32 to vector<16xi32>
        %shift_left3A_276 = arith.shli %get3A_273, %shift_left3A_275 : vector<16xi32>
        %bitcast3A_277 = vector.bitcast %shift_left3A_276 : vector<16xi32> to vector<16xf32>
        %and3A_278 = arith.constant -65536 : i32
        %and3A_279 = vector.broadcast %and3A_278 : i32 to vector<16xi32>
        %and3A_280 = arith.andi %get3A_273, %and3A_279 : vector<16xi32>
        %bitcast3A_281 = vector.bitcast %and3A_280 : vector<16xi32> to vector<16xf32>
        %get3A_282 = arith.index_cast %scan3A_180 : i32 to index
        %get3A_283 = arith.constant 96 : index
        %get3A_284 = tpu.vector_load %arg17[%get3A_282, %get3A_283] {strides = array<i32>} : memref<80x128xf32, #tpu.memory_space<vmem>>, vector<16xf32>,
        %add3A_285 = arith.addf %get3A_284, %bitcast3A_277 : vector<16xf32>
        %max3A_286 = arith.constant 0.000000e+00 : f32
        %max3A_287 = vector.broadcast %max3A_286 : f32 to vector<16xf32>
        %max3A_288 = arith.maximumf %add3A_285, %max3A_287 : vector<16xf32>
        %swap3A_289 = arith.index_cast %scan3A_180 : i32 to index
        %swap3A_290 = arith.constant 96 : index
        %swap3A_291 = tpu.vector_load %arg17[%swap3A_289, %swap3A_290] {strides = array<i32>} : memref<80x128xf32, #tpu.memory_space<vmem>>, vector<16xf32>,
        tpu.vector_store %arg17[%swap3A_289, %swap3A_290], %max3A_288 {strides = array<i32>} : memref<80x128xf32, #tpu.memory_space<vmem>>, vector<16xf32>,
        %get3A_292 = arith.index_cast %scan3A_180 : i32 to index
        %get3A_293 = arith.constant 112 : index
        %get3A_294 = tpu.vector_load %arg17[%get3A_292, %get3A_293] {strides = array<i32>} : memref<80x128xf32, #tpu.memory_space<vmem>>, vector<16xf32>,
        %add3A_295 = arith.addf %get3A_294, %bitcast3A_281 : vector<16xf32>
        %max3A_296 = arith.constant 0.000000e+00 : f32
        %max3A_297 = vector.broadcast %max3A_296 : f32 to vector<16xf32>
        %max3A_298 = arith.maximumf %add3A_295, %max3A_297 : vector<16xf32>
        %swap3A_299 = arith.index_cast %scan3A_180 : i32 to index
        %swap3A_300 = arith.constant 112 : index
        %swap3A_301 = tpu.vector_load %arg17[%swap3A_299, %swap3A_300] {strides = array<i32>} : memref<80x128xf32, #tpu.memory_space<vmem>>, vector<16xf32>,
        tpu.vector_store %arg17[%swap3A_299, %swap3A_300], %max3A_298 {strides = array<i32>} : memref<80x128xf32, #tpu.memory_space<vmem>>, vector<16xf32>,
        %scan3A_302 = arith.constant 0 : i32
        scf.yield %scan3A_302 : i32
      }
      %scan3A_175 = arith.constant 80 : i32
      %dma_start3A_176 = arith.constant 0 : i32
      %dma_start3A_177 = arith.constant 0 : i32
      %dma_start3A_178 = tpu.memref_slice %arg19[%dma_start3A_176, %dma_start3A_177] : memref<10000x128xf32, #tpu.memory_space<vmem_shared>> -> memref<10000x128xf32, #tpu.memory_space<vmem_shared>>
      tpu.enqueue_indirect_dma source(%arg17 : memref<80x128xf32, #tpu.memory_space<vmem>>) target(%dma_start3A_178 : memref<10000x128xf32, #tpu.memory_space<vmem_shared>>) offsets(%arg16 : memref<80xi32, #tpu.memory_space<vmem>>) semaphore(%arg27 : memref<!tpu.dma_semaphore, #tpu.memory_space<semaphore_mem>>) {add = true}
      %scan3A_179 = arith.constant 0 : i32
      scf.yield %scan3A_179 : i32
    }
    %scan3A_103 = arith.constant 125 : i32
    %dma_wait3A_104 = arith.constant 0 : i32
    %dma_wait3A_105 = arith.constant 0 : i32
    %dma_wait3A_106 = tpu.memref_slice %arg19[%dma_wait3A_104, %dma_wait3A_105] : memref<10000x128xf32, #tpu.memory_space<vmem_shared>> -> memref<10000x128xf32, #tpu.memory_space<vmem_shared>>
    tpu.wait_indirect_dma semaphore(%arg23 : memref<!tpu.dma_semaphore, #tpu.memory_space<semaphore_mem>>) src(%arg11 : memref<80x128xf32, #tpu.memory_space<vmem>>) dst(%dma_wait3A_106 : memref<10000x128xf32, #tpu.memory_space<vmem_shared>>)
    %dma_wait3A_107 = arith.constant 0 : i32
    %dma_wait3A_108 = arith.constant 0 : i32
    %dma_wait3A_109 = tpu.memref_slice %arg19[%dma_wait3A_107, %dma_wait3A_108] : memref<10000x128xf32, #tpu.memory_space<vmem_shared>> -> memref<10000x128xf32, #tpu.memory_space<vmem_shared>>
    tpu.wait_indirect_dma semaphore(%arg27 : memref<!tpu.dma_semaphore, #tpu.memory_space<semaphore_mem>>) src(%arg17 : memref<80x128xf32, #tpu.memory_space<vmem>>) dst(%dma_wait3A_109 : memref<10000x128xf32, #tpu.memory_space<vmem_shared>>)
    %barrier3A_110 = arith.constant 0 : index
    tpu.barrier barrier_id(%barrier3A_110)
    %mul3A_111 = arith.constant 624 : i32
    %mul3A_112 = arith.muli %arg1, %mul3A_111 : i32
    %mul3A_113 = arith.constant 10000 : i32
    %mul3A_114 = arith.muli %arg0, %mul3A_113 : i32
    %mul3A_115 = arith.constant 624 : i32
    %mul3A_116 = arith.muli %arg1, %mul3A_115 : i32
    %add3A_117 = arith.addi %mul3A_114, %mul3A_116 : i32
    "tpu.region"() ({
      %run_scoped3A = tpu.sem_alloc : memref<!tpu.dma_semaphore, #tpu.memory_space<semaphore_mem>>
      %dma_start3A_120 = arith.constant 0 : i32
      %dma_start3A_121 = tpu.memref_slice %arg6[%add3A_117, %dma_start3A_120] : memref<20000x128xf32, #tpu.memory_space<hbm>> -> memref<624x128xf32, #tpu.memory_space<hbm>>
      %dma_start3A_122 = arith.constant 0 : i32
      %dma_start3A_123 = tpu.memref_slice %arg19[%mul3A_112, %dma_start3A_122] : memref<10000x128xf32, #tpu.memory_space<vmem_shared>> -> memref<624x128xf32, #tpu.memory_space<vmem_shared>>
      tpu.enqueue_dma source(%dma_start3A_123 : memref<624x128xf32, #tpu.memory_space<vmem_shared>>) target(%dma_start3A_121 : memref<624x128xf32, #tpu.memory_space<hbm>>) target_semaphore(%run_scoped3A : memref<!tpu.dma_semaphore, #tpu.memory_space<semaphore_mem>>)
      %dma_wait3A_124 = arith.constant 0 : i32
      %dma_wait3A_125 = tpu.memref_slice %arg6[%add3A_117, %dma_wait3A_124] : memref<20000x128xf32, #tpu.memory_space<hbm>> -> memref<624x128xf32, #tpu.memory_space<hbm>>
      %dma_wait3A_126 = arith.constant 0 : i32
      %dma_wait3A_127 = tpu.memref_slice %arg19[%mul3A_112, %dma_wait3A_126] : memref<10000x128xf32, #tpu.memory_space<vmem_shared>> -> memref<624x128xf32, #tpu.memory_space<vmem_shared>>
      tpu.wait_dma2 semaphore(%run_scoped3A : memref<!tpu.dma_semaphore, #tpu.memory_space<semaphore_mem>>) src(%dma_wait3A_127 : memref<624x128xf32, #tpu.memory_space<vmem_shared>>) dst(%dma_wait3A_125 : memref<624x128xf32, #tpu.memory_space<hbm>>)
      tpu.yield
    }) : () -> ()
    %eq3A = arith.constant 0 : i32
    %eq3A_118 = arith.cmpi eq, %arg1, %eq3A : i32
    %convert_element_type3A = arith.extui %eq3A_118 : i1 to i32
    %cond3A = arith.constant 0 : i32
    %cond3A_119 = arith.cmpi ne, %convert_element_type3A, %cond3A : i32
    scf.if %cond3A_119 {
      %mul3A_120 = arith.constant 10000 : i32
      %mul3A_121 = arith.muli %arg0, %mul3A_120 : i32
      %add3A_122 = arith.constant 9984 : i32
      %add3A_123 = arith.addi %mul3A_121, %add3A_122 : i32
      "tpu.region"() ({
        %run_scoped3A = tpu.sem_alloc : memref<!tpu.dma_semaphore, #tpu.memory_space<semaphore_mem>>
        %dma_start3A_124 = arith.constant 0 : i32
        %dma_start3A_125 = tpu.memref_slice %arg6[%add3A_123, %dma_start3A_124] : memref<20000x128xf32, #tpu.memory_space<hbm>> -> memref<16x128xf32, #tpu.memory_space<hbm>>
        %dma_start3A_126 = arith.constant 9984 : i32
        %dma_start3A_127 = arith.constant 0 : i32
        %dma_start3A_128 = tpu.memref_slice %arg19[%dma_start3A_126, %dma_start3A_127] : memref<10000x128xf32, #tpu.memory_space<vmem_shared>> -> memref<16x128xf32, #tpu.memory_space<vmem_shared>>
        tpu.enqueue_dma source(%dma_start3A_128 : memref<16x128xf32, #tpu.memory_space<vmem_shared>>) target(%dma_start3A_125 : memref<16x128xf32, #tpu.memory_space<hbm>>) target_semaphore(%run_scoped3A : memref<!tpu.dma_semaphore, #tpu.memory_space<semaphore_mem>>)
        %dma_wait3A_129 = arith.constant 0 : i32
        %dma_wait3A_130 = tpu.memref_slice %arg6[%add3A_123, %dma_wait3A_129] : memref<20000x128xf32, #tpu.memory_space<hbm>> -> memref<16x128xf32, #tpu.memory_space<hbm>>
        %dma_wait3A_131 = arith.constant 9984 : i32
        %dma_wait3A_132 = arith.constant 0 : i32
        %dma_wait3A_133 = tpu.memref_slice %arg19[%dma_wait3A_131, %dma_wait3A_132] : memref<10000x128xf32, #tpu.memory_space<vmem_shared>> -> memref<16x128xf32, #tpu.memory_space<vmem_shared>>
        tpu.wait_dma2 semaphore(%run_scoped3A : memref<!tpu.dma_semaphore, #tpu.memory_space<semaphore_mem>>) src(%dma_wait3A_133 : memref<16x128xf32, #tpu.memory_space<vmem_shared>>) dst(%dma_wait3A_130 : memref<16x128xf32, #tpu.memory_space<hbm>>)
        tpu.yield
      }) : () -> ()
    } else {
    }
    return
  }
}

#map = affine_map<(d0, d1) -> (0, 0)>
#map1 = affine_map<(d0, d1) -> (0)>
module attributes {stable_mosaic.version = 14 : i64} {
  func.func @_edge_body(%arg0: i32, %arg1: i32, %arg2: memref<10000x128xf32, #tpu.memory_space<hbm>>, %arg3: memref<320000x64xi32, #tpu.memory_space<hbm>>, %arg4: memref<320000xi32, #tpu.memory_space<hbm>>, %arg5: memref<320000xi32, #tpu.memory_space<hbm>>, %arg6: memref<20000x128xf32, #tpu.memory_space<hbm>>, %arg7: memref<80xi32, #tpu.memory_space<vmem>>, %arg8: memref<80xi32, #tpu.memory_space<vmem>>, %arg9: memref<80xi32, #tpu.memory_space<vmem>>, %arg10: memref<80xi32, #tpu.memory_space<vmem>>, %arg11: memref<80x128xf32, #tpu.memory_space<vmem>>, %arg12: memref<80x64xi32, #tpu.memory_space<vmem>>, %arg13: memref<80xi32, #tpu.memory_space<vmem>>, %arg14: memref<80xi32, #tpu.memory_space<vmem>>, %arg15: memref<80xi32, #tpu.memory_space<vmem>>, %arg16: memref<80xi32, #tpu.memory_space<vmem>>, %arg17: memref<80x128xf32, #tpu.memory_space<vmem>>, %arg18: memref<80x64xi32, #tpu.memory_space<vmem>>, %arg19: memref<10000x128xf32, #tpu.memory_space<vmem_shared>>, %arg20: memref<!tpu.dma_semaphore, #tpu.memory_space<semaphore_mem>>, %arg21: memref<!tpu.dma_semaphore, #tpu.memory_space<semaphore_mem>>, %arg22: memref<!tpu.dma_semaphore, #tpu.memory_space<semaphore_mem>>, %arg23: memref<!tpu.dma_semaphore, #tpu.memory_space<semaphore_mem>>, %arg24: memref<!tpu.dma_semaphore, #tpu.memory_space<semaphore_mem>>, %arg25: memref<!tpu.dma_semaphore, #tpu.memory_space<semaphore_mem>>, %arg26: memref<!tpu.dma_semaphore, #tpu.memory_space<semaphore_mem>>, %arg27: memref<!tpu.dma_semaphore, #tpu.memory_space<semaphore_mem>>) attributes {dimension_semantics = [#tpu.dimension_semantics<core_parallel>, #tpu.dimension_semantics<subcore_parallel>], iteration_bounds = array<i64: 2, 16>, scalar_prefetch = 0 : i64, scratch_operands = 21 : i64, tpu.core_type = #tpu.core_type<sc_vector_subcore>, window_params = [{transform_indices = #map}, {transform_indices = #map}, {transform_indices = #map1}, {transform_indices = #map1}, {transform_indices = #map}]} {
    %scan3A = arith.constant 0 : i32
    %scan3A_0 = arith.constant 0 : i32
    %scan3A_1 = arith.constant 80 : i32
    %scan3A_2 = arith.addi %scan3A_0, %scan3A_1 : i32
    %scan3A_3 = arith.constant 1 : i32
    %scan3A_4 = scf.for %scan3A_144 = %scan3A_0 to %scan3A_2 step %scan3A_3 iter_args(%scan3A_145 = %scan3A) -> (i32)  : i32 {
      %broadcast_in_dim3A = arith.constant 0.000000e+00 : f32
      %broadcast_in_dim3A_146 = vector.broadcast %broadcast_in_dim3A : f32 to vector<16xf32>
      %swap3A_147 = arith.index_cast %scan3A_144 : i32 to index
      %swap3A_148 = arith.constant 0 : index
      %swap3A_149 = tpu.vector_load %arg11[%swap3A_147, %swap3A_148] {strides = array<i32>} : memref<80x128xf32, #tpu.memory_space<vmem>>, vector<16xf32>,
      tpu.vector_store %arg11[%swap3A_147, %swap3A_148], %broadcast_in_dim3A_146 {strides = array<i32>} : memref<80x128xf32, #tpu.memory_space<vmem>>, vector<16xf32>,
      %broadcast_in_dim3A_150 = arith.constant 0.000000e+00 : f32
      %broadcast_in_dim3A_151 = vector.broadcast %broadcast_in_dim3A_150 : f32 to vector<16xf32>
      %swap3A_152 = arith.index_cast %scan3A_144 : i32 to index
      %swap3A_153 = arith.constant 16 : index
      %swap3A_154 = tpu.vector_load %arg11[%swap3A_152, %swap3A_153] {strides = array<i32>} : memref<80x128xf32, #tpu.memory_space<vmem>>, vector<16xf32>,
      tpu.vector_store %arg11[%swap3A_152, %swap3A_153], %broadcast_in_dim3A_151 {strides = array<i32>} : memref<80x128xf32, #tpu.memory_space<vmem>>, vector<16xf32>,
      %broadcast_in_dim3A_155 = arith.constant 0.000000e+00 : f32
      %broadcast_in_dim3A_156 = vector.broadcast %broadcast_in_dim3A_155 : f32 to vector<16xf32>
      %swap3A_157 = arith.index_cast %scan3A_144 : i32 to index
      %swap3A_158 = arith.constant 32 : index
      %swap3A_159 = tpu.vector_load %arg11[%swap3A_157, %swap3A_158] {strides = array<i32>} : memref<80x128xf32, #tpu.memory_space<vmem>>, vector<16xf32>,
      tpu.vector_store %arg11[%swap3A_157, %swap3A_158], %broadcast_in_dim3A_156 {strides = array<i32>} : memref<80x128xf32, #tpu.memory_space<vmem>>, vector<16xf32>,
      %broadcast_in_dim3A_160 = arith.constant 0.000000e+00 : f32
      %broadcast_in_dim3A_161 = vector.broadcast %broadcast_in_dim3A_160 : f32 to vector<16xf32>
      %swap3A_162 = arith.index_cast %scan3A_144 : i32 to index
      %swap3A_163 = arith.constant 48 : index
      %swap3A_164 = tpu.vector_load %arg11[%swap3A_162, %swap3A_163] {strides = array<i32>} : memref<80x128xf32, #tpu.memory_space<vmem>>, vector<16xf32>,
      tpu.vector_store %arg11[%swap3A_162, %swap3A_163], %broadcast_in_dim3A_161 {strides = array<i32>} : memref<80x128xf32, #tpu.memory_space<vmem>>, vector<16xf32>,
      %broadcast_in_dim3A_165 = arith.constant 0.000000e+00 : f32
      %broadcast_in_dim3A_166 = vector.broadcast %broadcast_in_dim3A_165 : f32 to vector<16xf32>
      %swap3A_167 = arith.index_cast %scan3A_144 : i32 to index
      %swap3A_168 = arith.constant 64 : index
      %swap3A_169 = tpu.vector_load %arg11[%swap3A_167, %swap3A_168] {strides = array<i32>} : memref<80x128xf32, #tpu.memory_space<vmem>>, vector<16xf32>,
      tpu.vector_store %arg11[%swap3A_167, %swap3A_168], %broadcast_in_dim3A_166 {strides = array<i32>} : memref<80x128xf32, #tpu.memory_space<vmem>>, vector<16xf32>,
      %broadcast_in_dim3A_170 = arith.constant 0.000000e+00 : f32
      %broadcast_in_dim3A_171 = vector.broadcast %broadcast_in_dim3A_170 : f32 to vector<16xf32>
      %swap3A_172 = arith.index_cast %scan3A_144 : i32 to index
      %swap3A_173 = arith.constant 80 : index
      %swap3A_174 = tpu.vector_load %arg11[%swap3A_172, %swap3A_173] {strides = array<i32>} : memref<80x128xf32, #tpu.memory_space<vmem>>, vector<16xf32>,
      tpu.vector_store %arg11[%swap3A_172, %swap3A_173], %broadcast_in_dim3A_171 {strides = array<i32>} : memref<80x128xf32, #tpu.memory_space<vmem>>, vector<16xf32>,
      %broadcast_in_dim3A_175 = arith.constant 0.000000e+00 : f32
      %broadcast_in_dim3A_176 = vector.broadcast %broadcast_in_dim3A_175 : f32 to vector<16xf32>
      %swap3A_177 = arith.index_cast %scan3A_144 : i32 to index
      %swap3A_178 = arith.constant 96 : index
      %swap3A_179 = tpu.vector_load %arg11[%swap3A_177, %swap3A_178] {strides = array<i32>} : memref<80x128xf32, #tpu.memory_space<vmem>>, vector<16xf32>,
      tpu.vector_store %arg11[%swap3A_177, %swap3A_178], %broadcast_in_dim3A_176 {strides = array<i32>} : memref<80x128xf32, #tpu.memory_space<vmem>>, vector<16xf32>,
      %broadcast_in_dim3A_180 = arith.constant 0.000000e+00 : f32
      %broadcast_in_dim3A_181 = vector.broadcast %broadcast_in_dim3A_180 : f32 to vector<16xf32>
      %swap3A_182 = arith.index_cast %scan3A_144 : i32 to index
      %swap3A_183 = arith.constant 112 : index
      %swap3A_184 = tpu.vector_load %arg11[%swap3A_182, %swap3A_183] {strides = array<i32>} : memref<80x128xf32, #tpu.memory_space<vmem>>, vector<16xf32>,
      tpu.vector_store %arg11[%swap3A_182, %swap3A_183], %broadcast_in_dim3A_181 {strides = array<i32>} : memref<80x128xf32, #tpu.memory_space<vmem>>, vector<16xf32>,
      %scan3A_185 = arith.constant 0 : i32
      scf.yield %scan3A_185 : i32
    }
    %scan3A_5 = arith.constant 80 : i32
    %scan3A_6 = arith.constant 0 : i32
    %scan3A_7 = arith.constant 0 : i32
    %scan3A_8 = arith.constant 7 : i32
    %scan3A_9 = arith.addi %scan3A_7, %scan3A_8 : i32
    %scan3A_10 = arith.constant 1 : i32
    %scan3A_11 = scf.for %scan3A_144 = %scan3A_7 to %scan3A_9 step %scan3A_10 iter_args(%scan3A_145 = %scan3A_6) -> (i32)  : i32 {
      %mul3A_146 = arith.constant 625 : i32
      %mul3A_147 = arith.muli %arg1, %mul3A_146 : i32
      %mul3A_148 = arith.constant 80 : i32
      %mul3A_149 = arith.muli %scan3A_144, %mul3A_148 : i32
      %add3A_150 = arith.addi %mul3A_147, %mul3A_149 : i32
      "tpu.region"() ({
        %run_scoped3A = tpu.sem_alloc : memref<!tpu.dma_semaphore, #tpu.memory_space<semaphore_mem>>
        %dma_start3A_152 = arith.constant 0 : i32
        %dma_start3A_153 = tpu.memref_slice %arg19[%add3A_150, %dma_start3A_152] : memref<10000x128xf32, #tpu.memory_space<vmem_shared>> -> memref<80x128xf32, #tpu.memory_space<vmem_shared>>
        %dma_start3A_154 = arith.constant 0 : i32
        %dma_start3A_155 = tpu.memref_slice %arg19[%add3A_150, %dma_start3A_154] : memref<10000x128xf32, #tpu.memory_space<vmem_shared>> -> memref<80x128xf32, #tpu.memory_space<vmem_shared>>
        tpu.enqueue_dma source(%arg11 : memref<80x128xf32, #tpu.memory_space<vmem>>) target(%dma_start3A_155 : memref<80x128xf32, #tpu.memory_space<vmem_shared>>) target_semaphore(%run_scoped3A : memref<!tpu.dma_semaphore, #tpu.memory_space<semaphore_mem>>)
        %dma_wait3A_156 = arith.constant 0 : i32
        %dma_wait3A_157 = tpu.memref_slice %arg19[%add3A_150, %dma_wait3A_156] : memref<10000x128xf32, #tpu.memory_space<vmem_shared>> -> memref<80x128xf32, #tpu.memory_space<vmem_shared>>
        %dma_wait3A_158 = arith.constant 0 : i32
        %dma_wait3A_159 = tpu.memref_slice %arg19[%add3A_150, %dma_wait3A_158] : memref<10000x128xf32, #tpu.memory_space<vmem_shared>> -> memref<80x128xf32, #tpu.memory_space<vmem_shared>>
        tpu.wait_dma2 semaphore(%run_scoped3A : memref<!tpu.dma_semaphore, #tpu.memory_space<semaphore_mem>>) src(%arg11 : memref<80x128xf32, #tpu.memory_space<vmem>>) dst(%dma_wait3A_159 : memref<80x128xf32, #tpu.memory_space<vmem_shared>>)
        tpu.yield
      }) : () -> ()
      %scan3A_151 = arith.constant 0 : i32
      scf.yield %scan3A_151 : i32
    }
    %scan3A_12 = arith.constant 7 : i32
    %mul3A = arith.constant 625 : i32
    %mul3A_13 = arith.muli %arg1, %mul3A : i32
    %add3A = arith.constant 560 : i32
    %add3A_14 = arith.addi %mul3A_13, %add3A : i32
    "tpu.region"() ({
      %run_scoped3A = tpu.sem_alloc : memref<!tpu.dma_semaphore, #tpu.memory_space<semaphore_mem>>
      %dma_start3A_144 = arith.constant 0 : i32
      %dma_start3A_145 = arith.constant 0 : i32
      %dma_start3A_146 = tpu.memref_slice %arg11[%dma_start3A_144, %dma_start3A_145] : memref<80x128xf32, #tpu.memory_space<vmem>> -> memref<65x128xf32, #tpu.memory_space<vmem>>
      %dma_start3A_147 = arith.constant 0 : i32
      %dma_start3A_148 = tpu.memref_slice %arg19[%add3A_14, %dma_start3A_147] : memref<10000x128xf32, #tpu.memory_space<vmem_shared>> -> memref<65x128xf32, #tpu.memory_space<vmem_shared>>
      %dma_start3A_149 = arith.constant 0 : i32
      %dma_start3A_150 = tpu.memref_slice %arg19[%add3A_14, %dma_start3A_149] : memref<10000x128xf32, #tpu.memory_space<vmem_shared>> -> memref<65x128xf32, #tpu.memory_space<vmem_shared>>
      %dma_start3A_151 = arith.constant 0 : i32
      %dma_start3A_152 = arith.constant 0 : i32
      %dma_start3A_153 = tpu.memref_slice %arg11[%dma_start3A_151, %dma_start3A_152] : memref<80x128xf32, #tpu.memory_space<vmem>> -> memref<65x128xf32, #tpu.memory_space<vmem>>
      tpu.enqueue_dma source(%dma_start3A_153 : memref<65x128xf32, #tpu.memory_space<vmem>>) target(%dma_start3A_150 : memref<65x128xf32, #tpu.memory_space<vmem_shared>>) target_semaphore(%run_scoped3A : memref<!tpu.dma_semaphore, #tpu.memory_space<semaphore_mem>>)
      %dma_wait3A_154 = arith.constant 0 : i32
      %dma_wait3A_155 = arith.constant 0 : i32
      %dma_wait3A_156 = tpu.memref_slice %arg11[%dma_wait3A_154, %dma_wait3A_155] : memref<80x128xf32, #tpu.memory_space<vmem>> -> memref<65x128xf32, #tpu.memory_space<vmem>>
      %dma_wait3A_157 = arith.constant 0 : i32
      %dma_wait3A_158 = tpu.memref_slice %arg19[%add3A_14, %dma_wait3A_157] : memref<10000x128xf32, #tpu.memory_space<vmem_shared>> -> memref<65x128xf32, #tpu.memory_space<vmem_shared>>
      %dma_wait3A_159 = arith.constant 0 : i32
      %dma_wait3A_160 = tpu.memref_slice %arg19[%add3A_14, %dma_wait3A_159] : memref<10000x128xf32, #tpu.memory_space<vmem_shared>> -> memref<65x128xf32, #tpu.memory_space<vmem_shared>>
      %dma_wait3A_161 = arith.constant 0 : i32
      %dma_wait3A_162 = arith.constant 0 : i32
      %dma_wait3A_163 = tpu.memref_slice %arg11[%dma_wait3A_161, %dma_wait3A_162] : memref<80x128xf32, #tpu.memory_space<vmem>> -> memref<65x128xf32, #tpu.memory_space<vmem>>
      tpu.wait_dma2 semaphore(%run_scoped3A : memref<!tpu.dma_semaphore, #tpu.memory_space<semaphore_mem>>) src(%dma_wait3A_163 : memref<65x128xf32, #tpu.memory_space<vmem>>) dst(%dma_wait3A_160 : memref<65x128xf32, #tpu.memory_space<vmem_shared>>)
      tpu.yield
    }) : () -> ()
    %barrier3A = arith.constant 0 : index
    tpu.barrier barrier_id(%barrier3A)
    %mul3A_15 = arith.constant 16 : i32
    %mul3A_16 = arith.muli %arg0, %mul3A_15 : i32
    %add3A_17 = arith.addi %mul3A_16, %arg1 : i32
    %mul3A_18 = arith.constant 10000 : i32
    %mul3A_19 = arith.muli %add3A_17, %mul3A_18 : i32
    %add3A_20 = arith.constant 0 : i32
    %add3A_21 = arith.addi %mul3A_19, %add3A_20 : i32
    %dma_start3A = tpu.memref_slice %arg4[%add3A_21] : memref<320000xi32, #tpu.memory_space<hbm>> -> memref<80xi32, #tpu.memory_space<hbm>>
    %dma_start3A_22 = tpu.memref_slice %arg4[%add3A_21] : memref<320000xi32, #tpu.memory_space<hbm>> -> memref<80xi32, #tpu.memory_space<hbm>>
    tpu.enqueue_dma source(%dma_start3A_22 : memref<80xi32, #tpu.memory_space<hbm>>) target(%arg7 : memref<80xi32, #tpu.memory_space<vmem>>) target_semaphore(%arg20 : memref<!tpu.dma_semaphore, #tpu.memory_space<semaphore_mem>>)
    %dma_start3A_23 = tpu.memref_slice %arg5[%add3A_21] : memref<320000xi32, #tpu.memory_space<hbm>> -> memref<80xi32, #tpu.memory_space<hbm>>
    %dma_start3A_24 = tpu.memref_slice %arg5[%add3A_21] : memref<320000xi32, #tpu.memory_space<hbm>> -> memref<80xi32, #tpu.memory_space<hbm>>
    tpu.enqueue_dma source(%dma_start3A_24 : memref<80xi32, #tpu.memory_space<hbm>>) target(%arg8 : memref<80xi32, #tpu.memory_space<vmem>>) target_semaphore(%arg20 : memref<!tpu.dma_semaphore, #tpu.memory_space<semaphore_mem>>)
    %add3A_25 = arith.constant 80 : i32
    %add3A_26 = arith.addi %mul3A_19, %add3A_25 : i32
    %dma_start3A_27 = tpu.memref_slice %arg4[%add3A_26] : memref<320000xi32, #tpu.memory_space<hbm>> -> memref<80xi32, #tpu.memory_space<hbm>>
    %dma_start3A_28 = tpu.memref_slice %arg4[%add3A_26] : memref<320000xi32, #tpu.memory_space<hbm>> -> memref<80xi32, #tpu.memory_space<hbm>>
    tpu.enqueue_dma source(%dma_start3A_28 : memref<80xi32, #tpu.memory_space<hbm>>) target(%arg13 : memref<80xi32, #tpu.memory_space<vmem>>) target_semaphore(%arg24 : memref<!tpu.dma_semaphore, #tpu.memory_space<semaphore_mem>>)
    %dma_start3A_29 = tpu.memref_slice %arg5[%add3A_26] : memref<320000xi32, #tpu.memory_space<hbm>> -> memref<80xi32, #tpu.memory_space<hbm>>
    %dma_start3A_30 = tpu.memref_slice %arg5[%add3A_26] : memref<320000xi32, #tpu.memory_space<hbm>> -> memref<80xi32, #tpu.memory_space<hbm>>
    tpu.enqueue_dma source(%dma_start3A_30 : memref<80xi32, #tpu.memory_space<hbm>>) target(%arg14 : memref<80xi32, #tpu.memory_space<vmem>>) target_semaphore(%arg24 : memref<!tpu.dma_semaphore, #tpu.memory_space<semaphore_mem>>)
    %dma_wait3A = arith.constant 0 : i32
    %dma_wait3A_31 = tpu.memref_slice %arg4[%dma_wait3A] : memref<320000xi32, #tpu.memory_space<hbm>> -> memref<80xi32, #tpu.memory_space<hbm>>
    %dma_wait3A_32 = arith.constant 0 : i32
    %dma_wait3A_33 = tpu.memref_slice %arg4[%dma_wait3A_32] : memref<320000xi32, #tpu.memory_space<hbm>> -> memref<80xi32, #tpu.memory_space<hbm>>
    tpu.wait_dma2 semaphore(%arg20 : memref<!tpu.dma_semaphore, #tpu.memory_space<semaphore_mem>>) src(%dma_wait3A_33 : memref<80xi32, #tpu.memory_space<hbm>>) dst(%arg7 : memref<80xi32, #tpu.memory_space<vmem>>)
    %dma_wait3A_34 = arith.constant 0 : i32
    %dma_wait3A_35 = tpu.memref_slice %arg5[%dma_wait3A_34] : memref<320000xi32, #tpu.memory_space<hbm>> -> memref<80xi32, #tpu.memory_space<hbm>>
    %dma_wait3A_36 = arith.constant 0 : i32
    %dma_wait3A_37 = tpu.memref_slice %arg5[%dma_wait3A_36] : memref<320000xi32, #tpu.memory_space<hbm>> -> memref<80xi32, #tpu.memory_space<hbm>>
    tpu.wait_dma2 semaphore(%arg20 : memref<!tpu.dma_semaphore, #tpu.memory_space<semaphore_mem>>) src(%dma_wait3A_37 : memref<80xi32, #tpu.memory_space<hbm>>) dst(%arg8 : memref<80xi32, #tpu.memory_space<vmem>>)
    %add3A_38 = arith.constant 0 : i32
    %add3A_39 = arith.addi %mul3A_19, %add3A_38 : i32
    %get3A = arith.constant 0 : index
    %get3A_40 = tpu.vector_load %arg7[%get3A] {strides = array<i32>} : memref<80xi32, #tpu.memory_space<vmem>>, vector<16xi32>,
    %add3A_41 = arith.constant 0 : i32
    %add3A_42 = vector.broadcast %add3A_41 : i32 to vector<16xi32>
    %add3A_43 = arith.addi %get3A_40, %add3A_42 : vector<16xi32>
    %swap3A = arith.constant 0 : index
    %swap3A_44 = tpu.vector_load %arg9[%swap3A] {strides = array<i32>} : memref<80xi32, #tpu.memory_space<vmem>>, vector<16xi32>,
    tpu.vector_store %arg9[%swap3A], %add3A_43 {strides = array<i32>} : memref<80xi32, #tpu.memory_space<vmem>>, vector<16xi32>,
    %get3A_45 = arith.constant 0 : index
    %get3A_46 = tpu.vector_load %arg8[%get3A_45] {strides = array<i32>} : memref<80xi32, #tpu.memory_space<vmem>>, vector<16xi32>,
    %swap3A_47 = arith.constant 0 : index
    %swap3A_48 = tpu.vector_load %arg10[%swap3A_47] {strides = array<i32>} : memref<80xi32, #tpu.memory_space<vmem>>, vector<16xi32>,
    tpu.vector_store %arg10[%swap3A_47], %get3A_46 {strides = array<i32>} : memref<80xi32, #tpu.memory_space<vmem>>, vector<16xi32>,
    %get3A_49 = arith.constant 16 : index
    %get3A_50 = tpu.vector_load %arg7[%get3A_49] {strides = array<i32>} : memref<80xi32, #tpu.memory_space<vmem>>, vector<16xi32>,
    %add3A_51 = arith.constant 0 : i32
    %add3A_52 = vector.broadcast %add3A_51 : i32 to vector<16xi32>
    %add3A_53 = arith.addi %get3A_50, %add3A_52 : vector<16xi32>
    %swap3A_54 = arith.constant 16 : index
    %swap3A_55 = tpu.vector_load %arg9[%swap3A_54] {strides = array<i32>} : memref<80xi32, #tpu.memory_space<vmem>>, vector<16xi32>,
    tpu.vector_store %arg9[%swap3A_54], %add3A_53 {strides = array<i32>} : memref<80xi32, #tpu.memory_space<vmem>>, vector<16xi32>,
    %get3A_56 = arith.constant 16 : index
    %get3A_57 = tpu.vector_load %arg8[%get3A_56] {strides = array<i32>} : memref<80xi32, #tpu.memory_space<vmem>>, vector<16xi32>,
    %swap3A_58 = arith.constant 16 : index
    %swap3A_59 = tpu.vector_load %arg10[%swap3A_58] {strides = array<i32>} : memref<80xi32, #tpu.memory_space<vmem>>, vector<16xi32>,
    tpu.vector_store %arg10[%swap3A_58], %get3A_57 {strides = array<i32>} : memref<80xi32, #tpu.memory_space<vmem>>, vector<16xi32>,
    %get3A_60 = arith.constant 32 : index
    %get3A_61 = tpu.vector_load %arg7[%get3A_60] {strides = array<i32>} : memref<80xi32, #tpu.memory_space<vmem>>, vector<16xi32>,
    %add3A_62 = arith.constant 0 : i32
    %add3A_63 = vector.broadcast %add3A_62 : i32 to vector<16xi32>
    %add3A_64 = arith.addi %get3A_61, %add3A_63 : vector<16xi32>
    %swap3A_65 = arith.constant 32 : index
    %swap3A_66 = tpu.vector_load %arg9[%swap3A_65] {strides = array<i32>} : memref<80xi32, #tpu.memory_space<vmem>>, vector<16xi32>,
    tpu.vector_store %arg9[%swap3A_65], %add3A_64 {strides = array<i32>} : memref<80xi32, #tpu.memory_space<vmem>>, vector<16xi32>,
    %get3A_67 = arith.constant 32 : index
    %get3A_68 = tpu.vector_load %arg8[%get3A_67] {strides = array<i32>} : memref<80xi32, #tpu.memory_space<vmem>>, vector<16xi32>,
    %swap3A_69 = arith.constant 32 : index
    %swap3A_70 = tpu.vector_load %arg10[%swap3A_69] {strides = array<i32>} : memref<80xi32, #tpu.memory_space<vmem>>, vector<16xi32>,
    tpu.vector_store %arg10[%swap3A_69], %get3A_68 {strides = array<i32>} : memref<80xi32, #tpu.memory_space<vmem>>, vector<16xi32>,
    %get3A_71 = arith.constant 48 : index
    %get3A_72 = tpu.vector_load %arg7[%get3A_71] {strides = array<i32>} : memref<80xi32, #tpu.memory_space<vmem>>, vector<16xi32>,
    %add3A_73 = arith.constant 0 : i32
    %add3A_74 = vector.broadcast %add3A_73 : i32 to vector<16xi32>
    %add3A_75 = arith.addi %get3A_72, %add3A_74 : vector<16xi32>
    %swap3A_76 = arith.constant 48 : index
    %swap3A_77 = tpu.vector_load %arg9[%swap3A_76] {strides = array<i32>} : memref<80xi32, #tpu.memory_space<vmem>>, vector<16xi32>,
    tpu.vector_store %arg9[%swap3A_76], %add3A_75 {strides = array<i32>} : memref<80xi32, #tpu.memory_space<vmem>>, vector<16xi32>,
    %get3A_78 = arith.constant 48 : index
    %get3A_79 = tpu.vector_load %arg8[%get3A_78] {strides = array<i32>} : memref<80xi32, #tpu.memory_space<vmem>>, vector<16xi32>,
    %swap3A_80 = arith.constant 48 : index
    %swap3A_81 = tpu.vector_load %arg10[%swap3A_80] {strides = array<i32>} : memref<80xi32, #tpu.memory_space<vmem>>, vector<16xi32>,
    tpu.vector_store %arg10[%swap3A_80], %get3A_79 {strides = array<i32>} : memref<80xi32, #tpu.memory_space<vmem>>, vector<16xi32>,
    %get3A_82 = arith.constant 64 : index
    %get3A_83 = tpu.vector_load %arg7[%get3A_82] {strides = array<i32>} : memref<80xi32, #tpu.memory_space<vmem>>, vector<16xi32>,
    %add3A_84 = arith.constant 0 : i32
    %add3A_85 = vector.broadcast %add3A_84 : i32 to vector<16xi32>
    %add3A_86 = arith.addi %get3A_83, %add3A_85 : vector<16xi32>
    %swap3A_87 = arith.constant 64 : index
    %swap3A_88 = tpu.vector_load %arg9[%swap3A_87] {strides = array<i32>} : memref<80xi32, #tpu.memory_space<vmem>>, vector<16xi32>,
    tpu.vector_store %arg9[%swap3A_87], %add3A_86 {strides = array<i32>} : memref<80xi32, #tpu.memory_space<vmem>>, vector<16xi32>,
    %get3A_89 = arith.constant 64 : index
    %get3A_90 = tpu.vector_load %arg8[%get3A_89] {strides = array<i32>} : memref<80xi32, #tpu.memory_space<vmem>>, vector<16xi32>,
    %swap3A_91 = arith.constant 64 : index
    %swap3A_92 = tpu.vector_load %arg10[%swap3A_91] {strides = array<i32>} : memref<80xi32, #tpu.memory_space<vmem>>, vector<16xi32>,
    tpu.vector_store %arg10[%swap3A_91], %get3A_90 {strides = array<i32>} : memref<80xi32, #tpu.memory_space<vmem>>, vector<16xi32>,
    %dma_start3A_93 = arith.constant 0 : i32
    %dma_start3A_94 = arith.constant 0 : i32
    %dma_start3A_95 = tpu.memref_slice %arg2[%dma_start3A_93, %dma_start3A_94] : memref<10000x128xf32, #tpu.memory_space<hbm>> -> memref<10000x128xf32, #tpu.memory_space<hbm>>
    tpu.enqueue_indirect_dma source(%dma_start3A_95 : memref<10000x128xf32, #tpu.memory_space<hbm>>) target(%arg11 : memref<80x128xf32, #tpu.memory_space<vmem>>) offsets(%arg9 : memref<80xi32, #tpu.memory_space<vmem>>) semaphore(%arg21 : memref<!tpu.dma_semaphore, #tpu.memory_space<semaphore_mem>>)
    %add3A_96 = arith.constant 0 : i32
    %add3A_97 = arith.addi %add3A_96, %add3A_39 : i32
    %dma_start3A_98 = arith.constant 0 : i32
    %dma_start3A_99 = tpu.memref_slice %arg3[%add3A_97, %dma_start3A_98] : memref<320000x64xi32, #tpu.memory_space<hbm>> -> memref<80x64xi32, #tpu.memory_space<hbm>>
    %dma_start3A_100 = arith.constant 0 : i32
    %dma_start3A_101 = tpu.memref_slice %arg3[%add3A_97, %dma_start3A_100] : memref<320000x64xi32, #tpu.memory_space<hbm>> -> memref<80x64xi32, #tpu.memory_space<hbm>>
    tpu.enqueue_dma source(%dma_start3A_101 : memref<80x64xi32, #tpu.memory_space<hbm>>) target(%arg12 : memref<80x64xi32, #tpu.memory_space<vmem>>) target_semaphore(%arg22 : memref<!tpu.dma_semaphore, #tpu.memory_space<semaphore_mem>>)
    %scan3A_102 = arith.constant 0 : i32
    %scan3A_103 = arith.constant 0 : i32
    %scan3A_104 = arith.constant 62 : i32
    %scan3A_105 = arith.addi %scan3A_103, %scan3A_104 : i32
    %scan3A_106 = arith.constant 1 : i32
    %scan3A_107 = scf.for %scan3A_144 = %scan3A_103 to %scan3A_105 step %scan3A_106 iter_args(%scan3A_145 = %scan3A_102) -> (i32)  : i32 {
      %mul3A_146 = arith.constant 2 : i32
      %mul3A_147 = arith.muli %scan3A_144, %mul3A_146 : i32
      %add3A_148 = arith.constant 1 : i32
      %add3A_149 = arith.addi %mul3A_147, %add3A_148 : i32
      %lt3A = arith.constant 125 : i32
      %lt3A_150 = arith.cmpi slt, %add3A_149, %lt3A : i32
      %convert_element_type3A_151 = arith.extui %lt3A_150 : i1 to i32
      %cond3A_152 = arith.constant 0 : i32
      %cond3A_153 = arith.cmpi ne, %convert_element_type3A_151, %cond3A_152 : i32
      scf.if %cond3A_153 {
        %ge3A = arith.constant 1 : i32
        %ge3A_204 = arith.cmpi sge, %mul3A_147, %ge3A : i32
        %convert_element_type3A_205 = arith.extui %ge3A_204 : i1 to i32
        %cond3A_206 = arith.constant 0 : i32
        %cond3A_207 = arith.cmpi ne, %convert_element_type3A_205, %cond3A_206 : i32
        scf.if %cond3A_207 {
          %dma_wait3A_292 = arith.constant 0 : i32
          %dma_wait3A_293 = arith.constant 0 : i32
          %dma_wait3A_294 = tpu.memref_slice %arg19[%dma_wait3A_292, %dma_wait3A_293] : memref<10000x128xf32, #tpu.memory_space<vmem_shared>> -> memref<10000x128xf32, #tpu.memory_space<vmem_shared>>
          tpu.wait_indirect_dma semaphore(%arg27 : memref<!tpu.dma_semaphore, #tpu.memory_space<semaphore_mem>>) src(%arg17 : memref<80x128xf32, #tpu.memory_space<vmem>>) dst(%dma_wait3A_294 : memref<10000x128xf32, #tpu.memory_space<vmem_shared>>)
        } else {
        }
        %dma_wait3A_208 = arith.constant 0 : i32
        %dma_wait3A_209 = tpu.memref_slice %arg4[%dma_wait3A_208] : memref<320000xi32, #tpu.memory_space<hbm>> -> memref<80xi32, #tpu.memory_space<hbm>>
        %dma_wait3A_210 = arith.constant 0 : i32
        %dma_wait3A_211 = tpu.memref_slice %arg4[%dma_wait3A_210] : memref<320000xi32, #tpu.memory_space<hbm>> -> memref<80xi32, #tpu.memory_space<hbm>>
        tpu.wait_dma2 semaphore(%arg24 : memref<!tpu.dma_semaphore, #tpu.memory_space<semaphore_mem>>) src(%dma_wait3A_211 : memref<80xi32, #tpu.memory_space<hbm>>) dst(%arg13 : memref<80xi32, #tpu.memory_space<vmem>>)
        %dma_wait3A_212 = arith.constant 0 : i32
        %dma_wait3A_213 = tpu.memref_slice %arg5[%dma_wait3A_212] : memref<320000xi32, #tpu.memory_space<hbm>> -> memref<80xi32, #tpu.memory_space<hbm>>
        %dma_wait3A_214 = arith.constant 0 : i32
        %dma_wait3A_215 = tpu.memref_slice %arg5[%dma_wait3A_214] : memref<320000xi32, #tpu.memory_space<hbm>> -> memref<80xi32, #tpu.memory_space<hbm>>
        tpu.wait_dma2 semaphore(%arg24 : memref<!tpu.dma_semaphore, #tpu.memory_space<semaphore_mem>>) src(%dma_wait3A_215 : memref<80xi32, #tpu.memory_space<hbm>>) dst(%arg14 : memref<80xi32, #tpu.memory_space<vmem>>)
        %add3A_216 = arith.constant 1 : i32
        %add3A_217 = arith.addi %mul3A_147, %add3A_216 : i32
        %mul3A_218 = arith.constant 80 : i32
        %mul3A_219 = arith.muli %add3A_217, %mul3A_218 : i32
        %add3A_220 = arith.addi %mul3A_19, %mul3A_219 : i32
        %get3A_221 = arith.constant 0 : index
        %get3A_222 = tpu.vector_load %arg13[%get3A_221] {strides = array<i32>} : memref<80xi32, #tpu.memory_space<vmem>>, vector<16xi32>,
        %add3A_223 = arith.constant 0 : i32
        %add3A_224 = vector.broadcast %add3A_223 : i32 to vector<16xi32>
        %add3A_225 = arith.addi %get3A_222, %add3A_224 : vector<16xi32>
        %swap3A_226 = arith.constant 0 : index
        %swap3A_227 = tpu.vector_load %arg15[%swap3A_226] {strides = array<i32>} : memref<80xi32, #tpu.memory_space<vmem>>, vector<16xi32>,
        tpu.vector_store %arg15[%swap3A_226], %add3A_225 {strides = array<i32>} : memref<80xi32, #tpu.memory_space<vmem>>, vector<16xi32>,
        %get3A_228 = arith.constant 0 : index
        %get3A_229 = tpu.vector_load %arg14[%get3A_228] {strides = array<i32>} : memref<80xi32, #tpu.memory_space<vmem>>, vector<16xi32>,
        %swap3A_230 = arith.constant 0 : index
        %swap3A_231 = tpu.vector_load %arg16[%swap3A_230] {strides = array<i32>} : memref<80xi32, #tpu.memory_space<vmem>>, vector<16xi32>,
        tpu.vector_store %arg16[%swap3A_230], %get3A_229 {strides = array<i32>} : memref<80xi32, #tpu.memory_space<vmem>>, vector<16xi32>,
        %get3A_232 = arith.constant 16 : index
        %get3A_233 = tpu.vector_load %arg13[%get3A_232] {strides = array<i32>} : memref<80xi32, #tpu.memory_space<vmem>>, vector<16xi32>,
        %add3A_234 = arith.constant 0 : i32
        %add3A_235 = vector.broadcast %add3A_234 : i32 to vector<16xi32>
        %add3A_236 = arith.addi %get3A_233, %add3A_235 : vector<16xi32>
        %swap3A_237 = arith.constant 16 : index
        %swap3A_238 = tpu.vector_load %arg15[%swap3A_237] {strides = array<i32>} : memref<80xi32, #tpu.memory_space<vmem>>, vector<16xi32>,
        tpu.vector_store %arg15[%swap3A_237], %add3A_236 {strides = array<i32>} : memref<80xi32, #tpu.memory_space<vmem>>, vector<16xi32>,
        %get3A_239 = arith.constant 16 : index
        %get3A_240 = tpu.vector_load %arg14[%get3A_239] {strides = array<i32>} : memref<80xi32, #tpu.memory_space<vmem>>, vector<16xi32>,
        %swap3A_241 = arith.constant 16 : index
        %swap3A_242 = tpu.vector_load %arg16[%swap3A_241] {strides = array<i32>} : memref<80xi32, #tpu.memory_space<vmem>>, vector<16xi32>,
        tpu.vector_store %arg16[%swap3A_241], %get3A_240 {strides = array<i32>} : memref<80xi32, #tpu.memory_space<vmem>>, vector<16xi32>,
        %get3A_243 = arith.constant 32 : index
        %get3A_244 = tpu.vector_load %arg13[%get3A_243] {strides = array<i32>} : memref<80xi32, #tpu.memory_space<vmem>>, vector<16xi32>,
        %add3A_245 = arith.constant 0 : i32
        %add3A_246 = vector.broadcast %add3A_245 : i32 to vector<16xi32>
        %add3A_247 = arith.addi %get3A_244, %add3A_246 : vector<16xi32>
        %swap3A_248 = arith.constant 32 : index
        %swap3A_249 = tpu.vector_load %arg15[%swap3A_248] {strides = array<i32>} : memref<80xi32, #tpu.memory_space<vmem>>, vector<16xi32>,
        tpu.vector_store %arg15[%swap3A_248], %add3A_247 {strides = array<i32>} : memref<80xi32, #tpu.memory_space<vmem>>, vector<16xi32>,
        %get3A_250 = arith.constant 32 : index
        %get3A_251 = tpu.vector_load %arg14[%get3A_250] {strides = array<i32>} : memref<80xi32, #tpu.memory_space<vmem>>, vector<16xi32>,
        %swap3A_252 = arith.constant 32 : index
        %swap3A_253 = tpu.vector_load %arg16[%swap3A_252] {strides = array<i32>} : memref<80xi32, #tpu.memory_space<vmem>>, vector<16xi32>,
        tpu.vector_store %arg16[%swap3A_252], %get3A_251 {strides = array<i32>} : memref<80xi32, #tpu.memory_space<vmem>>, vector<16xi32>,
        %get3A_254 = arith.constant 48 : index
        %get3A_255 = tpu.vector_load %arg13[%get3A_254] {strides = array<i32>} : memref<80xi32, #tpu.memory_space<vmem>>, vector<16xi32>,
        %add3A_256 = arith.constant 0 : i32
        %add3A_257 = vector.broadcast %add3A_256 : i32 to vector<16xi32>
        %add3A_258 = arith.addi %get3A_255, %add3A_257 : vector<16xi32>
        %swap3A_259 = arith.constant 48 : index
        %swap3A_260 = tpu.vector_load %arg15[%swap3A_259] {strides = array<i32>} : memref<80xi32, #tpu.memory_space<vmem>>, vector<16xi32>,
        tpu.vector_store %arg15[%swap3A_259], %add3A_258 {strides = array<i32>} : memref<80xi32, #tpu.memory_space<vmem>>, vector<16xi32>,
        %get3A_261 = arith.constant 48 : index
        %get3A_262 = tpu.vector_load %arg14[%get3A_261] {strides = array<i32>} : memref<80xi32, #tpu.memory_space<vmem>>, vector<16xi32>,
        %swap3A_263 = arith.constant 48 : index
        %swap3A_264 = tpu.vector_load %arg16[%swap3A_263] {strides = array<i32>} : memref<80xi32, #tpu.memory_space<vmem>>, vector<16xi32>,
        tpu.vector_store %arg16[%swap3A_263], %get3A_262 {strides = array<i32>} : memref<80xi32, #tpu.memory_space<vmem>>, vector<16xi32>,
        %get3A_265 = arith.constant 64 : index
        %get3A_266 = tpu.vector_load %arg13[%get3A_265] {strides = array<i32>} : memref<80xi32, #tpu.memory_space<vmem>>, vector<16xi32>,
        %add3A_267 = arith.constant 0 : i32
        %add3A_268 = vector.broadcast %add3A_267 : i32 to vector<16xi32>
        %add3A_269 = arith.addi %get3A_266, %add3A_268 : vector<16xi32>
        %swap3A_270 = arith.constant 64 : index
        %swap3A_271 = tpu.vector_load %arg15[%swap3A_270] {strides = array<i32>} : memref<80xi32, #tpu.memory_space<vmem>>, vector<16xi32>,
        tpu.vector_store %arg15[%swap3A_270], %add3A_269 {strides = array<i32>} : memref<80xi32, #tpu.memory_space<vmem>>, vector<16xi32>,
        %get3A_272 = arith.constant 64 : index
        %get3A_273 = tpu.vector_load %arg14[%get3A_272] {strides = array<i32>} : memref<80xi32, #tpu.memory_space<vmem>>, vector<16xi32>,
        %swap3A_274 = arith.constant 64 : index
        %swap3A_275 = tpu.vector_load %arg16[%swap3A_274] {strides = array<i32>} : memref<80xi32, #tpu.memory_space<vmem>>, vector<16xi32>,
        tpu.vector_store %arg16[%swap3A_274], %get3A_273 {strides = array<i32>} : memref<80xi32, #tpu.memory_space<vmem>>, vector<16xi32>,
        %dma_start3A_276 = arith.constant 0 : i32
        %dma_start3A_277 = arith.constant 0 : i32
        %dma_start3A_278 = tpu.memref_slice %arg2[%dma_start3A_276, %dma_start3A_277] : memref<10000x128xf32, #tpu.memory_space<hbm>> -> memref<10000x128xf32, #tpu.memory_space<hbm>>
        tpu.enqueue_indirect_dma source(%dma_start3A_278 : memref<10000x128xf32, #tpu.memory_space<hbm>>) target(%arg17 : memref<80x128xf32, #tpu.memory_space<vmem>>) offsets(%arg15 : memref<80xi32, #tpu.memory_space<vmem>>) semaphore(%arg25 : memref<!tpu.dma_semaphore, #tpu.memory_space<semaphore_mem>>)
        %add3A_279 = arith.constant 0 : i32
        %add3A_280 = arith.addi %add3A_279, %add3A_220 : i32
        %dma_start3A_281 = arith.constant 0 : i32
        %dma_start3A_282 = tpu.memref_slice %arg3[%add3A_280, %dma_start3A_281] : memref<320000x64xi32, #tpu.memory_space<hbm>> -> memref<80x64xi32, #tpu.memory_space<hbm>>
        %dma_start3A_283 = arith.constant 0 : i32
        %dma_start3A_284 = tpu.memref_slice %arg3[%add3A_280, %dma_start3A_283] : memref<320000x64xi32, #tpu.memory_space<hbm>> -> memref<80x64xi32, #tpu.memory_space<hbm>>
        tpu.enqueue_dma source(%dma_start3A_284 : memref<80x64xi32, #tpu.memory_space<hbm>>) target(%arg18 : memref<80x64xi32, #tpu.memory_space<vmem>>) target_semaphore(%arg26 : memref<!tpu.dma_semaphore, #tpu.memory_space<semaphore_mem>>)
        %add3A_285 = arith.constant 2 : i32
        %add3A_286 = arith.addi %mul3A_147, %add3A_285 : i32
        %lt3A_287 = arith.constant 125 : i32
        %lt3A_288 = arith.cmpi slt, %add3A_286, %lt3A_287 : i32
        %convert_element_type3A_289 = arith.extui %lt3A_288 : i1 to i32
        %cond3A_290 = arith.constant 0 : i32
        %cond3A_291 = arith.cmpi ne, %convert_element_type3A_289, %cond3A_290 : i32
        scf.if %cond3A_291 {
          %add3A_292 = arith.constant 2 : i32
          %add3A_293 = arith.addi %mul3A_147, %add3A_292 : i32
          %mul3A_294 = arith.constant 80 : i32
          %mul3A_295 = arith.muli %add3A_293, %mul3A_294 : i32
          %add3A_296 = arith.addi %mul3A_19, %mul3A_295 : i32
          %dma_start3A_297 = tpu.memref_slice %arg4[%add3A_296] : memref<320000xi32, #tpu.memory_space<hbm>> -> memref<80xi32, #tpu.memory_space<hbm>>
          %dma_start3A_298 = tpu.memref_slice %arg4[%add3A_296] : memref<320000xi32, #tpu.memory_space<hbm>> -> memref<80xi32, #tpu.memory_space<hbm>>
          tpu.enqueue_dma source(%dma_start3A_298 : memref<80xi32, #tpu.memory_space<hbm>>) target(%arg7 : memref<80xi32, #tpu.memory_space<vmem>>) target_semaphore(%arg20 : memref<!tpu.dma_semaphore, #tpu.memory_space<semaphore_mem>>)
          %dma_start3A_299 = tpu.memref_slice %arg5[%add3A_296] : memref<320000xi32, #tpu.memory_space<hbm>> -> memref<80xi32, #tpu.memory_space<hbm>>
          %dma_start3A_300 = tpu.memref_slice %arg5[%add3A_296] : memref<320000xi32, #tpu.memory_space<hbm>> -> memref<80xi32, #tpu.memory_space<hbm>>
          tpu.enqueue_dma source(%dma_start3A_300 : memref<80xi32, #tpu.memory_space<hbm>>) target(%arg8 : memref<80xi32, #tpu.memory_space<vmem>>) target_semaphore(%arg20 : memref<!tpu.dma_semaphore, #tpu.memory_space<semaphore_mem>>)
        } else {
        }
      } else {
      }
      %dma_wait3A_154 = arith.constant 0 : i32
      %dma_wait3A_155 = arith.constant 0 : i32
      %dma_wait3A_156 = tpu.memref_slice %arg2[%dma_wait3A_154, %dma_wait3A_155] : memref<10000x128xf32, #tpu.memory_space<hbm>> -> memref<10000x128xf32, #tpu.memory_space<hbm>>
      tpu.wait_indirect_dma semaphore(%arg21 : memref<!tpu.dma_semaphore, #tpu.memory_space<semaphore_mem>>) src(%dma_wait3A_156 : memref<10000x128xf32, #tpu.memory_space<hbm>>) dst(%arg11 : memref<80x128xf32, #tpu.memory_space<vmem>>)
      %dma_wait3A_157 = arith.constant 0 : i32
      %dma_wait3A_158 = arith.constant 0 : i32
      %dma_wait3A_159 = tpu.memref_slice %arg3[%dma_wait3A_157, %dma_wait3A_158] : memref<320000x64xi32, #tpu.memory_space<hbm>> -> memref<80x64xi32, #tpu.memory_space<hbm>>
      %dma_wait3A_160 = arith.constant 0 : i32
      %dma_wait3A_161 = arith.constant 0 : i32
      %dma_wait3A_162 = tpu.memref_slice %arg3[%dma_wait3A_160, %dma_wait3A_161] : memref<320000x64xi32, #tpu.memory_space<hbm>> -> memref<80x64xi32, #tpu.memory_space<hbm>>
      tpu.wait_dma2 semaphore(%arg22 : memref<!tpu.dma_semaphore, #tpu.memory_space<semaphore_mem>>) src(%dma_wait3A_162 : memref<80x64xi32, #tpu.memory_space<hbm>>) dst(%arg12 : memref<80x64xi32, #tpu.memory_space<vmem>>)
      %scan3A_163 = arith.constant 0 : i32
      %scan3A_164 = arith.constant 0 : i32
      %scan3A_165 = arith.constant 80 : i32
      %scan3A_166 = arith.addi %scan3A_164, %scan3A_165 : i32
      %scan3A_167 = arith.constant 1 : i32
      %scan3A_168 = scf.for %scan3A_204 = %scan3A_164 to %scan3A_166 step %scan3A_167 iter_args(%scan3A_205 = %scan3A_163) -> (i32)  : i32 {
        %get3A_206 = arith.index_cast %scan3A_204 : i32 to index
        %get3A_207 = arith.constant 0 : index
        %get3A_208 = tpu.vector_load %arg12[%get3A_206, %get3A_207] {strides = array<i32>} : memref<80x64xi32, #tpu.memory_space<vmem>>, vector<16xi32>,
        %shift_left3A = arith.constant 16 : i32
        %shift_left3A_209 = vector.broadcast %shift_left3A : i32 to vector<16xi32>
        %shift_left3A_210 = arith.shli %get3A_208, %shift_left3A_209 : vector<16xi32>
        %bitcast3A = vector.bitcast %shift_left3A_210 : vector<16xi32> to vector<16xf32>
        %and3A = arith.constant -65536 : i32
        %and3A_211 = vector.broadcast %and3A : i32 to vector<16xi32>
        %and3A_212 = arith.andi %get3A_208, %and3A_211 : vector<16xi32>
        %bitcast3A_213 = vector.bitcast %and3A_212 : vector<16xi32> to vector<16xf32>
        %get3A_214 = arith.index_cast %scan3A_204 : i32 to index
        %get3A_215 = arith.constant 0 : index
        %get3A_216 = tpu.vector_load %arg11[%get3A_214, %get3A_215] {strides = array<i32>} : memref<80x128xf32, #tpu.memory_space<vmem>>, vector<16xf32>,
        %add3A_217 = arith.addf %get3A_216, %bitcast3A : vector<16xf32>
        %max3A = arith.constant 0.000000e+00 : f32
        %max3A_218 = vector.broadcast %max3A : f32 to vector<16xf32>
        %max3A_219 = arith.maximumf %add3A_217, %max3A_218 : vector<16xf32>
        %swap3A_220 = arith.index_cast %scan3A_204 : i32 to index
        %swap3A_221 = arith.constant 0 : index
        %swap3A_222 = tpu.vector_load %arg11[%swap3A_220, %swap3A_221] {strides = array<i32>} : memref<80x128xf32, #tpu.memory_space<vmem>>, vector<16xf32>,
        tpu.vector_store %arg11[%swap3A_220, %swap3A_221], %max3A_219 {strides = array<i32>} : memref<80x128xf32, #tpu.memory_space<vmem>>, vector<16xf32>,
        %get3A_223 = arith.index_cast %scan3A_204 : i32 to index
        %get3A_224 = arith.constant 16 : index
        %get3A_225 = tpu.vector_load %arg11[%get3A_223, %get3A_224] {strides = array<i32>} : memref<80x128xf32, #tpu.memory_space<vmem>>, vector<16xf32>,
        %add3A_226 = arith.addf %get3A_225, %bitcast3A_213 : vector<16xf32>
        %max3A_227 = arith.constant 0.000000e+00 : f32
        %max3A_228 = vector.broadcast %max3A_227 : f32 to vector<16xf32>
        %max3A_229 = arith.maximumf %add3A_226, %max3A_228 : vector<16xf32>
        %swap3A_230 = arith.index_cast %scan3A_204 : i32 to index
        %swap3A_231 = arith.constant 16 : index
        %swap3A_232 = tpu.vector_load %arg11[%swap3A_230, %swap3A_231] {strides = array<i32>} : memref<80x128xf32, #tpu.memory_space<vmem>>, vector<16xf32>,
        tpu.vector_store %arg11[%swap3A_230, %swap3A_231], %max3A_229 {strides = array<i32>} : memref<80x128xf32, #tpu.memory_space<vmem>>, vector<16xf32>,
        %get3A_233 = arith.index_cast %scan3A_204 : i32 to index
        %get3A_234 = arith.constant 16 : index
        %get3A_235 = tpu.vector_load %arg12[%get3A_233, %get3A_234] {strides = array<i32>} : memref<80x64xi32, #tpu.memory_space<vmem>>, vector<16xi32>,
        %shift_left3A_236 = arith.constant 16 : i32
        %shift_left3A_237 = vector.broadcast %shift_left3A_236 : i32 to vector<16xi32>
        %shift_left3A_238 = arith.shli %get3A_235, %shift_left3A_237 : vector<16xi32>
        %bitcast3A_239 = vector.bitcast %shift_left3A_238 : vector<16xi32> to vector<16xf32>
        %and3A_240 = arith.constant -65536 : i32
        %and3A_241 = vector.broadcast %and3A_240 : i32 to vector<16xi32>
        %and3A_242 = arith.andi %get3A_235, %and3A_241 : vector<16xi32>
        %bitcast3A_243 = vector.bitcast %and3A_242 : vector<16xi32> to vector<16xf32>
        %get3A_244 = arith.index_cast %scan3A_204 : i32 to index
        %get3A_245 = arith.constant 32 : index
        %get3A_246 = tpu.vector_load %arg11[%get3A_244, %get3A_245] {strides = array<i32>} : memref<80x128xf32, #tpu.memory_space<vmem>>, vector<16xf32>,
        %add3A_247 = arith.addf %get3A_246, %bitcast3A_239 : vector<16xf32>
        %max3A_248 = arith.constant 0.000000e+00 : f32
        %max3A_249 = vector.broadcast %max3A_248 : f32 to vector<16xf32>
        %max3A_250 = arith.maximumf %add3A_247, %max3A_249 : vector<16xf32>
        %swap3A_251 = arith.index_cast %scan3A_204 : i32 to index
        %swap3A_252 = arith.constant 32 : index
        %swap3A_253 = tpu.vector_load %arg11[%swap3A_251, %swap3A_252] {strides = array<i32>} : memref<80x128xf32, #tpu.memory_space<vmem>>, vector<16xf32>,
        tpu.vector_store %arg11[%swap3A_251, %swap3A_252], %max3A_250 {strides = array<i32>} : memref<80x128xf32, #tpu.memory_space<vmem>>, vector<16xf32>,
        %get3A_254 = arith.index_cast %scan3A_204 : i32 to index
        %get3A_255 = arith.constant 48 : index
        %get3A_256 = tpu.vector_load %arg11[%get3A_254, %get3A_255] {strides = array<i32>} : memref<80x128xf32, #tpu.memory_space<vmem>>, vector<16xf32>,
        %add3A_257 = arith.addf %get3A_256, %bitcast3A_243 : vector<16xf32>
        %max3A_258 = arith.constant 0.000000e+00 : f32
        %max3A_259 = vector.broadcast %max3A_258 : f32 to vector<16xf32>
        %max3A_260 = arith.maximumf %add3A_257, %max3A_259 : vector<16xf32>
        %swap3A_261 = arith.index_cast %scan3A_204 : i32 to index
        %swap3A_262 = arith.constant 48 : index
        %swap3A_263 = tpu.vector_load %arg11[%swap3A_261, %swap3A_262] {strides = array<i32>} : memref<80x128xf32, #tpu.memory_space<vmem>>, vector<16xf32>,
        tpu.vector_store %arg11[%swap3A_261, %swap3A_262], %max3A_260 {strides = array<i32>} : memref<80x128xf32, #tpu.memory_space<vmem>>, vector<16xf32>,
        %get3A_264 = arith.index_cast %scan3A_204 : i32 to index
        %get3A_265 = arith.constant 32 : index
        %get3A_266 = tpu.vector_load %arg12[%get3A_264, %get3A_265] {strides = array<i32>} : memref<80x64xi32, #tpu.memory_space<vmem>>, vector<16xi32>,
        %shift_left3A_267 = arith.constant 16 : i32
        %shift_left3A_268 = vector.broadcast %shift_left3A_267 : i32 to vector<16xi32>
        %shift_left3A_269 = arith.shli %get3A_266, %shift_left3A_268 : vector<16xi32>
        %bitcast3A_270 = vector.bitcast %shift_left3A_269 : vector<16xi32> to vector<16xf32>
        %and3A_271 = arith.constant -65536 : i32
        %and3A_272 = vector.broadcast %and3A_271 : i32 to vector<16xi32>
        %and3A_273 = arith.andi %get3A_266, %and3A_272 : vector<16xi32>
        %bitcast3A_274 = vector.bitcast %and3A_273 : vector<16xi32> to vector<16xf32>
        %get3A_275 = arith.index_cast %scan3A_204 : i32 to index
        %get3A_276 = arith.constant 64 : index
        %get3A_277 = tpu.vector_load %arg11[%get3A_275, %get3A_276] {strides = array<i32>} : memref<80x128xf32, #tpu.memory_space<vmem>>, vector<16xf32>,
        %add3A_278 = arith.addf %get3A_277, %bitcast3A_270 : vector<16xf32>
        %max3A_279 = arith.constant 0.000000e+00 : f32
        %max3A_280 = vector.broadcast %max3A_279 : f32 to vector<16xf32>
        %max3A_281 = arith.maximumf %add3A_278, %max3A_280 : vector<16xf32>
        %swap3A_282 = arith.index_cast %scan3A_204 : i32 to index
        %swap3A_283 = arith.constant 64 : index
        %swap3A_284 = tpu.vector_load %arg11[%swap3A_282, %swap3A_283] {strides = array<i32>} : memref<80x128xf32, #tpu.memory_space<vmem>>, vector<16xf32>,
        tpu.vector_store %arg11[%swap3A_282, %swap3A_283], %max3A_281 {strides = array<i32>} : memref<80x128xf32, #tpu.memory_space<vmem>>, vector<16xf32>,
        %get3A_285 = arith.index_cast %scan3A_204 : i32 to index
        %get3A_286 = arith.constant 80 : index
        %get3A_287 = tpu.vector_load %arg11[%get3A_285, %get3A_286] {strides = array<i32>} : memref<80x128xf32, #tpu.memory_space<vmem>>, vector<16xf32>,
        %add3A_288 = arith.addf %get3A_287, %bitcast3A_274 : vector<16xf32>
        %max3A_289 = arith.constant 0.000000e+00 : f32
        %max3A_290 = vector.broadcast %max3A_289 : f32 to vector<16xf32>
        %max3A_291 = arith.maximumf %add3A_288, %max3A_290 : vector<16xf32>
        %swap3A_292 = arith.index_cast %scan3A_204 : i32 to index
        %swap3A_293 = arith.constant 80 : index
        %swap3A_294 = tpu.vector_load %arg11[%swap3A_292, %swap3A_293] {strides = array<i32>} : memref<80x128xf32, #tpu.memory_space<vmem>>, vector<16xf32>,
        tpu.vector_store %arg11[%swap3A_292, %swap3A_293], %max3A_291 {strides = array<i32>} : memref<80x128xf32, #tpu.memory_space<vmem>>, vector<16xf32>,
        %get3A_295 = arith.index_cast %scan3A_204 : i32 to index
        %get3A_296 = arith.constant 48 : index
        %get3A_297 = tpu.vector_load %arg12[%get3A_295, %get3A_296] {strides = array<i32>} : memref<80x64xi32, #tpu.memory_space<vmem>>, vector<16xi32>,
        %shift_left3A_298 = arith.constant 16 : i32
        %shift_left3A_299 = vector.broadcast %shift_left3A_298 : i32 to vector<16xi32>
        %shift_left3A_300 = arith.shli %get3A_297, %shift_left3A_299 : vector<16xi32>
        %bitcast3A_301 = vector.bitcast %shift_left3A_300 : vector<16xi32> to vector<16xf32>
        %and3A_302 = arith.constant -65536 : i32
        %and3A_303 = vector.broadcast %and3A_302 : i32 to vector<16xi32>
        %and3A_304 = arith.andi %get3A_297, %and3A_303 : vector<16xi32>
        %bitcast3A_305 = vector.bitcast %and3A_304 : vector<16xi32> to vector<16xf32>
        %get3A_306 = arith.index_cast %scan3A_204 : i32 to index
        %get3A_307 = arith.constant 96 : index
        %get3A_308 = tpu.vector_load %arg11[%get3A_306, %get3A_307] {strides = array<i32>} : memref<80x128xf32, #tpu.memory_space<vmem>>, vector<16xf32>,
        %add3A_309 = arith.addf %get3A_308, %bitcast3A_301 : vector<16xf32>
        %max3A_310 = arith.constant 0.000000e+00 : f32
        %max3A_311 = vector.broadcast %max3A_310 : f32 to vector<16xf32>
        %max3A_312 = arith.maximumf %add3A_309, %max3A_311 : vector<16xf32>
        %swap3A_313 = arith.index_cast %scan3A_204 : i32 to index
        %swap3A_314 = arith.constant 96 : index
        %swap3A_315 = tpu.vector_load %arg11[%swap3A_313, %swap3A_314] {strides = array<i32>} : memref<80x128xf32, #tpu.memory_space<vmem>>, vector<16xf32>,
        tpu.vector_store %arg11[%swap3A_313, %swap3A_314], %max3A_312 {strides = array<i32>} : memref<80x128xf32, #tpu.memory_space<vmem>>, vector<16xf32>,
        %get3A_316 = arith.index_cast %scan3A_204 : i32 to index
        %get3A_317 = arith.constant 112 : index
        %get3A_318 = tpu.vector_load %arg11[%get3A_316, %get3A_317] {strides = array<i32>} : memref<80x128xf32, #tpu.memory_space<vmem>>, vector<16xf32>,
        %add3A_319 = arith.addf %get3A_318, %bitcast3A_305 : vector<16xf32>
        %max3A_320 = arith.constant 0.000000e+00 : f32
        %max3A_321 = vector.broadcast %max3A_320 : f32 to vector<16xf32>
        %max3A_322 = arith.maximumf %add3A_319, %max3A_321 : vector<16xf32>
        %swap3A_323 = arith.index_cast %scan3A_204 : i32 to index
        %swap3A_324 = arith.constant 112 : index
        %swap3A_325 = tpu.vector_load %arg11[%swap3A_323, %swap3A_324] {strides = array<i32>} : memref<80x128xf32, #tpu.memory_space<vmem>>, vector<16xf32>,
        tpu.vector_store %arg11[%swap3A_323, %swap3A_324], %max3A_322 {strides = array<i32>} : memref<80x128xf32, #tpu.memory_space<vmem>>, vector<16xf32>,
        %scan3A_326 = arith.constant 0 : i32
        scf.yield %scan3A_326 : i32
      }
      %scan3A_169 = arith.constant 80 : i32
      %dma_start3A_170 = arith.constant 0 : i32
      %dma_start3A_171 = arith.constant 0 : i32
      %dma_start3A_172 = tpu.memref_slice %arg19[%dma_start3A_170, %dma_start3A_171] : memref<10000x128xf32, #tpu.memory_space<vmem_shared>> -> memref<10000x128xf32, #tpu.memory_space<vmem_shared>>
      tpu.enqueue_indirect_dma source(%arg11 : memref<80x128xf32, #tpu.memory_space<vmem>>) target(%dma_start3A_172 : memref<10000x128xf32, #tpu.memory_space<vmem_shared>>) offsets(%arg10 : memref<80xi32, #tpu.memory_space<vmem>>) semaphore(%arg23 : memref<!tpu.dma_semaphore, #tpu.memory_space<semaphore_mem>>) {add = true}
      %mul3A_173 = arith.constant 2 : i32
      %mul3A_174 = arith.muli %scan3A_144, %mul3A_173 : i32
      %add3A_175 = arith.constant 1 : i32
      %add3A_176 = arith.addi %mul3A_174, %add3A_175 : i32
      %add3A_177 = arith.constant 1 : i32
      %add3A_178 = arith.addi %add3A_176, %add3A_177 : i32
      %lt3A_179 = arith.constant 125 : i32
      %lt3A_180 = arith.cmpi slt, %add3A_178, %lt3A_179 : i32
      %convert_element_type3A_181 = arith.extui %lt3A_180 : i1 to i32
      %cond3A_182 = arith.constant 0 : i32
      %cond3A_183 = arith.cmpi ne, %convert_element_type3A_181, %cond3A_182 : i32
      scf.if %cond3A_183 {
        %ge3A = arith.constant 1 : i32
        %ge3A_204 = arith.cmpi sge, %add3A_176, %ge3A : i32
        %convert_element_type3A_205 = arith.extui %ge3A_204 : i1 to i32
        %cond3A_206 = arith.constant 0 : i32
        %cond3A_207 = arith.cmpi ne, %convert_element_type3A_205, %cond3A_206 : i32
        scf.if %cond3A_207 {
          %dma_wait3A_292 = arith.constant 0 : i32
          %dma_wait3A_293 = arith.constant 0 : i32
          %dma_wait3A_294 = tpu.memref_slice %arg19[%dma_wait3A_292, %dma_wait3A_293] : memref<10000x128xf32, #tpu.memory_space<vmem_shared>> -> memref<10000x128xf32, #tpu.memory_space<vmem_shared>>
          tpu.wait_indirect_dma semaphore(%arg23 : memref<!tpu.dma_semaphore, #tpu.memory_space<semaphore_mem>>) src(%arg11 : memref<80x128xf32, #tpu.memory_space<vmem>>) dst(%dma_wait3A_294 : memref<10000x128xf32, #tpu.memory_space<vmem_shared>>)
        } else {
        }
        %dma_wait3A_208 = arith.constant 0 : i32
        %dma_wait3A_209 = tpu.memref_slice %arg4[%dma_wait3A_208] : memref<320000xi32, #tpu.memory_space<hbm>> -> memref<80xi32, #tpu.memory_space<hbm>>
        %dma_wait3A_210 = arith.constant 0 : i32
        %dma_wait3A_211 = tpu.memref_slice %arg4[%dma_wait3A_210] : memref<320000xi32, #tpu.memory_space<hbm>> -> memref<80xi32, #tpu.memory_space<hbm>>
        tpu.wait_dma2 semaphore(%arg20 : memref<!tpu.dma_semaphore, #tpu.memory_space<semaphore_mem>>) src(%dma_wait3A_211 : memref<80xi32, #tpu.memory_space<hbm>>) dst(%arg7 : memref<80xi32, #tpu.memory_space<vmem>>)
        %dma_wait3A_212 = arith.constant 0 : i32
        %dma_wait3A_213 = tpu.memref_slice %arg5[%dma_wait3A_212] : memref<320000xi32, #tpu.memory_space<hbm>> -> memref<80xi32, #tpu.memory_space<hbm>>
        %dma_wait3A_214 = arith.constant 0 : i32
        %dma_wait3A_215 = tpu.memref_slice %arg5[%dma_wait3A_214] : memref<320000xi32, #tpu.memory_space<hbm>> -> memref<80xi32, #tpu.memory_space<hbm>>
        tpu.wait_dma2 semaphore(%arg20 : memref<!tpu.dma_semaphore, #tpu.memory_space<semaphore_mem>>) src(%dma_wait3A_215 : memref<80xi32, #tpu.memory_space<hbm>>) dst(%arg8 : memref<80xi32, #tpu.memory_space<vmem>>)
        %add3A_216 = arith.constant 1 : i32
        %add3A_217 = arith.addi %add3A_176, %add3A_216 : i32
        %mul3A_218 = arith.constant 80 : i32
        %mul3A_219 = arith.muli %add3A_217, %mul3A_218 : i32
        %add3A_220 = arith.addi %mul3A_19, %mul3A_219 : i32
        %get3A_221 = arith.constant 0 : index
        %get3A_222 = tpu.vector_load %arg7[%get3A_221] {strides = array<i32>} : memref<80xi32, #tpu.memory_space<vmem>>, vector<16xi32>,
        %add3A_223 = arith.constant 0 : i32
        %add3A_224 = vector.broadcast %add3A_223 : i32 to vector<16xi32>
        %add3A_225 = arith.addi %get3A_222, %add3A_224 : vector<16xi32>
        %swap3A_226 = arith.constant 0 : index
        %swap3A_227 = tpu.vector_load %arg9[%swap3A_226] {strides = array<i32>} : memref<80xi32, #tpu.memory_space<vmem>>, vector<16xi32>,
        tpu.vector_store %arg9[%swap3A_226], %add3A_225 {strides = array<i32>} : memref<80xi32, #tpu.memory_space<vmem>>, vector<16xi32>,
        %get3A_228 = arith.constant 0 : index
        %get3A_229 = tpu.vector_load %arg8[%get3A_228] {strides = array<i32>} : memref<80xi32, #tpu.memory_space<vmem>>, vector<16xi32>,
        %swap3A_230 = arith.constant 0 : index
        %swap3A_231 = tpu.vector_load %arg10[%swap3A_230] {strides = array<i32>} : memref<80xi32, #tpu.memory_space<vmem>>, vector<16xi32>,
        tpu.vector_store %arg10[%swap3A_230], %get3A_229 {strides = array<i32>} : memref<80xi32, #tpu.memory_space<vmem>>, vector<16xi32>,
        %get3A_232 = arith.constant 16 : index
        %get3A_233 = tpu.vector_load %arg7[%get3A_232] {strides = array<i32>} : memref<80xi32, #tpu.memory_space<vmem>>, vector<16xi32>,
        %add3A_234 = arith.constant 0 : i32
        %add3A_235 = vector.broadcast %add3A_234 : i32 to vector<16xi32>
        %add3A_236 = arith.addi %get3A_233, %add3A_235 : vector<16xi32>
        %swap3A_237 = arith.constant 16 : index
        %swap3A_238 = tpu.vector_load %arg9[%swap3A_237] {strides = array<i32>} : memref<80xi32, #tpu.memory_space<vmem>>, vector<16xi32>,
        tpu.vector_store %arg9[%swap3A_237], %add3A_236 {strides = array<i32>} : memref<80xi32, #tpu.memory_space<vmem>>, vector<16xi32>,
        %get3A_239 = arith.constant 16 : index
        %get3A_240 = tpu.vector_load %arg8[%get3A_239] {strides = array<i32>} : memref<80xi32, #tpu.memory_space<vmem>>, vector<16xi32>,
        %swap3A_241 = arith.constant 16 : index
        %swap3A_242 = tpu.vector_load %arg10[%swap3A_241] {strides = array<i32>} : memref<80xi32, #tpu.memory_space<vmem>>, vector<16xi32>,
        tpu.vector_store %arg10[%swap3A_241], %get3A_240 {strides = array<i32>} : memref<80xi32, #tpu.memory_space<vmem>>, vector<16xi32>,
        %get3A_243 = arith.constant 32 : index
        %get3A_244 = tpu.vector_load %arg7[%get3A_243] {strides = array<i32>} : memref<80xi32, #tpu.memory_space<vmem>>, vector<16xi32>,
        %add3A_245 = arith.constant 0 : i32
        %add3A_246 = vector.broadcast %add3A_245 : i32 to vector<16xi32>
        %add3A_247 = arith.addi %get3A_244, %add3A_246 : vector<16xi32>
        %swap3A_248 = arith.constant 32 : index
        %swap3A_249 = tpu.vector_load %arg9[%swap3A_248] {strides = array<i32>} : memref<80xi32, #tpu.memory_space<vmem>>, vector<16xi32>,
        tpu.vector_store %arg9[%swap3A_248], %add3A_247 {strides = array<i32>} : memref<80xi32, #tpu.memory_space<vmem>>, vector<16xi32>,
        %get3A_250 = arith.constant 32 : index
        %get3A_251 = tpu.vector_load %arg8[%get3A_250] {strides = array<i32>} : memref<80xi32, #tpu.memory_space<vmem>>, vector<16xi32>,
        %swap3A_252 = arith.constant 32 : index
        %swap3A_253 = tpu.vector_load %arg10[%swap3A_252] {strides = array<i32>} : memref<80xi32, #tpu.memory_space<vmem>>, vector<16xi32>,
        tpu.vector_store %arg10[%swap3A_252], %get3A_251 {strides = array<i32>} : memref<80xi32, #tpu.memory_space<vmem>>, vector<16xi32>,
        %get3A_254 = arith.constant 48 : index
        %get3A_255 = tpu.vector_load %arg7[%get3A_254] {strides = array<i32>} : memref<80xi32, #tpu.memory_space<vmem>>, vector<16xi32>,
        %add3A_256 = arith.constant 0 : i32
        %add3A_257 = vector.broadcast %add3A_256 : i32 to vector<16xi32>
        %add3A_258 = arith.addi %get3A_255, %add3A_257 : vector<16xi32>
        %swap3A_259 = arith.constant 48 : index
        %swap3A_260 = tpu.vector_load %arg9[%swap3A_259] {strides = array<i32>} : memref<80xi32, #tpu.memory_space<vmem>>, vector<16xi32>,
        tpu.vector_store %arg9[%swap3A_259], %add3A_258 {strides = array<i32>} : memref<80xi32, #tpu.memory_space<vmem>>, vector<16xi32>,
        %get3A_261 = arith.constant 48 : index
        %get3A_262 = tpu.vector_load %arg8[%get3A_261] {strides = array<i32>} : memref<80xi32, #tpu.memory_space<vmem>>, vector<16xi32>,
        %swap3A_263 = arith.constant 48 : index
        %swap3A_264 = tpu.vector_load %arg10[%swap3A_263] {strides = array<i32>} : memref<80xi32, #tpu.memory_space<vmem>>, vector<16xi32>,
        tpu.vector_store %arg10[%swap3A_263], %get3A_262 {strides = array<i32>} : memref<80xi32, #tpu.memory_space<vmem>>, vector<16xi32>,
        %get3A_265 = arith.constant 64 : index
        %get3A_266 = tpu.vector_load %arg7[%get3A_265] {strides = array<i32>} : memref<80xi32, #tpu.memory_space<vmem>>, vector<16xi32>,
        %add3A_267 = arith.constant 0 : i32
        %add3A_268 = vector.broadcast %add3A_267 : i32 to vector<16xi32>
        %add3A_269 = arith.addi %get3A_266, %add3A_268 : vector<16xi32>
        %swap3A_270 = arith.constant 64 : index
        %swap3A_271 = tpu.vector_load %arg9[%swap3A_270] {strides = array<i32>} : memref<80xi32, #tpu.memory_space<vmem>>, vector<16xi32>,
        tpu.vector_store %arg9[%swap3A_270], %add3A_269 {strides = array<i32>} : memref<80xi32, #tpu.memory_space<vmem>>, vector<16xi32>,
        %get3A_272 = arith.constant 64 : index
        %get3A_273 = tpu.vector_load %arg8[%get3A_272] {strides = array<i32>} : memref<80xi32, #tpu.memory_space<vmem>>, vector<16xi32>,
        %swap3A_274 = arith.constant 64 : index
        %swap3A_275 = tpu.vector_load %arg10[%swap3A_274] {strides = array<i32>} : memref<80xi32, #tpu.memory_space<vmem>>, vector<16xi32>,
        tpu.vector_store %arg10[%swap3A_274], %get3A_273 {strides = array<i32>} : memref<80xi32, #tpu.memory_space<vmem>>, vector<16xi32>,
        %dma_start3A_276 = arith.constant 0 : i32
        %dma_start3A_277 = arith.constant 0 : i32
        %dma_start3A_278 = tpu.memref_slice %arg2[%dma_start3A_276, %dma_start3A_277] : memref<10000x128xf32, #tpu.memory_space<hbm>> -> memref<10000x128xf32, #tpu.memory_space<hbm>>
        tpu.enqueue_indirect_dma source(%dma_start3A_278 : memref<10000x128xf32, #tpu.memory_space<hbm>>) target(%arg11 : memref<80x128xf32, #tpu.memory_space<vmem>>) offsets(%arg9 : memref<80xi32, #tpu.memory_space<vmem>>) semaphore(%arg21 : memref<!tpu.dma_semaphore, #tpu.memory_space<semaphore_mem>>)
        %add3A_279 = arith.constant 0 : i32
        %add3A_280 = arith.addi %add3A_279, %add3A_220 : i32
        %dma_start3A_281 = arith.constant 0 : i32
        %dma_start3A_282 = tpu.memref_slice %arg3[%add3A_280, %dma_start3A_281] : memref<320000x64xi32, #tpu.memory_space<hbm>> -> memref<80x64xi32, #tpu.memory_space<hbm>>
        %dma_start3A_283 = arith.constant 0 : i32
        %dma_start3A_284 = tpu.memref_slice %arg3[%add3A_280, %dma_start3A_283] : memref<320000x64xi32, #tpu.memory_space<hbm>> -> memref<80x64xi32, #tpu.memory_space<hbm>>
        tpu.enqueue_dma source(%dma_start3A_284 : memref<80x64xi32, #tpu.memory_space<hbm>>) target(%arg12 : memref<80x64xi32, #tpu.memory_space<vmem>>) target_semaphore(%arg22 : memref<!tpu.dma_semaphore, #tpu.memory_space<semaphore_mem>>)
        %add3A_285 = arith.constant 2 : i32
        %add3A_286 = arith.addi %add3A_176, %add3A_285 : i32
        %lt3A_287 = arith.constant 125 : i32
        %lt3A_288 = arith.cmpi slt, %add3A_286, %lt3A_287 : i32
        %convert_element_type3A_289 = arith.extui %lt3A_288 : i1 to i32
        %cond3A_290 = arith.constant 0 : i32
        %cond3A_291 = arith.cmpi ne, %convert_element_type3A_289, %cond3A_290 : i32
        scf.if %cond3A_291 {
          %add3A_292 = arith.constant 2 : i32
          %add3A_293 = arith.addi %add3A_176, %add3A_292 : i32
          %mul3A_294 = arith.constant 80 : i32
          %mul3A_295 = arith.muli %add3A_293, %mul3A_294 : i32
          %add3A_296 = arith.addi %mul3A_19, %mul3A_295 : i32
          %dma_start3A_297 = tpu.memref_slice %arg4[%add3A_296] : memref<320000xi32, #tpu.memory_space<hbm>> -> memref<80xi32, #tpu.memory_space<hbm>>
          %dma_start3A_298 = tpu.memref_slice %arg4[%add3A_296] : memref<320000xi32, #tpu.memory_space<hbm>> -> memref<80xi32, #tpu.memory_space<hbm>>
          tpu.enqueue_dma source(%dma_start3A_298 : memref<80xi32, #tpu.memory_space<hbm>>) target(%arg13 : memref<80xi32, #tpu.memory_space<vmem>>) target_semaphore(%arg24 : memref<!tpu.dma_semaphore, #tpu.memory_space<semaphore_mem>>)
          %dma_start3A_299 = tpu.memref_slice %arg5[%add3A_296] : memref<320000xi32, #tpu.memory_space<hbm>> -> memref<80xi32, #tpu.memory_space<hbm>>
          %dma_start3A_300 = tpu.memref_slice %arg5[%add3A_296] : memref<320000xi32, #tpu.memory_space<hbm>> -> memref<80xi32, #tpu.memory_space<hbm>>
          tpu.enqueue_dma source(%dma_start3A_300 : memref<80xi32, #tpu.memory_space<hbm>>) target(%arg14 : memref<80xi32, #tpu.memory_space<vmem>>) target_semaphore(%arg24 : memref<!tpu.dma_semaphore, #tpu.memory_space<semaphore_mem>>)
        } else {
        }
      } else {
      }
      %dma_wait3A_184 = arith.constant 0 : i32
      %dma_wait3A_185 = arith.constant 0 : i32
      %dma_wait3A_186 = tpu.memref_slice %arg2[%dma_wait3A_184, %dma_wait3A_185] : memref<10000x128xf32, #tpu.memory_space<hbm>> -> memref<10000x128xf32, #tpu.memory_space<hbm>>
      tpu.wait_indirect_dma semaphore(%arg25 : memref<!tpu.dma_semaphore, #tpu.memory_space<semaphore_mem>>) src(%dma_wait3A_186 : memref<10000x128xf32, #tpu.memory_space<hbm>>) dst(%arg17 : memref<80x128xf32, #tpu.memory_space<vmem>>)
      %dma_wait3A_187 = arith.constant 0 : i32
      %dma_wait3A_188 = arith.constant 0 : i32
      %dma_wait3A_189 = tpu.memref_slice %arg3[%dma_wait3A_187, %dma_wait3A_188] : memref<320000x64xi32, #tpu.memory_space<hbm>> -> memref<80x64xi32, #tpu.memory_space<hbm>>
      %dma_wait3A_190 = arith.constant 0 : i32
      %dma_wait3A_191 = arith.constant 0 : i32
      %dma_wait3A_192 = tpu.memref_slice %arg3[%dma_wait3A_190, %dma_wait3A_191] : memref<320000x64xi32, #tpu.memory_space<hbm>> -> memref<80x64xi32, #tpu.memory_space<hbm>>
      tpu.wait_dma2 semaphore(%arg26 : memref<!tpu.dma_semaphore, #tpu.memory_space<semaphore_mem>>) src(%dma_wait3A_192 : memref<80x64xi32, #tpu.memory_space<hbm>>) dst(%arg18 : memref<80x64xi32, #tpu.memory_space<vmem>>)
      %scan3A_193 = arith.constant 0 : i32
      %scan3A_194 = arith.constant 0 : i32
      %scan3A_195 = arith.constant 80 : i32
      %scan3A_196 = arith.addi %scan3A_194, %scan3A_195 : i32
      %scan3A_197 = arith.constant 1 : i32
      %scan3A_198 = scf.for %scan3A_204 = %scan3A_194 to %scan3A_196 step %scan3A_197 iter_args(%scan3A_205 = %scan3A_193) -> (i32)  : i32 {
        %get3A_206 = arith.index_cast %scan3A_204 : i32 to index
        %get3A_207 = arith.constant 0 : index
        %get3A_208 = tpu.vector_load %arg18[%get3A_206, %get3A_207] {strides = array<i32>} : memref<80x64xi32, #tpu.memory_space<vmem>>, vector<16xi32>,
        %shift_left3A = arith.constant 16 : i32
        %shift_left3A_209 = vector.broadcast %shift_left3A : i32 to vector<16xi32>
        %shift_left3A_210 = arith.shli %get3A_208, %shift_left3A_209 : vector<16xi32>
        %bitcast3A = vector.bitcast %shift_left3A_210 : vector<16xi32> to vector<16xf32>
        %and3A = arith.constant -65536 : i32
        %and3A_211 = vector.broadcast %and3A : i32 to vector<16xi32>
        %and3A_212 = arith.andi %get3A_208, %and3A_211 : vector<16xi32>
        %bitcast3A_213 = vector.bitcast %and3A_212 : vector<16xi32> to vector<16xf32>
        %get3A_214 = arith.index_cast %scan3A_204 : i32 to index
        %get3A_215 = arith.constant 0 : index
        %get3A_216 = tpu.vector_load %arg17[%get3A_214, %get3A_215] {strides = array<i32>} : memref<80x128xf32, #tpu.memory_space<vmem>>, vector<16xf32>,
        %add3A_217 = arith.addf %get3A_216, %bitcast3A : vector<16xf32>
        %max3A = arith.constant 0.000000e+00 : f32
        %max3A_218 = vector.broadcast %max3A : f32 to vector<16xf32>
        %max3A_219 = arith.maximumf %add3A_217, %max3A_218 : vector<16xf32>
        %swap3A_220 = arith.index_cast %scan3A_204 : i32 to index
        %swap3A_221 = arith.constant 0 : index
        %swap3A_222 = tpu.vector_load %arg17[%swap3A_220, %swap3A_221] {strides = array<i32>} : memref<80x128xf32, #tpu.memory_space<vmem>>, vector<16xf32>,
        tpu.vector_store %arg17[%swap3A_220, %swap3A_221], %max3A_219 {strides = array<i32>} : memref<80x128xf32, #tpu.memory_space<vmem>>, vector<16xf32>,
        %get3A_223 = arith.index_cast %scan3A_204 : i32 to index
        %get3A_224 = arith.constant 16 : index
        %get3A_225 = tpu.vector_load %arg17[%get3A_223, %get3A_224] {strides = array<i32>} : memref<80x128xf32, #tpu.memory_space<vmem>>, vector<16xf32>,
        %add3A_226 = arith.addf %get3A_225, %bitcast3A_213 : vector<16xf32>
        %max3A_227 = arith.constant 0.000000e+00 : f32
        %max3A_228 = vector.broadcast %max3A_227 : f32 to vector<16xf32>
        %max3A_229 = arith.maximumf %add3A_226, %max3A_228 : vector<16xf32>
        %swap3A_230 = arith.index_cast %scan3A_204 : i32 to index
        %swap3A_231 = arith.constant 16 : index
        %swap3A_232 = tpu.vector_load %arg17[%swap3A_230, %swap3A_231] {strides = array<i32>} : memref<80x128xf32, #tpu.memory_space<vmem>>, vector<16xf32>,
        tpu.vector_store %arg17[%swap3A_230, %swap3A_231], %max3A_229 {strides = array<i32>} : memref<80x128xf32, #tpu.memory_space<vmem>>, vector<16xf32>,
        %get3A_233 = arith.index_cast %scan3A_204 : i32 to index
        %get3A_234 = arith.constant 16 : index
        %get3A_235 = tpu.vector_load %arg18[%get3A_233, %get3A_234] {strides = array<i32>} : memref<80x64xi32, #tpu.memory_space<vmem>>, vector<16xi32>,
        %shift_left3A_236 = arith.constant 16 : i32
        %shift_left3A_237 = vector.broadcast %shift_left3A_236 : i32 to vector<16xi32>
        %shift_left3A_238 = arith.shli %get3A_235, %shift_left3A_237 : vector<16xi32>
        %bitcast3A_239 = vector.bitcast %shift_left3A_238 : vector<16xi32> to vector<16xf32>
        %and3A_240 = arith.constant -65536 : i32
        %and3A_241 = vector.broadcast %and3A_240 : i32 to vector<16xi32>
        %and3A_242 = arith.andi %get3A_235, %and3A_241 : vector<16xi32>
        %bitcast3A_243 = vector.bitcast %and3A_242 : vector<16xi32> to vector<16xf32>
        %get3A_244 = arith.index_cast %scan3A_204 : i32 to index
        %get3A_245 = arith.constant 32 : index
        %get3A_246 = tpu.vector_load %arg17[%get3A_244, %get3A_245] {strides = array<i32>} : memref<80x128xf32, #tpu.memory_space<vmem>>, vector<16xf32>,
        %add3A_247 = arith.addf %get3A_246, %bitcast3A_239 : vector<16xf32>
        %max3A_248 = arith.constant 0.000000e+00 : f32
        %max3A_249 = vector.broadcast %max3A_248 : f32 to vector<16xf32>
        %max3A_250 = arith.maximumf %add3A_247, %max3A_249 : vector<16xf32>
        %swap3A_251 = arith.index_cast %scan3A_204 : i32 to index
        %swap3A_252 = arith.constant 32 : index
        %swap3A_253 = tpu.vector_load %arg17[%swap3A_251, %swap3A_252] {strides = array<i32>} : memref<80x128xf32, #tpu.memory_space<vmem>>, vector<16xf32>,
        tpu.vector_store %arg17[%swap3A_251, %swap3A_252], %max3A_250 {strides = array<i32>} : memref<80x128xf32, #tpu.memory_space<vmem>>, vector<16xf32>,
        %get3A_254 = arith.index_cast %scan3A_204 : i32 to index
        %get3A_255 = arith.constant 48 : index
        %get3A_256 = tpu.vector_load %arg17[%get3A_254, %get3A_255] {strides = array<i32>} : memref<80x128xf32, #tpu.memory_space<vmem>>, vector<16xf32>,
        %add3A_257 = arith.addf %get3A_256, %bitcast3A_243 : vector<16xf32>
        %max3A_258 = arith.constant 0.000000e+00 : f32
        %max3A_259 = vector.broadcast %max3A_258 : f32 to vector<16xf32>
        %max3A_260 = arith.maximumf %add3A_257, %max3A_259 : vector<16xf32>
        %swap3A_261 = arith.index_cast %scan3A_204 : i32 to index
        %swap3A_262 = arith.constant 48 : index
        %swap3A_263 = tpu.vector_load %arg17[%swap3A_261, %swap3A_262] {strides = array<i32>} : memref<80x128xf32, #tpu.memory_space<vmem>>, vector<16xf32>,
        tpu.vector_store %arg17[%swap3A_261, %swap3A_262], %max3A_260 {strides = array<i32>} : memref<80x128xf32, #tpu.memory_space<vmem>>, vector<16xf32>,
        %get3A_264 = arith.index_cast %scan3A_204 : i32 to index
        %get3A_265 = arith.constant 32 : index
        %get3A_266 = tpu.vector_load %arg18[%get3A_264, %get3A_265] {strides = array<i32>} : memref<80x64xi32, #tpu.memory_space<vmem>>, vector<16xi32>,
        %shift_left3A_267 = arith.constant 16 : i32
        %shift_left3A_268 = vector.broadcast %shift_left3A_267 : i32 to vector<16xi32>
        %shift_left3A_269 = arith.shli %get3A_266, %shift_left3A_268 : vector<16xi32>
        %bitcast3A_270 = vector.bitcast %shift_left3A_269 : vector<16xi32> to vector<16xf32>
        %and3A_271 = arith.constant -65536 : i32
        %and3A_272 = vector.broadcast %and3A_271 : i32 to vector<16xi32>
        %and3A_273 = arith.andi %get3A_266, %and3A_272 : vector<16xi32>
        %bitcast3A_274 = vector.bitcast %and3A_273 : vector<16xi32> to vector<16xf32>
        %get3A_275 = arith.index_cast %scan3A_204 : i32 to index
        %get3A_276 = arith.constant 64 : index
        %get3A_277 = tpu.vector_load %arg17[%get3A_275, %get3A_276] {strides = array<i32>} : memref<80x128xf32, #tpu.memory_space<vmem>>, vector<16xf32>,
        %add3A_278 = arith.addf %get3A_277, %bitcast3A_270 : vector<16xf32>
        %max3A_279 = arith.constant 0.000000e+00 : f32
        %max3A_280 = vector.broadcast %max3A_279 : f32 to vector<16xf32>
        %max3A_281 = arith.maximumf %add3A_278, %max3A_280 : vector<16xf32>
        %swap3A_282 = arith.index_cast %scan3A_204 : i32 to index
        %swap3A_283 = arith.constant 64 : index
        %swap3A_284 = tpu.vector_load %arg17[%swap3A_282, %swap3A_283] {strides = array<i32>} : memref<80x128xf32, #tpu.memory_space<vmem>>, vector<16xf32>,
        tpu.vector_store %arg17[%swap3A_282, %swap3A_283], %max3A_281 {strides = array<i32>} : memref<80x128xf32, #tpu.memory_space<vmem>>, vector<16xf32>,
        %get3A_285 = arith.index_cast %scan3A_204 : i32 to index
        %get3A_286 = arith.constant 80 : index
        %get3A_287 = tpu.vector_load %arg17[%get3A_285, %get3A_286] {strides = array<i32>} : memref<80x128xf32, #tpu.memory_space<vmem>>, vector<16xf32>,
        %add3A_288 = arith.addf %get3A_287, %bitcast3A_274 : vector<16xf32>
        %max3A_289 = arith.constant 0.000000e+00 : f32
        %max3A_290 = vector.broadcast %max3A_289 : f32 to vector<16xf32>
        %max3A_291 = arith.maximumf %add3A_288, %max3A_290 : vector<16xf32>
        %swap3A_292 = arith.index_cast %scan3A_204 : i32 to index
        %swap3A_293 = arith.constant 80 : index
        %swap3A_294 = tpu.vector_load %arg17[%swap3A_292, %swap3A_293] {strides = array<i32>} : memref<80x128xf32, #tpu.memory_space<vmem>>, vector<16xf32>,
        tpu.vector_store %arg17[%swap3A_292, %swap3A_293], %max3A_291 {strides = array<i32>} : memref<80x128xf32, #tpu.memory_space<vmem>>, vector<16xf32>,
        %get3A_295 = arith.index_cast %scan3A_204 : i32 to index
        %get3A_296 = arith.constant 48 : index
        %get3A_297 = tpu.vector_load %arg18[%get3A_295, %get3A_296] {strides = array<i32>} : memref<80x64xi32, #tpu.memory_space<vmem>>, vector<16xi32>,
        %shift_left3A_298 = arith.constant 16 : i32
        %shift_left3A_299 = vector.broadcast %shift_left3A_298 : i32 to vector<16xi32>
        %shift_left3A_300 = arith.shli %get3A_297, %shift_left3A_299 : vector<16xi32>
        %bitcast3A_301 = vector.bitcast %shift_left3A_300 : vector<16xi32> to vector<16xf32>
        %and3A_302 = arith.constant -65536 : i32
        %and3A_303 = vector.broadcast %and3A_302 : i32 to vector<16xi32>
        %and3A_304 = arith.andi %get3A_297, %and3A_303 : vector<16xi32>
        %bitcast3A_305 = vector.bitcast %and3A_304 : vector<16xi32> to vector<16xf32>
        %get3A_306 = arith.index_cast %scan3A_204 : i32 to index
        %get3A_307 = arith.constant 96 : index
        %get3A_308 = tpu.vector_load %arg17[%get3A_306, %get3A_307] {strides = array<i32>} : memref<80x128xf32, #tpu.memory_space<vmem>>, vector<16xf32>,
        %add3A_309 = arith.addf %get3A_308, %bitcast3A_301 : vector<16xf32>
        %max3A_310 = arith.constant 0.000000e+00 : f32
        %max3A_311 = vector.broadcast %max3A_310 : f32 to vector<16xf32>
        %max3A_312 = arith.maximumf %add3A_309, %max3A_311 : vector<16xf32>
        %swap3A_313 = arith.index_cast %scan3A_204 : i32 to index
        %swap3A_314 = arith.constant 96 : index
        %swap3A_315 = tpu.vector_load %arg17[%swap3A_313, %swap3A_314] {strides = array<i32>} : memref<80x128xf32, #tpu.memory_space<vmem>>, vector<16xf32>,
        tpu.vector_store %arg17[%swap3A_313, %swap3A_314], %max3A_312 {strides = array<i32>} : memref<80x128xf32, #tpu.memory_space<vmem>>, vector<16xf32>,
        %get3A_316 = arith.index_cast %scan3A_204 : i32 to index
        %get3A_317 = arith.constant 112 : index
        %get3A_318 = tpu.vector_load %arg17[%get3A_316, %get3A_317] {strides = array<i32>} : memref<80x128xf32, #tpu.memory_space<vmem>>, vector<16xf32>,
        %add3A_319 = arith.addf %get3A_318, %bitcast3A_305 : vector<16xf32>
        %max3A_320 = arith.constant 0.000000e+00 : f32
        %max3A_321 = vector.broadcast %max3A_320 : f32 to vector<16xf32>
        %max3A_322 = arith.maximumf %add3A_319, %max3A_321 : vector<16xf32>
        %swap3A_323 = arith.index_cast %scan3A_204 : i32 to index
        %swap3A_324 = arith.constant 112 : index
        %swap3A_325 = tpu.vector_load %arg17[%swap3A_323, %swap3A_324] {strides = array<i32>} : memref<80x128xf32, #tpu.memory_space<vmem>>, vector<16xf32>,
        tpu.vector_store %arg17[%swap3A_323, %swap3A_324], %max3A_322 {strides = array<i32>} : memref<80x128xf32, #tpu.memory_space<vmem>>, vector<16xf32>,
        %scan3A_326 = arith.constant 0 : i32
        scf.yield %scan3A_326 : i32
      }
      %scan3A_199 = arith.constant 80 : i32
      %dma_start3A_200 = arith.constant 0 : i32
      %dma_start3A_201 = arith.constant 0 : i32
      %dma_start3A_202 = tpu.memref_slice %arg19[%dma_start3A_200, %dma_start3A_201] : memref<10000x128xf32, #tpu.memory_space<vmem_shared>> -> memref<10000x128xf32, #tpu.memory_space<vmem_shared>>
      tpu.enqueue_indirect_dma source(%arg17 : memref<80x128xf32, #tpu.memory_space<vmem>>) target(%dma_start3A_202 : memref<10000x128xf32, #tpu.memory_space<vmem_shared>>) offsets(%arg16 : memref<80xi32, #tpu.memory_space<vmem>>) semaphore(%arg27 : memref<!tpu.dma_semaphore, #tpu.memory_space<semaphore_mem>>) {add = true}
      %scan3A_203 = arith.constant 0 : i32
      scf.yield %scan3A_203 : i32
    }
    %scan3A_108 = arith.constant 62 : i32
    %dma_wait3A_109 = arith.constant 0 : i32
    %dma_wait3A_110 = arith.constant 0 : i32
    %dma_wait3A_111 = tpu.memref_slice %arg2[%dma_wait3A_109, %dma_wait3A_110] : memref<10000x128xf32, #tpu.memory_space<hbm>> -> memref<10000x128xf32, #tpu.memory_space<hbm>>
    tpu.wait_indirect_dma semaphore(%arg21 : memref<!tpu.dma_semaphore, #tpu.memory_space<semaphore_mem>>) src(%dma_wait3A_111 : memref<10000x128xf32, #tpu.memory_space<hbm>>) dst(%arg11 : memref<80x128xf32, #tpu.memory_space<vmem>>)
    %dma_wait3A_112 = arith.constant 0 : i32
    %dma_wait3A_113 = arith.constant 0 : i32
    %dma_wait3A_114 = tpu.memref_slice %arg3[%dma_wait3A_112, %dma_wait3A_113] : memref<320000x64xi32, #tpu.memory_space<hbm>> -> memref<80x64xi32, #tpu.memory_space<hbm>>
    %dma_wait3A_115 = arith.constant 0 : i32
    %dma_wait3A_116 = arith.constant 0 : i32
    %dma_wait3A_117 = tpu.memref_slice %arg3[%dma_wait3A_115, %dma_wait3A_116] : memref<320000x64xi32, #tpu.memory_space<hbm>> -> memref<80x64xi32, #tpu.memory_space<hbm>>
    tpu.wait_dma2 semaphore(%arg22 : memref<!tpu.dma_semaphore, #tpu.memory_space<semaphore_mem>>) src(%dma_wait3A_117 : memref<80x64xi32, #tpu.memory_space<hbm>>) dst(%arg12 : memref<80x64xi32, #tpu.memory_space<vmem>>)
    %scan3A_118 = arith.constant 0 : i32
    %scan3A_119 = arith.constant 0 : i32
    %scan3A_120 = arith.constant 80 : i32
    %scan3A_121 = arith.addi %scan3A_119, %scan3A_120 : i32
    %scan3A_122 = arith.constant 1 : i32
    %scan3A_123 = scf.for %scan3A_144 = %scan3A_119 to %scan3A_121 step %scan3A_122 iter_args(%scan3A_145 = %scan3A_118) -> (i32)  : i32 {
      %get3A_146 = arith.index_cast %scan3A_144 : i32 to index
      %get3A_147 = arith.constant 0 : index
      %get3A_148 = tpu.vector_load %arg12[%get3A_146, %get3A_147] {strides = array<i32>} : memref<80x64xi32, #tpu.memory_space<vmem>>, vector<16xi32>,
      %shift_left3A = arith.constant 16 : i32
      %shift_left3A_149 = vector.broadcast %shift_left3A : i32 to vector<16xi32>
      %shift_left3A_150 = arith.shli %get3A_148, %shift_left3A_149 : vector<16xi32>
      %bitcast3A = vector.bitcast %shift_left3A_150 : vector<16xi32> to vector<16xf32>
      %and3A = arith.constant -65536 : i32
      %and3A_151 = vector.broadcast %and3A : i32 to vector<16xi32>
      %and3A_152 = arith.andi %get3A_148, %and3A_151 : vector<16xi32>
      %bitcast3A_153 = vector.bitcast %and3A_152 : vector<16xi32> to vector<16xf32>
      %get3A_154 = arith.index_cast %scan3A_144 : i32 to index
      %get3A_155 = arith.constant 0 : index
      %get3A_156 = tpu.vector_load %arg11[%get3A_154, %get3A_155] {strides = array<i32>} : memref<80x128xf32, #tpu.memory_space<vmem>>, vector<16xf32>,
      %add3A_157 = arith.addf %get3A_156, %bitcast3A : vector<16xf32>
      %max3A = arith.constant 0.000000e+00 : f32
      %max3A_158 = vector.broadcast %max3A : f32 to vector<16xf32>
      %max3A_159 = arith.maximumf %add3A_157, %max3A_158 : vector<16xf32>
      %swap3A_160 = arith.index_cast %scan3A_144 : i32 to index
      %swap3A_161 = arith.constant 0 : index
      %swap3A_162 = tpu.vector_load %arg11[%swap3A_160, %swap3A_161] {strides = array<i32>} : memref<80x128xf32, #tpu.memory_space<vmem>>, vector<16xf32>,
      tpu.vector_store %arg11[%swap3A_160, %swap3A_161], %max3A_159 {strides = array<i32>} : memref<80x128xf32, #tpu.memory_space<vmem>>, vector<16xf32>,
      %get3A_163 = arith.index_cast %scan3A_144 : i32 to index
      %get3A_164 = arith.constant 16 : index
      %get3A_165 = tpu.vector_load %arg11[%get3A_163, %get3A_164] {strides = array<i32>} : memref<80x128xf32, #tpu.memory_space<vmem>>, vector<16xf32>,
      %add3A_166 = arith.addf %get3A_165, %bitcast3A_153 : vector<16xf32>
      %max3A_167 = arith.constant 0.000000e+00 : f32
      %max3A_168 = vector.broadcast %max3A_167 : f32 to vector<16xf32>
      %max3A_169 = arith.maximumf %add3A_166, %max3A_168 : vector<16xf32>
      %swap3A_170 = arith.index_cast %scan3A_144 : i32 to index
      %swap3A_171 = arith.constant 16 : index
      %swap3A_172 = tpu.vector_load %arg11[%swap3A_170, %swap3A_171] {strides = array<i32>} : memref<80x128xf32, #tpu.memory_space<vmem>>, vector<16xf32>,
      tpu.vector_store %arg11[%swap3A_170, %swap3A_171], %max3A_169 {strides = array<i32>} : memref<80x128xf32, #tpu.memory_space<vmem>>, vector<16xf32>,
      %get3A_173 = arith.index_cast %scan3A_144 : i32 to index
      %get3A_174 = arith.constant 16 : index
      %get3A_175 = tpu.vector_load %arg12[%get3A_173, %get3A_174] {strides = array<i32>} : memref<80x64xi32, #tpu.memory_space<vmem>>, vector<16xi32>,
      %shift_left3A_176 = arith.constant 16 : i32
      %shift_left3A_177 = vector.broadcast %shift_left3A_176 : i32 to vector<16xi32>
      %shift_left3A_178 = arith.shli %get3A_175, %shift_left3A_177 : vector<16xi32>
      %bitcast3A_179 = vector.bitcast %shift_left3A_178 : vector<16xi32> to vector<16xf32>
      %and3A_180 = arith.constant -65536 : i32
      %and3A_181 = vector.broadcast %and3A_180 : i32 to vector<16xi32>
      %and3A_182 = arith.andi %get3A_175, %and3A_181 : vector<16xi32>
      %bitcast3A_183 = vector.bitcast %and3A_182 : vector<16xi32> to vector<16xf32>
      %get3A_184 = arith.index_cast %scan3A_144 : i32 to index
      %get3A_185 = arith.constant 32 : index
      %get3A_186 = tpu.vector_load %arg11[%get3A_184, %get3A_185] {strides = array<i32>} : memref<80x128xf32, #tpu.memory_space<vmem>>, vector<16xf32>,
      %add3A_187 = arith.addf %get3A_186, %bitcast3A_179 : vector<16xf32>
      %max3A_188 = arith.constant 0.000000e+00 : f32
      %max3A_189 = vector.broadcast %max3A_188 : f32 to vector<16xf32>
      %max3A_190 = arith.maximumf %add3A_187, %max3A_189 : vector<16xf32>
      %swap3A_191 = arith.index_cast %scan3A_144 : i32 to index
      %swap3A_192 = arith.constant 32 : index
      %swap3A_193 = tpu.vector_load %arg11[%swap3A_191, %swap3A_192] {strides = array<i32>} : memref<80x128xf32, #tpu.memory_space<vmem>>, vector<16xf32>,
      tpu.vector_store %arg11[%swap3A_191, %swap3A_192], %max3A_190 {strides = array<i32>} : memref<80x128xf32, #tpu.memory_space<vmem>>, vector<16xf32>,
      %get3A_194 = arith.index_cast %scan3A_144 : i32 to index
      %get3A_195 = arith.constant 48 : index
      %get3A_196 = tpu.vector_load %arg11[%get3A_194, %get3A_195] {strides = array<i32>} : memref<80x128xf32, #tpu.memory_space<vmem>>, vector<16xf32>,
      %add3A_197 = arith.addf %get3A_196, %bitcast3A_183 : vector<16xf32>
      %max3A_198 = arith.constant 0.000000e+00 : f32
      %max3A_199 = vector.broadcast %max3A_198 : f32 to vector<16xf32>
      %max3A_200 = arith.maximumf %add3A_197, %max3A_199 : vector<16xf32>
      %swap3A_201 = arith.index_cast %scan3A_144 : i32 to index
      %swap3A_202 = arith.constant 48 : index
      %swap3A_203 = tpu.vector_load %arg11[%swap3A_201, %swap3A_202] {strides = array<i32>} : memref<80x128xf32, #tpu.memory_space<vmem>>, vector<16xf32>,
      tpu.vector_store %arg11[%swap3A_201, %swap3A_202], %max3A_200 {strides = array<i32>} : memref<80x128xf32, #tpu.memory_space<vmem>>, vector<16xf32>,
      %get3A_204 = arith.index_cast %scan3A_144 : i32 to index
      %get3A_205 = arith.constant 32 : index
      %get3A_206 = tpu.vector_load %arg12[%get3A_204, %get3A_205] {strides = array<i32>} : memref<80x64xi32, #tpu.memory_space<vmem>>, vector<16xi32>,
      %shift_left3A_207 = arith.constant 16 : i32
      %shift_left3A_208 = vector.broadcast %shift_left3A_207 : i32 to vector<16xi32>
      %shift_left3A_209 = arith.shli %get3A_206, %shift_left3A_208 : vector<16xi32>
      %bitcast3A_210 = vector.bitcast %shift_left3A_209 : vector<16xi32> to vector<16xf32>
      %and3A_211 = arith.constant -65536 : i32
      %and3A_212 = vector.broadcast %and3A_211 : i32 to vector<16xi32>
      %and3A_213 = arith.andi %get3A_206, %and3A_212 : vector<16xi32>
      %bitcast3A_214 = vector.bitcast %and3A_213 : vector<16xi32> to vector<16xf32>
      %get3A_215 = arith.index_cast %scan3A_144 : i32 to index
      %get3A_216 = arith.constant 64 : index
      %get3A_217 = tpu.vector_load %arg11[%get3A_215, %get3A_216] {strides = array<i32>} : memref<80x128xf32, #tpu.memory_space<vmem>>, vector<16xf32>,
      %add3A_218 = arith.addf %get3A_217, %bitcast3A_210 : vector<16xf32>
      %max3A_219 = arith.constant 0.000000e+00 : f32
      %max3A_220 = vector.broadcast %max3A_219 : f32 to vector<16xf32>
      %max3A_221 = arith.maximumf %add3A_218, %max3A_220 : vector<16xf32>
      %swap3A_222 = arith.index_cast %scan3A_144 : i32 to index
      %swap3A_223 = arith.constant 64 : index
      %swap3A_224 = tpu.vector_load %arg11[%swap3A_222, %swap3A_223] {strides = array<i32>} : memref<80x128xf32, #tpu.memory_space<vmem>>, vector<16xf32>,
      tpu.vector_store %arg11[%swap3A_222, %swap3A_223], %max3A_221 {strides = array<i32>} : memref<80x128xf32, #tpu.memory_space<vmem>>, vector<16xf32>,
      %get3A_225 = arith.index_cast %scan3A_144 : i32 to index
      %get3A_226 = arith.constant 80 : index
      %get3A_227 = tpu.vector_load %arg11[%get3A_225, %get3A_226] {strides = array<i32>} : memref<80x128xf32, #tpu.memory_space<vmem>>, vector<16xf32>,
      %add3A_228 = arith.addf %get3A_227, %bitcast3A_214 : vector<16xf32>
      %max3A_229 = arith.constant 0.000000e+00 : f32
      %max3A_230 = vector.broadcast %max3A_229 : f32 to vector<16xf32>
      %max3A_231 = arith.maximumf %add3A_228, %max3A_230 : vector<16xf32>
      %swap3A_232 = arith.index_cast %scan3A_144 : i32 to index
      %swap3A_233 = arith.constant 80 : index
      %swap3A_234 = tpu.vector_load %arg11[%swap3A_232, %swap3A_233] {strides = array<i32>} : memref<80x128xf32, #tpu.memory_space<vmem>>, vector<16xf32>,
      tpu.vector_store %arg11[%swap3A_232, %swap3A_233], %max3A_231 {strides = array<i32>} : memref<80x128xf32, #tpu.memory_space<vmem>>, vector<16xf32>,
      %get3A_235 = arith.index_cast %scan3A_144 : i32 to index
      %get3A_236 = arith.constant 48 : index
      %get3A_237 = tpu.vector_load %arg12[%get3A_235, %get3A_236] {strides = array<i32>} : memref<80x64xi32, #tpu.memory_space<vmem>>, vector<16xi32>,
      %shift_left3A_238 = arith.constant 16 : i32
      %shift_left3A_239 = vector.broadcast %shift_left3A_238 : i32 to vector<16xi32>
      %shift_left3A_240 = arith.shli %get3A_237, %shift_left3A_239 : vector<16xi32>
      %bitcast3A_241 = vector.bitcast %shift_left3A_240 : vector<16xi32> to vector<16xf32>
      %and3A_242 = arith.constant -65536 : i32
      %and3A_243 = vector.broadcast %and3A_242 : i32 to vector<16xi32>
      %and3A_244 = arith.andi %get3A_237, %and3A_243 : vector<16xi32>
      %bitcast3A_245 = vector.bitcast %and3A_244 : vector<16xi32> to vector<16xf32>
      %get3A_246 = arith.index_cast %scan3A_144 : i32 to index
      %get3A_247 = arith.constant 96 : index
      %get3A_248 = tpu.vector_load %arg11[%get3A_246, %get3A_247] {strides = array<i32>} : memref<80x128xf32, #tpu.memory_space<vmem>>, vector<16xf32>,
      %add3A_249 = arith.addf %get3A_248, %bitcast3A_241 : vector<16xf32>
      %max3A_250 = arith.constant 0.000000e+00 : f32
      %max3A_251 = vector.broadcast %max3A_250 : f32 to vector<16xf32>
      %max3A_252 = arith.maximumf %add3A_249, %max3A_251 : vector<16xf32>
      %swap3A_253 = arith.index_cast %scan3A_144 : i32 to index
      %swap3A_254 = arith.constant 96 : index
      %swap3A_255 = tpu.vector_load %arg11[%swap3A_253, %swap3A_254] {strides = array<i32>} : memref<80x128xf32, #tpu.memory_space<vmem>>, vector<16xf32>,
      tpu.vector_store %arg11[%swap3A_253, %swap3A_254], %max3A_252 {strides = array<i32>} : memref<80x128xf32, #tpu.memory_space<vmem>>, vector<16xf32>,
      %get3A_256 = arith.index_cast %scan3A_144 : i32 to index
      %get3A_257 = arith.constant 112 : index
      %get3A_258 = tpu.vector_load %arg11[%get3A_256, %get3A_257] {strides = array<i32>} : memref<80x128xf32, #tpu.memory_space<vmem>>, vector<16xf32>,
      %add3A_259 = arith.addf %get3A_258, %bitcast3A_245 : vector<16xf32>
      %max3A_260 = arith.constant 0.000000e+00 : f32
      %max3A_261 = vector.broadcast %max3A_260 : f32 to vector<16xf32>
      %max3A_262 = arith.maximumf %add3A_259, %max3A_261 : vector<16xf32>
      %swap3A_263 = arith.index_cast %scan3A_144 : i32 to index
      %swap3A_264 = arith.constant 112 : index
      %swap3A_265 = tpu.vector_load %arg11[%swap3A_263, %swap3A_264] {strides = array<i32>} : memref<80x128xf32, #tpu.memory_space<vmem>>, vector<16xf32>,
      tpu.vector_store %arg11[%swap3A_263, %swap3A_264], %max3A_262 {strides = array<i32>} : memref<80x128xf32, #tpu.memory_space<vmem>>, vector<16xf32>,
      %scan3A_266 = arith.constant 0 : i32
      scf.yield %scan3A_266 : i32
    }
    %scan3A_124 = arith.constant 80 : i32
    %dma_start3A_125 = arith.constant 0 : i32
    %dma_start3A_126 = arith.constant 0 : i32
    %dma_start3A_127 = tpu.memref_slice %arg19[%dma_start3A_125, %dma_start3A_126] : memref<10000x128xf32, #tpu.memory_space<vmem_shared>> -> memref<10000x128xf32, #tpu.memory_space<vmem_shared>>
    tpu.enqueue_indirect_dma source(%arg11 : memref<80x128xf32, #tpu.memory_space<vmem>>) target(%dma_start3A_127 : memref<10000x128xf32, #tpu.memory_space<vmem_shared>>) offsets(%arg10 : memref<80xi32, #tpu.memory_space<vmem>>) semaphore(%arg23 : memref<!tpu.dma_semaphore, #tpu.memory_space<semaphore_mem>>) {add = true}
    %dma_wait3A_128 = arith.constant 0 : i32
    %dma_wait3A_129 = arith.constant 0 : i32
    %dma_wait3A_130 = tpu.memref_slice %arg19[%dma_wait3A_128, %dma_wait3A_129] : memref<10000x128xf32, #tpu.memory_space<vmem_shared>> -> memref<10000x128xf32, #tpu.memory_space<vmem_shared>>
    tpu.wait_indirect_dma semaphore(%arg27 : memref<!tpu.dma_semaphore, #tpu.memory_space<semaphore_mem>>) src(%arg17 : memref<80x128xf32, #tpu.memory_space<vmem>>) dst(%dma_wait3A_130 : memref<10000x128xf32, #tpu.memory_space<vmem_shared>>)
    %dma_wait3A_131 = arith.constant 0 : i32
    %dma_wait3A_132 = arith.constant 0 : i32
    %dma_wait3A_133 = tpu.memref_slice %arg19[%dma_wait3A_131, %dma_wait3A_132] : memref<10000x128xf32, #tpu.memory_space<vmem_shared>> -> memref<10000x128xf32, #tpu.memory_space<vmem_shared>>
    tpu.wait_indirect_dma semaphore(%arg23 : memref<!tpu.dma_semaphore, #tpu.memory_space<semaphore_mem>>) src(%arg11 : memref<80x128xf32, #tpu.memory_space<vmem>>) dst(%dma_wait3A_133 : memref<10000x128xf32, #tpu.memory_space<vmem_shared>>)
    %barrier3A_134 = arith.constant 0 : index
    tpu.barrier barrier_id(%barrier3A_134)
    %mul3A_135 = arith.constant 624 : i32
    %mul3A_136 = arith.muli %arg1, %mul3A_135 : i32
    %mul3A_137 = arith.constant 10000 : i32
    %mul3A_138 = arith.muli %arg0, %mul3A_137 : i32
    %mul3A_139 = arith.constant 624 : i32
    %mul3A_140 = arith.muli %arg1, %mul3A_139 : i32
    %add3A_141 = arith.addi %mul3A_138, %mul3A_140 : i32
    "tpu.region"() ({
      %run_scoped3A = tpu.sem_alloc : memref<!tpu.dma_semaphore, #tpu.memory_space<semaphore_mem>>
      %dma_start3A_144 = arith.constant 0 : i32
      %dma_start3A_145 = tpu.memref_slice %arg6[%add3A_141, %dma_start3A_144] : memref<20000x128xf32, #tpu.memory_space<hbm>> -> memref<624x128xf32, #tpu.memory_space<hbm>>
      %dma_start3A_146 = arith.constant 0 : i32
      %dma_start3A_147 = tpu.memref_slice %arg19[%mul3A_136, %dma_start3A_146] : memref<10000x128xf32, #tpu.memory_space<vmem_shared>> -> memref<624x128xf32, #tpu.memory_space<vmem_shared>>
      tpu.enqueue_dma source(%dma_start3A_147 : memref<624x128xf32, #tpu.memory_space<vmem_shared>>) target(%dma_start3A_145 : memref<624x128xf32, #tpu.memory_space<hbm>>) target_semaphore(%run_scoped3A : memref<!tpu.dma_semaphore, #tpu.memory_space<semaphore_mem>>)
      %dma_wait3A_148 = arith.constant 0 : i32
      %dma_wait3A_149 = tpu.memref_slice %arg6[%add3A_141, %dma_wait3A_148] : memref<20000x128xf32, #tpu.memory_space<hbm>> -> memref<624x128xf32, #tpu.memory_space<hbm>>
      %dma_wait3A_150 = arith.constant 0 : i32
      %dma_wait3A_151 = tpu.memref_slice %arg19[%mul3A_136, %dma_wait3A_150] : memref<10000x128xf32, #tpu.memory_space<vmem_shared>> -> memref<624x128xf32, #tpu.memory_space<vmem_shared>>
      tpu.wait_dma2 semaphore(%run_scoped3A : memref<!tpu.dma_semaphore, #tpu.memory_space<semaphore_mem>>) src(%dma_wait3A_151 : memref<624x128xf32, #tpu.memory_space<vmem_shared>>) dst(%dma_wait3A_149 : memref<624x128xf32, #tpu.memory_space<hbm>>)
      tpu.yield
    }) : () -> ()
    %eq3A = arith.constant 0 : i32
    %eq3A_142 = arith.cmpi eq, %arg1, %eq3A : i32
    %convert_element_type3A = arith.extui %eq3A_142 : i1 to i32
    %cond3A = arith.constant 0 : i32
    %cond3A_143 = arith.cmpi ne, %convert_element_type3A, %cond3A : i32
    scf.if %cond3A_143 {
      %mul3A_144 = arith.constant 10000 : i32
      %mul3A_145 = arith.muli %arg0, %mul3A_144 : i32
      %add3A_146 = arith.constant 9984 : i32
      %add3A_147 = arith.addi %mul3A_145, %add3A_146 : i32
      "tpu.region"() ({
        %run_scoped3A = tpu.sem_alloc : memref<!tpu.dma_semaphore, #tpu.memory_space<semaphore_mem>>
        %dma_start3A_148 = arith.constant 0 : i32
        %dma_start3A_149 = tpu.memref_slice %arg6[%add3A_147, %dma_start3A_148] : memref<20000x128xf32, #tpu.memory_space<hbm>> -> memref<16x128xf32, #tpu.memory_space<hbm>>
        %dma_start3A_150 = arith.constant 9984 : i32
        %dma_start3A_151 = arith.constant 0 : i32
        %dma_start3A_152 = tpu.memref_slice %arg19[%dma_start3A_150, %dma_start3A_151] : memref<10000x128xf32, #tpu.memory_space<vmem_shared>> -> memref<16x128xf32, #tpu.memory_space<vmem_shared>>
        tpu.enqueue_dma source(%dma_start3A_152 : memref<16x128xf32, #tpu.memory_space<vmem_shared>>) target(%dma_start3A_149 : memref<16x128xf32, #tpu.memory_space<hbm>>) target_semaphore(%run_scoped3A : memref<!tpu.dma_semaphore, #tpu.memory_space<semaphore_mem>>)
        %dma_wait3A_153 = arith.constant 0 : i32
        %dma_wait3A_154 = tpu.memref_slice %arg6[%add3A_147, %dma_wait3A_153] : memref<20000x128xf32, #tpu.memory_space<hbm>> -> memref<16x128xf32, #tpu.memory_space<hbm>>
        %dma_wait3A_155 = arith.constant 9984 : i32
        %dma_wait3A_156 = arith.constant 0 : i32
        %dma_wait3A_157 = tpu.memref_slice %arg19[%dma_wait3A_155, %dma_wait3A_156] : memref<10000x128xf32, #tpu.memory_space<vmem_shared>> -> memref<16x128xf32, #tpu.memory_space<vmem_shared>>
        tpu.wait_dma2 semaphore(%run_scoped3A : memref<!tpu.dma_semaphore, #tpu.memory_space<semaphore_mem>>) src(%dma_wait3A_157 : memref<16x128xf32, #tpu.memory_space<vmem_shared>>) dst(%dma_wait3A_154 : memref<16x128xf32, #tpu.memory_space<hbm>>)
        tpu.yield
      }) : () -> ()
    } else {
    }
    return
  }
}

#map = affine_map<(d0, d1) -> (0)>
module attributes {stable_mosaic.version = 14 : i64} {
  func.func @_dosd_body(%arg0: i32, %arg1: i32, %arg2: memref<100000000xf32, #tpu.memory_space<hbm>>, %arg3: memref<320000xi32, #tpu.memory_space<hbm>>, %arg4: memref<320000xf32, #tpu.memory_space<hbm>>, %arg5: memref<80xi32, #tpu.memory_space<vmem>>, %arg6: memref<80xi32, #tpu.memory_space<vmem>>, %arg7: memref<80xf32, #tpu.memory_space<vmem>>, %arg8: memref<80xf32, #tpu.memory_space<vmem>>, %arg9: memref<!tpu.dma_semaphore, #tpu.memory_space<semaphore_mem>>, %arg10: memref<!tpu.dma_semaphore, #tpu.memory_space<semaphore_mem>>, %arg11: memref<!tpu.dma_semaphore, #tpu.memory_space<semaphore_mem>>, %arg12: memref<!tpu.dma_semaphore, #tpu.memory_space<semaphore_mem>>) attributes {dimension_semantics = [#tpu.dimension_semantics<core_parallel>, #tpu.dimension_semantics<subcore_parallel>], iteration_bounds = array<i64: 2, 16>, scalar_prefetch = 0 : i64, scratch_operands = 8 : i64, tpu.core_type = #tpu.core_type<sc_vector_subcore>, window_params = [{transform_indices = #map}, {transform_indices = #map}, {transform_indices = #map}]} {
    %mul3A = arith.constant 2 : i32
    %mul3A_0 = arith.muli %arg1, %mul3A : i32
    %add3A = arith.addi %mul3A_0, %arg0 : i32
    %mul3A_1 = arith.constant 10000 : i32
    %mul3A_2 = arith.muli %add3A, %mul3A_1 : i32
    %add3A_3 = arith.constant 0 : i32
    %add3A_4 = arith.addi %mul3A_2, %add3A_3 : i32
    %dma_start3A = tpu.memref_slice %arg3[%add3A_4] : memref<320000xi32, #tpu.memory_space<hbm>> -> memref<80xi32, #tpu.memory_space<hbm>>
    %dma_start3A_5 = tpu.memref_slice %arg3[%add3A_4] : memref<320000xi32, #tpu.memory_space<hbm>> -> memref<80xi32, #tpu.memory_space<hbm>>
    tpu.enqueue_dma source(%dma_start3A_5 : memref<80xi32, #tpu.memory_space<hbm>>) target(%arg5 : memref<80xi32, #tpu.memory_space<vmem>>) target_semaphore(%arg9 : memref<!tpu.dma_semaphore, #tpu.memory_space<semaphore_mem>>)
    %add3A_6 = arith.constant 80 : i32
    %add3A_7 = arith.addi %mul3A_2, %add3A_6 : i32
    %dma_start3A_8 = tpu.memref_slice %arg3[%add3A_7] : memref<320000xi32, #tpu.memory_space<hbm>> -> memref<80xi32, #tpu.memory_space<hbm>>
    %dma_start3A_9 = tpu.memref_slice %arg3[%add3A_7] : memref<320000xi32, #tpu.memory_space<hbm>> -> memref<80xi32, #tpu.memory_space<hbm>>
    tpu.enqueue_dma source(%dma_start3A_9 : memref<80xi32, #tpu.memory_space<hbm>>) target(%arg6 : memref<80xi32, #tpu.memory_space<vmem>>) target_semaphore(%arg10 : memref<!tpu.dma_semaphore, #tpu.memory_space<semaphore_mem>>)
    %dma_wait3A = arith.constant 0 : i32
    %dma_wait3A_10 = tpu.memref_slice %arg3[%dma_wait3A] : memref<320000xi32, #tpu.memory_space<hbm>> -> memref<80xi32, #tpu.memory_space<hbm>>
    %dma_wait3A_11 = arith.constant 0 : i32
    %dma_wait3A_12 = tpu.memref_slice %arg3[%dma_wait3A_11] : memref<320000xi32, #tpu.memory_space<hbm>> -> memref<80xi32, #tpu.memory_space<hbm>>
    tpu.wait_dma2 semaphore(%arg9 : memref<!tpu.dma_semaphore, #tpu.memory_space<semaphore_mem>>) src(%dma_wait3A_12 : memref<80xi32, #tpu.memory_space<hbm>>) dst(%arg5 : memref<80xi32, #tpu.memory_space<vmem>>)
    %dma_start3A_13 = arith.constant 0 : i32
    %dma_start3A_14 = tpu.memref_slice %arg2[%dma_start3A_13] : memref<100000000xf32, #tpu.memory_space<hbm>> -> memref<100000000xf32, #tpu.memory_space<hbm>>
    tpu.enqueue_indirect_dma source(%dma_start3A_14 : memref<100000000xf32, #tpu.memory_space<hbm>>) target(%arg7 : memref<80xf32, #tpu.memory_space<vmem>>) offsets(%arg5 : memref<80xi32, #tpu.memory_space<vmem>>) semaphore(%arg11 : memref<!tpu.dma_semaphore, #tpu.memory_space<semaphore_mem>>)
    %scan3A = arith.constant 0 : i32
    %scan3A_15 = arith.constant 0 : i32
    %scan3A_16 = arith.constant 62 : i32
    %scan3A_17 = arith.addi %scan3A_15, %scan3A_16 : i32
    %scan3A_18 = arith.constant 1 : i32
    %scan3A_19 = scf.for %scan3A_25 = %scan3A_15 to %scan3A_17 step %scan3A_18 iter_args(%scan3A_26 = %scan3A) -> (i32)  : i32 {
      %mul3A_27 = arith.constant 2 : i32
      %mul3A_28 = arith.muli %scan3A_25, %mul3A_27 : i32
      %add3A_29 = arith.constant 1 : i32
      %add3A_30 = arith.addi %mul3A_28, %add3A_29 : i32
      %lt3A = arith.constant 125 : i32
      %lt3A_31 = arith.cmpi slt, %add3A_30, %lt3A : i32
      %convert_element_type3A = arith.extui %lt3A_31 : i1 to i32
      %cond3A = arith.constant 0 : i32
      %cond3A_32 = arith.cmpi ne, %convert_element_type3A, %cond3A : i32
      scf.if %cond3A_32 {
        %dma_wait3A_67 = arith.constant 0 : i32
        %dma_wait3A_68 = tpu.memref_slice %arg3[%dma_wait3A_67] : memref<320000xi32, #tpu.memory_space<hbm>> -> memref<80xi32, #tpu.memory_space<hbm>>
        %dma_wait3A_69 = arith.constant 0 : i32
        %dma_wait3A_70 = tpu.memref_slice %arg3[%dma_wait3A_69] : memref<320000xi32, #tpu.memory_space<hbm>> -> memref<80xi32, #tpu.memory_space<hbm>>
        tpu.wait_dma2 semaphore(%arg10 : memref<!tpu.dma_semaphore, #tpu.memory_space<semaphore_mem>>) src(%dma_wait3A_70 : memref<80xi32, #tpu.memory_space<hbm>>) dst(%arg6 : memref<80xi32, #tpu.memory_space<vmem>>)
        %dma_start3A_71 = arith.constant 0 : i32
        %dma_start3A_72 = tpu.memref_slice %arg2[%dma_start3A_71] : memref<100000000xf32, #tpu.memory_space<hbm>> -> memref<100000000xf32, #tpu.memory_space<hbm>>
        tpu.enqueue_indirect_dma source(%dma_start3A_72 : memref<100000000xf32, #tpu.memory_space<hbm>>) target(%arg8 : memref<80xf32, #tpu.memory_space<vmem>>) offsets(%arg6 : memref<80xi32, #tpu.memory_space<vmem>>) semaphore(%arg12 : memref<!tpu.dma_semaphore, #tpu.memory_space<semaphore_mem>>)
      } else {
      }
      %dma_wait3A_33 = arith.constant 0 : i32
      %dma_wait3A_34 = tpu.memref_slice %arg2[%dma_wait3A_33] : memref<100000000xf32, #tpu.memory_space<hbm>> -> memref<100000000xf32, #tpu.memory_space<hbm>>
      tpu.wait_indirect_dma semaphore(%arg11 : memref<!tpu.dma_semaphore, #tpu.memory_space<semaphore_mem>>) src(%dma_wait3A_34 : memref<100000000xf32, #tpu.memory_space<hbm>>) dst(%arg7 : memref<80xf32, #tpu.memory_space<vmem>>)
      %mul3A_35 = arith.constant 80 : i32
      %mul3A_36 = arith.muli %mul3A_28, %mul3A_35 : i32
      %add3A_37 = arith.addi %mul3A_2, %mul3A_36 : i32
      "tpu.region"() ({
        %run_scoped3A = tpu.sem_alloc : memref<!tpu.dma_semaphore, #tpu.memory_space<semaphore_mem>>
        %dma_start3A_67 = tpu.memref_slice %arg4[%add3A_37] : memref<320000xf32, #tpu.memory_space<hbm>> -> memref<80xf32, #tpu.memory_space<hbm>>
        %dma_start3A_68 = tpu.memref_slice %arg4[%add3A_37] : memref<320000xf32, #tpu.memory_space<hbm>> -> memref<80xf32, #tpu.memory_space<hbm>>
        tpu.enqueue_dma source(%arg7 : memref<80xf32, #tpu.memory_space<vmem>>) target(%dma_start3A_68 : memref<80xf32, #tpu.memory_space<hbm>>) target_semaphore(%run_scoped3A : memref<!tpu.dma_semaphore, #tpu.memory_space<semaphore_mem>>)
        %dma_wait3A_69 = tpu.memref_slice %arg4[%add3A_37] : memref<320000xf32, #tpu.memory_space<hbm>> -> memref<80xf32, #tpu.memory_space<hbm>>
        %dma_wait3A_70 = tpu.memref_slice %arg4[%add3A_37] : memref<320000xf32, #tpu.memory_space<hbm>> -> memref<80xf32, #tpu.memory_space<hbm>>
        tpu.wait_dma2 semaphore(%run_scoped3A : memref<!tpu.dma_semaphore, #tpu.memory_space<semaphore_mem>>) src(%arg7 : memref<80xf32, #tpu.memory_space<vmem>>) dst(%dma_wait3A_70 : memref<80xf32, #tpu.memory_space<hbm>>)
        tpu.yield
      }) : () -> ()
      %add3A_38 = arith.constant 2 : i32
      %add3A_39 = arith.addi %mul3A_28, %add3A_38 : i32
      %lt3A_40 = arith.constant 125 : i32
      %lt3A_41 = arith.cmpi slt, %add3A_39, %lt3A_40 : i32
      %convert_element_type3A_42 = arith.extui %lt3A_41 : i1 to i32
      %cond3A_43 = arith.constant 0 : i32
      %cond3A_44 = arith.cmpi ne, %convert_element_type3A_42, %cond3A_43 : i32
      scf.if %cond3A_44 {
        %add3A_67 = arith.constant 2 : i32
        %add3A_68 = arith.addi %mul3A_28, %add3A_67 : i32
        %mul3A_69 = arith.constant 80 : i32
        %mul3A_70 = arith.muli %add3A_68, %mul3A_69 : i32
        %add3A_71 = arith.addi %mul3A_2, %mul3A_70 : i32
        %dma_start3A_72 = tpu.memref_slice %arg3[%add3A_71] : memref<320000xi32, #tpu.memory_space<hbm>> -> memref<80xi32, #tpu.memory_space<hbm>>
        %dma_start3A_73 = tpu.memref_slice %arg3[%add3A_71] : memref<320000xi32, #tpu.memory_space<hbm>> -> memref<80xi32, #tpu.memory_space<hbm>>
        tpu.enqueue_dma source(%dma_start3A_73 : memref<80xi32, #tpu.memory_space<hbm>>) target(%arg5 : memref<80xi32, #tpu.memory_space<vmem>>) target_semaphore(%arg9 : memref<!tpu.dma_semaphore, #tpu.memory_space<semaphore_mem>>)
      } else {
      }
      %add3A_45 = arith.constant 1 : i32
      %add3A_46 = arith.addi %mul3A_28, %add3A_45 : i32
      %add3A_47 = arith.constant 1 : i32
      %add3A_48 = arith.addi %add3A_46, %add3A_47 : i32
      %lt3A_49 = arith.constant 125 : i32
      %lt3A_50 = arith.cmpi slt, %add3A_48, %lt3A_49 : i32
      %convert_element_type3A_51 = arith.extui %lt3A_50 : i1 to i32
      %cond3A_52 = arith.constant 0 : i32
      %cond3A_53 = arith.cmpi ne, %convert_element_type3A_51, %cond3A_52 : i32
      scf.if %cond3A_53 {
        %dma_wait3A_67 = arith.constant 0 : i32
        %dma_wait3A_68 = tpu.memref_slice %arg3[%dma_wait3A_67] : memref<320000xi32, #tpu.memory_space<hbm>> -> memref<80xi32, #tpu.memory_space<hbm>>
        %dma_wait3A_69 = arith.constant 0 : i32
        %dma_wait3A_70 = tpu.memref_slice %arg3[%dma_wait3A_69] : memref<320000xi32, #tpu.memory_space<hbm>> -> memref<80xi32, #tpu.memory_space<hbm>>
        tpu.wait_dma2 semaphore(%arg9 : memref<!tpu.dma_semaphore, #tpu.memory_space<semaphore_mem>>) src(%dma_wait3A_70 : memref<80xi32, #tpu.memory_space<hbm>>) dst(%arg5 : memref<80xi32, #tpu.memory_space<vmem>>)
        %dma_start3A_71 = arith.constant 0 : i32
        %dma_start3A_72 = tpu.memref_slice %arg2[%dma_start3A_71] : memref<100000000xf32, #tpu.memory_space<hbm>> -> memref<100000000xf32, #tpu.memory_space<hbm>>
        tpu.enqueue_indirect_dma source(%dma_start3A_72 : memref<100000000xf32, #tpu.memory_space<hbm>>) target(%arg7 : memref<80xf32, #tpu.memory_space<vmem>>) offsets(%arg5 : memref<80xi32, #tpu.memory_space<vmem>>) semaphore(%arg11 : memref<!tpu.dma_semaphore, #tpu.memory_space<semaphore_mem>>)
      } else {
      }
      %dma_wait3A_54 = arith.constant 0 : i32
      %dma_wait3A_55 = tpu.memref_slice %arg2[%dma_wait3A_54] : memref<100000000xf32, #tpu.memory_space<hbm>> -> memref<100000000xf32, #tpu.memory_space<hbm>>
      tpu.wait_indirect_dma semaphore(%arg12 : memref<!tpu.dma_semaphore, #tpu.memory_space<semaphore_mem>>) src(%dma_wait3A_55 : memref<100000000xf32, #tpu.memory_space<hbm>>) dst(%arg8 : memref<80xf32, #tpu.memory_space<vmem>>)
      %mul3A_56 = arith.constant 80 : i32
      %mul3A_57 = arith.muli %add3A_46, %mul3A_56 : i32
      %add3A_58 = arith.addi %mul3A_2, %mul3A_57 : i32
      "tpu.region"() ({
        %run_scoped3A = tpu.sem_alloc : memref<!tpu.dma_semaphore, #tpu.memory_space<semaphore_mem>>
        %dma_start3A_67 = tpu.memref_slice %arg4[%add3A_58] : memref<320000xf32, #tpu.memory_space<hbm>> -> memref<80xf32, #tpu.memory_space<hbm>>
        %dma_start3A_68 = tpu.memref_slice %arg4[%add3A_58] : memref<320000xf32, #tpu.memory_space<hbm>> -> memref<80xf32, #tpu.memory_space<hbm>>
        tpu.enqueue_dma source(%arg8 : memref<80xf32, #tpu.memory_space<vmem>>) target(%dma_start3A_68 : memref<80xf32, #tpu.memory_space<hbm>>) target_semaphore(%run_scoped3A : memref<!tpu.dma_semaphore, #tpu.memory_space<semaphore_mem>>)
        %dma_wait3A_69 = tpu.memref_slice %arg4[%add3A_58] : memref<320000xf32, #tpu.memory_space<hbm>> -> memref<80xf32, #tpu.memory_space<hbm>>
        %dma_wait3A_70 = tpu.memref_slice %arg4[%add3A_58] : memref<320000xf32, #tpu.memory_space<hbm>> -> memref<80xf32, #tpu.memory_space<hbm>>
        tpu.wait_dma2 semaphore(%run_scoped3A : memref<!tpu.dma_semaphore, #tpu.memory_space<semaphore_mem>>) src(%arg8 : memref<80xf32, #tpu.memory_space<vmem>>) dst(%dma_wait3A_70 : memref<80xf32, #tpu.memory_space<hbm>>)
        tpu.yield
      }) : () -> ()
      %add3A_59 = arith.constant 2 : i32
      %add3A_60 = arith.addi %add3A_46, %add3A_59 : i32
      %lt3A_61 = arith.constant 125 : i32
      %lt3A_62 = arith.cmpi slt, %add3A_60, %lt3A_61 : i32
      %convert_element_type3A_63 = arith.extui %lt3A_62 : i1 to i32
      %cond3A_64 = arith.constant 0 : i32
      %cond3A_65 = arith.cmpi ne, %convert_element_type3A_63, %cond3A_64 : i32
      scf.if %cond3A_65 {
        %add3A_67 = arith.constant 2 : i32
        %add3A_68 = arith.addi %add3A_46, %add3A_67 : i32
        %mul3A_69 = arith.constant 80 : i32
        %mul3A_70 = arith.muli %add3A_68, %mul3A_69 : i32
        %add3A_71 = arith.addi %mul3A_2, %mul3A_70 : i32
        %dma_start3A_72 = tpu.memref_slice %arg3[%add3A_71] : memref<320000xi32, #tpu.memory_space<hbm>> -> memref<80xi32, #tpu.memory_space<hbm>>
        %dma_start3A_73 = tpu.memref_slice %arg3[%add3A_71] : memref<320000xi32, #tpu.memory_space<hbm>> -> memref<80xi32, #tpu.memory_space<hbm>>
        tpu.enqueue_dma source(%dma_start3A_73 : memref<80xi32, #tpu.memory_space<hbm>>) target(%arg6 : memref<80xi32, #tpu.memory_space<vmem>>) target_semaphore(%arg10 : memref<!tpu.dma_semaphore, #tpu.memory_space<semaphore_mem>>)
      } else {
      }
      %scan3A_66 = arith.constant 0 : i32
      scf.yield %scan3A_66 : i32
    }
    %scan3A_20 = arith.constant 62 : i32
    %dma_wait3A_21 = arith.constant 0 : i32
    %dma_wait3A_22 = tpu.memref_slice %arg2[%dma_wait3A_21] : memref<100000000xf32, #tpu.memory_space<hbm>> -> memref<100000000xf32, #tpu.memory_space<hbm>>
    tpu.wait_indirect_dma semaphore(%arg11 : memref<!tpu.dma_semaphore, #tpu.memory_space<semaphore_mem>>) src(%dma_wait3A_22 : memref<100000000xf32, #tpu.memory_space<hbm>>) dst(%arg7 : memref<80xf32, #tpu.memory_space<vmem>>)
    %add3A_23 = arith.constant 9920 : i32
    %add3A_24 = arith.addi %mul3A_2, %add3A_23 : i32
    "tpu.region"() ({
      %run_scoped3A = tpu.sem_alloc : memref<!tpu.dma_semaphore, #tpu.memory_space<semaphore_mem>>
      %dma_start3A_25 = tpu.memref_slice %arg4[%add3A_24] : memref<320000xf32, #tpu.memory_space<hbm>> -> memref<80xf32, #tpu.memory_space<hbm>>
      %dma_start3A_26 = tpu.memref_slice %arg4[%add3A_24] : memref<320000xf32, #tpu.memory_space<hbm>> -> memref<80xf32, #tpu.memory_space<hbm>>
      tpu.enqueue_dma source(%arg7 : memref<80xf32, #tpu.memory_space<vmem>>) target(%dma_start3A_26 : memref<80xf32, #tpu.memory_space<hbm>>) target_semaphore(%run_scoped3A : memref<!tpu.dma_semaphore, #tpu.memory_space<semaphore_mem>>)
      %dma_wait3A_27 = tpu.memref_slice %arg4[%add3A_24] : memref<320000xf32, #tpu.memory_space<hbm>> -> memref<80xf32, #tpu.memory_space<hbm>>
      %dma_wait3A_28 = tpu.memref_slice %arg4[%add3A_24] : memref<320000xf32, #tpu.memory_space<hbm>> -> memref<80xf32, #tpu.memory_space<hbm>>
      tpu.wait_dma2 semaphore(%run_scoped3A : memref<!tpu.dma_semaphore, #tpu.memory_space<semaphore_mem>>) src(%arg7 : memref<80xf32, #tpu.memory_space<vmem>>) dst(%dma_wait3A_28 : memref<80xf32, #tpu.memory_space<hbm>>)
      tpu.yield
    }) : () -> ()
    return
  }
}

module attributes {stable_mosaic.version = 14 : i64} {
  func.func @_eaw_body(%arg0: i32, %arg1: memref<18x2560xf32, #tpu.memory_space<vmem>>, %arg2: memref<18x64xf32, #tpu.memory_space<vmem>>, %arg3: memref<1x64xf32, #tpu.memory_space<vmem>>, %arg4: memref<18x64xf32, #tpu.memory_space<vmem>>, %arg5: memref<1x64xf32, #tpu.memory_space<vmem>>, %arg6: memref<18x64xf32, #tpu.memory_space<vmem>>, %arg7: memref<1x64xf32, #tpu.memory_space<vmem>>, %arg8: memref<18x64xf32, #tpu.memory_space<vmem>>, %arg9: memref<1x64xf32, #tpu.memory_space<vmem>>, %arg10: memref<18x64xf32, #tpu.memory_space<vmem>>, %arg11: memref<1x64xf32, #tpu.memory_space<vmem>>, %arg12: memref<18x64xf32, #tpu.memory_space<vmem>>, %arg13: memref<1x64xf32, #tpu.memory_space<vmem>>, %arg14: memref<18x64xf32, #tpu.memory_space<vmem>>, %arg15: memref<1x64xf32, #tpu.memory_space<vmem>>, %arg16: memref<18x64xf32, #tpu.memory_space<vmem>>, %arg17: memref<1x64xf32, #tpu.memory_space<vmem>>, %arg18: memref<18x64xf32, #tpu.memory_space<vmem>>, %arg19: memref<1x64xf32, #tpu.memory_space<vmem>>, %arg20: memref<18x64xf32, #tpu.memory_space<vmem>>, %arg21: memref<1x64xf32, #tpu.memory_space<vmem>>, %arg22: memref<2560x64xi32, #tpu.memory_space<vmem>>, %arg23: memref<2x2560x64xi32, #tpu.memory_space<vmem>>, %arg24: memref<2x2560x64xi32, #tpu.memory_space<vmem>>) attributes {dimension_semantics = [#tpu.dimension_semantics<arbitrary>], iteration_bounds = array<i64: 125>, scalar_prefetch = 0 : i64, scratch_operands = 0 : i64, tpu.core_type = #tpu.core_type<tc>, window_params = [{transform_indices = @transform_0, window_bounds = array<i64: 18, 2560>}, {pipeline_mode = #tpu.pipeline_mode<synchronous>, transform_indices = @transform_1, window_bounds = array<i64: 18, 64>}, {pipeline_mode = #tpu.pipeline_mode<synchronous>, transform_indices = @transform_2, window_bounds = array<i64: 1, 64>}, {pipeline_mode = #tpu.pipeline_mode<synchronous>, transform_indices = @transform_3, window_bounds = array<i64: 18, 64>}, {pipeline_mode = #tpu.pipeline_mode<synchronous>, transform_indices = @transform_4, window_bounds = array<i64: 1, 64>}, {pipeline_mode = #tpu.pipeline_mode<synchronous>, transform_indices = @transform_5, window_bounds = array<i64: 18, 64>}, {pipeline_mode = #tpu.pipeline_mode<synchronous>, transform_indices = @transform_6, window_bounds = array<i64: 1, 64>}, {pipeline_mode = #tpu.pipeline_mode<synchronous>, transform_indices = @transform_7, window_bounds = array<i64: 18, 64>}, {pipeline_mode = #tpu.pipeline_mode<synchronous>, transform_indices = @transform_8, window_bounds = array<i64: 1, 64>}, {pipeline_mode = #tpu.pipeline_mode<synchronous>, transform_indices = @transform_9, window_bounds = array<i64: 18, 64>}, {pipeline_mode = #tpu.pipeline_mode<synchronous>, transform_indices = @transform_10, window_bounds = array<i64: 1, 64>}, {pipeline_mode = #tpu.pipeline_mode<synchronous>, transform_indices = @transform_11, window_bounds = array<i64: 18, 64>}, {pipeline_mode = #tpu.pipeline_mode<synchronous>, transform_indices = @transform_12, window_bounds = array<i64: 1, 64>}, {pipeline_mode = #tpu.pipeline_mode<synchronous>, transform_indices = @transform_13, window_bounds = array<i64: 18, 64>}, {pipeline_mode = #tpu.pipeline_mode<synchronous>, transform_indices = @transform_14, window_bounds = array<i64: 1, 64>}, {pipeline_mode = #tpu.pipeline_mode<synchronous>, transform_indices = @transform_15, window_bounds = array<i64: 18, 64>}, {pipeline_mode = #tpu.pipeline_mode<synchronous>, transform_indices = @transform_16, window_bounds = array<i64: 1, 64>}, {pipeline_mode = #tpu.pipeline_mode<synchronous>, transform_indices = @transform_17, window_bounds = array<i64: 18, 64>}, {pipeline_mode = #tpu.pipeline_mode<synchronous>, transform_indices = @transform_18, window_bounds = array<i64: 1, 64>}, {pipeline_mode = #tpu.pipeline_mode<synchronous>, transform_indices = @transform_19, window_bounds = array<i64: 18, 64>}, {pipeline_mode = #tpu.pipeline_mode<synchronous>, transform_indices = @transform_20, window_bounds = array<i64: 1, 64>}, {transform_indices = @transform_21, window_bounds = array<i64: 2560, 64>}, {transform_indices = @transform_22, window_bounds = array<i64: 2, 2560, 64>}, {transform_indices = @transform_23, window_bounds = array<i64: 2, 2560, 64>}]} {
    %get3A = arith.constant 0 : index
    %get3A_0 = arith.constant 0 : index
    %get3A_1 = vector.load %arg1[%get3A, %get3A_0] : memref<18x2560xf32, #tpu.memory_space<vmem>>, vector<18x2560xf32>
    %get3A_2 = arith.constant 0 : index
    %get3A_3 = arith.constant 0 : index
    %get3A_4 = vector.load %arg2[%get3A_2, %get3A_3] : memref<18x64xf32, #tpu.memory_space<vmem>>, vector<18x64xf32>
    %dot_general3A = arith.constant dense<0.000000e+00> : vector<2560x64xf32>
    %dot_general3A_5 = tpu.matmul %get3A_1, %get3A_4, %dot_general3A {dimension_numbers = #tpu.dot_dimension_numbers<[0], [0], [1], [1], [0, 1, 1, 1], [], []>, transpose_lhs_hint = false} : vector<18x2560xf32>, vector<18x64xf32>, vector<2560x64xf32> -> vector<2560x64xf32>
    %get3A_6 = arith.constant 0 : index
    %get3A_7 = arith.constant 0 : index
    %get3A_8 = vector.load %arg3[%get3A_6, %get3A_7] : memref<1x64xf32, #tpu.memory_space<vmem>>, vector<1x64xf32>
    %add3A = vector.broadcast %get3A_8 : vector<1x64xf32> to vector<2560x64xf32>
    %add3A_9 = arith.addf %dot_general3A_5, %add3A : vector<2560x64xf32>
    %get3A_10 = arith.constant 0 : index
    %get3A_11 = arith.constant 0 : index
    %get3A_12 = vector.load %arg4[%get3A_10, %get3A_11] : memref<18x64xf32, #tpu.memory_space<vmem>>, vector<18x64xf32>
    %dot_general3A_13 = arith.constant dense<0.000000e+00> : vector<2560x64xf32>
    %dot_general3A_14 = tpu.matmul %get3A_1, %get3A_12, %dot_general3A_13 {dimension_numbers = #tpu.dot_dimension_numbers<[0], [0], [1], [1], [0, 1, 1, 1], [], []>, transpose_lhs_hint = false} : vector<18x2560xf32>, vector<18x64xf32>, vector<2560x64xf32> -> vector<2560x64xf32>
    %get3A_15 = arith.constant 0 : index
    %get3A_16 = arith.constant 0 : index
    %get3A_17 = vector.load %arg5[%get3A_15, %get3A_16] : memref<1x64xf32, #tpu.memory_space<vmem>>, vector<1x64xf32>
    %add3A_18 = vector.broadcast %get3A_17 : vector<1x64xf32> to vector<2560x64xf32>
    %add3A_19 = arith.addf %dot_general3A_14, %add3A_18 : vector<2560x64xf32>
    %convert_element_type3A = arith.truncf %add3A_9 : vector<2560x64xf32> to vector<2560x64xbf16>
    %bitcast_convert_type3A = tpu.bitcast %convert_element_type3A : vector<2560x64xbf16> -> vector<2560x64xi16>
    %convert_element_type3A_20 = arith.extui %bitcast_convert_type3A : vector<2560x64xi16> to vector<2560x64xi32>
    %convert_element_type3A_21 = arith.truncf %add3A_19 : vector<2560x64xf32> to vector<2560x64xbf16>
    %bitcast_convert_type3A_22 = tpu.bitcast %convert_element_type3A_21 : vector<2560x64xbf16> -> vector<2560x64xi16>
    %convert_element_type3A_23 = arith.extui %bitcast_convert_type3A_22 : vector<2560x64xi16> to vector<2560x64xi32>
    %shift_left3A = arith.constant 16 : i32
    %shift_left3A_24 = vector.broadcast %shift_left3A : i32 to vector<2560x64xi32>
    %shift_left3A_25 = arith.shli %convert_element_type3A_23, %shift_left3A_24 : vector<2560x64xi32>
    %or3A = arith.ori %convert_element_type3A_20, %shift_left3A_25 : vector<2560x64xi32>
    %bitcast_convert_type3A_26 = tpu.bitcast %or3A : vector<2560x64xi32> -> vector<2560x64xi32>
    %swap3A = arith.constant 0 : index
    %swap3A_27 = arith.constant 0 : index
    %swap3A_28 = vector.load %arg22[%swap3A, %swap3A_27] : memref<2560x64xi32, #tpu.memory_space<vmem>>, vector<2560x64xi32>
    tpu.vector_store %arg22[%swap3A, %swap3A_27], %bitcast_convert_type3A_26 {strides = array<i32>} : memref<2560x64xi32, #tpu.memory_space<vmem>>, vector<2560x64xi32>,
    %get3A_29 = arith.constant 0 : index
    %get3A_30 = arith.constant 0 : index
    %get3A_31 = vector.load %arg6[%get3A_29, %get3A_30] : memref<18x64xf32, #tpu.memory_space<vmem>>, vector<18x64xf32>
    %dot_general3A_32 = arith.constant dense<0.000000e+00> : vector<2560x64xf32>
    %dot_general3A_33 = tpu.matmul %get3A_1, %get3A_31, %dot_general3A_32 {dimension_numbers = #tpu.dot_dimension_numbers<[0], [0], [1], [1], [0, 1, 1, 1], [], []>, transpose_lhs_hint = false} : vector<18x2560xf32>, vector<18x64xf32>, vector<2560x64xf32> -> vector<2560x64xf32>
    %get3A_34 = arith.constant 0 : index
    %get3A_35 = arith.constant 0 : index
    %get3A_36 = vector.load %arg7[%get3A_34, %get3A_35] : memref<1x64xf32, #tpu.memory_space<vmem>>, vector<1x64xf32>
    %add3A_37 = vector.broadcast %get3A_36 : vector<1x64xf32> to vector<2560x64xf32>
    %add3A_38 = arith.addf %dot_general3A_33, %add3A_37 : vector<2560x64xf32>
    %get3A_39 = arith.constant 0 : index
    %get3A_40 = arith.constant 0 : index
    %get3A_41 = vector.load %arg8[%get3A_39, %get3A_40] : memref<18x64xf32, #tpu.memory_space<vmem>>, vector<18x64xf32>
    %dot_general3A_42 = arith.constant dense<0.000000e+00> : vector<2560x64xf32>
    %dot_general3A_43 = tpu.matmul %get3A_1, %get3A_41, %dot_general3A_42 {dimension_numbers = #tpu.dot_dimension_numbers<[0], [0], [1], [1], [0, 1, 1, 1], [], []>, transpose_lhs_hint = false} : vector<18x2560xf32>, vector<18x64xf32>, vector<2560x64xf32> -> vector<2560x64xf32>
    %get3A_44 = arith.constant 0 : index
    %get3A_45 = arith.constant 0 : index
    %get3A_46 = vector.load %arg9[%get3A_44, %get3A_45] : memref<1x64xf32, #tpu.memory_space<vmem>>, vector<1x64xf32>
    %add3A_47 = vector.broadcast %get3A_46 : vector<1x64xf32> to vector<2560x64xf32>
    %add3A_48 = arith.addf %dot_general3A_43, %add3A_47 : vector<2560x64xf32>
    %convert_element_type3A_49 = arith.truncf %add3A_38 : vector<2560x64xf32> to vector<2560x64xbf16>
    %bitcast_convert_type3A_50 = tpu.bitcast %convert_element_type3A_49 : vector<2560x64xbf16> -> vector<2560x64xi16>
    %convert_element_type3A_51 = arith.extui %bitcast_convert_type3A_50 : vector<2560x64xi16> to vector<2560x64xi32>
    %convert_element_type3A_52 = arith.truncf %add3A_48 : vector<2560x64xf32> to vector<2560x64xbf16>
    %bitcast_convert_type3A_53 = tpu.bitcast %convert_element_type3A_52 : vector<2560x64xbf16> -> vector<2560x64xi16>
    %convert_element_type3A_54 = arith.extui %bitcast_convert_type3A_53 : vector<2560x64xi16> to vector<2560x64xi32>
    %shift_left3A_55 = arith.constant 16 : i32
    %shift_left3A_56 = vector.broadcast %shift_left3A_55 : i32 to vector<2560x64xi32>
    %shift_left3A_57 = arith.shli %convert_element_type3A_54, %shift_left3A_56 : vector<2560x64xi32>
    %or3A_58 = arith.ori %convert_element_type3A_51, %shift_left3A_57 : vector<2560x64xi32>
    %bitcast_convert_type3A_59 = tpu.bitcast %or3A_58 : vector<2560x64xi32> -> vector<2560x64xi32>
    %swap3A_60 = arith.constant 0 : index
    %swap3A_61 = arith.constant 0 : index
    %swap3A_62 = arith.constant 0 : index
    %swap3A_63 = vector.load %arg23[%swap3A_60, %swap3A_61, %swap3A_62] : memref<2x2560x64xi32, #tpu.memory_space<vmem>>, vector<1x2560x64xi32>
    %swap3A_64 = vector.shape_cast %swap3A_63 : vector<1x2560x64xi32> to vector<2560x64xi32>
    %swap3A_65 = vector.shape_cast %bitcast_convert_type3A_59 : vector<2560x64xi32> to vector<1x2560x64xi32>
    tpu.vector_store %arg23[%swap3A_60, %swap3A_61, %swap3A_62], %swap3A_65 {strides = array<i32>} : memref<2x2560x64xi32, #tpu.memory_space<vmem>>, vector<1x2560x64xi32>,
    %get3A_66 = arith.constant 0 : index
    %get3A_67 = arith.constant 0 : index
    %get3A_68 = vector.load %arg10[%get3A_66, %get3A_67] : memref<18x64xf32, #tpu.memory_space<vmem>>, vector<18x64xf32>
    %dot_general3A_69 = arith.constant dense<0.000000e+00> : vector<2560x64xf32>
    %dot_general3A_70 = tpu.matmul %get3A_1, %get3A_68, %dot_general3A_69 {dimension_numbers = #tpu.dot_dimension_numbers<[0], [0], [1], [1], [0, 1, 1, 1], [], []>, transpose_lhs_hint = false} : vector<18x2560xf32>, vector<18x64xf32>, vector<2560x64xf32> -> vector<2560x64xf32>
    %get3A_71 = arith.constant 0 : index
    %get3A_72 = arith.constant 0 : index
    %get3A_73 = vector.load %arg11[%get3A_71, %get3A_72] : memref<1x64xf32, #tpu.memory_space<vmem>>, vector<1x64xf32>
    %add3A_74 = vector.broadcast %get3A_73 : vector<1x64xf32> to vector<2560x64xf32>
    %add3A_75 = arith.addf %dot_general3A_70, %add3A_74 : vector<2560x64xf32>
    %get3A_76 = arith.constant 0 : index
    %get3A_77 = arith.constant 0 : index
    %get3A_78 = vector.load %arg12[%get3A_76, %get3A_77] : memref<18x64xf32, #tpu.memory_space<vmem>>, vector<18x64xf32>
    %dot_general3A_79 = arith.constant dense<0.000000e+00> : vector<2560x64xf32>
    %dot_general3A_80 = tpu.matmul %get3A_1, %get3A_78, %dot_general3A_79 {dimension_numbers = #tpu.dot_dimension_numbers<[0], [0], [1], [1], [0, 1, 1, 1], [], []>, transpose_lhs_hint = false} : vector<18x2560xf32>, vector<18x64xf32>, vector<2560x64xf32> -> vector<2560x64xf32>
    %get3A_81 = arith.constant 0 : index
    %get3A_82 = arith.constant 0 : index
    %get3A_83 = vector.load %arg13[%get3A_81, %get3A_82] : memref<1x64xf32, #tpu.memory_space<vmem>>, vector<1x64xf32>
    %add3A_84 = vector.broadcast %get3A_83 : vector<1x64xf32> to vector<2560x64xf32>
    %add3A_85 = arith.addf %dot_general3A_80, %add3A_84 : vector<2560x64xf32>
    %convert_element_type3A_86 = arith.truncf %add3A_75 : vector<2560x64xf32> to vector<2560x64xbf16>
    %bitcast_convert_type3A_87 = tpu.bitcast %convert_element_type3A_86 : vector<2560x64xbf16> -> vector<2560x64xi16>
    %convert_element_type3A_88 = arith.extui %bitcast_convert_type3A_87 : vector<2560x64xi16> to vector<2560x64xi32>
    %convert_element_type3A_89 = arith.truncf %add3A_85 : vector<2560x64xf32> to vector<2560x64xbf16>
    %bitcast_convert_type3A_90 = tpu.bitcast %convert_element_type3A_89 : vector<2560x64xbf16> -> vector<2560x64xi16>
    %convert_element_type3A_91 = arith.extui %bitcast_convert_type3A_90 : vector<2560x64xi16> to vector<2560x64xi32>
    %shift_left3A_92 = arith.constant 16 : i32
    %shift_left3A_93 = vector.broadcast %shift_left3A_92 : i32 to vector<2560x64xi32>
    %shift_left3A_94 = arith.shli %convert_element_type3A_91, %shift_left3A_93 : vector<2560x64xi32>
    %or3A_95 = arith.ori %convert_element_type3A_88, %shift_left3A_94 : vector<2560x64xi32>
    %bitcast_convert_type3A_96 = tpu.bitcast %or3A_95 : vector<2560x64xi32> -> vector<2560x64xi32>
    %swap3A_97 = arith.constant 1 : index
    %swap3A_98 = arith.constant 0 : index
    %swap3A_99 = arith.constant 0 : index
    %swap3A_100 = vector.load %arg23[%swap3A_97, %swap3A_98, %swap3A_99] : memref<2x2560x64xi32, #tpu.memory_space<vmem>>, vector<1x2560x64xi32>
    %swap3A_101 = vector.shape_cast %swap3A_100 : vector<1x2560x64xi32> to vector<2560x64xi32>
    %swap3A_102 = vector.shape_cast %bitcast_convert_type3A_96 : vector<2560x64xi32> to vector<1x2560x64xi32>
    tpu.vector_store %arg23[%swap3A_97, %swap3A_98, %swap3A_99], %swap3A_102 {strides = array<i32>} : memref<2x2560x64xi32, #tpu.memory_space<vmem>>, vector<1x2560x64xi32>,
    %get3A_103 = arith.constant 0 : index
    %get3A_104 = arith.constant 0 : index
    %get3A_105 = vector.load %arg14[%get3A_103, %get3A_104] : memref<18x64xf32, #tpu.memory_space<vmem>>, vector<18x64xf32>
    %dot_general3A_106 = arith.constant dense<0.000000e+00> : vector<2560x64xf32>
    %dot_general3A_107 = tpu.matmul %get3A_1, %get3A_105, %dot_general3A_106 {dimension_numbers = #tpu.dot_dimension_numbers<[0], [0], [1], [1], [0, 1, 1, 1], [], []>, transpose_lhs_hint = false} : vector<18x2560xf32>, vector<18x64xf32>, vector<2560x64xf32> -> vector<2560x64xf32>
    %get3A_108 = arith.constant 0 : index
    %get3A_109 = arith.constant 0 : index
    %get3A_110 = vector.load %arg15[%get3A_108, %get3A_109] : memref<1x64xf32, #tpu.memory_space<vmem>>, vector<1x64xf32>
    %add3A_111 = vector.broadcast %get3A_110 : vector<1x64xf32> to vector<2560x64xf32>
    %add3A_112 = arith.addf %dot_general3A_107, %add3A_111 : vector<2560x64xf32>
    %get3A_113 = arith.constant 0 : index
    %get3A_114 = arith.constant 0 : index
    %get3A_115 = vector.load %arg16[%get3A_113, %get3A_114] : memref<18x64xf32, #tpu.memory_space<vmem>>, vector<18x64xf32>
    %dot_general3A_116 = arith.constant dense<0.000000e+00> : vector<2560x64xf32>
    %dot_general3A_117 = tpu.matmul %get3A_1, %get3A_115, %dot_general3A_116 {dimension_numbers = #tpu.dot_dimension_numbers<[0], [0], [1], [1], [0, 1, 1, 1], [], []>, transpose_lhs_hint = false} : vector<18x2560xf32>, vector<18x64xf32>, vector<2560x64xf32> -> vector<2560x64xf32>
    %get3A_118 = arith.constant 0 : index
    %get3A_119 = arith.constant 0 : index
    %get3A_120 = vector.load %arg17[%get3A_118, %get3A_119] : memref<1x64xf32, #tpu.memory_space<vmem>>, vector<1x64xf32>
    %add3A_121 = vector.broadcast %get3A_120 : vector<1x64xf32> to vector<2560x64xf32>
    %add3A_122 = arith.addf %dot_general3A_117, %add3A_121 : vector<2560x64xf32>
    %convert_element_type3A_123 = arith.truncf %add3A_112 : vector<2560x64xf32> to vector<2560x64xbf16>
    %bitcast_convert_type3A_124 = tpu.bitcast %convert_element_type3A_123 : vector<2560x64xbf16> -> vector<2560x64xi16>
    %convert_element_type3A_125 = arith.extui %bitcast_convert_type3A_124 : vector<2560x64xi16> to vector<2560x64xi32>
    %convert_element_type3A_126 = arith.truncf %add3A_122 : vector<2560x64xf32> to vector<2560x64xbf16>
    %bitcast_convert_type3A_127 = tpu.bitcast %convert_element_type3A_126 : vector<2560x64xbf16> -> vector<2560x64xi16>
    %convert_element_type3A_128 = arith.extui %bitcast_convert_type3A_127 : vector<2560x64xi16> to vector<2560x64xi32>
    %shift_left3A_129 = arith.constant 16 : i32
    %shift_left3A_130 = vector.broadcast %shift_left3A_129 : i32 to vector<2560x64xi32>
    %shift_left3A_131 = arith.shli %convert_element_type3A_128, %shift_left3A_130 : vector<2560x64xi32>
    %or3A_132 = arith.ori %convert_element_type3A_125, %shift_left3A_131 : vector<2560x64xi32>
    %bitcast_convert_type3A_133 = tpu.bitcast %or3A_132 : vector<2560x64xi32> -> vector<2560x64xi32>
    %swap3A_134 = arith.constant 0 : index
    %swap3A_135 = arith.constant 0 : index
    %swap3A_136 = arith.constant 0 : index
    %swap3A_137 = vector.load %arg24[%swap3A_134, %swap3A_135, %swap3A_136] : memref<2x2560x64xi32, #tpu.memory_space<vmem>>, vector<1x2560x64xi32>
    %swap3A_138 = vector.shape_cast %swap3A_137 : vector<1x2560x64xi32> to vector<2560x64xi32>
    %swap3A_139 = vector.shape_cast %bitcast_convert_type3A_133 : vector<2560x64xi32> to vector<1x2560x64xi32>
    tpu.vector_store %arg24[%swap3A_134, %swap3A_135, %swap3A_136], %swap3A_139 {strides = array<i32>} : memref<2x2560x64xi32, #tpu.memory_space<vmem>>, vector<1x2560x64xi32>,
    %get3A_140 = arith.constant 0 : index
    %get3A_141 = arith.constant 0 : index
    %get3A_142 = vector.load %arg18[%get3A_140, %get3A_141] : memref<18x64xf32, #tpu.memory_space<vmem>>, vector<18x64xf32>
    %dot_general3A_143 = arith.constant dense<0.000000e+00> : vector<2560x64xf32>
    %dot_general3A_144 = tpu.matmul %get3A_1, %get3A_142, %dot_general3A_143 {dimension_numbers = #tpu.dot_dimension_numbers<[0], [0], [1], [1], [0, 1, 1, 1], [], []>, transpose_lhs_hint = false} : vector<18x2560xf32>, vector<18x64xf32>, vector<2560x64xf32> -> vector<2560x64xf32>
    %get3A_145 = arith.constant 0 : index
    %get3A_146 = arith.constant 0 : index
    %get3A_147 = vector.load %arg19[%get3A_145, %get3A_146] : memref<1x64xf32, #tpu.memory_space<vmem>>, vector<1x64xf32>
    %add3A_148 = vector.broadcast %get3A_147 : vector<1x64xf32> to vector<2560x64xf32>
    %add3A_149 = arith.addf %dot_general3A_144, %add3A_148 : vector<2560x64xf32>
    %get3A_150 = arith.constant 0 : index
    %get3A_151 = arith.constant 0 : index
    %get3A_152 = vector.load %arg20[%get3A_150, %get3A_151] : memref<18x64xf32, #tpu.memory_space<vmem>>, vector<18x64xf32>
    %dot_general3A_153 = arith.constant dense<0.000000e+00> : vector<2560x64xf32>
    %dot_general3A_154 = tpu.matmul %get3A_1, %get3A_152, %dot_general3A_153 {dimension_numbers = #tpu.dot_dimension_numbers<[0], [0], [1], [1], [0, 1, 1, 1], [], []>, transpose_lhs_hint = false} : vector<18x2560xf32>, vector<18x64xf32>, vector<2560x64xf32> -> vector<2560x64xf32>
    %get3A_155 = arith.constant 0 : index
    %get3A_156 = arith.constant 0 : index
    %get3A_157 = vector.load %arg21[%get3A_155, %get3A_156] : memref<1x64xf32, #tpu.memory_space<vmem>>, vector<1x64xf32>
    %add3A_158 = vector.broadcast %get3A_157 : vector<1x64xf32> to vector<2560x64xf32>
    %add3A_159 = arith.addf %dot_general3A_154, %add3A_158 : vector<2560x64xf32>
    %convert_element_type3A_160 = arith.truncf %add3A_149 : vector<2560x64xf32> to vector<2560x64xbf16>
    %bitcast_convert_type3A_161 = tpu.bitcast %convert_element_type3A_160 : vector<2560x64xbf16> -> vector<2560x64xi16>
    %convert_element_type3A_162 = arith.extui %bitcast_convert_type3A_161 : vector<2560x64xi16> to vector<2560x64xi32>
    %convert_element_type3A_163 = arith.truncf %add3A_159 : vector<2560x64xf32> to vector<2560x64xbf16>
    %bitcast_convert_type3A_164 = tpu.bitcast %convert_element_type3A_163 : vector<2560x64xbf16> -> vector<2560x64xi16>
    %convert_element_type3A_165 = arith.extui %bitcast_convert_type3A_164 : vector<2560x64xi16> to vector<2560x64xi32>
    %shift_left3A_166 = arith.constant 16 : i32
    %shift_left3A_167 = vector.broadcast %shift_left3A_166 : i32 to vector<2560x64xi32>
    %shift_left3A_168 = arith.shli %convert_element_type3A_165, %shift_left3A_167 : vector<2560x64xi32>
    %or3A_169 = arith.ori %convert_element_type3A_162, %shift_left3A_168 : vector<2560x64xi32>
    %bitcast_convert_type3A_170 = tpu.bitcast %or3A_169 : vector<2560x64xi32> -> vector<2560x64xi32>
    %swap3A_171 = arith.constant 1 : index
    %swap3A_172 = arith.constant 0 : index
    %swap3A_173 = arith.constant 0 : index
    %swap3A_174 = vector.load %arg24[%swap3A_171, %swap3A_172, %swap3A_173] : memref<2x2560x64xi32, #tpu.memory_space<vmem>>, vector<1x2560x64xi32>
    %swap3A_175 = vector.shape_cast %swap3A_174 : vector<1x2560x64xi32> to vector<2560x64xi32>
    %swap3A_176 = vector.shape_cast %bitcast_convert_type3A_170 : vector<2560x64xi32> to vector<1x2560x64xi32>
    tpu.vector_store %arg24[%swap3A_171, %swap3A_172, %swap3A_173], %swap3A_176 {strides = array<i32>} : memref<2x2560x64xi32, #tpu.memory_space<vmem>>, vector<1x2560x64xi32>,
    return
  }
  func.func @transform_0(%arg0: i32) -> (i32, i32) {
    %c0_i32 = arith.constant 0 : i32
    %c0_i32_0 = arith.constant 0 : i32
    return %c0_i32, %arg0 : i32, i32
  }
  func.func @transform_1(%arg0: i32) -> (i32, i32) {
    %c0_i32 = arith.constant 0 : i32
    %c0_i32_0 = arith.constant 0 : i32
    %c0_i32_1 = arith.constant 0 : i32
    return %c0_i32, %c0_i32_0 : i32, i32
  }
  func.func @transform_2(%arg0: i32) -> (i32, i32) {
    %c0_i32 = arith.constant 0 : i32
    %c0_i32_0 = arith.constant 0 : i32
    %c0_i32_1 = arith.constant 0 : i32
    return %c0_i32, %c0_i32_0 : i32, i32
  }
  func.func @transform_3(%arg0: i32) -> (i32, i32) {
    %c0_i32 = arith.constant 0 : i32
    %c0_i32_0 = arith.constant 0 : i32
    %c0_i32_1 = arith.constant 0 : i32
    return %c0_i32, %c0_i32_0 : i32, i32
  }
  func.func @transform_4(%arg0: i32) -> (i32, i32) {
    %c0_i32 = arith.constant 0 : i32
    %c0_i32_0 = arith.constant 0 : i32
    %c0_i32_1 = arith.constant 0 : i32
    return %c0_i32, %c0_i32_0 : i32, i32
  }
  func.func @transform_5(%arg0: i32) -> (i32, i32) {
    %c0_i32 = arith.constant 0 : i32
    %c0_i32_0 = arith.constant 0 : i32
    %c0_i32_1 = arith.constant 0 : i32
    return %c0_i32, %c0_i32_0 : i32, i32
  }
  func.func @transform_6(%arg0: i32) -> (i32, i32) {
    %c0_i32 = arith.constant 0 : i32
    %c0_i32_0 = arith.constant 0 : i32
    %c0_i32_1 = arith.constant 0 : i32
    return %c0_i32, %c0_i32_0 : i32, i32
  }
  func.func @transform_7(%arg0: i32) -> (i32, i32) {
    %c0_i32 = arith.constant 0 : i32
    %c0_i32_0 = arith.constant 0 : i32
    %c0_i32_1 = arith.constant 0 : i32
    return %c0_i32, %c0_i32_0 : i32, i32
  }
  func.func @transform_8(%arg0: i32) -> (i32, i32) {
    %c0_i32 = arith.constant 0 : i32
    %c0_i32_0 = arith.constant 0 : i32
    %c0_i32_1 = arith.constant 0 : i32
    return %c0_i32, %c0_i32_0 : i32, i32
  }
  func.func @transform_9(%arg0: i32) -> (i32, i32) {
    %c0_i32 = arith.constant 0 : i32
    %c0_i32_0 = arith.constant 0 : i32
    %c0_i32_1 = arith.constant 0 : i32
    return %c0_i32, %c0_i32_0 : i32, i32
  }
  func.func @transform_10(%arg0: i32) -> (i32, i32) {
    %c0_i32 = arith.constant 0 : i32
    %c0_i32_0 = arith.constant 0 : i32
    %c0_i32_1 = arith.constant 0 : i32
    return %c0_i32, %c0_i32_0 : i32, i32
  }
  func.func @transform_11(%arg0: i32) -> (i32, i32) {
    %c0_i32 = arith.constant 0 : i32
    %c0_i32_0 = arith.constant 0 : i32
    %c0_i32_1 = arith.constant 0 : i32
    return %c0_i32, %c0_i32_0 : i32, i32
  }
  func.func @transform_12(%arg0: i32) -> (i32, i32) {
    %c0_i32 = arith.constant 0 : i32
    %c0_i32_0 = arith.constant 0 : i32
    %c0_i32_1 = arith.constant 0 : i32
    return %c0_i32, %c0_i32_0 : i32, i32
  }
  func.func @transform_13(%arg0: i32) -> (i32, i32) {
    %c0_i32 = arith.constant 0 : i32
    %c0_i32_0 = arith.constant 0 : i32
    %c0_i32_1 = arith.constant 0 : i32
    return %c0_i32, %c0_i32_0 : i32, i32
  }
  func.func @transform_14(%arg0: i32) -> (i32, i32) {
    %c0_i32 = arith.constant 0 : i32
    %c0_i32_0 = arith.constant 0 : i32
    %c0_i32_1 = arith.constant 0 : i32
    return %c0_i32, %c0_i32_0 : i32, i32
  }
  func.func @transform_15(%arg0: i32) -> (i32, i32) {
    %c0_i32 = arith.constant 0 : i32
    %c0_i32_0 = arith.constant 0 : i32
    %c0_i32_1 = arith.constant 0 : i32
    return %c0_i32, %c0_i32_0 : i32, i32
  }
  func.func @transform_16(%arg0: i32) -> (i32, i32) {
    %c0_i32 = arith.constant 0 : i32
    %c0_i32_0 = arith.constant 0 : i32
    %c0_i32_1 = arith.constant 0 : i32
    return %c0_i32, %c0_i32_0 : i32, i32
  }
  func.func @transform_17(%arg0: i32) -> (i32, i32) {
    %c0_i32 = arith.constant 0 : i32
    %c0_i32_0 = arith.constant 0 : i32
    %c0_i32_1 = arith.constant 0 : i32
    return %c0_i32, %c0_i32_0 : i32, i32
  }
  func.func @transform_18(%arg0: i32) -> (i32, i32) {
    %c0_i32 = arith.constant 0 : i32
    %c0_i32_0 = arith.constant 0 : i32
    %c0_i32_1 = arith.constant 0 : i32
    return %c0_i32, %c0_i32_0 : i32, i32
  }
  func.func @transform_19(%arg0: i32) -> (i32, i32) {
    %c0_i32 = arith.constant 0 : i32
    %c0_i32_0 = arith.constant 0 : i32
    %c0_i32_1 = arith.constant 0 : i32
    return %c0_i32, %c0_i32_0 : i32, i32
  }
  func.func @transform_20(%arg0: i32) -> (i32, i32) {
    %c0_i32 = arith.constant 0 : i32
    %c0_i32_0 = arith.constant 0 : i32
    %c0_i32_1 = arith.constant 0 : i32
    return %c0_i32, %c0_i32_0 : i32, i32
  }
  func.func @transform_21(%arg0: i32) -> (i32, i32) {
    %c0_i32 = arith.constant 0 : i32
    %c0_i32_0 = arith.constant 0 : i32
    return %arg0, %c0_i32 : i32, i32
  }
  func.func @transform_22(%arg0: i32) -> (i32, i32, i32) {
    %c0_i32 = arith.constant 0 : i32
    %c0_i32_0 = arith.constant 0 : i32
    %c0_i32_1 = arith.constant 0 : i32
    return %c0_i32, %arg0, %c0_i32_0 : i32, i32, i32
  }
  func.func @transform_23(%arg0: i32) -> (i32, i32, i32) {
    %c0_i32 = arith.constant 0 : i32
    %c0_i32_0 = arith.constant 0 : i32
    %c0_i32_1 = arith.constant 0 : i32
    return %c0_i32, %arg0, %c0_i32_0 : i32, i32, i32
  }
}

module attributes {stable_mosaic.version = 14 : i64} {
  func.func @_node_body(%arg0: i32, %arg1: memref<2000x128xf32, #tpu.memory_space<vmem>>, %arg2: memref<2000x128xf32, #tpu.memory_space<vmem>>, %arg3: memref<2000x128xf32, #tpu.memory_space<vmem>>, %arg4: memref<2000x128xf32, #tpu.memory_space<vmem>>, %arg5: memref<1x21xf32, #tpu.memory_space<vmem>>, %arg6: memref<21x128xf32, #tpu.memory_space<vmem>>, %arg7: memref<1x128xf32, #tpu.memory_space<vmem>>, %arg8: memref<128x256xf32, #tpu.memory_space<vmem>>, %arg9: memref<1x256xf32, #tpu.memory_space<vmem>>, %arg10: memref<256x1024xf32, #tpu.memory_space<vmem>>, %arg11: memref<1x1024xf32, #tpu.memory_space<vmem>>, %arg12: memref<1024x256xf32, #tpu.memory_space<vmem>>, %arg13: memref<1x256xf32, #tpu.memory_space<vmem>>, %arg14: memref<2x2000x128xf32, #tpu.memory_space<vmem>>) attributes {dimension_semantics = [#tpu.dimension_semantics<arbitrary>], iteration_bounds = array<i64: 5>, scalar_prefetch = 0 : i64, scratch_operands = 0 : i64, tpu.core_type = #tpu.core_type<tc>, window_params = [{transform_indices = @transform_0, window_bounds = array<i64: 2000, 128>}, {transform_indices = @transform_1, window_bounds = array<i64: 2000, 128>}, {transform_indices = @transform_2, window_bounds = array<i64: 2000, 128>}, {transform_indices = @transform_3, window_bounds = array<i64: 2000, 128>}, {pipeline_mode = #tpu.pipeline_mode<synchronous>, transform_indices = @transform_4, window_bounds = array<i64: 1, 21>}, {pipeline_mode = #tpu.pipeline_mode<synchronous>, transform_indices = @transform_5, window_bounds = array<i64: 21, 128>}, {pipeline_mode = #tpu.pipeline_mode<synchronous>, transform_indices = @transform_6, window_bounds = array<i64: 1, 128>}, {pipeline_mode = #tpu.pipeline_mode<synchronous>, transform_indices = @transform_7, window_bounds = array<i64: 128, 256>}, {pipeline_mode = #tpu.pipeline_mode<synchronous>, transform_indices = @transform_8, window_bounds = array<i64: 1, 256>}, {pipeline_mode = #tpu.pipeline_mode<synchronous>, transform_indices = @transform_9, window_bounds = array<i64: 256, 1024>}, {pipeline_mode = #tpu.pipeline_mode<synchronous>, transform_indices = @transform_10, window_bounds = array<i64: 1, 1024>}, {pipeline_mode = #tpu.pipeline_mode<synchronous>, transform_indices = @transform_11, window_bounds = array<i64: 1024, 256>}, {pipeline_mode = #tpu.pipeline_mode<synchronous>, transform_indices = @transform_12, window_bounds = array<i64: 1, 256>}, {transform_indices = @transform_13, window_bounds = array<i64: 2, 2000, 128>}]} {
    %get3A = arith.constant 0 : index
    %get3A_0 = arith.constant 0 : index
    %get3A_1 = vector.load %arg5[%get3A, %get3A_0] : memref<1x21xf32, #tpu.memory_space<vmem>>, vector<1x21xf32>
    %get3A_2 = arith.constant 0 : index
    %get3A_3 = arith.constant 0 : index
    %get3A_4 = vector.load %arg6[%get3A_2, %get3A_3] : memref<21x128xf32, #tpu.memory_space<vmem>>, vector<21x128xf32>
    %dot_general3A = arith.constant dense<0.000000e+00> : vector<1x128xf32>
    %dot_general3A_5 = tpu.matmul %get3A_1, %get3A_4, %dot_general3A {dimension_numbers = #tpu.dot_dimension_numbers<[1], [0], [0], [1], [0, 0, 1, 1], [], []>, transpose_lhs_hint = false} : vector<1x21xf32>, vector<21x128xf32>, vector<1x128xf32> -> vector<1x128xf32>
    %get3A_6 = arith.constant 0 : index
    %get3A_7 = arith.constant 0 : index
    %get3A_8 = vector.load %arg7[%get3A_6, %get3A_7] : memref<1x128xf32, #tpu.memory_space<vmem>>, vector<1x128xf32>
    %add3A = arith.addf %dot_general3A_5, %get3A_8 : vector<1x128xf32>
    %get3A_9 = arith.constant 0 : index
    %get3A_10 = arith.constant 0 : index
    %get3A_11 = vector.load %arg1[%get3A_9, %get3A_10] : memref<2000x128xf32, #tpu.memory_space<vmem>>, vector<2000x128xf32>
    %get3A_12 = arith.constant 0 : index
    %get3A_13 = arith.constant 0 : index
    %get3A_14 = vector.load %arg2[%get3A_12, %get3A_13] : memref<2000x128xf32, #tpu.memory_space<vmem>>, vector<2000x128xf32>
    %add3A_15 = arith.addf %get3A_11, %get3A_14 : vector<2000x128xf32>
    %get3A_16 = arith.constant 0 : index
    %get3A_17 = arith.constant 0 : index
    %get3A_18 = vector.load %arg3[%get3A_16, %get3A_17] : memref<2000x128xf32, #tpu.memory_space<vmem>>, vector<2000x128xf32>
    %add3A_19 = arith.addf %add3A_15, %get3A_18 : vector<2000x128xf32>
    %add3A_20 = vector.broadcast %add3A : vector<1x128xf32> to vector<2000x128xf32>
    %add3A_21 = arith.addf %add3A_19, %add3A_20 : vector<2000x128xf32>
    %convert_element_type3A = arith.truncf %add3A_21 : vector<2000x128xf32> to vector<2000x128xbf16>
    %get3A_22 = arith.constant 0 : index
    %get3A_23 = arith.constant 0 : index
    %get3A_24 = vector.load %arg8[%get3A_22, %get3A_23] : memref<128x256xf32, #tpu.memory_space<vmem>>, vector<128x256xf32>
    %convert_element_type3A_25 = arith.truncf %get3A_24 : vector<128x256xf32> to vector<128x256xbf16>
    %dot_general3A_26 = arith.constant dense<0.000000e+00> : vector<2000x256xf32>
    %dot_general3A_27 = tpu.matmul %convert_element_type3A, %convert_element_type3A_25, %dot_general3A_26 {dimension_numbers = #tpu.dot_dimension_numbers<[1], [0], [0], [1], [0, 0, 1, 1], [], []>, transpose_lhs_hint = false} : vector<2000x128xbf16>, vector<128x256xbf16>, vector<2000x256xf32> -> vector<2000x256xf32>
    %get3A_28 = arith.constant 0 : index
    %get3A_29 = arith.constant 0 : index
    %get3A_30 = vector.load %arg9[%get3A_28, %get3A_29] : memref<1x256xf32, #tpu.memory_space<vmem>>, vector<1x256xf32>
    %add3A_31 = vector.broadcast %get3A_30 : vector<1x256xf32> to vector<2000x256xf32>
    %add3A_32 = arith.addf %dot_general3A_27, %add3A_31 : vector<2000x256xf32>
    %max3A = arith.constant 0.000000e+00 : f32
    %max3A_33 = vector.broadcast %max3A : f32 to vector<2000x256xf32>
    %max3A_34 = arith.maximumf %add3A_32, %max3A_33 : vector<2000x256xf32>
    %convert_element_type3A_35 = arith.truncf %max3A_34 : vector<2000x256xf32> to vector<2000x256xbf16>
    %get3A_36 = arith.constant 0 : index
    %get3A_37 = arith.constant 0 : index
    %get3A_38 = vector.load %arg10[%get3A_36, %get3A_37] : memref<256x1024xf32, #tpu.memory_space<vmem>>, vector<256x1024xf32>
    %convert_element_type3A_39 = arith.truncf %get3A_38 : vector<256x1024xf32> to vector<256x1024xbf16>
    %dot_general3A_40 = arith.constant dense<0.000000e+00> : vector<2000x1024xf32>
    %dot_general3A_41 = tpu.matmul %convert_element_type3A_35, %convert_element_type3A_39, %dot_general3A_40 {dimension_numbers = #tpu.dot_dimension_numbers<[1], [0], [0], [1], [0, 0, 1, 1], [], []>, transpose_lhs_hint = false} : vector<2000x256xbf16>, vector<256x1024xbf16>, vector<2000x1024xf32> -> vector<2000x1024xf32>
    %get3A_42 = arith.constant 0 : index
    %get3A_43 = arith.constant 0 : index
    %get3A_44 = vector.load %arg11[%get3A_42, %get3A_43] : memref<1x1024xf32, #tpu.memory_space<vmem>>, vector<1x1024xf32>
    %add3A_45 = vector.broadcast %get3A_44 : vector<1x1024xf32> to vector<2000x1024xf32>
    %add3A_46 = arith.addf %dot_general3A_41, %add3A_45 : vector<2000x1024xf32>
    %max3A_47 = arith.constant 0.000000e+00 : f32
    %max3A_48 = vector.broadcast %max3A_47 : f32 to vector<2000x1024xf32>
    %max3A_49 = arith.maximumf %add3A_46, %max3A_48 : vector<2000x1024xf32>
    %convert_element_type3A_50 = arith.truncf %max3A_49 : vector<2000x1024xf32> to vector<2000x1024xbf16>
    %get3A_51 = arith.constant 0 : index
    %get3A_52 = arith.constant 0 : index
    %get3A_53 = vector.load %arg12[%get3A_51, %get3A_52] : memref<1024x256xf32, #tpu.memory_space<vmem>>, vector<1024x256xf32>
    %convert_element_type3A_54 = arith.truncf %get3A_53 : vector<1024x256xf32> to vector<1024x256xbf16>
    %dot_general3A_55 = arith.constant dense<0.000000e+00> : vector<2000x256xf32>
    %dot_general3A_56 = tpu.matmul %convert_element_type3A_50, %convert_element_type3A_54, %dot_general3A_55 {dimension_numbers = #tpu.dot_dimension_numbers<[1], [0], [0], [1], [0, 0, 1, 1], [], []>, transpose_lhs_hint = false} : vector<2000x1024xbf16>, vector<1024x256xbf16>, vector<2000x256xf32> -> vector<2000x256xf32>
    %get3A_57 = arith.constant 0 : index
    %get3A_58 = arith.constant 0 : index
    %get3A_59 = vector.load %arg13[%get3A_57, %get3A_58] : memref<1x256xf32, #tpu.memory_space<vmem>>, vector<1x256xf32>
    %add3A_60 = vector.broadcast %get3A_59 : vector<1x256xf32> to vector<2000x256xf32>
    %add3A_61 = arith.addf %dot_general3A_56, %add3A_60 : vector<2000x256xf32>
    %max3A_62 = arith.constant 0.000000e+00 : f32
    %max3A_63 = vector.broadcast %max3A_62 : f32 to vector<2000x256xf32>
    %max3A_64 = arith.maximumf %add3A_61, %max3A_63 : vector<2000x256xf32>
    %slice3A = vector.extract_strided_slice %max3A_64 {offsets = [0, 0], sizes = [2000, 128], strides = [1, 1]} : vector<2000x256xf32> to vector<2000x128xf32>
    %swap3A = arith.constant 0 : index
    %swap3A_65 = arith.constant 0 : index
    %swap3A_66 = arith.constant 0 : index
    %swap3A_67 = vector.load %arg14[%swap3A, %swap3A_65, %swap3A_66] : memref<2x2000x128xf32, #tpu.memory_space<vmem>>, vector<1x2000x128xf32>
    %swap3A_68 = vector.shape_cast %swap3A_67 : vector<1x2000x128xf32> to vector<2000x128xf32>
    %swap3A_69 = vector.shape_cast %slice3A : vector<2000x128xf32> to vector<1x2000x128xf32>
    tpu.vector_store %arg14[%swap3A, %swap3A_65, %swap3A_66], %swap3A_69 {strides = array<i32>} : memref<2x2000x128xf32, #tpu.memory_space<vmem>>, vector<1x2000x128xf32>,
    %slice3A_70 = vector.extract_strided_slice %max3A_64 {offsets = [0, 128], sizes = [2000, 128], strides = [1, 1]} : vector<2000x256xf32> to vector<2000x128xf32>
    %swap3A_71 = arith.constant 1 : index
    %swap3A_72 = arith.constant 0 : index
    %swap3A_73 = arith.constant 0 : index
    %swap3A_74 = vector.load %arg14[%swap3A_71, %swap3A_72, %swap3A_73] : memref<2x2000x128xf32, #tpu.memory_space<vmem>>, vector<1x2000x128xf32>
    %swap3A_75 = vector.shape_cast %swap3A_74 : vector<1x2000x128xf32> to vector<2000x128xf32>
    %swap3A_76 = vector.shape_cast %slice3A_70 : vector<2000x128xf32> to vector<1x2000x128xf32>
    tpu.vector_store %arg14[%swap3A_71, %swap3A_72, %swap3A_73], %swap3A_76 {strides = array<i32>} : memref<2x2000x128xf32, #tpu.memory_space<vmem>>, vector<1x2000x128xf32>,
    return
  }
  func.func @transform_0(%arg0: i32) -> (i32, i32) {
    %c0_i32 = arith.constant 0 : i32
    %c0_i32_0 = arith.constant 0 : i32
    return %arg0, %c0_i32 : i32, i32
  }
  func.func @transform_1(%arg0: i32) -> (i32, i32) {
    %add3A = arith.constant 5 : i32
    %add3A_0 = arith.addi %arg0, %add3A : i32
    %c0_i32 = arith.constant 0 : i32
    %c0_i32_1 = arith.constant 0 : i32
    return %add3A_0, %c0_i32 : i32, i32
  }
  func.func @transform_2(%arg0: i32) -> (i32, i32) {
    %c0_i32 = arith.constant 0 : i32
    %c0_i32_0 = arith.constant 0 : i32
    return %arg0, %c0_i32 : i32, i32
  }
  func.func @transform_3(%arg0: i32) -> (i32, i32) {
    %c0_i32 = arith.constant 0 : i32
    %c0_i32_0 = arith.constant 0 : i32
    return %arg0, %c0_i32 : i32, i32
  }
  func.func @transform_4(%arg0: i32) -> (i32, i32) {
    %c0_i32 = arith.constant 0 : i32
    %c0_i32_0 = arith.constant 0 : i32
    %c0_i32_1 = arith.constant 0 : i32
    return %c0_i32, %c0_i32_0 : i32, i32
  }
  func.func @transform_5(%arg0: i32) -> (i32, i32) {
    %c0_i32 = arith.constant 0 : i32
    %c0_i32_0 = arith.constant 0 : i32
    %c0_i32_1 = arith.constant 0 : i32
    return %c0_i32, %c0_i32_0 : i32, i32
  }
  func.func @transform_6(%arg0: i32) -> (i32, i32) {
    %c0_i32 = arith.constant 0 : i32
    %c0_i32_0 = arith.constant 0 : i32
    %c0_i32_1 = arith.constant 0 : i32
    return %c0_i32, %c0_i32_0 : i32, i32
  }
  func.func @transform_7(%arg0: i32) -> (i32, i32) {
    %c0_i32 = arith.constant 0 : i32
    %c0_i32_0 = arith.constant 0 : i32
    %c0_i32_1 = arith.constant 0 : i32
    return %c0_i32, %c0_i32_0 : i32, i32
  }
  func.func @transform_8(%arg0: i32) -> (i32, i32) {
    %c0_i32 = arith.constant 0 : i32
    %c0_i32_0 = arith.constant 0 : i32
    %c0_i32_1 = arith.constant 0 : i32
    return %c0_i32, %c0_i32_0 : i32, i32
  }
  func.func @transform_9(%arg0: i32) -> (i32, i32) {
    %c0_i32 = arith.constant 0 : i32
    %c0_i32_0 = arith.constant 0 : i32
    %c0_i32_1 = arith.constant 0 : i32
    return %c0_i32, %c0_i32_0 : i32, i32
  }
  func.func @transform_10(%arg0: i32) -> (i32, i32) {
    %c0_i32 = arith.constant 0 : i32
    %c0_i32_0 = arith.constant 0 : i32
    %c0_i32_1 = arith.constant 0 : i32
    return %c0_i32, %c0_i32_0 : i32, i32
  }
  func.func @transform_11(%arg0: i32) -> (i32, i32) {
    %c0_i32 = arith.constant 0 : i32
    %c0_i32_0 = arith.constant 0 : i32
    %c0_i32_1 = arith.constant 0 : i32
    return %c0_i32, %c0_i32_0 : i32, i32
  }
  func.func @transform_12(%arg0: i32) -> (i32, i32) {
    %c0_i32 = arith.constant 0 : i32
    %c0_i32_0 = arith.constant 0 : i32
    %c0_i32_1 = arith.constant 0 : i32
    return %c0_i32, %c0_i32_0 : i32, i32
  }
  func.func @transform_13(%arg0: i32) -> (i32, i32, i32) {
    %c0_i32 = arith.constant 0 : i32
    %c0_i32_0 = arith.constant 0 : i32
    %c0_i32_1 = arith.constant 0 : i32
    return %c0_i32, %arg0, %c0_i32_0 : i32, i32, i32
  }
}

module attributes {stable_mosaic.version = 14 : i64} {
  func.func @_node_body(%arg0: i32, %arg1: memref<2000x128xf32, #tpu.memory_space<vmem>>, %arg2: memref<2000x128xf32, #tpu.memory_space<vmem>>, %arg3: memref<2000x128xf32, #tpu.memory_space<vmem>>, %arg4: memref<2000x128xf32, #tpu.memory_space<vmem>>, %arg5: memref<1x21xf32, #tpu.memory_space<vmem>>, %arg6: memref<21x256xf32, #tpu.memory_space<vmem>>, %arg7: memref<1x256xf32, #tpu.memory_space<vmem>>, %arg8: memref<256x256xf32, #tpu.memory_space<vmem>>, %arg9: memref<1x256xf32, #tpu.memory_space<vmem>>, %arg10: memref<256x1024xf32, #tpu.memory_space<vmem>>, %arg11: memref<1x1024xf32, #tpu.memory_space<vmem>>, %arg12: memref<1024x256xf32, #tpu.memory_space<vmem>>, %arg13: memref<1x256xf32, #tpu.memory_space<vmem>>, %arg14: memref<2x2000x128xf32, #tpu.memory_space<vmem>>) attributes {dimension_semantics = [#tpu.dimension_semantics<arbitrary>], iteration_bounds = array<i64: 5>, scalar_prefetch = 0 : i64, scratch_operands = 0 : i64, tpu.core_type = #tpu.core_type<tc>, window_params = [{transform_indices = @transform_0, window_bounds = array<i64: 2000, 128>}, {transform_indices = @transform_1, window_bounds = array<i64: 2000, 128>}, {transform_indices = @transform_2, window_bounds = array<i64: 2000, 128>}, {transform_indices = @transform_3, window_bounds = array<i64: 2000, 128>}, {pipeline_mode = #tpu.pipeline_mode<synchronous>, transform_indices = @transform_4, window_bounds = array<i64: 1, 21>}, {pipeline_mode = #tpu.pipeline_mode<synchronous>, transform_indices = @transform_5, window_bounds = array<i64: 21, 256>}, {pipeline_mode = #tpu.pipeline_mode<synchronous>, transform_indices = @transform_6, window_bounds = array<i64: 1, 256>}, {pipeline_mode = #tpu.pipeline_mode<synchronous>, transform_indices = @transform_7, window_bounds = array<i64: 256, 256>}, {pipeline_mode = #tpu.pipeline_mode<synchronous>, transform_indices = @transform_8, window_bounds = array<i64: 1, 256>}, {pipeline_mode = #tpu.pipeline_mode<synchronous>, transform_indices = @transform_9, window_bounds = array<i64: 256, 1024>}, {pipeline_mode = #tpu.pipeline_mode<synchronous>, transform_indices = @transform_10, window_bounds = array<i64: 1, 1024>}, {pipeline_mode = #tpu.pipeline_mode<synchronous>, transform_indices = @transform_11, window_bounds = array<i64: 1024, 256>}, {pipeline_mode = #tpu.pipeline_mode<synchronous>, transform_indices = @transform_12, window_bounds = array<i64: 1, 256>}, {transform_indices = @transform_13, window_bounds = array<i64: 2, 2000, 128>}]} {
    %get3A = arith.constant 0 : index
    %get3A_0 = arith.constant 0 : index
    %get3A_1 = vector.load %arg5[%get3A, %get3A_0] : memref<1x21xf32, #tpu.memory_space<vmem>>, vector<1x21xf32>
    %get3A_2 = arith.constant 0 : index
    %get3A_3 = arith.constant 0 : index
    %get3A_4 = vector.load %arg6[%get3A_2, %get3A_3] : memref<21x256xf32, #tpu.memory_space<vmem>>, vector<21x256xf32>
    %dot_general3A = arith.constant dense<0.000000e+00> : vector<1x256xf32>
    %dot_general3A_5 = tpu.matmul %get3A_1, %get3A_4, %dot_general3A {dimension_numbers = #tpu.dot_dimension_numbers<[1], [0], [0], [1], [0, 0, 1, 1], [], []>, transpose_lhs_hint = false} : vector<1x21xf32>, vector<21x256xf32>, vector<1x256xf32> -> vector<1x256xf32>
    %get3A_6 = arith.constant 0 : index
    %get3A_7 = arith.constant 0 : index
    %get3A_8 = vector.load %arg7[%get3A_6, %get3A_7] : memref<1x256xf32, #tpu.memory_space<vmem>>, vector<1x256xf32>
    %add3A = arith.addf %dot_general3A_5, %get3A_8 : vector<1x256xf32>
    %get3A_9 = arith.constant 0 : index
    %get3A_10 = arith.constant 0 : index
    %get3A_11 = vector.load %arg1[%get3A_9, %get3A_10] : memref<2000x128xf32, #tpu.memory_space<vmem>>, vector<2000x128xf32>
    %get3A_12 = arith.constant 0 : index
    %get3A_13 = arith.constant 0 : index
    %get3A_14 = vector.load %arg3[%get3A_12, %get3A_13] : memref<2000x128xf32, #tpu.memory_space<vmem>>, vector<2000x128xf32>
    %add3A_15 = arith.addf %get3A_11, %get3A_14 : vector<2000x128xf32>
    %get3A_16 = arith.constant 0 : index
    %get3A_17 = arith.constant 0 : index
    %get3A_18 = vector.load %arg2[%get3A_16, %get3A_17] : memref<2000x128xf32, #tpu.memory_space<vmem>>, vector<2000x128xf32>
    %get3A_19 = arith.constant 0 : index
    %get3A_20 = arith.constant 0 : index
    %get3A_21 = vector.load %arg4[%get3A_19, %get3A_20] : memref<2000x128xf32, #tpu.memory_space<vmem>>, vector<2000x128xf32>
    %add3A_22 = arith.addf %get3A_18, %get3A_21 : vector<2000x128xf32>
    %concatenate3A = tpu.concatenate %add3A_15, %add3A_22 in 1 : vector<2000x128xf32>, vector<2000x128xf32> -> vector<2000x256xf32>
    %add3A_23 = vector.broadcast %add3A : vector<1x256xf32> to vector<2000x256xf32>
    %add3A_24 = arith.addf %concatenate3A, %add3A_23 : vector<2000x256xf32>
    %convert_element_type3A = arith.truncf %add3A_24 : vector<2000x256xf32> to vector<2000x256xbf16>
    %get3A_25 = arith.constant 0 : index
    %get3A_26 = arith.constant 0 : index
    %get3A_27 = vector.load %arg8[%get3A_25, %get3A_26] : memref<256x256xf32, #tpu.memory_space<vmem>>, vector<256x256xf32>
    %convert_element_type3A_28 = arith.truncf %get3A_27 : vector<256x256xf32> to vector<256x256xbf16>
    %dot_general3A_29 = arith.constant dense<0.000000e+00> : vector<2000x256xf32>
    %dot_general3A_30 = tpu.matmul %convert_element_type3A, %convert_element_type3A_28, %dot_general3A_29 {dimension_numbers = #tpu.dot_dimension_numbers<[1], [0], [0], [1], [0, 0, 1, 1], [], []>, transpose_lhs_hint = false} : vector<2000x256xbf16>, vector<256x256xbf16>, vector<2000x256xf32> -> vector<2000x256xf32>
    %get3A_31 = arith.constant 0 : index
    %get3A_32 = arith.constant 0 : index
    %get3A_33 = vector.load %arg9[%get3A_31, %get3A_32] : memref<1x256xf32, #tpu.memory_space<vmem>>, vector<1x256xf32>
    %add3A_34 = vector.broadcast %get3A_33 : vector<1x256xf32> to vector<2000x256xf32>
    %add3A_35 = arith.addf %dot_general3A_30, %add3A_34 : vector<2000x256xf32>
    %max3A = arith.constant 0.000000e+00 : f32
    %max3A_36 = vector.broadcast %max3A : f32 to vector<2000x256xf32>
    %max3A_37 = arith.maximumf %add3A_35, %max3A_36 : vector<2000x256xf32>
    %convert_element_type3A_38 = arith.truncf %max3A_37 : vector<2000x256xf32> to vector<2000x256xbf16>
    %get3A_39 = arith.constant 0 : index
    %get3A_40 = arith.constant 0 : index
    %get3A_41 = vector.load %arg10[%get3A_39, %get3A_40] : memref<256x1024xf32, #tpu.memory_space<vmem>>, vector<256x1024xf32>
    %convert_element_type3A_42 = arith.truncf %get3A_41 : vector<256x1024xf32> to vector<256x1024xbf16>
    %dot_general3A_43 = arith.constant dense<0.000000e+00> : vector<2000x1024xf32>
    %dot_general3A_44 = tpu.matmul %convert_element_type3A_38, %convert_element_type3A_42, %dot_general3A_43 {dimension_numbers = #tpu.dot_dimension_numbers<[1], [0], [0], [1], [0, 0, 1, 1], [], []>, transpose_lhs_hint = false} : vector<2000x256xbf16>, vector<256x1024xbf16>, vector<2000x1024xf32> -> vector<2000x1024xf32>
    %get3A_45 = arith.constant 0 : index
    %get3A_46 = arith.constant 0 : index
    %get3A_47 = vector.load %arg11[%get3A_45, %get3A_46] : memref<1x1024xf32, #tpu.memory_space<vmem>>, vector<1x1024xf32>
    %add3A_48 = vector.broadcast %get3A_47 : vector<1x1024xf32> to vector<2000x1024xf32>
    %add3A_49 = arith.addf %dot_general3A_44, %add3A_48 : vector<2000x1024xf32>
    %max3A_50 = arith.constant 0.000000e+00 : f32
    %max3A_51 = vector.broadcast %max3A_50 : f32 to vector<2000x1024xf32>
    %max3A_52 = arith.maximumf %add3A_49, %max3A_51 : vector<2000x1024xf32>
    %convert_element_type3A_53 = arith.truncf %max3A_52 : vector<2000x1024xf32> to vector<2000x1024xbf16>
    %get3A_54 = arith.constant 0 : index
    %get3A_55 = arith.constant 0 : index
    %get3A_56 = vector.load %arg12[%get3A_54, %get3A_55] : memref<1024x256xf32, #tpu.memory_space<vmem>>, vector<1024x256xf32>
    %convert_element_type3A_57 = arith.truncf %get3A_56 : vector<1024x256xf32> to vector<1024x256xbf16>
    %dot_general3A_58 = arith.constant dense<0.000000e+00> : vector<2000x256xf32>
    %dot_general3A_59 = tpu.matmul %convert_element_type3A_53, %convert_element_type3A_57, %dot_general3A_58 {dimension_numbers = #tpu.dot_dimension_numbers<[1], [0], [0], [1], [0, 0, 1, 1], [], []>, transpose_lhs_hint = false} : vector<2000x1024xbf16>, vector<1024x256xbf16>, vector<2000x256xf32> -> vector<2000x256xf32>
    %get3A_60 = arith.constant 0 : index
    %get3A_61 = arith.constant 0 : index
    %get3A_62 = vector.load %arg13[%get3A_60, %get3A_61] : memref<1x256xf32, #tpu.memory_space<vmem>>, vector<1x256xf32>
    %add3A_63 = vector.broadcast %get3A_62 : vector<1x256xf32> to vector<2000x256xf32>
    %add3A_64 = arith.addf %dot_general3A_59, %add3A_63 : vector<2000x256xf32>
    %max3A_65 = arith.constant 0.000000e+00 : f32
    %max3A_66 = vector.broadcast %max3A_65 : f32 to vector<2000x256xf32>
    %max3A_67 = arith.maximumf %add3A_64, %max3A_66 : vector<2000x256xf32>
    %slice3A = vector.extract_strided_slice %max3A_67 {offsets = [0, 0], sizes = [2000, 128], strides = [1, 1]} : vector<2000x256xf32> to vector<2000x128xf32>
    %swap3A = arith.constant 0 : index
    %swap3A_68 = arith.constant 0 : index
    %swap3A_69 = arith.constant 0 : index
    %swap3A_70 = vector.load %arg14[%swap3A, %swap3A_68, %swap3A_69] : memref<2x2000x128xf32, #tpu.memory_space<vmem>>, vector<1x2000x128xf32>
    %swap3A_71 = vector.shape_cast %swap3A_70 : vector<1x2000x128xf32> to vector<2000x128xf32>
    %swap3A_72 = vector.shape_cast %slice3A : vector<2000x128xf32> to vector<1x2000x128xf32>
    tpu.vector_store %arg14[%swap3A, %swap3A_68, %swap3A_69], %swap3A_72 {strides = array<i32>} : memref<2x2000x128xf32, #tpu.memory_space<vmem>>, vector<1x2000x128xf32>,
    %slice3A_73 = vector.extract_strided_slice %max3A_67 {offsets = [0, 128], sizes = [2000, 128], strides = [1, 1]} : vector<2000x256xf32> to vector<2000x128xf32>
    %swap3A_74 = arith.constant 1 : index
    %swap3A_75 = arith.constant 0 : index
    %swap3A_76 = arith.constant 0 : index
    %swap3A_77 = vector.load %arg14[%swap3A_74, %swap3A_75, %swap3A_76] : memref<2x2000x128xf32, #tpu.memory_space<vmem>>, vector<1x2000x128xf32>
    %swap3A_78 = vector.shape_cast %swap3A_77 : vector<1x2000x128xf32> to vector<2000x128xf32>
    %swap3A_79 = vector.shape_cast %slice3A_73 : vector<2000x128xf32> to vector<1x2000x128xf32>
    tpu.vector_store %arg14[%swap3A_74, %swap3A_75, %swap3A_76], %swap3A_79 {strides = array<i32>} : memref<2x2000x128xf32, #tpu.memory_space<vmem>>, vector<1x2000x128xf32>,
    return
  }
  func.func @transform_0(%arg0: i32) -> (i32, i32) {
    %c0_i32 = arith.constant 0 : i32
    %c0_i32_0 = arith.constant 0 : i32
    return %arg0, %c0_i32 : i32, i32
  }
  func.func @transform_1(%arg0: i32) -> (i32, i32) {
    %add3A = arith.constant 5 : i32
    %add3A_0 = arith.addi %arg0, %add3A : i32
    %c0_i32 = arith.constant 0 : i32
    %c0_i32_1 = arith.constant 0 : i32
    return %add3A_0, %c0_i32 : i32, i32
  }
  func.func @transform_2(%arg0: i32) -> (i32, i32) {
    %c0_i32 = arith.constant 0 : i32
    %c0_i32_0 = arith.constant 0 : i32
    return %arg0, %c0_i32 : i32, i32
  }
  func.func @transform_3(%arg0: i32) -> (i32, i32) {
    %add3A = arith.constant 5 : i32
    %add3A_0 = arith.addi %arg0, %add3A : i32
    %c0_i32 = arith.constant 0 : i32
    %c0_i32_1 = arith.constant 0 : i32
    return %add3A_0, %c0_i32 : i32, i32
  }
  func.func @transform_4(%arg0: i32) -> (i32, i32) {
    %c0_i32 = arith.constant 0 : i32
    %c0_i32_0 = arith.constant 0 : i32
    %c0_i32_1 = arith.constant 0 : i32
    return %c0_i32, %c0_i32_0 : i32, i32
  }
  func.func @transform_5(%arg0: i32) -> (i32, i32) {
    %c0_i32 = arith.constant 0 : i32
    %c0_i32_0 = arith.constant 0 : i32
    %c0_i32_1 = arith.constant 0 : i32
    return %c0_i32, %c0_i32_0 : i32, i32
  }
  func.func @transform_6(%arg0: i32) -> (i32, i32) {
    %c0_i32 = arith.constant 0 : i32
    %c0_i32_0 = arith.constant 0 : i32
    %c0_i32_1 = arith.constant 0 : i32
    return %c0_i32, %c0_i32_0 : i32, i32
  }
  func.func @transform_7(%arg0: i32) -> (i32, i32) {
    %c0_i32 = arith.constant 0 : i32
    %c0_i32_0 = arith.constant 0 : i32
    %c0_i32_1 = arith.constant 0 : i32
    return %c0_i32, %c0_i32_0 : i32, i32
  }
  func.func @transform_8(%arg0: i32) -> (i32, i32) {
    %c0_i32 = arith.constant 0 : i32
    %c0_i32_0 = arith.constant 0 : i32
    %c0_i32_1 = arith.constant 0 : i32
    return %c0_i32, %c0_i32_0 : i32, i32
  }
  func.func @transform_9(%arg0: i32) -> (i32, i32) {
    %c0_i32 = arith.constant 0 : i32
    %c0_i32_0 = arith.constant 0 : i32
    %c0_i32_1 = arith.constant 0 : i32
    return %c0_i32, %c0_i32_0 : i32, i32
  }
  func.func @transform_10(%arg0: i32) -> (i32, i32) {
    %c0_i32 = arith.constant 0 : i32
    %c0_i32_0 = arith.constant 0 : i32
    %c0_i32_1 = arith.constant 0 : i32
    return %c0_i32, %c0_i32_0 : i32, i32
  }
  func.func @transform_11(%arg0: i32) -> (i32, i32) {
    %c0_i32 = arith.constant 0 : i32
    %c0_i32_0 = arith.constant 0 : i32
    %c0_i32_1 = arith.constant 0 : i32
    return %c0_i32, %c0_i32_0 : i32, i32
  }
  func.func @transform_12(%arg0: i32) -> (i32, i32) {
    %c0_i32 = arith.constant 0 : i32
    %c0_i32_0 = arith.constant 0 : i32
    %c0_i32_1 = arith.constant 0 : i32
    return %c0_i32, %c0_i32_0 : i32, i32
  }
  func.func @transform_13(%arg0: i32) -> (i32, i32, i32) {
    %c0_i32 = arith.constant 0 : i32
    %c0_i32_0 = arith.constant 0 : i32
    %c0_i32_1 = arith.constant 0 : i32
    return %c0_i32, %arg0, %c0_i32_0 : i32, i32, i32
  }
}

module attributes {stable_mosaic.version = 14 : i64} {
  func.func @_node_body(%arg0: i32, %arg1: memref<2000x128xf32, #tpu.memory_space<vmem>>, %arg2: memref<2000x128xf32, #tpu.memory_space<vmem>>, %arg3: memref<2000x128xf32, #tpu.memory_space<vmem>>, %arg4: memref<2000x128xf32, #tpu.memory_space<vmem>>, %arg5: memref<1x21xf32, #tpu.memory_space<vmem>>, %arg6: memref<21x256xf32, #tpu.memory_space<vmem>>, %arg7: memref<1x256xf32, #tpu.memory_space<vmem>>, %arg8: memref<256x256xf32, #tpu.memory_space<vmem>>, %arg9: memref<1x256xf32, #tpu.memory_space<vmem>>, %arg10: memref<256x1024xf32, #tpu.memory_space<vmem>>, %arg11: memref<1x1024xf32, #tpu.memory_space<vmem>>, %arg12: memref<1024x256xf32, #tpu.memory_space<vmem>>, %arg13: memref<1x256xf32, #tpu.memory_space<vmem>>, %arg14: memref<1x1x2000xi32, #tpu.memory_space<vmem>>, %arg15: memref<16x256xf32, #tpu.memory_space<vmem>>, %arg16: memref<16x1xf32, #tpu.memory_space<vmem>>) attributes {dimension_semantics = [#tpu.dimension_semantics<arbitrary>], iteration_bounds = array<i64: 5>, scalar_prefetch = 0 : i64, scratch_operands = 0 : i64, tpu.core_type = #tpu.core_type<tc>, window_params = [{transform_indices = @transform_0, window_bounds = array<i64: 2000, 128>}, {transform_indices = @transform_1, window_bounds = array<i64: 2000, 128>}, {transform_indices = @transform_2, window_bounds = array<i64: 2000, 128>}, {transform_indices = @transform_3, window_bounds = array<i64: 2000, 128>}, {pipeline_mode = #tpu.pipeline_mode<synchronous>, transform_indices = @transform_4, window_bounds = array<i64: 1, 21>}, {pipeline_mode = #tpu.pipeline_mode<synchronous>, transform_indices = @transform_5, window_bounds = array<i64: 21, 256>}, {pipeline_mode = #tpu.pipeline_mode<synchronous>, transform_indices = @transform_6, window_bounds = array<i64: 1, 256>}, {pipeline_mode = #tpu.pipeline_mode<synchronous>, transform_indices = @transform_7, window_bounds = array<i64: 256, 256>}, {pipeline_mode = #tpu.pipeline_mode<synchronous>, transform_indices = @transform_8, window_bounds = array<i64: 1, 256>}, {pipeline_mode = #tpu.pipeline_mode<synchronous>, transform_indices = @transform_9, window_bounds = array<i64: 256, 1024>}, {pipeline_mode = #tpu.pipeline_mode<synchronous>, transform_indices = @transform_10, window_bounds = array<i64: 1, 1024>}, {pipeline_mode = #tpu.pipeline_mode<synchronous>, transform_indices = @transform_11, window_bounds = array<i64: 1024, 256>}, {pipeline_mode = #tpu.pipeline_mode<synchronous>, transform_indices = @transform_12, window_bounds = array<i64: 1, 256>}, {transform_indices = @transform_13, window_bounds = array<i64: 1, 1, 2000>}, {pipeline_mode = #tpu.pipeline_mode<synchronous>, transform_indices = @transform_14, window_bounds = array<i64: 16, 256>}, {pipeline_mode = #tpu.pipeline_mode<synchronous>, transform_indices = @transform_15, window_bounds = array<i64: 16, 1>}]} {
    %get3A = arith.constant 0 : index
    %get3A_0 = arith.constant 0 : index
    %get3A_1 = vector.load %arg5[%get3A, %get3A_0] : memref<1x21xf32, #tpu.memory_space<vmem>>, vector<1x21xf32>
    %get3A_2 = arith.constant 0 : index
    %get3A_3 = arith.constant 0 : index
    %get3A_4 = vector.load %arg6[%get3A_2, %get3A_3] : memref<21x256xf32, #tpu.memory_space<vmem>>, vector<21x256xf32>
    %dot_general3A = arith.constant dense<0.000000e+00> : vector<1x256xf32>
    %dot_general3A_5 = tpu.matmul %get3A_1, %get3A_4, %dot_general3A {dimension_numbers = #tpu.dot_dimension_numbers<[1], [0], [0], [1], [0, 0, 1, 1], [], []>, transpose_lhs_hint = false} : vector<1x21xf32>, vector<21x256xf32>, vector<1x256xf32> -> vector<1x256xf32>
    %get3A_6 = arith.constant 0 : index
    %get3A_7 = arith.constant 0 : index
    %get3A_8 = vector.load %arg7[%get3A_6, %get3A_7] : memref<1x256xf32, #tpu.memory_space<vmem>>, vector<1x256xf32>
    %add3A = arith.addf %dot_general3A_5, %get3A_8 : vector<1x256xf32>
    %get3A_9 = arith.constant 0 : index
    %get3A_10 = arith.constant 0 : index
    %get3A_11 = vector.load %arg1[%get3A_9, %get3A_10] : memref<2000x128xf32, #tpu.memory_space<vmem>>, vector<2000x128xf32>
    %get3A_12 = arith.constant 0 : index
    %get3A_13 = arith.constant 0 : index
    %get3A_14 = vector.load %arg3[%get3A_12, %get3A_13] : memref<2000x128xf32, #tpu.memory_space<vmem>>, vector<2000x128xf32>
    %add3A_15 = arith.addf %get3A_11, %get3A_14 : vector<2000x128xf32>
    %get3A_16 = arith.constant 0 : index
    %get3A_17 = arith.constant 0 : index
    %get3A_18 = vector.load %arg2[%get3A_16, %get3A_17] : memref<2000x128xf32, #tpu.memory_space<vmem>>, vector<2000x128xf32>
    %get3A_19 = arith.constant 0 : index
    %get3A_20 = arith.constant 0 : index
    %get3A_21 = vector.load %arg4[%get3A_19, %get3A_20] : memref<2000x128xf32, #tpu.memory_space<vmem>>, vector<2000x128xf32>
    %add3A_22 = arith.addf %get3A_18, %get3A_21 : vector<2000x128xf32>
    %concatenate3A = tpu.concatenate %add3A_15, %add3A_22 in 1 : vector<2000x128xf32>, vector<2000x128xf32> -> vector<2000x256xf32>
    %add3A_23 = vector.broadcast %add3A : vector<1x256xf32> to vector<2000x256xf32>
    %add3A_24 = arith.addf %concatenate3A, %add3A_23 : vector<2000x256xf32>
    %convert_element_type3A = arith.truncf %add3A_24 : vector<2000x256xf32> to vector<2000x256xbf16>
    %get3A_25 = arith.constant 0 : index
    %get3A_26 = arith.constant 0 : index
    %get3A_27 = vector.load %arg8[%get3A_25, %get3A_26] : memref<256x256xf32, #tpu.memory_space<vmem>>, vector<256x256xf32>
    %convert_element_type3A_28 = arith.truncf %get3A_27 : vector<256x256xf32> to vector<256x256xbf16>
    %dot_general3A_29 = arith.constant dense<0.000000e+00> : vector<2000x256xf32>
    %dot_general3A_30 = tpu.matmul %convert_element_type3A, %convert_element_type3A_28, %dot_general3A_29 {dimension_numbers = #tpu.dot_dimension_numbers<[1], [0], [0], [1], [0, 0, 1, 1], [], []>, transpose_lhs_hint = false} : vector<2000x256xbf16>, vector<256x256xbf16>, vector<2000x256xf32> -> vector<2000x256xf32>
    %get3A_31 = arith.constant 0 : index
    %get3A_32 = arith.constant 0 : index
    %get3A_33 = vector.load %arg9[%get3A_31, %get3A_32] : memref<1x256xf32, #tpu.memory_space<vmem>>, vector<1x256xf32>
    %add3A_34 = vector.broadcast %get3A_33 : vector<1x256xf32> to vector<2000x256xf32>
    %add3A_35 = arith.addf %dot_general3A_30, %add3A_34 : vector<2000x256xf32>
    %max3A = arith.constant 0.000000e+00 : f32
    %max3A_36 = vector.broadcast %max3A : f32 to vector<2000x256xf32>
    %max3A_37 = arith.maximumf %add3A_35, %max3A_36 : vector<2000x256xf32>
    %convert_element_type3A_38 = arith.truncf %max3A_37 : vector<2000x256xf32> to vector<2000x256xbf16>
    %get3A_39 = arith.constant 0 : index
    %get3A_40 = arith.constant 0 : index
    %get3A_41 = vector.load %arg10[%get3A_39, %get3A_40] : memref<256x1024xf32, #tpu.memory_space<vmem>>, vector<256x1024xf32>
    %convert_element_type3A_42 = arith.truncf %get3A_41 : vector<256x1024xf32> to vector<256x1024xbf16>
    %dot_general3A_43 = arith.constant dense<0.000000e+00> : vector<2000x1024xf32>
    %dot_general3A_44 = tpu.matmul %convert_element_type3A_38, %convert_element_type3A_42, %dot_general3A_43 {dimension_numbers = #tpu.dot_dimension_numbers<[1], [0], [0], [1], [0, 0, 1, 1], [], []>, transpose_lhs_hint = false} : vector<2000x256xbf16>, vector<256x1024xbf16>, vector<2000x1024xf32> -> vector<2000x1024xf32>
    %get3A_45 = arith.constant 0 : index
    %get3A_46 = arith.constant 0 : index
    %get3A_47 = vector.load %arg11[%get3A_45, %get3A_46] : memref<1x1024xf32, #tpu.memory_space<vmem>>, vector<1x1024xf32>
    %add3A_48 = vector.broadcast %get3A_47 : vector<1x1024xf32> to vector<2000x1024xf32>
    %add3A_49 = arith.addf %dot_general3A_44, %add3A_48 : vector<2000x1024xf32>
    %max3A_50 = arith.constant 0.000000e+00 : f32
    %max3A_51 = vector.broadcast %max3A_50 : f32 to vector<2000x1024xf32>
    %max3A_52 = arith.maximumf %add3A_49, %max3A_51 : vector<2000x1024xf32>
    %convert_element_type3A_53 = arith.truncf %max3A_52 : vector<2000x1024xf32> to vector<2000x1024xbf16>
    %get3A_54 = arith.constant 0 : index
    %get3A_55 = arith.constant 0 : index
    %get3A_56 = vector.load %arg12[%get3A_54, %get3A_55] : memref<1024x256xf32, #tpu.memory_space<vmem>>, vector<1024x256xf32>
    %convert_element_type3A_57 = arith.truncf %get3A_56 : vector<1024x256xf32> to vector<1024x256xbf16>
    %dot_general3A_58 = arith.constant dense<0.000000e+00> : vector<2000x256xf32>
    %dot_general3A_59 = tpu.matmul %convert_element_type3A_53, %convert_element_type3A_57, %dot_general3A_58 {dimension_numbers = #tpu.dot_dimension_numbers<[1], [0], [0], [1], [0, 0, 1, 1], [], []>, transpose_lhs_hint = false} : vector<2000x1024xbf16>, vector<1024x256xbf16>, vector<2000x256xf32> -> vector<2000x256xf32>
    %get3A_60 = arith.constant 0 : index
    %get3A_61 = arith.constant 0 : index
    %get3A_62 = vector.load %arg13[%get3A_60, %get3A_61] : memref<1x256xf32, #tpu.memory_space<vmem>>, vector<1x256xf32>
    %add3A_63 = vector.broadcast %get3A_62 : vector<1x256xf32> to vector<2000x256xf32>
    %add3A_64 = arith.addf %dot_general3A_59, %add3A_63 : vector<2000x256xf32>
    %iota3A = tpu.iota {dimensions = array<i32: 0>} : vector<16x2000xi32>
    %get3A_65 = arith.constant 0 : index
    %get3A_66 = arith.constant 0 : index
    %get3A_67 = arith.constant 0 : index
    %get3A_68 = vector.load %arg14[%get3A_65, %get3A_66, %get3A_67] : memref<1x1x2000xi32, #tpu.memory_space<vmem>>, vector<1x1x2000xi32>
    %get3A_69 = vector.shape_cast %get3A_68 : vector<1x1x2000xi32> to vector<1x2000xi32>
    %eq3A = vector.broadcast %get3A_69 : vector<1x2000xi32> to vector<16x2000xi32>
    %eq3A_70 = arith.cmpi eq, %iota3A, %eq3A : vector<16x2000xi32>
    %convert_element_type3A_71 = arith.extui %eq3A_70 : vector<16x2000xi1> to vector<16x2000xi32>
    %convert_element_type3A_72 = arith.sitofp %convert_element_type3A_71 : vector<16x2000xi32> to vector<16x2000xf32>
    %dot_general3A_73 = arith.constant dense<0.000000e+00> : vector<16x256xf32>
    %dot_general3A_74 = tpu.matmul %convert_element_type3A_72, %add3A_64, %dot_general3A_73 {dimension_numbers = #tpu.dot_dimension_numbers<[1], [0], [0], [1], [0, 0, 1, 1], [], []>, transpose_lhs_hint = false} : vector<16x2000xf32>, vector<2000x256xf32>, vector<16x256xf32> -> vector<16x256xf32>
    %reduce_sum3A = arith.constant dense<0.000000e+00> : vector<16xf32>
    %reduce_sum3A_75 = vector.multi_reduction <add>, %convert_element_type3A_72, %reduce_sum3A [1] : vector<16x2000xf32> to vector<16xf32>
    %broadcast_in_dim3A = vector.shape_cast %reduce_sum3A_75 : vector<16xf32> to vector<16x1xf32>
    %eq3A_76 = arith.constant 0 : i32
    %eq3A_77 = arith.cmpi eq, %arg0, %eq3A_76 : i32
    %convert_element_type3A_78 = arith.extui %eq3A_77 : i1 to i32
    %cond3A = arith.constant 0 : i32
    %cond3A_79 = arith.cmpi ne, %convert_element_type3A_78, %cond3A : i32
    scf.if %cond3A_79 {
      %broadcast_in_dim3A_93 = arith.constant 0.000000e+00 : f32
      %broadcast_in_dim3A_94 = vector.broadcast %broadcast_in_dim3A_93 : f32 to vector<16x256xf32>
      %swap3A_95 = arith.constant 0 : index
      %swap3A_96 = arith.constant 0 : index
      %swap3A_97 = vector.load %arg15[%swap3A_95, %swap3A_96] : memref<16x256xf32, #tpu.memory_space<vmem>>, vector<16x256xf32>
      tpu.vector_store %arg15[%swap3A_95, %swap3A_96], %broadcast_in_dim3A_94 {strides = array<i32>} : memref<16x256xf32, #tpu.memory_space<vmem>>, vector<16x256xf32>,
      %broadcast_in_dim3A_98 = arith.constant 0.000000e+00 : f32
      %broadcast_in_dim3A_99 = vector.broadcast %broadcast_in_dim3A_98 : f32 to vector<16x1xf32>
      %swap3A_100 = arith.constant 0 : index
      %swap3A_101 = arith.constant 0 : index
      %swap3A_102 = vector.load %arg16[%swap3A_100, %swap3A_101] : memref<16x1xf32, #tpu.memory_space<vmem>>, vector<16x1xf32>
      tpu.vector_store %arg16[%swap3A_100, %swap3A_101], %broadcast_in_dim3A_99 {strides = array<i32>} : memref<16x1xf32, #tpu.memory_space<vmem>>, vector<16x1xf32>,
    } else {
    }
    %get3A_80 = arith.constant 0 : index
    %get3A_81 = arith.constant 0 : index
    %get3A_82 = vector.load %arg15[%get3A_80, %get3A_81] : memref<16x256xf32, #tpu.memory_space<vmem>>, vector<16x256xf32>
    %add3A_83 = arith.addf %get3A_82, %dot_general3A_74 : vector<16x256xf32>
    %swap3A = arith.constant 0 : index
    %swap3A_84 = arith.constant 0 : index
    %swap3A_85 = vector.load %arg15[%swap3A, %swap3A_84] : memref<16x256xf32, #tpu.memory_space<vmem>>, vector<16x256xf32>
    tpu.vector_store %arg15[%swap3A, %swap3A_84], %add3A_83 {strides = array<i32>} : memref<16x256xf32, #tpu.memory_space<vmem>>, vector<16x256xf32>,
    %get3A_86 = arith.constant 0 : index
    %get3A_87 = arith.constant 0 : index
    %get3A_88 = vector.load %arg16[%get3A_86, %get3A_87] : memref<16x1xf32, #tpu.memory_space<vmem>>, vector<16x1xf32>
    %add3A_89 = arith.addf %get3A_88, %broadcast_in_dim3A : vector<16x1xf32>
    %swap3A_90 = arith.constant 0 : index
    %swap3A_91 = arith.constant 0 : index
    %swap3A_92 = vector.load %arg16[%swap3A_90, %swap3A_91] : memref<16x1xf32, #tpu.memory_space<vmem>>, vector<16x1xf32>
    tpu.vector_store %arg16[%swap3A_90, %swap3A_91], %add3A_89 {strides = array<i32>} : memref<16x1xf32, #tpu.memory_space<vmem>>, vector<16x1xf32>,
    return
  }
  func.func @transform_0(%arg0: i32) -> (i32, i32) {
    %c0_i32 = arith.constant 0 : i32
    %c0_i32_0 = arith.constant 0 : i32
    return %arg0, %c0_i32 : i32, i32
  }
  func.func @transform_1(%arg0: i32) -> (i32, i32) {
    %add3A = arith.constant 5 : i32
    %add3A_0 = arith.addi %arg0, %add3A : i32
    %c0_i32 = arith.constant 0 : i32
    %c0_i32_1 = arith.constant 0 : i32
    return %add3A_0, %c0_i32 : i32, i32
  }
  func.func @transform_2(%arg0: i32) -> (i32, i32) {
    %c0_i32 = arith.constant 0 : i32
    %c0_i32_0 = arith.constant 0 : i32
    return %arg0, %c0_i32 : i32, i32
  }
  func.func @transform_3(%arg0: i32) -> (i32, i32) {
    %add3A = arith.constant 5 : i32
    %add3A_0 = arith.addi %arg0, %add3A : i32
    %c0_i32 = arith.constant 0 : i32
    %c0_i32_1 = arith.constant 0 : i32
    return %add3A_0, %c0_i32 : i32, i32
  }
  func.func @transform_4(%arg0: i32) -> (i32, i32) {
    %c0_i32 = arith.constant 0 : i32
    %c0_i32_0 = arith.constant 0 : i32
    %c0_i32_1 = arith.constant 0 : i32
    return %c0_i32, %c0_i32_0 : i32, i32
  }
  func.func @transform_5(%arg0: i32) -> (i32, i32) {
    %c0_i32 = arith.constant 0 : i32
    %c0_i32_0 = arith.constant 0 : i32
    %c0_i32_1 = arith.constant 0 : i32
    return %c0_i32, %c0_i32_0 : i32, i32
  }
  func.func @transform_6(%arg0: i32) -> (i32, i32) {
    %c0_i32 = arith.constant 0 : i32
    %c0_i32_0 = arith.constant 0 : i32
    %c0_i32_1 = arith.constant 0 : i32
    return %c0_i32, %c0_i32_0 : i32, i32
  }
  func.func @transform_7(%arg0: i32) -> (i32, i32) {
    %c0_i32 = arith.constant 0 : i32
    %c0_i32_0 = arith.constant 0 : i32
    %c0_i32_1 = arith.constant 0 : i32
    return %c0_i32, %c0_i32_0 : i32, i32
  }
  func.func @transform_8(%arg0: i32) -> (i32, i32) {
    %c0_i32 = arith.constant 0 : i32
    %c0_i32_0 = arith.constant 0 : i32
    %c0_i32_1 = arith.constant 0 : i32
    return %c0_i32, %c0_i32_0 : i32, i32
  }
  func.func @transform_9(%arg0: i32) -> (i32, i32) {
    %c0_i32 = arith.constant 0 : i32
    %c0_i32_0 = arith.constant 0 : i32
    %c0_i32_1 = arith.constant 0 : i32
    return %c0_i32, %c0_i32_0 : i32, i32
  }
  func.func @transform_10(%arg0: i32) -> (i32, i32) {
    %c0_i32 = arith.constant 0 : i32
    %c0_i32_0 = arith.constant 0 : i32
    %c0_i32_1 = arith.constant 0 : i32
    return %c0_i32, %c0_i32_0 : i32, i32
  }
  func.func @transform_11(%arg0: i32) -> (i32, i32) {
    %c0_i32 = arith.constant 0 : i32
    %c0_i32_0 = arith.constant 0 : i32
    %c0_i32_1 = arith.constant 0 : i32
    return %c0_i32, %c0_i32_0 : i32, i32
  }
  func.func @transform_12(%arg0: i32) -> (i32, i32) {
    %c0_i32 = arith.constant 0 : i32
    %c0_i32_0 = arith.constant 0 : i32
    %c0_i32_1 = arith.constant 0 : i32
    return %c0_i32, %c0_i32_0 : i32, i32
  }
  func.func @transform_13(%arg0: i32) -> (i32, i32, i32) {
    %c0_i32 = arith.constant 0 : i32
    %c0_i32_0 = arith.constant 0 : i32
    %c0_i32_1 = arith.constant 0 : i32
    return %arg0, %c0_i32, %c0_i32_0 : i32, i32, i32
  }
  func.func @transform_14(%arg0: i32) -> (i32, i32) {
    %c0_i32 = arith.constant 0 : i32
    %c0_i32_0 = arith.constant 0 : i32
    %c0_i32_1 = arith.constant 0 : i32
    return %c0_i32, %c0_i32_0 : i32, i32
  }
  func.func @transform_15(%arg0: i32) -> (i32, i32) {
    %c0_i32 = arith.constant 0 : i32
    %c0_i32_0 = arith.constant 0 : i32
    %c0_i32_1 = arith.constant 0 : i32
    return %c0_i32, %c0_i32_0 : i32, i32
  }
}

module attributes {stable_mosaic.version = 14 : i64} {
  func.func @_head_body(%arg0: memref<16x256xf32, #tpu.memory_space<vmem>>, %arg1: memref<16x1xf32, #tpu.memory_space<vmem>>, %arg2: memref<256x1xf32, #tpu.memory_space<vmem>>, %arg3: memref<1x1xf32, #tpu.memory_space<vmem>>, %arg4: memref<16x1xf32, #tpu.memory_space<vmem>>) attributes {dimension_semantics = [], scalar_prefetch = 0 : i64, scratch_operands = 0 : i64, tpu.core_type = #tpu.core_type<tc>} {
    %get3A = arith.constant 0 : index
    %get3A_0 = arith.constant 0 : index
    %get3A_1 = vector.load %arg0[%get3A, %get3A_0] : memref<16x256xf32, #tpu.memory_space<vmem>>, vector<16x256xf32>
    %get3A_2 = arith.constant 0 : index
    %get3A_3 = arith.constant 0 : index
    %get3A_4 = vector.load %arg1[%get3A_2, %get3A_3] : memref<16x1xf32, #tpu.memory_space<vmem>>, vector<16x1xf32>
    %max3A = arith.constant 1.000000e+00 : f32
    %max3A_5 = vector.broadcast %max3A : f32 to vector<16x1xf32>
    %max3A_6 = arith.maximumf %get3A_4, %max3A_5 : vector<16x1xf32>
    %div3A = vector.broadcast %max3A_6 : vector<16x1xf32> to vector<16x256xf32>
    %div3A_7 = arith.divf %get3A_1, %div3A : vector<16x256xf32>
    %get3A_8 = arith.constant 0 : index
    %get3A_9 = arith.constant 0 : index
    %get3A_10 = vector.load %arg2[%get3A_8, %get3A_9] : memref<256x1xf32, #tpu.memory_space<vmem>>, vector<256x1xf32>
    %dot_general3A = arith.constant dense<0.000000e+00> : vector<16x1xf32>
    %dot_general3A_11 = tpu.matmul %div3A_7, %get3A_10, %dot_general3A {dimension_numbers = #tpu.dot_dimension_numbers<[1], [0], [0], [1], [0, 0, 1, 1], [], []>, transpose_lhs_hint = false} : vector<16x256xf32>, vector<256x1xf32>, vector<16x1xf32> -> vector<16x1xf32>
    %get3A_12 = arith.constant 0 : index
    %get3A_13 = arith.constant 0 : index
    %get3A_14 = vector.load %arg3[%get3A_12, %get3A_13] : memref<1x1xf32, #tpu.memory_space<vmem>>, vector<1x1xf32>
    %add3A = vector.broadcast %get3A_14 : vector<1x1xf32> to vector<16x1xf32>
    %add3A_15 = arith.addf %dot_general3A_11, %add3A : vector<16x1xf32>
    %logistic3A = arith.negf %add3A_15 : vector<16x1xf32>
    %logistic3A_16 = math.exp %logistic3A : vector<16x1xf32>
    %logistic3A_17 = arith.constant 1.000000e+00 : f32
    %logistic3A_18 = vector.broadcast %logistic3A_17 : f32 to vector<16x1xf32>
    %logistic3A_19 = arith.addf %logistic3A_18, %logistic3A_16 : vector<16x1xf32>
    %logistic3A_20 = arith.divf %logistic3A_18, %logistic3A_19 : vector<16x1xf32>
    %mul3A = arith.constant 5.000000e-01 : f32
    %mul3A_21 = vector.broadcast %mul3A : f32 to vector<16x1xf32>
    %mul3A_22 = arith.mulf %logistic3A_20, %mul3A_21 : vector<16x1xf32>
    %swap3A = arith.constant 0 : index
    %swap3A_23 = arith.constant 0 : index
    %swap3A_24 = vector.load %arg4[%swap3A, %swap3A_23] : memref<16x1xf32, #tpu.memory_space<vmem>>, vector<16x1xf32>
    tpu.vector_store %arg4[%swap3A, %swap3A_23], %mul3A_22 {strides = array<i32>} : memref<16x1xf32, #tpu.memory_space<vmem>>, vector<16x1xf32>,
    return
  }
}

</mosaic_0001>

<sc_bundles>
// kernel: kernel.11.cloned.1.call-start
scs
__scs_entry_jumppad:
0x0: {  	(pc) =	sbr.rel $0x88, $3  }
0x1: {  	(tag) =	ssettag $0x0;
	lr =	simm.s32 $0x1  }
0x2: {  	[smem:$0x3F7B] =	sst lr;
	_ =	strace $0xD0000000  }
0x3: {  	_ = 	snop  }
0x4: {  	_ = 	snop  }
0x5: {  	_ = 	snop  }
0x6: {  	_ = 	snop  }
0x7: {  	_ = 	snop  }
__scs_overlays_trampoline_lowered:
0x8: {  	[smem:$0x3F8A] =	sst s0  }
0x9: {  	[smem:$0x3F8B] =	sst s1  }
0xa: {  	[smem:$0x3F8C] =	sst s2  }
0xb: {  	[smem:$0x3F8D] =	sst s3  }
0xc: {  	[smem:$0x3F8E] =	sst s4  }
0xd: {  	[smem:$0x3F8F] =	sst s5  }
0xe: {  	[smem:$0x3F90] =	sst s6  }
0xf: {  	[smem:$0x3F91] =	sst s7  }
0x10: {  	[smem:$0x3F92] =	sst s8  }
0x11: {  	[smem:$0x3F93] =	sst s9;
	s0 =	simm.s32 @!p0 $0x0  }
0x12: {  	s1 =	sld [smem:$0x3F79];
	s0 =	simm.s32 @p0 $0x1  }
0x13: {  	[smem:$0x3F94] =	sst s0;
	s0 =	simm.s32 @!p1 $0x0  }
0x14: {  	s2 =	sld [smem:$0x3F78];
	s0 =	simm.s32 @p1 $0x1  }
0x15: {  	[smem:$0x3F95] =	sst s0;
	s0 =	simm.s32 @!p2 $0x0  }
0x16: {  	s3 =	sld [smem:$0x3FDB];
	s0 =	simm.s32 @p2 $0x1  }
0x17: {  	s4 =	simm.s32 $0x1BF5;
	[smem:$0x3F97] =	sst s0  }
0x18: {  	s0 =	sld [smem:$0x3F7A];
	_ =	swait.ge [sflag:s4], $0x0  }
0x19: {  	s7 =	sld [smem:$0x3F7B]  }
0x1a: {  	s8 =	sadd.s32 $0xFFFFE003, lr  }
0x1b: {  	s9 =	sadd.s32 $0xFFFFFEF7, lr;
	s5 =	simm.s32 $0xFFFFFFFF;
	p2 =	slt.u32 s8, $0xFFFFF086  }
0x1c: {  	p1 =	slt.u32 s9, $0xF7A;
	s5 =	simm.s32 @!p2 $0x0  }
0x1d: {  	s5 =	simm.s32 @p1 $0x1;
	p0 =	seq.s32 s7, s2  }
0x1e: {  	s7 =	smul.u32 @!p0 $0xF7A, s2;
	p2 =	seq.s32 @!p0 s5, $0x0  }
0x1f: {  	s9 =	smul.u32 $0xF7A, s1;
	s8 =	simm.s32 @!p0 $0x1BF5;
	p2 =	por !p2, p0  }
0x20: {  	[sflag:s8] =	ssyncset.s32 @!p0 $0xFFFFF086;
	s6 =	sadd.s32 @!p0 s3, s7;
	s7 =	simm.s32 @!p0 $0x108  }
0x21: {  	s3 =	sadd.s32 s3, s9;
	s6 =	sadd.s32 @!p0 $0x88, s6;
	s7 =	simm.s32 @p2 $0x1082  }
0x22: {  	[simem:s7], [sflag:s8] =	dma.local @!p0 [hbm:s6], $0xF7A  }
0x23: {  	s9 =	sor.u32 $0xD0000000, s2;
	s6 =	simm.s32 $0x108;
	_ =	swait.ge @!p0 [sflag:s8], $0x0  }
0x24: {  	s3 =	sadd.s32 $0x88, s3;
	s6 =	simm.s32 @!p1 $0x1082;
	[sflag:s4] =	ssyncset.s32 $0xFFFFF086  }
0x25: {  	[simem:s6], [sflag:s4] =	dma.local [hbm:s3], $0xF7A  }
0x26: {  	[smem:$0x3F7B] =	sst s1;
	(tag) =	ssettag s2;
	_ =	strace s9  }
0x27: {  	s1 =	sld [smem:$0x3F8B]  }
0x28: {  	s2 =	sld [smem:$0x3F8C]  }
0x29: {  	s4 =	sld [smem:$0x3F8E]  }
0x2a: {  	p0 =	seq.s32 s5, $0x0;
	s5 =	sld [smem:$0x3F8F]  }
0x2b: {  	s6 =	sld [smem:$0x3F90]  }
0x2c: {  	s7 =	sld [smem:$0x3F91]  }
0x2d: {  	s3 =	simm.s32 $0x108;
	s8 =	sld [smem:$0x3F92]  }
0x2e: {  	s3 =	simm.s32 @!p0 $0x1082;
	s9 =	sld [smem:$0x3F93]  }
0x2f: {  	lr =	sadd.s32 s0, s3;
	s0 =	sld [smem:$0x3F8A]  }
0x30: {  	s3 =	sld [smem:$0x3F8D]  }
0x31: {  	[smem:$0x3F96] =	sst s10  }
0x32: {  	s10 =	sld [smem:$0x3F94];
	_ =	sdelay $0x3  }
0x33: {  	p0 =	seq.s32 s10, $0x1;
	s10 =	sld [smem:$0x3F96];
	_ =	sdelay $0x3  }
0x34: {  	[smem:$0x3F96] =	sst s10  }
0x35: {  	s10 =	sld [smem:$0x3F95];
	_ =	sdelay $0x3  }
0x36: {  	p1 =	seq.s32 s10, $0x1;
	s10 =	sld [smem:$0x3F96];
	_ =	sdelay $0x3  }
0x37: {  	[smem:$0x3F96] =	sst s10  }
0x38: {  	s10 =	sld [smem:$0x3F97]  }
0x39: {  	_ = 	snop;
	(pc) =	sbr.ind lr, $3  }
0x3a: {  	_ = 	snop  }
0x3b: {  	_ = 	snop  }
0x3c: {  	p2 =	seq.s32 s10, $0x1;
	s10 =	sld [smem:$0x3F96]  }
0x3d: {  	_ =	shalt  }
0x3e: {  	_ =	shalt  }
0x3f: {  	_ =	shalt  }
0x40: {  	_ =	shalt  }
0x41: {  	_ =	shalt  }
0x42: {  	_ =	shalt  }
0x43: {  	_ =	shalt  }
0x44: {  	_ =	shalt  }
0x45: {  	_ =	shalt  }
0x46: {  	_ =	shalt  }
0x47: {  	_ =	shalt  }
0x48: {  	_ =	shalt  }
0x49: {  	_ =	shalt  }
0x4a: {  	_ =	shalt  }
0x4b: {  	_ =	shalt  }
0x4c: {  	_ =	shalt  }
0x4d: {  	_ =	shalt  }
0x4e: {  	_ =	shalt  }
0x4f: {  	_ =	shalt  }
0x50: {  	_ =	shalt  }
0x51: {  	_ =	shalt  }
0x52: {  	_ =	shalt  }
0x53: {  	_ =	shalt  }
0x54: {  	_ =	shalt  }
0x55: {  	_ =	shalt  }
0x56: {  	_ =	shalt  }
0x57: {  	_ =	shalt  }
0x58: {  	_ =	shalt  }
0x59: {  	_ =	shalt  }
0x5a: {  	_ =	shalt  }
0x5b: {  	_ =	shalt  }
0x5c: {  	_ =	shalt  }
0x5d: {  	_ =	shalt  }
0x5e: {  	_ =	shalt  }
0x5f: {  	_ =	shalt  }
0x60: {  	_ =	shalt  }
0x61: {  	_ =	shalt  }
0x62: {  	_ =	shalt  }
0x63: {  	_ =	shalt  }
0x64: {  	_ =	shalt  }
0x65: {  	_ =	shalt  }
0x66: {  	_ =	shalt  }
0x67: {  	_ =	shalt  }
0x68: {  	_ =	shalt  }
0x69: {  	_ =	shalt  }
0x6a: {  	_ =	shalt  }
0x6b: {  	_ =	shalt  }
0x6c: {  	_ =	shalt  }
0x6d: {  	_ =	shalt  }
0x6e: {  	_ =	shalt  }
0x6f: {  	_ =	shalt  }
0x70: {  	_ =	shalt  }
0x71: {  	_ =	shalt  }
0x72: {  	_ =	shalt  }
0x73: {  	_ =	shalt  }
0x74: {  	_ =	shalt  }
0x75: {  	_ =	shalt  }
0x76: {  	_ =	shalt  }
0x77: {  	_ =	shalt  }
0x78: {  	_ =	shalt  }
0x79: {  	_ =	shalt  }
0x7a: {  	_ =	shalt  }
0x7b: {  	_ =	shalt  }
0x7c: {  	_ =	shalt  }
0x7d: {  	_ =	shalt  }
0x7e: {  	_ =	shalt  }
0x7f: {  	_ =	shalt  }
0x80: {  	_ =	shalt  }
0x81: {  	_ =	shalt  }
0x82: {  	_ =	shalt  }
0x83: {  	_ =	shalt  }
0x84: {  	_ =	shalt  }
0x85: {  	_ =	shalt  }
0x86: {  	_ =	shalt  }
0x87: {  	_ =	shalt  }
.Lfunc_end0:
.L_simem_size_0:
called_computation_lowered:
.L_overlay_start_0:
0x88: {  	s2 =	sld [smem:$0x3FD9]  }
0x89: {  	s3 =	sld [smem:$0x3FFE];
	_ =	sdelay $0x1  }
0x8a: {  	s1 =	srdreg.scid  }
0x8b: {  	s0 =	sand.u32 $0x1, s1  }
0x8c: {  	s16 =	sshll.u32 s0, $0xA;
	s2 =	sadd.s32 s3, s2  }
0x8d: {  	s2 =	sadd.s32 s2, s16  }
0x8e: {  	[smem:$0x3FA2] =	sst s2  }
0x8f: {  	_ = 	snop  }
0x90: {  	(tm) =	ssettm $0x1  }
0x91: {  	s17 =	sld [smem:$0x3FFB];
	_ =	sdelay $0x3  }
0x92: {  	_ =	strace s17  }
0x93: {  	s2 =	sld [smem:$0x3FFC];
	_ =	sdelay $0x3  }
0x94: {  	_ =	strace s2  }
0x95: {  	s2 =	sld [smem:$0x3FFD];
	_ =	sdelay $0x3  }
0x96: {  	_ =	strace s2  }
0x97: {  	_ =	strace $0x8FFFFFFF  }
0x98: {  	s18 =	sld [smem:$0x3FDB];
	_ =	sdelay $0x1  }
0x99: {  	s19 =	simm.s32 $_scs_section_size  }
0x9a: {  	s4 =	simm.s32 $_size__tile_overlayer_lowered;
	s5 =	simm.s32 $_tile_overlayer_lowered  }
0x9b: {  	s22 =	simm.s32 $0x1BFF;
	s21 =	sshll.u32 s5, $0x1;
	s2 =	sadd.s32 s19, s18  }
0x9c: {  	s6 =	simm.s32 $0x0;
	s20 =	sshll.u32 s4, $0x1;
	s4 =	sadd.s32 s21, s2  }
0x9d: {  	[timem:s6], [sflag:s22] =	dma.local [hbm:s4], s20  }
0x9e: {  	_ =	swait.ge [sflag:s22], s20  }
0x9f: {  	s3 =	ssub.s32 $0x0, s20;
	[sflag:s22] =	ssyncset.done $0x0  }
0xa0: {  	[sflag:s22] =	ssyncadd.s32 s3;
	_ =	sdelay $0x1  }
0xa1: {  	s23 =	simm.s32 $0x1B8B  }
0xa2: {  	_ =	swait.ge [sflag:s23], $0x1  }
0xa3: {  	[sflag:s23] =	ssyncset.done $0x0  }
0xa4: {  	s25 =	simm.s32 $0x1B8E;
	s24 =	sld [smem:$0x3FFE];
	[sflag:s23] =	ssyncadd.s32 $0xFFFFFFFF  }
0xa5: {  	s26 =	simm.s32 $execute0_lowered;
	[smem:$0x3FD2] =	sst s25  }
0xa6: {  	s4 =	sshll.u32 s26, $0x1;
	_ =	strace $0x80000046;
	[dreg:$0x1] =	wrdreg $0xFFFFFFFF  }
0xa7: {  	s28 =	simm.s32 $_size_execute0_lowered;
	s2 =	sadd.s32 s2, s4;
	[dreg:$0x0] =	wrdreg $0x0  }
0xa8: {  	s4 =	sshll.u32 s28, $0x1;
	[dreg:$0x2] =	wrdreg s2  }
0xa9: {  	[dreg:$0x3] =	wrdreg s4  }
0xaa: {  	[dreg:$0x4] =	wrdreg $0xC0  }
0xab: {  	_ =	task [dreg:s6], $0x5FFFF  }
0xac: {  	[dreg:$0x1] =	wrdreg $0xFFFFFFFF  }
0xad: {  	[dreg:$0x0] =	wrdreg $0x60  }
0xae: {  	[dreg:$0x2] =	wrdreg s24  }
0xaf: {  	[dreg:$0x3] =	wrdreg $0x9  }
0xb0: {  	_ =	task.clear_ibuf [dreg:s6], $0x4FFFF;
	_ =	strace $0x90000046  }
0xb1: {  	s29 =	simm.s32 $0x9;
	_ =	strace $0x80000048  }
0xb2: {  	_ =	swait.ge [sflag:s29], $0x1  }
0xb3: {  	[sflag:s29] =	ssyncadd.s32 $0xFFFFFFFF  }
0xb4: {  	_ =	strace $0x90000048  }
0xb5: {  	_ =	sfence  }
0xb6: {  	s30 =	sld [smem:$0x0];
	_ =	sdelay $0x2  }
0xb7: {  	s31 =	sshll.u32 s1, $0xD;
	s1 =	sshrl.u32 s1, $0x2  }
0xb8: {  	s3 =	sand.u32 $0x4000, s31;
	s1 =	sadd.s32 s1, s30  }
0xb9: {  	s0 =	sor.u32 s3, s0;
	s1 =	sshll.u32 s1, $0x11  }
0xba: {  	s0 =	sor.u32 s1, s0  }
0xbb: {  	s0 =	sadd.s32 $0x8F2B, s0  }
0xbc: {  	[sflag:s0] =	ssyncadd.remote.s32 $0x1  }
0xbd: {  	_ =	sfence.sel $0xFFFF  }
0xbe: {  	[dreg:$0x0] =	wrdreg $0xFFFFFFFF;
	(pc) =	sbr.abs _section_cstart, $3  }
0xbf: {  	[dreg:$0x1] =	wrdreg $0xFFFFFFFF  }
0xc0: {  	_ =	task.clear_ibuf [dreg:s6], $0x2FFFF;
	_ =	strace $0x9FFFFFFF  }
0xc1: {  	(tm) =	ssettm $0x7FFFFFFF  }
tec
execute0_lowered:
.L_overlay_start_1:
0x0: {  	(tag) =	ssettag $0x1  }
0x1: {  	s5 =	rddreg [dreg:$0x0]  }
0x2: {  	s0 =	rddreg [dreg:$0x1];
	s2 =	simm.s32 $0x0;
	s3 =	srdreg.scid  }
0x3: {  	s1 =	stileid.u32;
	s17 =	simm.s32 $0x1;
	s18 =	simm.s32 $0x50  }
0x4: {  	s19 =	simm.s32 $0x100;
	s20 =	simm.s32 $0x2;
	s21 =	simm.s32 $0x180  }
0x5: {  	s22 =	simm.s32 $0x3;
	s23 =	simm.s32 $0x5;
	s24 =	simm.s32 $0x4  }
0x6: {  	s25 =	simm.s32 $0x0;
	[smem:$0x7FF] =	sst s2;
	s6 =	sand.u32 $0x1, s3  }
0x7: {  	s28 =	sshll.u32 s1, $0x1;
	s3 =	sadd.s32 $0x1AC00, s5;
	s10 =	smul.u32 $0x4E20, s1  }
0x8: {  	s15 =	sadd.s32 $0xC10800, s5;
	s4 =	sor.u32 s6, s28;
	s12 =	smul.u32 $0x2710, s6  }
0x9: {  	_ =	strace $0x80000047;
	s7 =	ssub.s32 $0x2, s6;
	s8 =	smul.u32 $0x2710, s4  }
0xa: {  	s4 =	sadd.s32 $0xC06A00, s5;
	s29 =	sshrl.u32 s7, $0x1;
	s14 =	sadd.s32 s12, s10  }
0xb: {  	s9 =	ssub.s32 s7, s29;
	s8 =	sshrl.u32 s8, $0x3;
	s12 =	sadd.s32 $0x50, s14  }
0xc: {  	s16 =	sadd.s32 $0xF0, s14;
	s31 =	sshrl.u32 s14, $0x3;
	s14 =	sadd.s32 $0xA0, s14  }
0xd: {  	s5 =	sadd.s32 s4, s8;
	s11 =	sadd.s32 $0x4D8, s8;
	s13 =	sadd.s32 s15, s8  }
0xe: {  	s8 =	smax.u32 s9, $0x1;
	s12 =	sshrl.u32 s12, $0x3;
	s30 =	sshrl.u32 s16, $0x3  }
0xf: {  	s16 =	simm.s32 $0x80;
	s6 =	sadd.s32 $0xA, s5;
	s7 =	sadd.s32 s15, s11  }
0x10: {  	s9 =	sadd.s32 $0x4C4, s13;
	s10 =	sadd.s32 s4, s11;
	s11 =	sadd.s32 $0x4CE, s13  }
0x11: {  	s12 =	sadd.s32 s12, s15;
	s13 =	sadd.s32 s30, s4;
	s15 =	sadd.s32 s31, s15  }
.LBB2_1:
0x12: {  	[tilespmem:s2], [sflag:$0x1] =	stream.linear.gather [hbm4b:s5+s2], $0x50, $0x38;
	[tilespmem:$0x200] =	vst v63  }
0x13: {  	_ = 	snop  }
0x14: {  	[tilespmem:s16], [sflag:$0x2] =	stream.linear.gather [hbm4b:s6+s2], $0x50, $0x38;
	[tilespmem:$0x200] =	vst v63  }
0x15: {  	_ =	swait.ge [sflag:s17], $0x50  }
0x16: {  	[sflag:s17] =	ssyncset.done $0x0  }
0x17: {  	[sflag:s17] =	ssyncadd.s32 $0xFFFFFFB0  }
0x18: {  	[tilespmem:s19], [sflag:$0x3] =	stream.indirect.gather [hbm4b:s3+s18], $0x1, s2, s18, $0xb8;
	[tilespmem:$0x200] =	vst v63  }
0x19: {  	_ =	swait.ge [sflag:s20], $0x50  }
0x1a: {  	[sflag:s20] =	ssyncset.done $0x0  }
0x1b: {  	[sflag:s20] =	ssyncadd.s32 $0xFFFFFFB0  }
0x1c: {  	[tilespmem:s21], [sflag:$0x4] =	stream.indirect.gather [hbm4b:s3+s18], $0x1, s16, s18, $0xb8;
	[tilespmem:$0x200] =	vst v63  }
0x1d: {  	_ =	swait.ge [sflag:s22], $0x50  }
0x1e: {  	[sflag:s22] =	ssyncset.done $0x0  }
0x1f: {  	s26 =	sadd.s32 $0x0, s15;
	[sflag:s22] =	ssyncadd.s32 $0xFFFFFFB0  }
0x20: {  	[hbm4b:s26+s2] =	stream.linear.scatter [tilespmem:s19], [sflag:$0x5], $0x50, $0x38;
	[tilespmem:$0x200] =	vst v63  }
0x21: {  	_ =	swait.ge [sflag:s23], $0x50  }
0x22: {  	s30 =	sshrl.u32 s14, $0x3;
	[sflag:s23] =	ssyncset.done $0x0  }
0x23: {  	s26 =	sadd.s32 s4, s30;
	[sflag:s23] =	ssyncadd.s32 $0xFFFFFFB0  }
0x24: {  	[tilespmem:s2], [sflag:$0x1] =	stream.linear.gather [hbm4b:s26+s2], $0x50, $0x38;
	[tilespmem:$0x200] =	vst v63  }
0x25: {  	_ =	swait.ge [sflag:s17], $0x50  }
0x26: {  	[sflag:s17] =	ssyncset.done $0x0  }
0x27: {  	[sflag:s17] =	ssyncadd.s32 $0xFFFFFFB0  }
0x28: {  	[tilespmem:s19], [sflag:$0x3] =	stream.indirect.gather [hbm4b:s3+s18], $0x1, s2, s18, $0xb8;
	[tilespmem:$0x200] =	vst v63  }
0x29: {  	_ =	swait.ge [sflag:s24], $0x50  }
0x2a: {  	[sflag:s24] =	ssyncset.done $0x0  }
0x2b: {  	s31 =	sadd.s32 $0x0, s12;
	[sflag:s24] =	ssyncadd.s32 $0xFFFFFFB0  }
0x2c: {  	[hbm4b:s31+s2] =	stream.linear.scatter [tilespmem:s21], [sflag:$0x5], $0x50, $0x38;
	[tilespmem:$0x200] =	vst v63  }
0x2d: {  	_ =	swait.ge [sflag:s23], $0x50  }
0x2e: {  	s29 =	sadd.s32 $0x0, s13;
	[sflag:s23] =	ssyncset.done $0x0  }
0x2f: {  	s28 =	sadd.s32 $0xA0, s14;
	s26 =	simm.s32 $0x14;
	[sflag:s23] =	ssyncadd.s32 $0xFFFFFFB0  }
.LBB2_2:
0x30: {  	[tilespmem:s16], [sflag:$0x2] =	stream.linear.gather [hbm4b:s29+s2], $0x50, $0x38;
	[tilespmem:$0x200] =	vst v63  }
0x31: {  	s29 =	smov.u32 s26  }
0x32: {  	p0 =	sne.s32 s26, $0x4B0;
	s26 =	sadd.s32 $0x14, s26;
	_ =	swait.ge [sflag:s20], $0x50  }
0x33: {  	[sflag:s20] =	ssyncset.done $0x0  }
0x34: {  	[sflag:s20] =	ssyncadd.s32 $0xFFFFFFB0  }
0x35: {  	[tilespmem:s21], [sflag:$0x4] =	stream.indirect.gather [hbm4b:s3+s18], $0x1, s16, s18, $0xb8;
	[tilespmem:$0x200] =	vst v63  }
0x36: {  	_ =	swait.ge [sflag:s22], $0x50  }
0x37: {  	[sflag:s22] =	ssyncset.done $0x0  }
0x38: {  	s30 =	sadd.s32 s29, s15;
	[sflag:s22] =	ssyncadd.s32 $0xFFFFFFB0  }
0x39: {  	[hbm4b:s30+s2] =	stream.linear.scatter [tilespmem:s19], [sflag:$0x5], $0x50, $0x38;
	[tilespmem:$0x200] =	vst v63  }
0x3a: {  	_ =	swait.ge [sflag:s23], $0x50  }
0x3b: {  	s30 =	sshrl.u32 s28, $0x3;
	[sflag:s23] =	ssyncset.done $0x0  }
0x3c: {  	s30 =	sadd.s32 s4, s30;
	[sflag:s23] =	ssyncadd.s32 $0xFFFFFFB0  }
0x3d: {  	[tilespmem:s2], [sflag:$0x1] =	stream.linear.gather [hbm4b:s30+s2], $0x50, $0x38;
	[tilespmem:$0x200] =	vst v63  }
0x3e: {  	_ =	swait.ge [sflag:s17], $0x50  }
0x3f: {  	[sflag:s17] =	ssyncset.done $0x0  }
0x40: {  	[sflag:s17] =	ssyncadd.s32 $0xFFFFFFB0  }
0x41: {  	[tilespmem:s19], [sflag:$0x3] =	stream.indirect.gather [hbm4b:s3+s18], $0x1, s2, s18, $0xb8;
	[tilespmem:$0x200] =	vst v63  }
0x42: {  	_ =	swait.ge [sflag:s24], $0x50  }
0x43: {  	[sflag:s24] =	ssyncset.done $0x0  }
.Ltmp0:
0x44: {  	s30 =	sadd.s32 s29, s12;
	[sflag:s24] =	ssyncadd.s32 $0xFFFFFFB0;
	(pc) =	sbr.rel @p0 .LBB2_2-.Ltmp0, $4  }
0x45: {  	[hbm4b:s30+s2] =	stream.linear.scatter [tilespmem:s21], [sflag:$0x5], $0x50, $0x38;
	[tilespmem:$0x200] =	vst v63  }
0x46: {  	_ =	swait.ge [sflag:s23], $0x50  }
0x47: {  	[sflag:s23] =	ssyncset.done $0x0  }
0x48: {  	s28 =	sadd.s32 $0xA0, s28;
	s29 =	sadd.s32 s29, s13;
	[sflag:s23] =	ssyncadd.s32 $0xFFFFFFB0  }
0x49: {  	[tilespmem:s16], [sflag:$0x2] =	stream.linear.gather [hbm4b:s29+s2], $0x50, $0x38;
	[tilespmem:$0x200] =	vst v63  }
0x4a: {  	_ =	swait.ge [sflag:s20], $0x50  }
0x4b: {  	[sflag:s20] =	ssyncset.done $0x0  }
0x4c: {  	[sflag:s20] =	ssyncadd.s32 $0xFFFFFFB0  }
0x4d: {  	[tilespmem:s21], [sflag:$0x4] =	stream.indirect.gather [hbm4b:s3+s18], $0x1, s16, s18, $0xb8;
	[tilespmem:$0x200] =	vst v63  }
0x4e: {  	_ =	swait.ge [sflag:s22], $0x50  }
0x4f: {  	[sflag:s22] =	ssyncset.done $0x0  }
0x50: {  	[sflag:s22] =	ssyncadd.s32 $0xFFFFFFB0  }
0x51: {  	[hbm4b:s9+s2] =	stream.linear.scatter [tilespmem:s19], [sflag:$0x5], $0x50, $0x38;
	[tilespmem:$0x200] =	vst v63  }
0x52: {  	_ =	swait.ge [sflag:s23], $0x50  }
0x53: {  	[sflag:s23] =	ssyncset.done $0x0  }
0x54: {  	[sflag:s23] =	ssyncadd.s32 $0xFFFFFFB0  }
0x55: {  	[tilespmem:s2], [sflag:$0x1] =	stream.linear.gather [hbm4b:s10+s2], $0x50, $0x38;
	[tilespmem:$0x200] =	vst v63  }
0x56: {  	_ =	swait.ge [sflag:s17], $0x50  }
0x57: {  	[sflag:s17] =	ssyncset.done $0x0  }
0x58: {  	[sflag:s17] =	ssyncadd.s32 $0xFFFFFFB0  }
0x59: {  	[tilespmem:s19], [sflag:$0x3] =	stream.indirect.gather [hbm4b:s3+s18], $0x1, s2, s18, $0xb8;
	[tilespmem:$0x200] =	vst v63  }
0x5a: {  	_ =	swait.ge [sflag:s24], $0x50  }
0x5b: {  	[sflag:s24] =	ssyncset.done $0x0  }
0x5c: {  	[sflag:s24] =	ssyncadd.s32 $0xFFFFFFB0  }
0x5d: {  	[hbm4b:s11+s2] =	stream.linear.scatter [tilespmem:s21], [sflag:$0x5], $0x50, $0x38;
	[tilespmem:$0x200] =	vst v63  }
0x5e: {  	_ =	swait.ge [sflag:s23], $0x50  }
0x5f: {  	[sflag:s23] =	ssyncset.done $0x0  }
0x60: {  	[sflag:s23] =	ssyncadd.s32 $0xFFFFFFB0  }
0x61: {  	s25 =	sadd.s32 $0x1, s25;
	_ =	swait.ge [sflag:s22], $0x50  }
0x62: {  	p0 =	sne.s32 s25, s8;
	[sflag:s22] =	ssyncset.done $0x0  }
.Ltmp1:
0x63: {  	[sflag:s22] =	ssyncadd.s32 $0xFFFFFFB0;
	(pc) =	sbr.rel @p0 .LBB2_1-.Ltmp1, $4  }
0x64: {  	[hbm4b:s7+s2] =	stream.linear.scatter [tilespmem:s19], [sflag:$0x5], $0x50, $0x38;
	[tilespmem:$0x200] =	vst v63  }
0x65: {  	_ =	swait.ge [sflag:s23], $0x50  }
0x66: {  	[sflag:s23] =	ssyncset.done $0x0  }
0x67: {  	[sflag:s23] =	ssyncadd.s32 $0xFFFFFFB0  }
0x68: {  	_ =	sfence.sel $0x180000  }
0x69: {  	[bflag:$0x0] =	sbarrier.arrive $0xFFFF  }
0x6a: {  	p0 =	sne.s32 s1, $0x0;
	_ =	strace $0x90000047  }
0x6b: {  	s0 =	sadd.s32 @!p0 $0x100000, s0;
	[bflag:$0x2] =	sbarrier.arrive $0xFFFF  }
0x6c: {  	[sflag:s0] =	ssyncadd.tile.s32 @!p0 $0x1;
	_ =	shalt  }
.Lfunc_end2:
_tile_overlayer_lowered:
.L_overlay_start_2:
0x6d: {  	(tag) =	ssettag $0x2  }
0x6e: {  	s0 =	rddreg [dreg:$0x0];
	s2 =	stileid.u32  }
0x6f: {  	s1 =	rddreg [dreg:$0x1];
	p0 =	sne.s32 s2, $0x0  }
0x70: {  	s3 =	rddreg [dreg:$0x2];
	[bflag:$0x3] =	sbarrier.arrive $0xFFFF;
	s2 =	simm.s32 @!p0 $0x1C05  }
0x71: {  	[timem:s3], [sflag:s2] =	dma.local @!p0 [hbm:s0], s1  }
0x72: {  	s0 =	simm.s32 @!p0 $0x5  }
0x73: {  	_ =	swait.ge @!p0 [sflag:s0], s1  }
0x74: {  	s1 =	ssub.s32 @!p0 $0x0, s1;
	[sflag:s0] =	ssyncset.done @!p0 $0x0  }
0x75: {  	[sflag:s0] =	ssyncadd.s32 @!p0 s1  }
0x76: {  	[bflag:$0x3] =	sbarrier.arrive $0xFFFF  }
0x77: {  	_ =	shalt  }

// kernel: kernel.14.cloned.1.call-start
scs
__scs_entry_jumppad:
0x0: {  	(pc) =	sbr.rel $0x88, $3  }
0x1: {  	(tag) =	ssettag $0x0;
	lr =	simm.s32 $0x1  }
0x2: {  	[smem:$0x3F7B] =	sst lr;
	_ =	strace $0xD0000000  }
0x3: {  	_ = 	snop  }
0x4: {  	_ = 	snop  }
0x5: {  	_ = 	snop  }
0x6: {  	_ = 	snop  }
0x7: {  	_ = 	snop  }
__scs_overlays_trampoline_lowered:
0x8: {  	[smem:$0x3F8A] =	sst s0  }
0x9: {  	[smem:$0x3F8B] =	sst s1  }
0xa: {  	[smem:$0x3F8C] =	sst s2  }
0xb: {  	[smem:$0x3F8D] =	sst s3  }
0xc: {  	[smem:$0x3F8E] =	sst s4  }
0xd: {  	[smem:$0x3F8F] =	sst s5  }
0xe: {  	[smem:$0x3F90] =	sst s6  }
0xf: {  	[smem:$0x3F91] =	sst s7  }
0x10: {  	[smem:$0x3F92] =	sst s8  }
0x11: {  	[smem:$0x3F93] =	sst s9;
	s0 =	simm.s32 @!p0 $0x0  }
0x12: {  	s1 =	sld [smem:$0x3F79];
	s0 =	simm.s32 @p0 $0x1  }
0x13: {  	[smem:$0x3F94] =	sst s0;
	s0 =	simm.s32 @!p1 $0x0  }
0x14: {  	s2 =	sld [smem:$0x3F78];
	s0 =	simm.s32 @p1 $0x1  }
0x15: {  	[smem:$0x3F95] =	sst s0;
	s0 =	simm.s32 @!p2 $0x0  }
0x16: {  	s3 =	sld [smem:$0x3FDB];
	s0 =	simm.s32 @p2 $0x1  }
0x17: {  	s4 =	simm.s32 $0x1BF5;
	[smem:$0x3F97] =	sst s0  }
0x18: {  	s0 =	sld [smem:$0x3F7A];
	_ =	swait.ge [sflag:s4], $0x0  }
0x19: {  	s7 =	sld [smem:$0x3F7B]  }
0x1a: {  	s8 =	sadd.s32 $0xFFFFE003, lr  }
0x1b: {  	s9 =	sadd.s32 $0xFFFFFEF7, lr;
	s5 =	simm.s32 $0xFFFFFFFF;
	p2 =	slt.u32 s8, $0xFFFFF086  }
0x1c: {  	p1 =	slt.u32 s9, $0xF7A;
	s5 =	simm.s32 @!p2 $0x0  }
0x1d: {  	s5 =	simm.s32 @p1 $0x1;
	p0 =	seq.s32 s7, s2  }
0x1e: {  	s7 =	smul.u32 @!p0 $0xF7A, s2;
	p2 =	seq.s32 @!p0 s5, $0x0  }
0x1f: {  	s9 =	smul.u32 $0xF7A, s1;
	s8 =	simm.s32 @!p0 $0x1BF5;
	p2 =	por !p2, p0  }
0x20: {  	[sflag:s8] =	ssyncset.s32 @!p0 $0xFFFFF086;
	s6 =	sadd.s32 @!p0 s3, s7;
	s7 =	simm.s32 @!p0 $0x108  }
0x21: {  	s3 =	sadd.s32 s3, s9;
	s6 =	sadd.s32 @!p0 $0x88, s6;
	s7 =	simm.s32 @p2 $0x1082  }
0x22: {  	[simem:s7], [sflag:s8] =	dma.local @!p0 [hbm:s6], $0xF7A  }
0x23: {  	s9 =	sor.u32 $0xD0000000, s2;
	s6 =	simm.s32 $0x108;
	_ =	swait.ge @!p0 [sflag:s8], $0x0  }
0x24: {  	s3 =	sadd.s32 $0x88, s3;
	s6 =	simm.s32 @!p1 $0x1082;
	[sflag:s4] =	ssyncset.s32 $0xFFFFF086  }
0x25: {  	[simem:s6], [sflag:s4] =	dma.local [hbm:s3], $0xF7A  }
0x26: {  	[smem:$0x3F7B] =	sst s1;
	(tag) =	ssettag s2;
	_ =	strace s9  }
0x27: {  	s1 =	sld [smem:$0x3F8B]  }
0x28: {  	s2 =	sld [smem:$0x3F8C]  }
0x29: {  	s4 =	sld [smem:$0x3F8E]  }
0x2a: {  	p0 =	seq.s32 s5, $0x0;
	s5 =	sld [smem:$0x3F8F]  }
0x2b: {  	s6 =	sld [smem:$0x3F90]  }
0x2c: {  	s7 =	sld [smem:$0x3F91]  }
0x2d: {  	s3 =	simm.s32 $0x108;
	s8 =	sld [smem:$0x3F92]  }
0x2e: {  	s3 =	simm.s32 @!p0 $0x1082;
	s9 =	sld [smem:$0x3F93]  }
0x2f: {  	lr =	sadd.s32 s0, s3;
	s0 =	sld [smem:$0x3F8A]  }
0x30: {  	s3 =	sld [smem:$0x3F8D]  }
0x31: {  	[smem:$0x3F96] =	sst s10  }
0x32: {  	s10 =	sld [smem:$0x3F94];
	_ =	sdelay $0x3  }
0x33: {  	p0 =	seq.s32 s10, $0x1;
	s10 =	sld [smem:$0x3F96];
	_ =	sdelay $0x3  }
0x34: {  	[smem:$0x3F96] =	sst s10  }
0x35: {  	s10 =	sld [smem:$0x3F95];
	_ =	sdelay $0x3  }
0x36: {  	p1 =	seq.s32 s10, $0x1;
	s10 =	sld [smem:$0x3F96];
	_ =	sdelay $0x3  }
0x37: {  	[smem:$0x3F96] =	sst s10  }
0x38: {  	s10 =	sld [smem:$0x3F97]  }
0x39: {  	_ = 	snop;
	(pc) =	sbr.ind lr, $3  }
0x3a: {  	_ = 	snop  }
0x3b: {  	_ = 	snop  }
0x3c: {  	p2 =	seq.s32 s10, $0x1;
	s10 =	sld [smem:$0x3F96]  }
0x3d: {  	_ =	shalt  }
0x3e: {  	_ =	shalt  }
0x3f: {  	_ =	shalt  }
0x40: {  	_ =	shalt  }
0x41: {  	_ =	shalt  }
0x42: {  	_ =	shalt  }
0x43: {  	_ =	shalt  }
0x44: {  	_ =	shalt  }
0x45: {  	_ =	shalt  }
0x46: {  	_ =	shalt  }
0x47: {  	_ =	shalt  }
0x48: {  	_ =	shalt  }
0x49: {  	_ =	shalt  }
0x4a: {  	_ =	shalt  }
0x4b: {  	_ =	shalt  }
0x4c: {  	_ =	shalt  }
0x4d: {  	_ =	shalt  }
0x4e: {  	_ =	shalt  }
0x4f: {  	_ =	shalt  }
0x50: {  	_ =	shalt  }
0x51: {  	_ =	shalt  }
0x52: {  	_ =	shalt  }
0x53: {  	_ =	shalt  }
0x54: {  	_ =	shalt  }
0x55: {  	_ =	shalt  }
0x56: {  	_ =	shalt  }
0x57: {  	_ =	shalt  }
0x58: {  	_ =	shalt  }
0x59: {  	_ =	shalt  }
0x5a: {  	_ =	shalt  }
0x5b: {  	_ =	shalt  }
0x5c: {  	_ =	shalt  }
0x5d: {  	_ =	shalt  }
0x5e: {  	_ =	shalt  }
0x5f: {  	_ =	shalt  }
0x60: {  	_ =	shalt  }
0x61: {  	_ =	shalt  }
0x62: {  	_ =	shalt  }
0x63: {  	_ =	shalt  }
0x64: {  	_ =	shalt  }
0x65: {  	_ =	shalt  }
0x66: {  	_ =	shalt  }
0x67: {  	_ =	shalt  }
0x68: {  	_ =	shalt  }
0x69: {  	_ =	shalt  }
0x6a: {  	_ =	shalt  }
0x6b: {  	_ =	shalt  }
0x6c: {  	_ =	shalt  }
0x6d: {  	_ =	shalt  }
0x6e: {  	_ =	shalt  }
0x6f: {  	_ =	shalt  }
0x70: {  	_ =	shalt  }
0x71: {  	_ =	shalt  }
0x72: {  	_ =	shalt  }
0x73: {  	_ =	shalt  }
0x74: {  	_ =	shalt  }
0x75: {  	_ =	shalt  }
0x76: {  	_ =	shalt  }
0x77: {  	_ =	shalt  }
0x78: {  	_ =	shalt  }
0x79: {  	_ =	shalt  }
0x7a: {  	_ =	shalt  }
0x7b: {  	_ =	shalt  }
0x7c: {  	_ =	shalt  }
0x7d: {  	_ =	shalt  }
0x7e: {  	_ =	shalt  }
0x7f: {  	_ =	shalt  }
0x80: {  	_ =	shalt  }
0x81: {  	_ =	shalt  }
0x82: {  	_ =	shalt  }
0x83: {  	_ =	shalt  }
0x84: {  	_ =	shalt  }
0x85: {  	_ =	shalt  }
0x86: {  	_ =	shalt  }
0x87: {  	_ =	shalt  }
.Lfunc_end0:
.L_simem_size_0:
called_computation.1_lowered:
.L_overlay_start_0:
0x88: {  	s2 =	sld [smem:$0x3FD9]  }
0x89: {  	s3 =	sld [smem:$0x3FFE];
	_ =	sdelay $0x1  }
0x8a: {  	s1 =	srdreg.scid  }
0x8b: {  	s0 =	sand.u32 $0x1, s1  }
0x8c: {  	s17 =	sshll.u32 s0, $0xA;
	s2 =	sadd.s32 s3, s2  }
0x8d: {  	s2 =	sadd.s32 s2, s17  }
0x8e: {  	[smem:$0x3FA2] =	sst s2  }
0x8f: {  	_ = 	snop  }
0x90: {  	s2 =	sld [smem:$0x3FC9];
	(tm) =	ssettm $0x1  }
0x91: {  	s18 =	sld [smem:$0x3FFB];
	_ =	sdelay $0x3  }
0x92: {  	_ =	strace s18  }
0x93: {  	s3 =	sld [smem:$0x3FFC];
	_ =	sdelay $0x3  }
0x94: {  	_ =	strace s3  }
0x95: {  	s3 =	sld [smem:$0x3FFD];
	_ =	sdelay $0x3  }
0x96: {  	_ =	strace s3  }
0x97: {  	_ =	strace $0x8FFFFFFF  }
0x98: {  	s19 =	sld [smem:$0x3FDB];
	_ =	sdelay $0x1  }
0x99: {  	s4 =	simm.s32 $_scs_section_size  }
0x9a: {  	s5 =	simm.s32 $_size__tile_overlayer_lowered;
	s6 =	simm.s32 $_tile_overlayer_lowered  }
0x9b: {  	s22 =	simm.s32 $0x1BFF;
	s21 =	sshll.u32 s6, $0x1;
	s3 =	sadd.s32 s4, s19  }
0x9c: {  	s7 =	simm.s32 $0x0;
	s20 =	sshll.u32 s5, $0x1;
	s5 =	sadd.s32 s21, s3  }
0x9d: {  	[timem:s7], [sflag:s22] =	dma.local [hbm:s5], s20  }
0x9e: {  	_ =	swait.ge [sflag:s22], s20  }
0x9f: {  	s4 =	ssub.s32 $0x0, s20;
	[sflag:s22] =	ssyncset.done $0x0  }
0xa0: {  	[sflag:s22] =	ssyncadd.s32 s4;
	_ =	sdelay $0x1  }
0xa1: {  	s23 =	simm.s32 $0x1B8B  }
0xa2: {  	_ =	swait.ge [sflag:s23], $0x1  }
0xa3: {  	[sflag:s23] =	ssyncset.done $0x0  }
0xa4: {  	s25 =	simm.s32 $0x1B8E;
	s24 =	sld [smem:$0x3FFE];
	[sflag:s23] =	ssyncadd.s32 $0xFFFFFFFF  }
0xa5: {  	s26 =	simm.s32 $execute0_lowered;
	[smem:$0x3FD2] =	sst s25  }
0xa6: {  	s5 =	sshll.u32 s26, $0x1;
	_ =	strace $0x80000049;
	[dreg:$0x1] =	wrdreg $0xFFFFFFFF  }
0xa7: {  	s28 =	simm.s32 $_size_execute0_lowered;
	s3 =	sadd.s32 s3, s5;
	[dreg:$0x0] =	wrdreg $0x0  }
0xa8: {  	s5 =	sshll.u32 s28, $0x1;
	[dreg:$0x2] =	wrdreg s3  }
0xa9: {  	[dreg:$0x3] =	wrdreg s5  }
0xaa: {  	[dreg:$0x4] =	wrdreg $0xC0  }
0xab: {  	_ =	task [dreg:s7], $0x5FFFF  }
0xac: {  	[dreg:$0x1] =	wrdreg $0xFFFFFFFF  }
0xad: {  	[dreg:$0x0] =	wrdreg $0x60  }
0xae: {  	[dreg:$0x2] =	wrdreg s2  }
0xaf: {  	[dreg:$0x3] =	wrdreg s24  }
0xb0: {  	[dreg:$0x4] =	wrdreg $0xA4000  }
0xb1: {  	[dreg:$0x5] =	wrdreg $0x9  }
0xb2: {  	_ =	task.clear_ibuf [dreg:s7], $0x6FFFF;
	_ =	strace $0x90000049  }
0xb3: {  	s29 =	simm.s32 $0x9;
	_ =	strace $0x8000004B  }
0xb4: {  	_ =	swait.ge [sflag:s29], $0x1  }
0xb5: {  	[sflag:s29] =	ssyncadd.s32 $0xFFFFFFFF  }
0xb6: {  	_ =	strace $0x9000004B  }
0xb7: {  	_ =	sfence  }
0xb8: {  	s30 =	sld [smem:$0x0];
	_ =	sdelay $0x2  }
0xb9: {  	s31 =	sshll.u32 s1, $0xD;
	s1 =	sshrl.u32 s1, $0x2  }
0xba: {  	s3 =	sand.u32 $0x4000, s31;
	s1 =	sadd.s32 s1, s30  }
0xbb: {  	s0 =	sor.u32 s3, s0;
	s1 =	sshll.u32 s1, $0x11  }
0xbc: {  	s0 =	sor.u32 s1, s0  }
0xbd: {  	s0 =	sadd.s32 $0x8F2B, s0  }
0xbe: {  	[sflag:s0] =	ssyncadd.remote.s32 $0x1  }
0xbf: {  	_ =	sfence.sel $0xFFFF  }
0xc0: {  	[dreg:$0x0] =	wrdreg $0xFFFFFFFF;
	(pc) =	sbr.abs _section_cstart, $3  }
0xc1: {  	[dreg:$0x1] =	wrdreg $0xFFFFFFFF  }
0xc2: {  	_ =	task.clear_ibuf [dreg:s7], $0x2FFFF;
	_ =	strace $0x9FFFFFFF  }
0xc3: {  	(tm) =	ssettm $0x7FFFFFFF  }
tec
execute0_lowered:
.L_overlay_start_1:
0x0: {  	(tag) =	ssettag $0x1  }
0x1: {  	s1 =	rddreg [dreg:$0x0]  }
0x2: {  	s0 =	rddreg [dreg:$0x1]  }
0x3: {  	s2 =	rddreg [dreg:$0x2]  }
0x4: {  	s3 =	simm.s32 $0x0;
	s23 =	srdreg.scid;
	s15 =	stileid.u32  }
0x5: {  	s30 =	simm.s32 $0x200;
	s29 =	simm.s32 $0x0;
	[smem:$0x7FF] =	sst s3  }
0x6: {  	s4 =	sadd.s32 $0x105200, s0;
	s6 =	sadd.s32 $0x7000, s0;
	s5 =	smul.u32 $0x4E200, s15  }
0x7: {  	s3 =	sand.u32 $0x1, s23;
	s7 =	sadd.s32 $0x10E00, s0;
	s12 =	smul.u32 $0x4E000, s15  }
0x8: {  	s0 =	sadd.s32 $0x1AC00, s0;
	s31 =	smul.u32 $0x2700, s15;
	p0 =	sne.s32 s15, $0x0  }
0x9: {  	_ =	strace $0x8000004A;
	s8 =	sshll.u32 s3, $0x4;
	s14 =	smul.u32 $0x27100, s3  }
0xa: {  	s9 =	ssub.s32 $0x2, s3;
	s3 =	smul.u32 $0x138800, s3;
	s5 =	sshrl.u32 s5, $0x2  }
0xb: {  	s8 =	sor.u32 s15, s8;
	s10 =	sshrl.u32 s9, $0x1;
	s19 =	sshrl.u32 s12, $0x2  }
0xc: {  	s12 =	simm.s32 $0x2A00;
	s15 =	simm.s32 $0x5400;
	s24 =	smul.u32 $0x2710, s8  }
0xd: {  	s18 =	sadd.s32 s5, s2;
	s9 =	ssub.s32 s9, s10;
	s8 =	smul.u32 $0x27100, s8  }
0xe: {  	s5 =	sadd.s32 s19, s2;
	s20 =	sadd.s32 s31, s14;
	s3 =	sshrl.u32 s3, $0x3  }
0xf: {  	s19 =	simm.s32 $0x2;
	s14 =	simm.s32 $0x0;
	s25 =	sadd.s32 $0x11800, s18  }
0x10: {  	s21 =	smax.u32 s9, $0x1;
	s22 =	sadd.s32 $0x2800, s18;
	[dreg:$0x4] =	wrdreg s18  }
0x11: {  	s23 =	sadd.s32 $0x5000, s18;
	s31 =	sadd.s32 $0xF000, s18;
	[dreg:$0x5] =	wrdreg s25  }
0x12: {  	s9 =	simm.s32 $0x50;
	s11 =	sshrl.u32 s24, $0x3;
	[dreg:$0xd] =	wrdreg s21  }
0x13: {  	s10 =	sadd.s32 $0x50, s24;
	s8 =	sadd.s32 s4, s8;
	[dreg:$0xe] =	wrdreg s22  }
0x14: {  	s16 =	sadd.s32 $0xA0, s24;
	s17 =	sadd.s32 $0xF0, s24;
	[dreg:$0xf] =	wrdreg s23  }
0x15: {  	s24 =	sadd.s32 $0x7800, s18;
	s25 =	sshrl.u32 s5, $0x3;
	[dreg:$0x15] =	wrdreg s31  }
0x16: {  	s5 =	simm.s32 $0x1;
	s21 =	simm.s32 $0x180;
	[dreg:$0xa] =	wrdreg s8  }
0x17: {  	s22 =	simm.s32 $0x4;
	s23 =	simm.s32 $0x6;
	[dreg:$0x10] =	wrdreg s24  }
0x18: {  	s13 =	sadd.s32 s6, s11;
	s26 =	sshrl.u32 s10, $0x3;
	[dreg:$0x11] =	wrdreg s25  }
0x19: {  	s11 =	sadd.s32 s7, s11;
	s8 =	sadd.s32 s0, s20;
	[dreg:$0x6] =	wrdreg s13  }
0x1a: {  	s0 =	sadd.s32 s0, s3;
	s20 =	simm.s32 $0x3;
	[dreg:$0x7] =	wrdreg s11  }
0x1b: {  	s24 =	simm.s32 $0x7;
	s28 =	sadd.s32 s6, s26;
	[dreg:$0xb] =	wrdreg s8  }
0x1c: {  	s25 =	simm.s32 $0x5380;
	s13 =	sadd.s32 s7, s26;
	[dreg:$0x8] =	wrdreg s28  }
0x1d: {  	s8 =	sadd.s32 $0x138000, s2;
	s0 =	sadd.s32 $0x27000, s0;
	[dreg:$0x9] =	wrdreg s13  }
0x1e: {  	s26 =	sadd.s32 $0xA000, s18;
	s11 =	simm.s32 $0x100;
	[dreg:$0xc] =	wrdreg s0  }
0x1f: {  	s0 =	sshrl.u32 @!p0 s8, $0x3;
	[dreg:$0x13] =	wrdreg s26;
	s28 =	sadd.s32 $0xC800, s18  }
0x20: {  	s26 =	simm.s32 $0x9;
	s13 =	simm.s32 $0x5;
	[dreg:$0x12] =	wrdreg s0  }
0x21: {  	v0 =	vimm.f32 $0.0e+00;
	s18 =	simm.s32 $0x7C00;
	[dreg:$0x14] =	wrdreg s28;
	s0 =	simm.s32 $0x80  }
.LBB2_1:
0x22: {  	[dreg:$0x16] =	wrdreg s14;
	s3 =	simm.s32 $0x0;
	s8 =	simm.s32 $0x200  }
.LBB2_2:
0x23: {  	p1 =	sne.s32 s8, $0x9E00;
	[tilespmem:s3+$0x270] =	vst v0  }
0x24: {  	[tilespmem:s3+$0x200] =	vst v0  }
0x25: {  	[tilespmem:s3+$0x210] =	vst v0  }
.Ltmp0:
0x26: {  	[tilespmem:s3+$0x220] =	vst v0;
	(pc) =	sbr.rel @p1 .LBB2_2-.Ltmp0, $4  }
0x27: {  	[tilespmem:s3+$0x230] =	vst v0  }
0x28: {  	[tilespmem:s3+$0x240] =	vst v0  }
0x29: {  	[tilespmem:s3+$0x250] =	vst v0  }
0x2a: {  	[tilespmem:s3+$0x260] =	vst v0;
	s3 =	sshra.s32 s8, $0x2;
	s8 =	sadd.s32 $0x200, s8  }
0x2b: {  	[tilespmem:s3+$0x270] =	vst v0  }
0x2c: {  	[tilespmem:s3+$0x200] =	vst v0  }
0x2d: {  	[tilespmem:s3+$0x210] =	vst v0  }
0x2e: {  	[tilespmem:s3+$0x220] =	vst v0  }
0x2f: {  	[tilespmem:s3+$0x230] =	vst v0  }
0x30: {  	[tilespmem:s3+$0x240] =	vst v0  }
0x31: {  	[tilespmem:s3+$0x250] =	vst v0  }
0x32: {  	[tilespmem:s3+$0x260] =	vst v0;
	s31 =	rddreg [dreg:$0x4]  }
0x33: {  	[spmem:s31] =	stream.linear.scatter [tilespmem:s30], [sflag:$0x9], $0x2800, $0x38;
	[tilespmem:$0x1DC80] =	vst v63  }
0x34: {  	_ =	swait.ge [sflag:s26], $0x2800  }
0x35: {  	[sflag:s26] =	ssyncset.done $0x0  }
0x36: {  	s8 =	rddreg [dreg:$0xe];
	[sflag:s26] =	ssyncadd.s32 $0xFFFFD800  }
0x37: {  	[spmem:s8] =	stream.linear.scatter [tilespmem:s30], [sflag:$0x9], $0x2800, $0x38;
	[tilespmem:$0x1DC80] =	vst v63  }
0x38: {  	_ =	swait.ge [sflag:s26], $0x2800  }
0x39: {  	[sflag:s26] =	ssyncset.done $0x0  }
0x3a: {  	s14 =	rddreg [dreg:$0xf];
	[sflag:s26] =	ssyncadd.s32 $0xFFFFD800  }
0x3b: {  	[spmem:s14] =	stream.linear.scatter [tilespmem:s30], [sflag:$0x9], $0x2800, $0x38;
	[tilespmem:$0x1DC80] =	vst v63  }
0x3c: {  	_ =	swait.ge [sflag:s26], $0x2800  }
0x3d: {  	[sflag:s26] =	ssyncset.done $0x0  }
0x3e: {  	s28 =	rddreg [dreg:$0x10];
	[sflag:s26] =	ssyncadd.s32 $0xFFFFD800  }
0x3f: {  	[spmem:s28] =	stream.linear.scatter [tilespmem:s30], [sflag:$0x9], $0x2800, $0x38;
	[tilespmem:$0x1DC80] =	vst v63  }
0x40: {  	_ =	swait.ge [sflag:s26], $0x2800  }
0x41: {  	[sflag:s26] =	ssyncset.done $0x0  }
0x42: {  	s31 =	rddreg [dreg:$0x13];
	[sflag:s26] =	ssyncadd.s32 $0xFFFFD800  }
0x43: {  	[spmem:s31] =	stream.linear.scatter [tilespmem:s30], [sflag:$0x9], $0x2800, $0x38;
	[tilespmem:$0x1DC80] =	vst v63  }
0x44: {  	_ =	swait.ge [sflag:s26], $0x2800  }
0x45: {  	[sflag:s26] =	ssyncset.done $0x0  }
0x46: {  	s8 =	rddreg [dreg:$0x14];
	[sflag:s26] =	ssyncadd.s32 $0xFFFFD800  }
0x47: {  	[spmem:s8] =	stream.linear.scatter [tilespmem:s30], [sflag:$0x9], $0x2800, $0x38;
	[tilespmem:$0x1DC80] =	vst v63  }
0x48: {  	_ =	swait.ge [sflag:s26], $0x2800  }
0x49: {  	[sflag:s26] =	ssyncset.done $0x0  }
0x4a: {  	s14 =	rddreg [dreg:$0x15];
	[sflag:s26] =	ssyncadd.s32 $0xFFFFD800  }
0x4b: {  	[spmem:s14] =	stream.linear.scatter [tilespmem:s30], [sflag:$0x9], $0x2800, $0x38;
	[tilespmem:$0x1DC80] =	vst v63  }
0x4c: {  	_ =	swait.ge [sflag:s26], $0x2800  }
0x4d: {  	[sflag:s26] =	ssyncset.done $0x0  }
0x4e: {  	s28 =	rddreg [dreg:$0x5];
	[sflag:s26] =	ssyncadd.s32 $0xFFFFD800  }
0x4f: {  	[spmem:s28] =	stream.linear.scatter [tilespmem:s30], [sflag:$0x9], $0x2080, $0x38;
	[tilespmem:$0x1DC80] =	vst v63  }
0x50: {  	_ =	swait.ge [sflag:s26], $0x2080  }
0x51: {  	[sflag:s26] =	ssyncset.done $0x0  }
0x52: {  	[sflag:s26] =	ssyncadd.s32 $0xFFFFDF80  }
0x53: {  	[bflag:$0x0] =	sbarrier.arrive $0xFFFF  }
0x54: {  	s31 =	rddreg [dreg:$0x6]  }
0x55: {  	[tilespmem:s29], [sflag:$0x1] =	stream.linear.gather [hbm4b:s31+s29], $0x50, $0x38;
	[tilespmem:$0x1DC80] =	vst v63  }
0x56: {  	s8 =	rddreg [dreg:$0x7]  }
0x57: {  	[tilespmem:s0], [sflag:$0x1] =	stream.linear.gather [hbm4b:s8+s29], $0x50, $0x38;
	[tilespmem:$0x1DC80] =	vst v63  }
0x58: {  	s14 =	rddreg [dreg:$0x8];
	s8 =	simm.s32 $0x5200  }
0x59: {  	[tilespmem:s8], [sflag:$0x5] =	stream.linear.gather [hbm4b:s14+s29], $0x50, $0x38;
	[tilespmem:$0x1DC80] =	vst v63  }
0x5a: {  	s28 =	simm.s32 $0x5280;
	s26 =	rddreg [dreg:$0x9]  }
0x5b: {  	[tilespmem:s28], [sflag:$0x5] =	stream.linear.gather [hbm4b:s26+s29], $0x50, $0x38;
	[tilespmem:$0x1DC80] =	vst v63  }
0x5c: {  	_ =	swait.ge [sflag:s5], $0x50  }
0x5d: {  	[sflag:s5] =	ssyncset.done $0x0  }
0x5e: {  	[sflag:s5] =	ssyncadd.s32 $0xFFFFFFB0  }
0x5f: {  	_ =	swait.ge [sflag:s5], $0x50  }
0x60: {  	[sflag:s5] =	ssyncset.done $0x0  }
0x61: {  	[sflag:s5] =	ssyncadd.s32 $0xFFFFFFB0  }
0x62: {  	v1 =	vld [tilespmem:$0x0]  }
0x63: {  	v2 =	vld [tilespmem:$0x80]  }
0x64: {  	v3 =	vld [tilespmem:$0x10]  }
0x65: {  	v4 =	vld [tilespmem:$0x90]  }
0x66: {  	v5 =	vld [tilespmem:$0x20]  }
0x67: {  	v62 =	vld [tilespmem:$0x40];
	[tilespmem:$0x100] =	vst v1  }
0x68: {  	v63 =	vld [tilespmem:$0xC0];
	[tilespmem:$0x180] =	vst v2  }
0x69: {  	v1 =	vld [tilespmem:$0xA0];
	[tilespmem:$0x110] =	vst v3  }
0x6a: {  	v2 =	vld [tilespmem:$0x30];
	[tilespmem:$0x190] =	vst v4  }
0x6b: {  	v3 =	vld [tilespmem:$0xB0];
	[tilespmem:$0x120] =	vst v5  }
0x6c: {  	[tilespmem:$0x140] =	vst v62  }
0x6d: {  	[tilespmem:$0x1C0] =	vst v63  }
0x6e: {  	[tilespmem:$0x1A0] =	vst v1  }
0x6f: {  	[tilespmem:$0x130] =	vst v2  }
0x70: {  	[tilespmem:$0x1B0] =	vst v3  }
0x71: {  	[tilespmem:s30], [sflag:$0x2] =	stream.indirect.gather [hbm4b:s1+s9], $0x80, s11, s9, $0xb8;
	[tilespmem:$0x1DC80] =	vst v63  }
0x72: {  	s8 =	simm.s32 $0x0;
	s31 =	rddreg [dreg:$0xa]  }
0x73: {  	[tilespmem:s12], [sflag:$0x3] =	stream.linear.gather [hbm4b:s31+s29], $0x2800, $0x38;
	[tilespmem:$0x1DC80] =	vst v63  }
.LBB2_4:
0x74: {  	p1 =	seq.s32 s8, $0x0  }
0x75: {  	s3 =	simm.s32 @!p1 $0x8  }
0x76: {  	_ =	swait.ge @!p1 [sflag:s3], $0x2800  }
0x77: {  	[sflag:s3] =	ssyncset.done @!p1 $0x0  }
0x78: {  	[sflag:s3] =	ssyncadd.s32 @!p1 $0xFFFFD800  }
0x79: {  	_ =	swait.ge [sflag:s13], $0x50  }
0x7a: {  	[sflag:s13] =	ssyncset.done $0x0  }
0x7b: {  	[sflag:s13] =	ssyncadd.s32 $0xFFFFFFB0  }
0x7c: {  	_ =	swait.ge [sflag:s13], $0x50  }
0x7d: {  	[sflag:s13] =	ssyncset.done $0x0  }
0x7e: {  	[sflag:s13] =	ssyncadd.s32 $0xFFFFFFB0  }
0x7f: {  	v1 =	vld [tilespmem:$0x5200]  }
0x80: {  	v2 =	vld [tilespmem:$0x5280]  }
0x81: {  	v3 =	vld [tilespmem:$0x5210]  }
0x82: {  	v4 =	vld [tilespmem:$0x5290]  }
0x83: {  	v5 =	vld [tilespmem:$0x5220]  }
0x84: {  	[tilespmem:$0x5300] =	vst v1;
	v1 =	vld [tilespmem:$0x52A0]  }
0x85: {  	[tilespmem:$0x5380] =	vst v2;
	v2 =	vld [tilespmem:$0x5230]  }
0x86: {  	[tilespmem:$0x5310] =	vst v3;
	v3 =	vld [tilespmem:$0x52B0]  }
0x87: {  	[tilespmem:$0x5390] =	vst v4;
	v4 =	vld [tilespmem:$0x5240]  }
0x88: {  	[tilespmem:$0x5320] =	vst v5;
	v5 =	vld [tilespmem:$0x52C0]  }
0x89: {  	[tilespmem:$0x53A0] =	vst v1  }
0x8a: {  	[tilespmem:$0x5330] =	vst v2  }
0x8b: {  	[tilespmem:$0x53B0] =	vst v3  }
0x8c: {  	[tilespmem:$0x5340] =	vst v4  }
0x8d: {  	s26 =	smul.u32 $0xA0, s8;
	s14 =	simm.s32 $0x5300;
	[tilespmem:$0x53C0] =	vst v5  }
0x8e: {  	[tilespmem:s15], [sflag:$0x6] =	stream.indirect.gather [hbm4b:s1+s9], $0x80, s14, s9, $0xb8;
	[tilespmem:$0x1DC80] =	vst v63  }
0x8f: {  	s14 =	sadd.s32 s26, s10  }
0x90: {  	s28 =	sadd.s32 s26, s16;
	s3 =	sshll.u32 s14, $0x4  }
0x91: {  	s14 =	sshrl.u32 s28, $0x3;
	s3 =	sadd.s32 s4, s3  }
0x92: {  	[tilespmem:s18], [sflag:$0x7] =	stream.linear.gather [hbm4b:s3+s29], $0x2800, $0x38;
	[tilespmem:$0x1DC80] =	vst v63  }
0x93: {  	s31 =	sadd.s32 s6, s14  }
0x94: {  	[tilespmem:s29], [sflag:$0x1] =	stream.linear.gather [hbm4b:s31+s29], $0x50, $0x38;
	[tilespmem:$0x1DC80] =	vst v63  }
0x95: {  	s3 =	sadd.s32 s7, s14  }
0x96: {  	[tilespmem:s0], [sflag:$0x1] =	stream.linear.gather [hbm4b:s3+s29], $0x50, $0x38;
	[tilespmem:$0x1DC80] =	vst v63  }
0x97: {  	_ =	swait.ge [sflag:s19], $0x2800  }
0x98: {  	[sflag:s19] =	ssyncset.done $0x0  }
0x99: {  	[sflag:s19] =	ssyncadd.s32 $0xFFFFD800  }
0x9a: {  	_ =	swait.ge [sflag:s20], $0x2800  }
0x9b: {  	[sflag:s20] =	ssyncset.done $0x0  }
0x9c: {  	s31 =	simm.s32 $0x0;
	[sflag:s20] =	ssyncadd.s32 $0xFFFFD800  }
0x9d: {  	v4 =	vld [tilespmem:s31+$0x2A00]  }
0x9e: {  	v3 =	vld [tilespmem:s31+$0x2A10]  }
0x9f: {  	v2 =	vld [tilespmem:s31+$0x2A20]  }
0xa0: {  	v1 =	vld [tilespmem:s31+$0x2A30]  }
0xa1: {  	v9 =	vld [tilespmem:s31+$0x200]  }
0xa2: {  	v8 =	vld [tilespmem:s31+$0x210]  }
0xa3: {  	v7 =	vld [tilespmem:s31+$0x220]  }
0xa4: {  	v6 =	vld [tilespmem:s31+$0x230]  }
0xa5: {  	v5 =	vld [tilespmem:s31+$0x240];
	v11 =	vshll.u32 v4, $0x10  }
0xa6: {  	s3 =	simm.s32 $0x200;
	v10 =	vand.u32 $0xFFFF0000, v4;
	v4 =	vld [tilespmem:s31+$0x250];
	v9 =	vadd.f32 v11, v9  }
.LBB2_5:
0xa7: {  	p1 =	sne.s32 s3, $0x9E00;
	v8 =	vadd.f32 v10, v8;
	v10 =	vshll.u32 v3, $0x10;
	v11 =	vld [tilespmem:s31+$0x260]  }
0xa8: {  	s14 =	sshra.s32 s3, $0x2;
	v3 =	vand.u32 $0xFFFF0000, v3;
	v9 =	vmax.f32 v9, $0.0e+00;
	v7 =	vadd.f32 v10, v7;
	v10 =	vld [tilespmem:s31+$0x270]  }
0xa9: {  	v12 =	vld [tilespmem:s14+$0x2A00];
	[tilespmem:s31+$0x200] =	vst v9;
	v8 =	vmax.f32 v8, $0.0e+00;
	v6 =	vadd.f32 v3, v6;
	v9 =	vshll.u32 v2, $0x10  }
0xaa: {  	v3 =	vld [tilespmem:s14+$0x2A10];
	[tilespmem:s31+$0x210] =	vst v8;
	v7 =	vmax.f32 v7, $0.0e+00;
	v8 =	vand.u32 $0xFFFF0000, v2;
	v5 =	vadd.f32 v9, v5  }
0xab: {  	v2 =	vld [tilespmem:s14+$0x2A20];
	[tilespmem:s31+$0x220] =	vst v7;
	v6 =	vmax.f32 v6, $0.0e+00;
	v4 =	vadd.f32 v8, v4;
	v7 =	vshll.u32 v1, $0x10  }
0xac: {  	[tilespmem:s31+$0x230] =	vst v6;
	v5 =	vmax.f32 v5, $0.0e+00;
	v6 =	vand.u32 $0xFFFF0000, v1;
	v1 =	vld [tilespmem:s14+$0x2A30];
	v7 =	vadd.f32 v7, v11  }
0xad: {  	v9 =	vld [tilespmem:s14+$0x200];
	[tilespmem:s31+$0x240] =	vst v5;
	v4 =	vmax.f32 v4, $0.0e+00;
	v5 =	vadd.f32 v6, v10  }
.Ltmp1:
0xae: {  	v8 =	vld [tilespmem:s14+$0x210];
	[tilespmem:s31+$0x250] =	vst v4;
	v4 =	vmax.f32 v7, $0.0e+00;
	(pc) =	sbr.rel @p1 .LBB2_5-.Ltmp1, $4  }
0xaf: {  	v7 =	vld [tilespmem:s14+$0x220];
	[tilespmem:s31+$0x260] =	vst v4;
	v4 =	vmax.f32 v5, $0.0e+00  }
0xb0: {  	v6 =	vld [tilespmem:s14+$0x230];
	[tilespmem:s31+$0x270] =	vst v4;
	s31 =	smov.u32 s14  }
0xb1: {  	v4 =	vshll.u32 v12, $0x10;
	v5 =	vld [tilespmem:s31+$0x240]  }
0xb2: {  	s3 =	sadd.s32 $0x200, s3;
	v10 =	vand.u32 $0xFFFF0000, v12;
	v9 =	vadd.f32 v4, v9;
	v4 =	vld [tilespmem:s31+$0x250]  }
0xb3: {  	v8 =	vadd.f32 v10, v8;
	v10 =	vshll.u32 v3, $0x10;
	v11 =	vld [tilespmem:s31+$0x260]  }
0xb4: {  	v3 =	vand.u32 $0xFFFF0000, v3;
	v9 =	vmax.f32 v9, $0.0e+00;
	v7 =	vadd.f32 v10, v7;
	v10 =	vld [tilespmem:s31+$0x270]  }
0xb5: {  	[tilespmem:s31+$0x200] =	vst v9;
	v8 =	vmax.f32 v8, $0.0e+00;
	v3 =	vadd.f32 v3, v6;
	v6 =	vshll.u32 v2, $0x10  }
0xb6: {  	v2 =	vand.u32 $0xFFFF0000, v2;
	[tilespmem:s31+$0x210] =	vst v8;
	v7 =	vmax.f32 v7, $0.0e+00;
	v5 =	vadd.f32 v6, v5  }
0xb7: {  	[tilespmem:s31+$0x220] =	vst v7;
	v3 =	vmax.f32 v3, $0.0e+00;
	v2 =	vadd.f32 v2, v4;
	v4 =	vshll.u32 v1, $0x10  }
0xb8: {  	v1 =	vand.u32 $0xFFFF0000, v1;
	[tilespmem:s31+$0x230] =	vst v3;
	v3 =	vmax.f32 v5, $0.0e+00;
	v4 =	vadd.f32 v4, v11  }
0xb9: {  	[tilespmem:s31+$0x240] =	vst v3;
	v2 =	vmax.f32 v2, $0.0e+00;
	v1 =	vadd.f32 v1, v10  }
0xba: {  	[tilespmem:s31+$0x250] =	vst v2;
	v2 =	vmax.f32 v4, $0.0e+00  }
0xbb: {  	[tilespmem:s31+$0x260] =	vst v2;
	v1 =	vmax.f32 v1, $0.0e+00  }
0xbc: {  	[tilespmem:s31+$0x270] =	vst v1  }
0xbd: {  	[spmem:s2] =	stream.indirect.scatter.add.f32 [tilespmem:s30], [sflag:$0x4], $0x80, s21, s9, $0xb8;
	[tilespmem:$0x1DC80] =	vst v63  }
0xbe: {  	_ =	swait.ge [sflag:s22], $0x2800  }
0xbf: {  	[sflag:s22] =	ssyncset.done $0x0  }
0xc0: {  	[sflag:s22] =	ssyncadd.s32 $0xFFFFD800  }
0xc1: {  	_ =	swait.ge [sflag:s5], $0x50  }
0xc2: {  	[sflag:s5] =	ssyncset.done $0x0  }
0xc3: {  	[sflag:s5] =	ssyncadd.s32 $0xFFFFFFB0  }
0xc4: {  	_ =	swait.ge [sflag:s5], $0x50  }
0xc5: {  	[sflag:s5] =	ssyncset.done $0x0  }
0xc6: {  	[sflag:s5] =	ssyncadd.s32 $0xFFFFFFB0  }
0xc7: {  	v1 =	vld [tilespmem:$0x0]  }
0xc8: {  	v2 =	vld [tilespmem:$0x80]  }
0xc9: {  	v3 =	vld [tilespmem:$0x10]  }
0xca: {  	v4 =	vld [tilespmem:$0x90]  }
0xcb: {  	v5 =	vld [tilespmem:$0x20]  }
0xcc: {  	[tilespmem:$0x100] =	vst v1;
	v1 =	vld [tilespmem:$0xA0]  }
0xcd: {  	[tilespmem:$0x180] =	vst v2;
	v2 =	vld [tilespmem:$0x30]  }
0xce: {  	[tilespmem:$0x110] =	vst v3;
	v3 =	vld [tilespmem:$0xB0]  }
0xcf: {  	[tilespmem:$0x190] =	vst v4;
	v4 =	vld [tilespmem:$0x40]  }
0xd0: {  	[tilespmem:$0x120] =	vst v5;
	v5 =	vld [tilespmem:$0xC0]  }
0xd1: {  	[tilespmem:$0x1A0] =	vst v1  }
0xd2: {  	[tilespmem:$0x130] =	vst v2  }
0xd3: {  	[tilespmem:$0x1B0] =	vst v3  }
0xd4: {  	[tilespmem:$0x140] =	vst v4  }
0xd5: {  	s3 =	sshll.u32 s28, $0x4;
	[tilespmem:$0x1C0] =	vst v5  }
0xd6: {  	[tilespmem:s30], [sflag:$0x2] =	stream.indirect.gather [hbm4b:s1+s9], $0x80, s11, s9, $0xb8;
	[tilespmem:$0x1DC80] =	vst v63  }
0xd7: {  	s14 =	simm.s32 $0x0;
	p1 =	seq.s32 s8, $0x3D;
	s3 =	sadd.s32 s4, s3  }
0xd8: {  	[tilespmem:s12], [sflag:$0x3] =	stream.linear.gather [hbm4b:s3+s14], $0x2800, $0x38;
	[tilespmem:$0x1DC80] =	vst v63  }
0xd9: {  	s3 =	sadd.s32 @!p1 s26, s17  }
0xda: {  	s3 =	sshrl.u32 @!p1 s3, $0x3  }
0xdb: {  	s28 =	simm.s32 @!p1 $0x5200;
	s26 =	simm.s32 @!p1 $0x0;
	s14 =	sadd.s32 @!p1 s6, s3  }
0xdc: {  	[tilespmem:s28], [sflag:$0x5] =	stream.linear.gather @!p1 [hbm4b:s14+s26], $0x50, $0x38;
	[tilespmem:$0x1DC80] =	vst v63  }
0xdd: {  	s3 =	sadd.s32 @!p1 s7, s3;
	s14 =	simm.s32 @!p1 $0x5280  }
0xde: {  	[tilespmem:s14], [sflag:$0x5] =	stream.linear.gather @!p1 [hbm4b:s3+s26], $0x50, $0x38;
	[tilespmem:$0x1DC80] =	vst v63  }
0xdf: {  	_ =	swait.ge [sflag:s23], $0x2800  }
0xe0: {  	[sflag:s23] =	ssyncset.done $0x0  }
0xe1: {  	[sflag:s23] =	ssyncadd.s32 $0xFFFFD800  }
0xe2: {  	_ =	swait.ge [sflag:s24], $0x2800  }
0xe3: {  	[sflag:s24] =	ssyncset.done $0x0  }
0xe4: {  	s26 =	simm.s32 $0x0;
	[sflag:s24] =	ssyncadd.s32 $0xFFFFD800  }
0xe5: {  	v4 =	vld [tilespmem:s26+$0x7C00]  }
0xe6: {  	v3 =	vld [tilespmem:s26+$0x7C10]  }
0xe7: {  	v2 =	vld [tilespmem:s26+$0x7C20]  }
0xe8: {  	v1 =	vld [tilespmem:s26+$0x7C30]  }
0xe9: {  	v9 =	vld [tilespmem:s26+$0x5400]  }
0xea: {  	v8 =	vld [tilespmem:s26+$0x5410]  }
0xeb: {  	v7 =	vld [tilespmem:s26+$0x5420]  }
0xec: {  	v6 =	vld [tilespmem:s26+$0x5430]  }
0xed: {  	v5 =	vld [tilespmem:s26+$0x5440];
	v11 =	vshll.u32 v4, $0x10  }
0xee: {  	s3 =	simm.s32 $0x200;
	v10 =	vand.u32 $0xFFFF0000, v4;
	v4 =	vld [tilespmem:s26+$0x5450];
	v9 =	vadd.f32 v11, v9  }
.LBB2_7:
0xef: {  	p1 =	sne.s32 s3, $0x9E00;
	v8 =	vadd.f32 v10, v8;
	v10 =	vshll.u32 v3, $0x10;
	v11 =	vld [tilespmem:s26+$0x5460]  }
0xf0: {  	s14 =	sshra.s32 s3, $0x2;
	v3 =	vand.u32 $0xFFFF0000, v3;
	v9 =	vmax.f32 v9, $0.0e+00;
	v7 =	vadd.f32 v10, v7;
	v10 =	vld [tilespmem:s26+$0x5470]  }
0xf1: {  	v12 =	vld [tilespmem:s14+$0x7C00];
	[tilespmem:s26+$0x5400] =	vst v9;
	v8 =	vmax.f32 v8, $0.0e+00;
	v6 =	vadd.f32 v3, v6;
	v9 =	vshll.u32 v2, $0x10  }
0xf2: {  	v3 =	vld [tilespmem:s14+$0x7C10];
	[tilespmem:s26+$0x5410] =	vst v8;
	v7 =	vmax.f32 v7, $0.0e+00;
	v8 =	vand.u32 $0xFFFF0000, v2;
	v5 =	vadd.f32 v9, v5  }
0xf3: {  	v2 =	vld [tilespmem:s14+$0x7C20];
	[tilespmem:s26+$0x5420] =	vst v7;
	v6 =	vmax.f32 v6, $0.0e+00;
	v4 =	vadd.f32 v8, v4;
	v7 =	vshll.u32 v1, $0x10  }
0xf4: {  	[tilespmem:s26+$0x5430] =	vst v6;
	v5 =	vmax.f32 v5, $0.0e+00;
	v6 =	vand.u32 $0xFFFF0000, v1;
	v1 =	vld [tilespmem:s14+$0x7C30];
	v7 =	vadd.f32 v7, v11  }
0xf5: {  	v9 =	vld [tilespmem:s14+$0x5400];
	[tilespmem:s26+$0x5440] =	vst v5;
	v4 =	vmax.f32 v4, $0.0e+00;
	v5 =	vadd.f32 v6, v10  }
.Ltmp2:
0xf6: {  	v8 =	vld [tilespmem:s14+$0x5410];
	[tilespmem:s26+$0x5450] =	vst v4;
	v4 =	vmax.f32 v7, $0.0e+00;
	(pc) =	sbr.rel @p1 .LBB2_7-.Ltmp2, $4  }
0xf7: {  	v7 =	vld [tilespmem:s14+$0x5420];
	[tilespmem:s26+$0x5460] =	vst v4;
	v4 =	vmax.f32 v5, $0.0e+00  }
0xf8: {  	v6 =	vld [tilespmem:s14+$0x5430];
	[tilespmem:s26+$0x5470] =	vst v4;
	s26 =	smov.u32 s14  }
0xf9: {  	v4 =	vshll.u32 v12, $0x10;
	v5 =	vld [tilespmem:s26+$0x5440]  }
0xfa: {  	s3 =	sadd.s32 $0x200, s3;
	v10 =	vand.u32 $0xFFFF0000, v12;
	v9 =	vadd.f32 v4, v9;
	v4 =	vld [tilespmem:s26+$0x5450]  }
0xfb: {  	v8 =	vadd.f32 v10, v8;
	v60 =	vshll.u32 v3, $0x10;
	v11 =	vld [tilespmem:s26+$0x5460]  }
0xfc: {  	v3 =	vand.u32 $0xFFFF0000, v3;
	v61 =	vld [tilespmem:s26+$0x5470];
	v9 =	vmax.f32 v9, $0.0e+00;
	v7 =	vadd.f32 v60, v7  }
0xfd: {  	v62 =	vshll.u32 v2, $0x10;
	[tilespmem:s26+$0x5400] =	vst v9;
	v8 =	vmax.f32 v8, $0.0e+00;
	v3 =	vadd.f32 v3, v6  }
0xfe: {  	v2 =	vand.u32 $0xFFFF0000, v2;
	[tilespmem:s26+$0x5410] =	vst v8;
	v7 =	vmax.f32 v7, $0.0e+00;
	v5 =	vadd.f32 v62, v5  }
0xff: {  	v63 =	vshll.u32 v1, $0x10;
	s8 =	sadd.s32 $0x1, s8;
	[tilespmem:s26+$0x5420] =	vst v7;
	v3 =	vmax.f32 v3, $0.0e+00;
	v2 =	vadd.f32 v2, v4  }
0x100: {  	v1 =	vand.u32 $0xFFFF0000, v1;
	p1 =	sne.s32 s8, $0x3E;
	[tilespmem:s26+$0x5430] =	vst v3;
	v3 =	vmax.f32 v5, $0.0e+00;
	v4 =	vadd.f32 v63, v11  }
.Ltmp3:
0x101: {  	v1 =	vadd.f32 v1, v61;
	[tilespmem:s26+$0x5440] =	vst v3;
	v2 =	vmax.f32 v2, $0.0e+00;
	(pc) =	sbr.rel @p1 .LBB2_4-.Ltmp3, $4  }
0x102: {  	[tilespmem:s26+$0x5450] =	vst v2;
	v2 =	vmax.f32 v4, $0.0e+00  }
0x103: {  	v1 =	vmax.f32 v1, $0.0e+00;
	[tilespmem:s26+$0x5460] =	vst v2  }
0x104: {  	[tilespmem:s26+$0x5470] =	vst v1  }
0x105: {  	[spmem:s2] =	stream.indirect.scatter.add.f32 [tilespmem:s15], [sflag:$0x8], $0x80, s25, s9, $0xb8;
	[tilespmem:$0x1DC80] =	vst v63  }
0x106: {  	_ =	swait.ge [sflag:s19], $0x2800  }
0x107: {  	[sflag:s19] =	ssyncset.done $0x0  }
0x108: {  	[sflag:s19] =	ssyncadd.s32 $0xFFFFD800  }
0x109: {  	_ =	swait.ge [sflag:s20], $0x2800  }
0x10a: {  	[sflag:s20] =	ssyncset.done $0x0  }
0x10b: {  	s8 =	simm.s32 $0x0;
	[sflag:s20] =	ssyncadd.s32 $0xFFFFD800  }
0x10c: {  	v4 =	vld [tilespmem:s8+$0x2A00]  }
0x10d: {  	v3 =	vld [tilespmem:s8+$0x2A10]  }
0x10e: {  	v2 =	vld [tilespmem:s8+$0x2A20]  }
0x10f: {  	v1 =	vld [tilespmem:s8+$0x2A30]  }
0x110: {  	v9 =	vld [tilespmem:s8+$0x200]  }
0x111: {  	v8 =	vld [tilespmem:s8+$0x210]  }
0x112: {  	v7 =	vld [tilespmem:s8+$0x220]  }
0x113: {  	v6 =	vld [tilespmem:s8+$0x230]  }
0x114: {  	v5 =	vld [tilespmem:s8+$0x240];
	v11 =	vshll.u32 v4, $0x10  }
0x115: {  	s3 =	simm.s32 $0x200;
	v10 =	vand.u32 $0xFFFF0000, v4;
	v4 =	vld [tilespmem:s8+$0x250];
	v9 =	vadd.f32 v11, v9  }
.LBB2_10:
0x116: {  	p1 =	sne.s32 s3, $0x9E00;
	v8 =	vadd.f32 v10, v8;
	v10 =	vshll.u32 v3, $0x10;
	v11 =	vld [tilespmem:s8+$0x260]  }
0x117: {  	s14 =	sshra.s32 s3, $0x2;
	v3 =	vand.u32 $0xFFFF0000, v3;
	v9 =	vmax.f32 v9, $0.0e+00;
	v7 =	vadd.f32 v10, v7;
	v10 =	vld [tilespmem:s8+$0x270]  }
0x118: {  	v12 =	vld [tilespmem:s14+$0x2A00];
	[tilespmem:s8+$0x200] =	vst v9;
	v8 =	vmax.f32 v8, $0.0e+00;
	v6 =	vadd.f32 v3, v6;
	v9 =	vshll.u32 v2, $0x10  }
0x119: {  	v3 =	vld [tilespmem:s14+$0x2A10];
	[tilespmem:s8+$0x210] =	vst v8;
	v7 =	vmax.f32 v7, $0.0e+00;
	v8 =	vand.u32 $0xFFFF0000, v2;
	v5 =	vadd.f32 v9, v5  }
0x11a: {  	v2 =	vld [tilespmem:s14+$0x2A20];
	[tilespmem:s8+$0x220] =	vst v7;
	v6 =	vmax.f32 v6, $0.0e+00;
	v4 =	vadd.f32 v8, v4;
	v7 =	vshll.u32 v1, $0x10  }
0x11b: {  	[tilespmem:s8+$0x230] =	vst v6;
	v5 =	vmax.f32 v5, $0.0e+00;
	v6 =	vand.u32 $0xFFFF0000, v1;
	v1 =	vld [tilespmem:s14+$0x2A30];
	v7 =	vadd.f32 v7, v11  }
0x11c: {  	v9 =	vld [tilespmem:s14+$0x200];
	[tilespmem:s8+$0x240] =	vst v5;
	v4 =	vmax.f32 v4, $0.0e+00;
	v5 =	vadd.f32 v6, v10  }
.Ltmp4:
0x11d: {  	v8 =	vld [tilespmem:s14+$0x210];
	[tilespmem:s8+$0x250] =	vst v4;
	v4 =	vmax.f32 v7, $0.0e+00;
	(pc) =	sbr.rel @p1 .LBB2_10-.Ltmp4, $4  }
0x11e: {  	v7 =	vld [tilespmem:s14+$0x220];
	[tilespmem:s8+$0x260] =	vst v4;
	v4 =	vmax.f32 v5, $0.0e+00  }
0x11f: {  	v6 =	vld [tilespmem:s14+$0x230];
	[tilespmem:s8+$0x270] =	vst v4;
	s8 =	smov.u32 s14  }
0x120: {  	v4 =	vshll.u32 v12, $0x10;
	v5 =	vld [tilespmem:s8+$0x240]  }
0x121: {  	s3 =	sadd.s32 $0x200, s3;
	v10 =	vand.u32 $0xFFFF0000, v12;
	v9 =	vadd.f32 v4, v9;
	v4 =	vld [tilespmem:s8+$0x250]  }
0x122: {  	v8 =	vadd.f32 v10, v8;
	v60 =	vshll.u32 v3, $0x10;
	v11 =	vld [tilespmem:s8+$0x260]  }
0x123: {  	v3 =	vand.u32 $0xFFFF0000, v3;
	v61 =	vld [tilespmem:s8+$0x270];
	v9 =	vmax.f32 v9, $0.0e+00;
	v7 =	vadd.f32 v60, v7  }
0x124: {  	v62 =	vshll.u32 v2, $0x10;
	[tilespmem:s8+$0x200] =	vst v9;
	v8 =	vmax.f32 v8, $0.0e+00;
	v3 =	vadd.f32 v3, v6  }
0x125: {  	v2 =	vand.u32 $0xFFFF0000, v2;
	[tilespmem:s8+$0x210] =	vst v8;
	v7 =	vmax.f32 v7, $0.0e+00;
	v5 =	vadd.f32 v62, v5  }
0x126: {  	v63 =	vshll.u32 v1, $0x10;
	[tilespmem:s8+$0x220] =	vst v7;
	v3 =	vmax.f32 v3, $0.0e+00;
	v2 =	vadd.f32 v2, v4  }
0x127: {  	v1 =	vand.u32 $0xFFFF0000, v1;
	[tilespmem:s8+$0x230] =	vst v3;
	v3 =	vmax.f32 v5, $0.0e+00;
	v4 =	vadd.f32 v63, v11  }
0x128: {  	v1 =	vadd.f32 v1, v61;
	[tilespmem:s8+$0x240] =	vst v3;
	v2 =	vmax.f32 v2, $0.0e+00  }
0x129: {  	[tilespmem:s8+$0x250] =	vst v2;
	v2 =	vmax.f32 v4, $0.0e+00  }
0x12a: {  	v1 =	vmax.f32 v1, $0.0e+00;
	[tilespmem:s8+$0x260] =	vst v2  }
0x12b: {  	s3 =	simm.s32 $0x8;
	[tilespmem:s8+$0x270] =	vst v1  }
0x12c: {  	[spmem:s2] =	stream.indirect.scatter.add.f32 [tilespmem:s30], [sflag:$0x4], $0x80, s21, s9, $0xb8;
	[tilespmem:$0x1DC80] =	vst v63  }
0x12d: {  	_ =	swait.ge [sflag:s3], $0x2800  }
0x12e: {  	[sflag:s3] =	ssyncset.done $0x0  }
0x12f: {  	[sflag:s3] =	ssyncadd.s32 $0xFFFFD800  }
0x130: {  	_ =	swait.ge [sflag:s22], $0x2800  }
0x131: {  	[sflag:s22] =	ssyncset.done $0x0  }
0x132: {  	[sflag:s22] =	ssyncadd.s32 $0xFFFFD800  }
0x133: {  	s14 =	stileid.u32;
	[bflag:$0x0] =	sbarrier.arrive $0xFFFF  }
0x134: {  	s3 =	sshll.u32 s14, $0x6;
	s26 =	rddreg [dreg:$0xb]  }
0x135: {  	s3 =	sor.u32 $0x1C09, s3;
	s14 =	rddreg [dreg:$0x11]  }
0x136: {  	[hbm:s26], [sflag:s3] =	dma.local [spmem:s14], $0x2700  }
0x137: {  	s26 =	simm.s32 $0x9  }
0x138: {  	_ =	swait.ge [sflag:s26], $0x2700  }
0x139: {  	[sflag:s26] =	ssyncset.done $0x0;
	s8 =	rddreg [dreg:$0xc]  }
0x13a: {  	s14 =	rddreg [dreg:$0x12];
	[sflag:s26] =	ssyncadd.s32 $0xFFFFD900  }
0x13b: {  	[hbm:s8], [sflag:s3] =	dma.local @!p0 [spmem:s14], $0x100  }
0x13c: {  	s3 =	simm.s32 @!p0 $0x9  }
0x13d: {  	_ =	swait.ge @!p0 [sflag:s3], $0x100  }
0x13e: {  	s28 =	rddreg [dreg:$0x16]  }
0x13f: {  	s31 =	rddreg [dreg:$0xd];
	s14 =	sadd.s32 $0x1, s28  }
0x140: {  	p1 =	sne.s32 s14, s31  }
.Ltmp5:
0x141: {  	_ = 	snop;
	(pc) =	sbr.rel @p1 .LBB2_1-.Ltmp5, $3  }
0x142: {  	_ =	sdelay $0x1  }
0x143: {  	[sflag:s3] =	ssyncset.done @!p0 $0x0  }
0x144: {  	[sflag:s3] =	ssyncadd.s32 @!p0 $0xFFFFFF00  }
0x145: {  	_ =	sfence.sel $0x180000  }
0x146: {  	[bflag:$0x0] =	sbarrier.arrive $0xFFFF  }
0x147: {  	_ =	strace $0x9000004A  }
0x148: {  	[bflag:$0x2] =	sbarrier.arrive $0xFFFF  }
0x149: {  	s0 =	rddreg [dreg:$0x3]  }
0x14a: {  	s0 =	sadd.s32 @!p0 $0x100000, s0  }
0x14b: {  	[sflag:s0] =	ssyncadd.tile.s32 @!p0 $0x1;
	_ =	shalt  }
.Lfunc_end2:
_tile_overlayer_lowered:
.L_overlay_start_2:
0x14c: {  	(tag) =	ssettag $0x2  }
0x14d: {  	s0 =	rddreg [dreg:$0x0];
	s2 =	stileid.u32  }
0x14e: {  	s1 =	rddreg [dreg:$0x1];
	p0 =	sne.s32 s2, $0x0  }
0x14f: {  	s3 =	rddreg [dreg:$0x2];
	[bflag:$0x3] =	sbarrier.arrive $0xFFFF;
	s2 =	simm.s32 @!p0 $0x1C09  }
0x150: {  	[timem:s3], [sflag:s2] =	dma.local @!p0 [hbm:s0], s1  }
0x151: {  	s0 =	simm.s32 @!p0 $0x9  }
0x152: {  	_ =	swait.ge @!p0 [sflag:s0], s1  }
0x153: {  	s1 =	ssub.s32 @!p0 $0x0, s1;
	[sflag:s0] =	ssyncset.done @!p0 $0x0  }
0x154: {  	[sflag:s0] =	ssyncadd.s32 @!p0 s1  }
0x155: {  	[bflag:$0x3] =	sbarrier.arrive $0xFFFF  }
0x156: {  	_ =	shalt  }

// kernel: kernel.17.cloned.1.call-start
scs
__scs_entry_jumppad:
0x0: {  	(pc) =	sbr.rel $0x88, $3  }
0x1: {  	(tag) =	ssettag $0x0;
	lr =	simm.s32 $0x1  }
0x2: {  	[smem:$0x3F7B] =	sst lr;
	_ =	strace $0xD0000000  }
0x3: {  	_ = 	snop  }
0x4: {  	_ = 	snop  }
0x5: {  	_ = 	snop  }
0x6: {  	_ = 	snop  }
0x7: {  	_ = 	snop  }
__scs_overlays_trampoline_lowered:
0x8: {  	[smem:$0x3F8A] =	sst s0  }
0x9: {  	[smem:$0x3F8B] =	sst s1  }
0xa: {  	[smem:$0x3F8C] =	sst s2  }
0xb: {  	[smem:$0x3F8D] =	sst s3  }
0xc: {  	[smem:$0x3F8E] =	sst s4  }
0xd: {  	[smem:$0x3F8F] =	sst s5  }
0xe: {  	[smem:$0x3F90] =	sst s6  }
0xf: {  	[smem:$0x3F91] =	sst s7  }
0x10: {  	[smem:$0x3F92] =	sst s8  }
0x11: {  	[smem:$0x3F93] =	sst s9;
	s0 =	simm.s32 @!p0 $0x0  }
0x12: {  	s1 =	sld [smem:$0x3F79];
	s0 =	simm.s32 @p0 $0x1  }
0x13: {  	[smem:$0x3F94] =	sst s0;
	s0 =	simm.s32 @!p1 $0x0  }
0x14: {  	s2 =	sld [smem:$0x3F78];
	s0 =	simm.s32 @p1 $0x1  }
0x15: {  	[smem:$0x3F95] =	sst s0;
	s0 =	simm.s32 @!p2 $0x0  }
0x16: {  	s3 =	sld [smem:$0x3FDB];
	s0 =	simm.s32 @p2 $0x1  }
0x17: {  	s4 =	simm.s32 $0x1BF5;
	[smem:$0x3F97] =	sst s0  }
0x18: {  	s0 =	sld [smem:$0x3F7A];
	_ =	swait.ge [sflag:s4], $0x0  }
0x19: {  	s7 =	sld [smem:$0x3F7B]  }
0x1a: {  	s8 =	sadd.s32 $0xFFFFE003, lr  }
0x1b: {  	s9 =	sadd.s32 $0xFFFFFEF7, lr;
	s5 =	simm.s32 $0xFFFFFFFF;
	p2 =	slt.u32 s8, $0xFFFFF086  }
0x1c: {  	p1 =	slt.u32 s9, $0xF7A;
	s5 =	simm.s32 @!p2 $0x0  }
0x1d: {  	s5 =	simm.s32 @p1 $0x1;
	p0 =	seq.s32 s7, s2  }
0x1e: {  	s7 =	smul.u32 @!p0 $0xF7A, s2;
	p2 =	seq.s32 @!p0 s5, $0x0  }
0x1f: {  	s9 =	smul.u32 $0xF7A, s1;
	s8 =	simm.s32 @!p0 $0x1BF5;
	p2 =	por !p2, p0  }
0x20: {  	[sflag:s8] =	ssyncset.s32 @!p0 $0xFFFFF086;
	s6 =	sadd.s32 @!p0 s3, s7;
	s7 =	simm.s32 @!p0 $0x108  }
0x21: {  	s3 =	sadd.s32 s3, s9;
	s6 =	sadd.s32 @!p0 $0x88, s6;
	s7 =	simm.s32 @p2 $0x1082  }
0x22: {  	[simem:s7], [sflag:s8] =	dma.local @!p0 [hbm:s6], $0xF7A  }
0x23: {  	s9 =	sor.u32 $0xD0000000, s2;
	s6 =	simm.s32 $0x108;
	_ =	swait.ge @!p0 [sflag:s8], $0x0  }
0x24: {  	s3 =	sadd.s32 $0x88, s3;
	s6 =	simm.s32 @!p1 $0x1082;
	[sflag:s4] =	ssyncset.s32 $0xFFFFF086  }
0x25: {  	[simem:s6], [sflag:s4] =	dma.local [hbm:s3], $0xF7A  }
0x26: {  	[smem:$0x3F7B] =	sst s1;
	(tag) =	ssettag s2;
	_ =	strace s9  }
0x27: {  	s1 =	sld [smem:$0x3F8B]  }
0x28: {  	s2 =	sld [smem:$0x3F8C]  }
0x29: {  	s4 =	sld [smem:$0x3F8E]  }
0x2a: {  	p0 =	seq.s32 s5, $0x0;
	s5 =	sld [smem:$0x3F8F]  }
0x2b: {  	s6 =	sld [smem:$0x3F90]  }
0x2c: {  	s7 =	sld [smem:$0x3F91]  }
0x2d: {  	s3 =	simm.s32 $0x108;
	s8 =	sld [smem:$0x3F92]  }
0x2e: {  	s3 =	simm.s32 @!p0 $0x1082;
	s9 =	sld [smem:$0x3F93]  }
0x2f: {  	lr =	sadd.s32 s0, s3;
	s0 =	sld [smem:$0x3F8A]  }
0x30: {  	s3 =	sld [smem:$0x3F8D]  }
0x31: {  	[smem:$0x3F96] =	sst s10  }
0x32: {  	s10 =	sld [smem:$0x3F94];
	_ =	sdelay $0x3  }
0x33: {  	p0 =	seq.s32 s10, $0x1;
	s10 =	sld [smem:$0x3F96];
	_ =	sdelay $0x3  }
0x34: {  	[smem:$0x3F96] =	sst s10  }
0x35: {  	s10 =	sld [smem:$0x3F95];
	_ =	sdelay $0x3  }
0x36: {  	p1 =	seq.s32 s10, $0x1;
	s10 =	sld [smem:$0x3F96];
	_ =	sdelay $0x3  }
0x37: {  	[smem:$0x3F96] =	sst s10  }
0x38: {  	s10 =	sld [smem:$0x3F97]  }
0x39: {  	_ = 	snop;
	(pc) =	sbr.ind lr, $3  }
0x3a: {  	_ = 	snop  }
0x3b: {  	_ = 	snop  }
0x3c: {  	p2 =	seq.s32 s10, $0x1;
	s10 =	sld [smem:$0x3F96]  }
0x3d: {  	_ =	shalt  }
0x3e: {  	_ =	shalt  }
0x3f: {  	_ =	shalt  }
0x40: {  	_ =	shalt  }
0x41: {  	_ =	shalt  }
0x42: {  	_ =	shalt  }
0x43: {  	_ =	shalt  }
0x44: {  	_ =	shalt  }
0x45: {  	_ =	shalt  }
0x46: {  	_ =	shalt  }
0x47: {  	_ =	shalt  }
0x48: {  	_ =	shalt  }
0x49: {  	_ =	shalt  }
0x4a: {  	_ =	shalt  }
0x4b: {  	_ =	shalt  }
0x4c: {  	_ =	shalt  }
0x4d: {  	_ =	shalt  }
0x4e: {  	_ =	shalt  }
0x4f: {  	_ =	shalt  }
0x50: {  	_ =	shalt  }
0x51: {  	_ =	shalt  }
0x52: {  	_ =	shalt  }
0x53: {  	_ =	shalt  }
0x54: {  	_ =	shalt  }
0x55: {  	_ =	shalt  }
0x56: {  	_ =	shalt  }
0x57: {  	_ =	shalt  }
0x58: {  	_ =	shalt  }
0x59: {  	_ =	shalt  }
0x5a: {  	_ =	shalt  }
0x5b: {  	_ =	shalt  }
0x5c: {  	_ =	shalt  }
0x5d: {  	_ =	shalt  }
0x5e: {  	_ =	shalt  }
0x5f: {  	_ =	shalt  }
0x60: {  	_ =	shalt  }
0x61: {  	_ =	shalt  }
0x62: {  	_ =	shalt  }
0x63: {  	_ =	shalt  }
0x64: {  	_ =	shalt  }
0x65: {  	_ =	shalt  }
0x66: {  	_ =	shalt  }
0x67: {  	_ =	shalt  }
0x68: {  	_ =	shalt  }
0x69: {  	_ =	shalt  }
0x6a: {  	_ =	shalt  }
0x6b: {  	_ =	shalt  }
0x6c: {  	_ =	shalt  }
0x6d: {  	_ =	shalt  }
0x6e: {  	_ =	shalt  }
0x6f: {  	_ =	shalt  }
0x70: {  	_ =	shalt  }
0x71: {  	_ =	shalt  }
0x72: {  	_ =	shalt  }
0x73: {  	_ =	shalt  }
0x74: {  	_ =	shalt  }
0x75: {  	_ =	shalt  }
0x76: {  	_ =	shalt  }
0x77: {  	_ =	shalt  }
0x78: {  	_ =	shalt  }
0x79: {  	_ =	shalt  }
0x7a: {  	_ =	shalt  }
0x7b: {  	_ =	shalt  }
0x7c: {  	_ =	shalt  }
0x7d: {  	_ =	shalt  }
0x7e: {  	_ =	shalt  }
0x7f: {  	_ =	shalt  }
0x80: {  	_ =	shalt  }
0x81: {  	_ =	shalt  }
0x82: {  	_ =	shalt  }
0x83: {  	_ =	shalt  }
0x84: {  	_ =	shalt  }
0x85: {  	_ =	shalt  }
0x86: {  	_ =	shalt  }
0x87: {  	_ =	shalt  }
.Lfunc_end0:
.L_simem_size_0:
called_computation.2_lowered:
.L_overlay_start_0:
0x88: {  	s2 =	sld [smem:$0x3FD9]  }
0x89: {  	s3 =	sld [smem:$0x3FFE];
	_ =	sdelay $0x1  }
0x8a: {  	s1 =	srdreg.scid  }
0x8b: {  	s0 =	sand.u32 $0x1, s1  }
0x8c: {  	s16 =	sshll.u32 s0, $0xA;
	s2 =	sadd.s32 s3, s2  }
0x8d: {  	s2 =	sadd.s32 s2, s16  }
0x8e: {  	[smem:$0x3FA2] =	sst s2  }
0x8f: {  	_ = 	snop  }
0x90: {  	(tm) =	ssettm $0x1  }
0x91: {  	s17 =	sld [smem:$0x3FFB];
	_ =	sdelay $0x3  }
0x92: {  	_ =	strace s17  }
0x93: {  	s2 =	sld [smem:$0x3FFC];
	_ =	sdelay $0x3  }
0x94: {  	_ =	strace s2  }
0x95: {  	s2 =	sld [smem:$0x3FFD];
	_ =	sdelay $0x3  }
0x96: {  	_ =	strace s2  }
0x97: {  	_ =	strace $0x8FFFFFFF  }
0x98: {  	s18 =	sld [smem:$0x3FDB];
	_ =	sdelay $0x1  }
0x99: {  	s19 =	simm.s32 $_scs_section_size  }
0x9a: {  	s4 =	simm.s32 $_size__tile_overlayer_lowered;
	s5 =	simm.s32 $_tile_overlayer_lowered  }
0x9b: {  	s22 =	simm.s32 $0x1BFF;
	s21 =	sshll.u32 s5, $0x1;
	s2 =	sadd.s32 s19, s18  }
0x9c: {  	s6 =	simm.s32 $0x0;
	s20 =	sshll.u32 s4, $0x1;
	s4 =	sadd.s32 s21, s2  }
0x9d: {  	[timem:s6], [sflag:s22] =	dma.local [hbm:s4], s20  }
0x9e: {  	_ =	swait.ge [sflag:s22], s20  }
0x9f: {  	s3 =	ssub.s32 $0x0, s20;
	[sflag:s22] =	ssyncset.done $0x0  }
0xa0: {  	[sflag:s22] =	ssyncadd.s32 s3;
	_ =	sdelay $0x1  }
0xa1: {  	s23 =	simm.s32 $0x1B8B  }
0xa2: {  	_ =	swait.ge [sflag:s23], $0x1  }
0xa3: {  	[sflag:s23] =	ssyncset.done $0x0  }
0xa4: {  	s25 =	simm.s32 $0x1B8E;
	s24 =	sld [smem:$0x3FFE];
	[sflag:s23] =	ssyncadd.s32 $0xFFFFFFFF  }
0xa5: {  	s26 =	simm.s32 $execute0_lowered;
	[smem:$0x3FD2] =	sst s25  }
0xa6: {  	s4 =	sshll.u32 s26, $0x1;
	_ =	strace $0x8000004C;
	[dreg:$0x1] =	wrdreg $0xFFFFFFFF  }
0xa7: {  	s28 =	simm.s32 $_size_execute0_lowered;
	s2 =	sadd.s32 s2, s4;
	[dreg:$0x0] =	wrdreg $0x0  }
0xa8: {  	s4 =	sshll.u32 s28, $0x1;
	[dreg:$0x2] =	wrdreg s2  }
0xa9: {  	[dreg:$0x3] =	wrdreg s4  }
0xaa: {  	[dreg:$0x4] =	wrdreg $0xC0  }
0xab: {  	_ =	task [dreg:s6], $0x5FFFF  }
0xac: {  	[dreg:$0x1] =	wrdreg $0xFFFFFFFF  }
0xad: {  	[dreg:$0x0] =	wrdreg $0x60  }
0xae: {  	[dreg:$0x2] =	wrdreg s24  }
0xaf: {  	[dreg:$0x3] =	wrdreg $0xA4000  }
0xb0: {  	[dreg:$0x4] =	wrdreg $0x9  }
0xb1: {  	_ =	task.clear_ibuf [dreg:s6], $0x5FFFF;
	_ =	strace $0x9000004C  }
0xb2: {  	s29 =	simm.s32 $0x9;
	_ =	strace $0x8000004E  }
0xb3: {  	_ =	swait.ge [sflag:s29], $0x1  }
0xb4: {  	[sflag:s29] =	ssyncadd.s32 $0xFFFFFFFF  }
0xb5: {  	_ =	strace $0x9000004E  }
0xb6: {  	_ =	sfence  }
0xb7: {  	s30 =	sld [smem:$0x0];
	_ =	sdelay $0x2  }
0xb8: {  	s31 =	sshll.u32 s1, $0xD;
	s1 =	sshrl.u32 s1, $0x2  }
0xb9: {  	s3 =	sand.u32 $0x4000, s31;
	s1 =	sadd.s32 s1, s30  }
0xba: {  	s0 =	sor.u32 s3, s0;
	s1 =	sshll.u32 s1, $0x11  }
0xbb: {  	s0 =	sor.u32 s1, s0  }
0xbc: {  	s0 =	sadd.s32 $0x8F2B, s0  }
0xbd: {  	[sflag:s0] =	ssyncadd.remote.s32 $0x1  }
0xbe: {  	_ =	sfence.sel $0xFFFF  }
0xbf: {  	[dreg:$0x0] =	wrdreg $0xFFFFFFFF;
	(pc) =	sbr.abs _section_cstart, $3  }
0xc0: {  	[dreg:$0x1] =	wrdreg $0xFFFFFFFF  }
0xc1: {  	_ =	task.clear_ibuf [dreg:s6], $0x2FFFF;
	_ =	strace $0x9FFFFFFF  }
0xc2: {  	(tm) =	ssettm $0x7FFFFFFF  }
0xc3: {  	_ =	shalt  }
tec
execute0_lowered:
.L_overlay_start_1:
0x0: {  	(tag) =	ssettag $0x1  }
0x1: {  	s0 =	rddreg [dreg:$0x0]  }
0x2: {  	s1 =	rddreg [dreg:$0x1]  }
0x3: {  	s2 =	simm.s32 $0x0;
	s4 =	srdreg.scid;
	s13 =	stileid.u32  }
0x4: {  	s31 =	simm.s32 $0x200;
	[smem:$0x7FF] =	sst s2;
	s8 =	smul.u32 $0x4E200, s13  }
0x5: {  	s3 =	sadd.s32 $0x1AC00, s0;
	s5 =	sadd.s32 $0x5E7200, s0;
	s11 =	smul.u32 $0x4E20, s13  }
0x6: {  	s4 =	sand.u32 $0x1, s4;
	s6 =	sadd.s32 $0x7000, s0;
	s30 =	smul.u32 $0x4E000, s13  }
0x7: {  	s7 =	sadd.s32 $0x10E00, s0;
	s0 =	sadd.s32 $0x68E00, s0;
	s19 =	smul.u32 $0x270, s13  }
0x8: {  	p0 =	sne.s32 s13, $0x0;
	s13 =	simm.s32 $0x7C00;
	s22 =	smul.u32 $0x4E200, s4  }
0x9: {  	_ =	strace $0x8000004D;
	s9 =	ssub.s32 $0x2, s4;
	s24 =	smul.u32 $0x2710, s4  }
0xa: {  	s4 =	smul.u32 $0x138800, s4;
	s10 =	sshrl.u32 s9, $0x1;
	s8 =	sshrl.u32 s8, $0x2  }
0xb: {  	s23 =	sshrl.u32 s11, $0x3;
	s16 =	sadd.s32 $0xA0, s11;
	s18 =	sadd.s32 $0xF0, s11  }
0xc: {  	s20 =	sshrl.u32 s30, $0x2;
	s9 =	ssub.s32 s9, s10;
	s12 =	sadd.s32 s6, s23  }
0xd: {  	s14 =	sadd.s32 s8, s1;
	s10 =	sadd.s32 s7, s23;
	[dreg:$0x5] =	wrdreg s12  }
0xe: {  	s25 =	sadd.s32 $0xA, s23;
	s4 =	sshrl.u32 s4, $0x3;
	[dreg:$0x6] =	wrdreg s10  }
0xf: {  	s8 =	sadd.s32 $0x11800, s14;
	s26 =	sadd.s32 s6, s25;
	[dreg:$0x3] =	wrdreg s14  }
0x10: {  	s28 =	sadd.s32 s7, s25;
	s21 =	smax.u32 s9, $0x1;
	[dreg:$0x4] =	wrdreg s8  }
0x11: {  	s25 =	sadd.s32 $0x5000, s14;
	s30 =	sadd.s32 $0xF000, s14;
	[dreg:$0x7] =	wrdreg s26  }
0x12: {  	s9 =	simm.s32 $0x50;
	s12 =	simm.s32 $0x5400;
	[dreg:$0x8] =	wrdreg s28  }
0x13: {  	s8 =	sadd.s32 s11, s22;
	[dreg:$0xc] =	wrdreg s21;
	s22 =	sadd.s32 $0x2800, s14  }
0x14: {  	[dreg:$0x10] =	wrdreg s25;
	s26 =	sadd.s32 $0x7800, s14;
	s28 =	sadd.s32 $0xA000, s14  }
0x15: {  	[dreg:$0x14] =	wrdreg s30;
	s11 =	simm.s32 $0x5300;
	s21 =	simm.s32 $0x6  }
0x16: {  	s25 =	simm.s32 $0x8;
	s29 =	sshll.u32 s8, $0x4;
	[dreg:$0xd] =	wrdreg s22  }
0x17: {  	s15 =	sadd.s32 $0x50, s8;
	s17 =	sadd.s32 $0xA0, s8;
	[dreg:$0x11] =	wrdreg s26  }
0x18: {  	s8 =	sadd.s32 s20, s1;
	[dreg:$0x12] =	wrdreg s28;
	s20 =	simm.s32 $0x180  }
0x19: {  	s22 =	simm.s32 $0x7;
	s26 =	simm.s32 $0x0;
	s10 =	sadd.s32 s5, s29  }
0x1a: {  	s23 =	sshrl.u32 s8, $0x3;
	s29 =	sadd.s32 $0xC800, s14;
	[dreg:$0x9] =	wrdreg s10  }
0x1b: {  	s14 =	simm.s32 $0x2;
	s10 =	sadd.s32 s19, s24;
	[dreg:$0xe] =	wrdreg s23  }
0x1c: {  	[dreg:$0x13] =	wrdreg s29;
	s19 =	simm.s32 $0x3;
	s10 =	sshll.u32 s10, $0x4  }
0x1d: {  	s23 =	simm.s32 $0x5380;
	s10 =	sadd.s32 s0, s10;
	s0 =	sadd.s32 s0, s4  }
0x1e: {  	[dreg:$0xa] =	wrdreg s10;
	s10 =	sadd.s32 $0x138000, s1;
	s0 =	sadd.s32 $0x27000, s0  }
0x1f: {  	s4 =	simm.s32 $0x1;
	[dreg:$0xb] =	wrdreg s0;
	s0 =	sshrl.u32 @!p0 s10, $0x3  }
0x20: {  	v1 =	vimm.f32 $0.0e+00;
	v0 =	vmov s24;
	s10 =	simm.s32 $0x5;
	[dreg:$0xf] =	wrdreg s0;
	s0 =	simm.s32 $0x9  }
.LBB2_1:
0x21: {  	s8 =	simm.s32 $0x0;
	s28 =	simm.s32 $0x200  }
.LBB2_2:
0x22: {  	p1 =	sne.s32 s28, $0x9E00;
	[tilespmem:s8+$0x270] =	vst v1  }
0x23: {  	[tilespmem:s8+$0x200] =	vst v1  }
0x24: {  	[tilespmem:s8+$0x210] =	vst v1  }
.Ltmp0:
0x25: {  	[tilespmem:s8+$0x220] =	vst v1;
	(pc) =	sbr.rel @p1 .LBB2_2-.Ltmp0, $4  }
0x26: {  	[tilespmem:s8+$0x230] =	vst v1  }
0x27: {  	[tilespmem:s8+$0x240] =	vst v1  }
0x28: {  	[tilespmem:s8+$0x250] =	vst v1  }
0x29: {  	[tilespmem:s8+$0x260] =	vst v1;
	s8 =	sshra.s32 s28, $0x2;
	s28 =	sadd.s32 $0x200, s28  }
0x2a: {  	[tilespmem:s8+$0x270] =	vst v1  }
0x2b: {  	[tilespmem:s8+$0x200] =	vst v1  }
0x2c: {  	[tilespmem:s8+$0x210] =	vst v1  }
0x2d: {  	[tilespmem:s8+$0x220] =	vst v1  }
0x2e: {  	[tilespmem:s8+$0x230] =	vst v1  }
0x2f: {  	[tilespmem:s8+$0x240] =	vst v1  }
0x30: {  	[tilespmem:s8+$0x250] =	vst v1  }
0x31: {  	[tilespmem:s8+$0x260] =	vst v1;
	s30 =	rddreg [dreg:$0x3]  }
0x32: {  	[spmem:s30] =	stream.linear.scatter [tilespmem:s31], [sflag:$0x9], $0x2800, $0x38;
	[tilespmem:$0x1DC80] =	vst v63  }
0x33: {  	_ =	swait.ge [sflag:s0], $0x2800  }
0x34: {  	[sflag:s0] =	ssyncset.done $0x0  }
0x35: {  	s24 =	rddreg [dreg:$0xd];
	[sflag:s0] =	ssyncadd.s32 $0xFFFFD800  }
0x36: {  	[spmem:s24] =	stream.linear.scatter [tilespmem:s31], [sflag:$0x9], $0x2800, $0x38;
	[tilespmem:$0x1DC80] =	vst v63  }
0x37: {  	_ =	swait.ge [sflag:s0], $0x2800  }
0x38: {  	[sflag:s0] =	ssyncset.done $0x0  }
0x39: {  	s29 =	rddreg [dreg:$0x10];
	[sflag:s0] =	ssyncadd.s32 $0xFFFFD800  }
0x3a: {  	[spmem:s29] =	stream.linear.scatter [tilespmem:s31], [sflag:$0x9], $0x2800, $0x38;
	[tilespmem:$0x1DC80] =	vst v63  }
0x3b: {  	_ =	swait.ge [sflag:s0], $0x2800  }
0x3c: {  	[sflag:s0] =	ssyncset.done $0x0  }
0x3d: {  	s30 =	rddreg [dreg:$0x11];
	[sflag:s0] =	ssyncadd.s32 $0xFFFFD800  }
0x3e: {  	[spmem:s30] =	stream.linear.scatter [tilespmem:s31], [sflag:$0x9], $0x2800, $0x38;
	[tilespmem:$0x1DC80] =	vst v63  }
0x3f: {  	_ =	swait.ge [sflag:s0], $0x2800  }
0x40: {  	[sflag:s0] =	ssyncset.done $0x0  }
0x41: {  	s24 =	rddreg [dreg:$0x12];
	[sflag:s0] =	ssyncadd.s32 $0xFFFFD800  }
0x42: {  	[spmem:s24] =	stream.linear.scatter [tilespmem:s31], [sflag:$0x9], $0x2800, $0x38;
	[tilespmem:$0x1DC80] =	vst v63  }
0x43: {  	_ =	swait.ge [sflag:s0], $0x2800  }
0x44: {  	[sflag:s0] =	ssyncset.done $0x0  }
0x45: {  	s29 =	rddreg [dreg:$0x13];
	[sflag:s0] =	ssyncadd.s32 $0xFFFFD800  }
0x46: {  	[spmem:s29] =	stream.linear.scatter [tilespmem:s31], [sflag:$0x9], $0x2800, $0x38;
	[tilespmem:$0x1DC80] =	vst v63  }
0x47: {  	_ =	swait.ge [sflag:s0], $0x2800  }
0x48: {  	[sflag:s0] =	ssyncset.done $0x0  }
0x49: {  	s30 =	rddreg [dreg:$0x14];
	[sflag:s0] =	ssyncadd.s32 $0xFFFFD800  }
0x4a: {  	[spmem:s30] =	stream.linear.scatter [tilespmem:s31], [sflag:$0x9], $0x2800, $0x38;
	[tilespmem:$0x1DC80] =	vst v63  }
0x4b: {  	_ =	swait.ge [sflag:s0], $0x2800  }
0x4c: {  	[sflag:s0] =	ssyncset.done $0x0  }
0x4d: {  	s24 =	rddreg [dreg:$0x4];
	[sflag:s0] =	ssyncadd.s32 $0xFFFFD800  }
0x4e: {  	[spmem:s24] =	stream.linear.scatter [tilespmem:s31], [sflag:$0x9], $0x2080, $0x38;
	[tilespmem:$0x1DC80] =	vst v63  }
0x4f: {  	_ =	swait.ge [sflag:s0], $0x2080  }
0x50: {  	[sflag:s0] =	ssyncset.done $0x0  }
0x51: {  	[sflag:s0] =	ssyncadd.s32 $0xFFFFDF80  }
0x52: {  	[bflag:$0x0] =	sbarrier.arrive $0xFFFF  }
0x53: {  	s28 =	simm.s32 $0x0;
	s29 =	rddreg [dreg:$0x5]  }
0x54: {  	[tilespmem:s28], [sflag:$0x1] =	stream.linear.gather [hbm4b:s29+s28], $0x50, $0x38;
	[tilespmem:$0x1DC80] =	vst v63  }
0x55: {  	s24 =	simm.s32 $0x80;
	s30 =	rddreg [dreg:$0x6]  }
0x56: {  	[tilespmem:s24], [sflag:$0x1] =	stream.linear.gather [hbm4b:s30+s28], $0x50, $0x38;
	[tilespmem:$0x1DC80] =	vst v63  }
0x57: {  	s29 =	rddreg [dreg:$0x7];
	s30 =	simm.s32 $0x5200  }
0x58: {  	[tilespmem:s30], [sflag:$0x5] =	stream.linear.gather [hbm4b:s29+s28], $0x50, $0x38;
	[tilespmem:$0x1DC80] =	vst v63  }
0x59: {  	s29 =	rddreg [dreg:$0x8];
	s30 =	simm.s32 $0x5280  }
0x5a: {  	[tilespmem:s30], [sflag:$0x5] =	stream.linear.gather [hbm4b:s29+s28], $0x50, $0x38;
	[tilespmem:$0x1DC80] =	vst v63  }
0x5b: {  	_ =	swait.ge [sflag:s4], $0x50  }
0x5c: {  	[sflag:s4] =	ssyncset.done $0x0  }
0x5d: {  	[sflag:s4] =	ssyncadd.s32 $0xFFFFFFB0  }
0x5e: {  	_ =	swait.ge [sflag:s4], $0x50  }
0x5f: {  	[sflag:s4] =	ssyncset.done $0x0  }
0x60: {  	[sflag:s4] =	ssyncadd.s32 $0xFFFFFFB0  }
0x61: {  	v2 =	vld [tilespmem:$0x0]  }
0x62: {  	v3 =	vld [tilespmem:$0x80]  }
0x63: {  	v5 =	vld [tilespmem:$0x90]  }
0x64: {  	v4 =	vld [tilespmem:$0x10]  }
0x65: {  	v6 =	vld [tilespmem:$0x20]  }
0x66: {  	v7 =	vld [tilespmem:$0xA0]  }
0x67: {  	v61 =	vld [tilespmem:$0xB0];
	[tilespmem:$0x180] =	vst v3  }
0x68: {  	v63 =	vld [tilespmem:$0xC0];
	v2 =	vadd.s32 v0, v2;
	[tilespmem:$0x190] =	vst v5  }
0x69: {  	v3 =	vadd.s32 v0, v4;
	[tilespmem:$0x100] =	vst v2;
	v2 =	vld [tilespmem:$0x30]  }
0x6a: {  	[tilespmem:$0x110] =	vst v3;
	v3 =	vld [tilespmem:$0x40]  }
0x6b: {  	[tilespmem:$0x1A0] =	vst v7  }
0x6c: {  	[tilespmem:$0x1B0] =	vst v61  }
0x6d: {  	v62 =	vadd.s32 v0, v6;
	[tilespmem:$0x1C0] =	vst v63  }
0x6e: {  	[tilespmem:$0x120] =	vst v62;
	v2 =	vadd.s32 v0, v2  }
0x6f: {  	[tilespmem:$0x130] =	vst v2;
	v2 =	vadd.s32 v0, v3  }
0x70: {  	s24 =	simm.s32 $0x100;
	[tilespmem:$0x140] =	vst v2  }
0x71: {  	[tilespmem:s31], [sflag:$0x2] =	stream.indirect.gather [hbm4b:s3+s9], $0x80, s24, s9, $0xb8;
	[tilespmem:$0x1DC80] =	vst v63  }
0x72: {  	s30 =	simm.s32 $0x2A00;
	s29 =	rddreg [dreg:$0x9]  }
0x73: {  	[tilespmem:s30], [sflag:$0x3] =	stream.linear.gather [hbm4b:s29+s28], $0x2800, $0x38;
	[tilespmem:$0x1DC80] =	vst v63  }
.LBB2_4:
0x74: {  	p1 =	seq.s32 s28, $0x0  }
0x75: {  	s8 =	simm.s32 @!p1 $0x8  }
0x76: {  	_ =	swait.ge @!p1 [sflag:s8], $0x2800  }
0x77: {  	[sflag:s8] =	ssyncset.done @!p1 $0x0  }
0x78: {  	[sflag:s8] =	ssyncadd.s32 @!p1 $0xFFFFD800  }
0x79: {  	_ =	swait.ge [sflag:s10], $0x50  }
0x7a: {  	[sflag:s10] =	ssyncset.done $0x0  }
0x7b: {  	[sflag:s10] =	ssyncadd.s32 $0xFFFFFFB0  }
0x7c: {  	_ =	swait.ge [sflag:s10], $0x50  }
0x7d: {  	[sflag:s10] =	ssyncset.done $0x0  }
0x7e: {  	[sflag:s10] =	ssyncadd.s32 $0xFFFFFFB0  }
0x7f: {  	v2 =	vld [tilespmem:$0x5200]  }
0x80: {  	v3 =	vld [tilespmem:$0x5280]  }
0x81: {  	v4 =	vld [tilespmem:$0x5210]  }
0x82: {  	v5 =	vld [tilespmem:$0x5290]  }
0x83: {  	v6 =	vld [tilespmem:$0x5220];
	_ =	sdelay $0x2  }
0x84: {  	v7 =	vld [tilespmem:$0x52A0];
	[tilespmem:$0x5380] =	vst v3  }
0x85: {  	v2 =	vadd.s32 v0, v2;
	v3 =	vadd.s32 v0, v4;
	v4 =	vld [tilespmem:$0x52B0];
	[tilespmem:$0x5390] =	vst v5  }
0x86: {  	v5 =	vadd.s32 v0, v6;
	[tilespmem:$0x5300] =	vst v2;
	v2 =	vld [tilespmem:$0x5230]  }
0x87: {  	[tilespmem:$0x5320] =	vst v5;
	v5 =	vld [tilespmem:$0x52C0]  }
0x88: {  	[tilespmem:$0x5310] =	vst v3;
	v3 =	vld [tilespmem:$0x5240];
	_ =	sdelay $0x1  }
0x89: {  	[tilespmem:$0x53A0] =	vst v7  }
0x8a: {  	s29 =	smul.u32 $0xA0, s28;
	[tilespmem:$0x53B0] =	vst v4  }
0x8b: {  	v2 =	vadd.s32 v0, v2;
	[tilespmem:$0x53C0] =	vst v5  }
0x8c: {  	s24 =	sadd.s32 s29, s15;
	[tilespmem:$0x5330] =	vst v2;
	v2 =	vadd.s32 v0, v3  }
0x8d: {  	s8 =	sshll.u32 s24, $0x4;
	[tilespmem:$0x5340] =	vst v2  }
0x8e: {  	[tilespmem:s12], [sflag:$0x6] =	stream.indirect.gather [hbm4b:s3+s9], $0x80, s11, s9, $0xb8;
	[tilespmem:$0x1DC80] =	vst v63  }
0x8f: {  	p1 =	seq.s32 s28, $0x7C;
	s8 =	sadd.s32 s5, s8  }
0x90: {  	[tilespmem:s13], [sflag:$0x7] =	stream.linear.gather [hbm4b:s8+s2], $0x2800, $0x38;
	[tilespmem:$0x1DC80] =	vst v63  }
0x91: {  	s8 =	sadd.s32 @!p1 s29, s16  }
0x92: {  	s8 =	sshrl.u32 @!p1 s8, $0x3  }
0x93: {  	s24 =	simm.s32 @!p1 $0x0;
	s30 =	sadd.s32 @!p1 s6, s8  }
0x94: {  	[tilespmem:s24], [sflag:$0x1] =	stream.linear.gather @!p1 [hbm4b:s30+s24], $0x50, $0x38;
	[tilespmem:$0x1DC80] =	vst v63  }
0x95: {  	s8 =	sadd.s32 @!p1 s7, s8;
	s30 =	simm.s32 @!p1 $0x80  }
0x96: {  	[tilespmem:s30], [sflag:$0x1] =	stream.linear.gather @!p1 [hbm4b:s8+s24], $0x50, $0x38;
	[tilespmem:$0x1DC80] =	vst v63  }
0x97: {  	_ =	swait.ge [sflag:s14], $0x2800  }
0x98: {  	[sflag:s14] =	ssyncset.done $0x0  }
0x99: {  	[sflag:s14] =	ssyncadd.s32 $0xFFFFD800  }
0x9a: {  	_ =	swait.ge [sflag:s19], $0x2800  }
0x9b: {  	[sflag:s19] =	ssyncset.done $0x0  }
0x9c: {  	s30 =	simm.s32 $0x0;
	[sflag:s19] =	ssyncadd.s32 $0xFFFFD800  }
0x9d: {  	v5 =	vld [tilespmem:s30+$0x2A00]  }
0x9e: {  	v4 =	vld [tilespmem:s30+$0x2A10]  }
0x9f: {  	v3 =	vld [tilespmem:s30+$0x2A20]  }
0xa0: {  	v2 =	vld [tilespmem:s30+$0x2A30]  }
0xa1: {  	v10 =	vld [tilespmem:s30+$0x200]  }
0xa2: {  	v9 =	vld [tilespmem:s30+$0x210]  }
0xa3: {  	v8 =	vld [tilespmem:s30+$0x220]  }
0xa4: {  	v7 =	vld [tilespmem:s30+$0x230]  }
0xa5: {  	v6 =	vld [tilespmem:s30+$0x240];
	v12 =	vshll.u32 v5, $0x10  }
0xa6: {  	s8 =	simm.s32 $0x200;
	v11 =	vand.u32 $0xFFFF0000, v5;
	v5 =	vld [tilespmem:s30+$0x250];
	v10 =	vadd.f32 v12, v10  }
.LBB2_5:
0xa7: {  	p2 =	sne.s32 s8, $0x9E00;
	v9 =	vadd.f32 v11, v9;
	v11 =	vshll.u32 v4, $0x10;
	v12 =	vld [tilespmem:s30+$0x260]  }
0xa8: {  	s24 =	sshra.s32 s8, $0x2;
	v4 =	vand.u32 $0xFFFF0000, v4;
	v10 =	vmax.f32 v10, $0.0e+00;
	v8 =	vadd.f32 v11, v8;
	v11 =	vld [tilespmem:s30+$0x270]  }
0xa9: {  	v13 =	vld [tilespmem:s24+$0x2A00];
	[tilespmem:s30+$0x200] =	vst v10;
	v9 =	vmax.f32 v9, $0.0e+00;
	v7 =	vadd.f32 v4, v7;
	v10 =	vshll.u32 v3, $0x10  }
0xaa: {  	v4 =	vld [tilespmem:s24+$0x2A10];
	[tilespmem:s30+$0x210] =	vst v9;
	v8 =	vmax.f32 v8, $0.0e+00;
	v9 =	vand.u32 $0xFFFF0000, v3;
	v6 =	vadd.f32 v10, v6  }
0xab: {  	v3 =	vld [tilespmem:s24+$0x2A20];
	[tilespmem:s30+$0x220] =	vst v8;
	v7 =	vmax.f32 v7, $0.0e+00;
	v5 =	vadd.f32 v9, v5;
	v8 =	vshll.u32 v2, $0x10  }
0xac: {  	[tilespmem:s30+$0x230] =	vst v7;
	v6 =	vmax.f32 v6, $0.0e+00;
	v7 =	vand.u32 $0xFFFF0000, v2;
	v2 =	vld [tilespmem:s24+$0x2A30];
	v8 =	vadd.f32 v8, v12  }
0xad: {  	v10 =	vld [tilespmem:s24+$0x200];
	[tilespmem:s30+$0x240] =	vst v6;
	v5 =	vmax.f32 v5, $0.0e+00;
	v6 =	vadd.f32 v7, v11  }
.Ltmp1:
0xae: {  	v9 =	vld [tilespmem:s24+$0x210];
	[tilespmem:s30+$0x250] =	vst v5;
	v5 =	vmax.f32 v8, $0.0e+00;
	(pc) =	sbr.rel @p2 .LBB2_5-.Ltmp1, $4  }
0xaf: {  	v8 =	vld [tilespmem:s24+$0x220];
	[tilespmem:s30+$0x260] =	vst v5;
	v5 =	vmax.f32 v6, $0.0e+00  }
0xb0: {  	v7 =	vld [tilespmem:s24+$0x230];
	[tilespmem:s30+$0x270] =	vst v5;
	s30 =	smov.u32 s24  }
0xb1: {  	v5 =	vshll.u32 v13, $0x10;
	v6 =	vld [tilespmem:s30+$0x240]  }
0xb2: {  	s8 =	sadd.s32 $0x200, s8;
	v11 =	vand.u32 $0xFFFF0000, v13;
	v10 =	vadd.f32 v5, v10;
	v5 =	vld [tilespmem:s30+$0x250]  }
0xb3: {  	v9 =	vadd.f32 v11, v9;
	v11 =	vshll.u32 v4, $0x10;
	v12 =	vld [tilespmem:s30+$0x260]  }
0xb4: {  	v4 =	vand.u32 $0xFFFF0000, v4;
	v10 =	vmax.f32 v10, $0.0e+00;
	v8 =	vadd.f32 v11, v8;
	v11 =	vld [tilespmem:s30+$0x270]  }
0xb5: {  	[tilespmem:s30+$0x200] =	vst v10;
	v9 =	vmax.f32 v9, $0.0e+00;
	v4 =	vadd.f32 v4, v7;
	v7 =	vshll.u32 v3, $0x10  }
0xb6: {  	v3 =	vand.u32 $0xFFFF0000, v3;
	[tilespmem:s30+$0x210] =	vst v9;
	v8 =	vmax.f32 v8, $0.0e+00;
	v6 =	vadd.f32 v7, v6  }
0xb7: {  	[tilespmem:s30+$0x220] =	vst v8;
	v4 =	vmax.f32 v4, $0.0e+00;
	v3 =	vadd.f32 v3, v5;
	v5 =	vshll.u32 v2, $0x10  }
0xb8: {  	v2 =	vand.u32 $0xFFFF0000, v2;
	[tilespmem:s30+$0x230] =	vst v4;
	v4 =	vmax.f32 v6, $0.0e+00;
	v5 =	vadd.f32 v5, v12  }
0xb9: {  	[tilespmem:s30+$0x240] =	vst v4;
	v3 =	vmax.f32 v3, $0.0e+00;
	v2 =	vadd.f32 v2, v11  }
0xba: {  	[tilespmem:s30+$0x250] =	vst v3;
	v3 =	vmax.f32 v5, $0.0e+00  }
0xbb: {  	[tilespmem:s30+$0x260] =	vst v3;
	v2 =	vmax.f32 v2, $0.0e+00  }
0xbc: {  	s8 =	simm.s32 @!p1 $0x4;
	[tilespmem:s30+$0x270] =	vst v2  }
0xbd: {  	[spmem:s1] =	stream.indirect.scatter.add.f32 [tilespmem:s31], [sflag:$0x4], $0x80, s20, s9, $0xb8;
	[tilespmem:$0x1DC80] =	vst v63  }
0xbe: {  	_ =	swait.ge @!p1 [sflag:s8], $0x2800  }
0xbf: {  	[sflag:s8] =	ssyncset.done @!p1 $0x0  }
0xc0: {  	[sflag:s8] =	ssyncadd.s32 @!p1 $0xFFFFD800;
	s8 =	simm.s32 @!p1 $0x1  }
0xc1: {  	_ =	swait.ge @!p1 [sflag:s8], $0x50  }
0xc2: {  	[sflag:s8] =	ssyncset.done @!p1 $0x0  }
0xc3: {  	[sflag:s8] =	ssyncadd.s32 @!p1 $0xFFFFFFB0  }
0xc4: {  	_ =	swait.ge @!p1 [sflag:s8], $0x50  }
0xc5: {  	[sflag:s8] =	ssyncset.done @!p1 $0x0  }
0xc6: {  	[sflag:s8] =	ssyncadd.s32 @!p1 $0xFFFFFFB0  }
0xc7: {  	v2 =	vld @!p1 [tilespmem:$0x0]  }
0xc8: {  	v3 =	vld @!p1 [tilespmem:$0x80]  }
0xc9: {  	v4 =	vld @!p1 [tilespmem:$0x10]  }
0xca: {  	v5 =	vld @!p1 [tilespmem:$0x90]  }
0xcb: {  	v6 =	vld @!p1 [tilespmem:$0x20];
	_ =	sdelay $0x2  }
0xcc: {  	v7 =	vld @!p1 [tilespmem:$0xA0];
	[tilespmem:$0x180] =	vst @!p1 v3  }
0xcd: {  	v2 =	vadd.s32 @!p1 v0, v2;
	v3 =	vadd.s32 @!p1 v0, v4;
	v4 =	vld @!p1 [tilespmem:$0xB0];
	[tilespmem:$0x190] =	vst @!p1 v5  }
0xce: {  	v5 =	vadd.s32 @!p1 v0, v6;
	[tilespmem:$0x100] =	vst @!p1 v2;
	v2 =	vld @!p1 [tilespmem:$0x30]  }
0xcf: {  	[tilespmem:$0x120] =	vst @!p1 v5;
	v5 =	vld @!p1 [tilespmem:$0xC0]  }
0xd0: {  	[tilespmem:$0x110] =	vst @!p1 v3;
	v3 =	vld @!p1 [tilespmem:$0x40];
	_ =	sdelay $0x1  }
0xd1: {  	[tilespmem:$0x1A0] =	vst @!p1 v7  }
0xd2: {  	[tilespmem:$0x1B0] =	vst @!p1 v4  }
0xd3: {  	v2 =	vadd.s32 @!p1 v0, v2;
	[tilespmem:$0x1C0] =	vst @!p1 v5  }
0xd4: {  	[tilespmem:$0x130] =	vst @!p1 v2;
	v2 =	vadd.s32 @!p1 v0, v3  }
0xd5: {  	s24 =	simm.s32 @!p1 $0x100;
	s30 =	simm.s32 @!p1 $0x200;
	s8 =	simm.s32 @!p1 $0x50;
	[tilespmem:$0x140] =	vst @!p1 v2  }
0xd6: {  	[tilespmem:s30], [sflag:$0x2] =	stream.indirect.gather @!p1 [hbm4b:s3+s8], $0x80, s24, s8, $0xb8;
	[tilespmem:$0x1DC80] =	vst v63  }
0xd7: {  	s8 =	sadd.s32 @!p1 s29, s17  }
0xd8: {  	s8 =	sshll.u32 @!p1 s8, $0x4  }
0xd9: {  	s24 =	simm.s32 @!p1 $0x0;
	s30 =	simm.s32 @!p1 $0x2A00;
	s8 =	sadd.s32 @!p1 s5, s8  }
0xda: {  	[tilespmem:s30], [sflag:$0x3] =	stream.linear.gather @!p1 [hbm4b:s8+s24], $0x2800, $0x38;
	[tilespmem:$0x1DC80] =	vst v63  }
0xdb: {  	s8 =	sadd.s32 @!p1 s29, s18  }
0xdc: {  	s8 =	sshrl.u32 @!p1 s8, $0x3  }
0xdd: {  	s30 =	simm.s32 @!p1 $0x5200;
	s29 =	sadd.s32 @!p1 s6, s8  }
0xde: {  	[tilespmem:s30], [sflag:$0x5] =	stream.linear.gather @!p1 [hbm4b:s29+s24], $0x50, $0x38;
	[tilespmem:$0x1DC80] =	vst v63  }
0xdf: {  	s8 =	sadd.s32 @!p1 s7, s8;
	s29 =	simm.s32 @!p1 $0x5280  }
0xe0: {  	[tilespmem:s29], [sflag:$0x5] =	stream.linear.gather @!p1 [hbm4b:s8+s24], $0x50, $0x38;
	[tilespmem:$0x1DC80] =	vst v63  }
0xe1: {  	_ =	swait.ge [sflag:s21], $0x2800  }
0xe2: {  	[sflag:s21] =	ssyncset.done $0x0  }
0xe3: {  	[sflag:s21] =	ssyncadd.s32 $0xFFFFD800  }
0xe4: {  	_ =	swait.ge [sflag:s22], $0x2800  }
0xe5: {  	[sflag:s22] =	ssyncset.done $0x0  }
0xe6: {  	s29 =	simm.s32 $0x0;
	[sflag:s22] =	ssyncadd.s32 $0xFFFFD800  }
0xe7: {  	v5 =	vld [tilespmem:s29+$0x7C00]  }
0xe8: {  	v4 =	vld [tilespmem:s29+$0x7C10]  }
0xe9: {  	v3 =	vld [tilespmem:s29+$0x7C20]  }
0xea: {  	v2 =	vld [tilespmem:s29+$0x7C30]  }
0xeb: {  	v10 =	vld [tilespmem:s29+$0x5400]  }
0xec: {  	v9 =	vld [tilespmem:s29+$0x5410]  }
0xed: {  	v8 =	vld [tilespmem:s29+$0x5420]  }
0xee: {  	v7 =	vld [tilespmem:s29+$0x5430]  }
0xef: {  	v6 =	vld [tilespmem:s29+$0x5440];
	v63 =	vshll.u32 v5, $0x10  }
0xf0: {  	s8 =	simm.s32 $0x200;
	v11 =	vand.u32 $0xFFFF0000, v5;
	v5 =	vld [tilespmem:s29+$0x5450];
	v10 =	vadd.f32 v63, v10  }
.LBB2_7:
0xf1: {  	p1 =	sne.s32 s8, $0x9E00;
	v9 =	vadd.f32 v11, v9;
	v11 =	vshll.u32 v4, $0x10;
	v12 =	vld [tilespmem:s29+$0x5460]  }
0xf2: {  	s24 =	sshra.s32 s8, $0x2;
	v4 =	vand.u32 $0xFFFF0000, v4;
	v10 =	vmax.f32 v10, $0.0e+00;
	v8 =	vadd.f32 v11, v8;
	v11 =	vld [tilespmem:s29+$0x5470]  }
0xf3: {  	v13 =	vld [tilespmem:s24+$0x7C00];
	[tilespmem:s29+$0x5400] =	vst v10;
	v9 =	vmax.f32 v9, $0.0e+00;
	v7 =	vadd.f32 v4, v7;
	v10 =	vshll.u32 v3, $0x10  }
0xf4: {  	v4 =	vld [tilespmem:s24+$0x7C10];
	[tilespmem:s29+$0x5410] =	vst v9;
	v8 =	vmax.f32 v8, $0.0e+00;
	v9 =	vand.u32 $0xFFFF0000, v3;
	v6 =	vadd.f32 v10, v6  }
0xf5: {  	v3 =	vld [tilespmem:s24+$0x7C20];
	[tilespmem:s29+$0x5420] =	vst v8;
	v7 =	vmax.f32 v7, $0.0e+00;
	v5 =	vadd.f32 v9, v5;
	v8 =	vshll.u32 v2, $0x10  }
0xf6: {  	[tilespmem:s29+$0x5430] =	vst v7;
	v6 =	vmax.f32 v6, $0.0e+00;
	v7 =	vand.u32 $0xFFFF0000, v2;
	v2 =	vld [tilespmem:s24+$0x7C30];
	v8 =	vadd.f32 v8, v12  }
0xf7: {  	v10 =	vld [tilespmem:s24+$0x5400];
	[tilespmem:s29+$0x5440] =	vst v6;
	v5 =	vmax.f32 v5, $0.0e+00;
	v6 =	vadd.f32 v7, v11  }
.Ltmp2:
0xf8: {  	v9 =	vld [tilespmem:s24+$0x5410];
	[tilespmem:s29+$0x5450] =	vst v5;
	v5 =	vmax.f32 v8, $0.0e+00;
	(pc) =	sbr.rel @p1 .LBB2_7-.Ltmp2, $4  }
0xf9: {  	v8 =	vld [tilespmem:s24+$0x5420];
	[tilespmem:s29+$0x5460] =	vst v5;
	v5 =	vmax.f32 v6, $0.0e+00  }
0xfa: {  	v7 =	vld [tilespmem:s24+$0x5430];
	[tilespmem:s29+$0x5470] =	vst v5;
	s29 =	smov.u32 s24  }
0xfb: {  	v5 =	vshll.u32 v13, $0x10;
	v6 =	vld [tilespmem:s29+$0x5440]  }
0xfc: {  	s8 =	sadd.s32 $0x200, s8;
	v11 =	vand.u32 $0xFFFF0000, v13;
	v10 =	vadd.f32 v5, v10;
	v5 =	vld [tilespmem:s29+$0x5450]  }
0xfd: {  	v9 =	vadd.f32 v11, v9;
	v58 =	vshll.u32 v4, $0x10;
	v12 =	vld [tilespmem:s29+$0x5460]  }
0xfe: {  	v59 =	vand.u32 $0xFFFF0000, v4;
	v60 =	vld [tilespmem:s29+$0x5470];
	v10 =	vmax.f32 v10, $0.0e+00;
	v8 =	vadd.f32 v58, v8  }
0xff: {  	v61 =	vshll.u32 v3, $0x10;
	[tilespmem:s29+$0x5400] =	vst v10;
	v9 =	vmax.f32 v9, $0.0e+00;
	v4 =	vadd.f32 v59, v7  }
0x100: {  	v3 =	vand.u32 $0xFFFF0000, v3;
	[tilespmem:s29+$0x5410] =	vst v9;
	v8 =	vmax.f32 v8, $0.0e+00;
	v6 =	vadd.f32 v61, v6  }
0x101: {  	v62 =	vshll.u32 v2, $0x10;
	s28 =	sadd.s32 $0x1, s28;
	[tilespmem:s29+$0x5420] =	vst v8;
	v4 =	vmax.f32 v4, $0.0e+00;
	v3 =	vadd.f32 v3, v5  }
0x102: {  	v2 =	vand.u32 $0xFFFF0000, v2;
	p1 =	sne.s32 s28, $0x7D;
	[tilespmem:s29+$0x5430] =	vst v4;
	v63 =	vmax.f32 v6, $0.0e+00;
	v5 =	vadd.f32 v62, v12  }
.Ltmp3:
0x103: {  	v2 =	vadd.f32 v2, v60;
	[tilespmem:s29+$0x5440] =	vst v63;
	v3 =	vmax.f32 v3, $0.0e+00;
	(pc) =	sbr.rel @p1 .LBB2_4-.Ltmp3, $4  }
0x104: {  	[tilespmem:s29+$0x5450] =	vst v3;
	v3 =	vmax.f32 v5, $0.0e+00  }
0x105: {  	v2 =	vmax.f32 v2, $0.0e+00;
	[tilespmem:s29+$0x5460] =	vst v3  }
0x106: {  	[tilespmem:s29+$0x5470] =	vst v2  }
0x107: {  	[spmem:s1] =	stream.indirect.scatter.add.f32 [tilespmem:s12], [sflag:$0x8], $0x80, s23, s9, $0xb8;
	[tilespmem:$0x1DC80] =	vst v63  }
0x108: {  	s8 =	simm.s32 $0x4  }
0x109: {  	_ =	swait.ge [sflag:s8], $0x2800  }
0x10a: {  	[sflag:s8] =	ssyncset.done $0x0  }
0x10b: {  	[sflag:s8] =	ssyncadd.s32 $0xFFFFD800  }
0x10c: {  	_ =	swait.ge [sflag:s25], $0x2800  }
0x10d: {  	[sflag:s25] =	ssyncset.done $0x0  }
0x10e: {  	[sflag:s25] =	ssyncadd.s32 $0xFFFFD800  }
0x10f: {  	s29 =	stileid.u32;
	[bflag:$0x0] =	sbarrier.arrive $0xFFFF  }
0x110: {  	s8 =	sshll.u32 s29, $0x6;
	s24 =	rddreg [dreg:$0xa]  }
0x111: {  	s8 =	sor.u32 $0x1C09, s8;
	s28 =	rddreg [dreg:$0xe]  }
0x112: {  	[hbm:s24], [sflag:s8] =	dma.local [spmem:s28], $0x2700  }
0x113: {  	_ =	swait.ge [sflag:s0], $0x2700  }
0x114: {  	[sflag:s0] =	ssyncset.done $0x0;
	s24 =	rddreg [dreg:$0xb]  }
0x115: {  	s28 =	rddreg [dreg:$0xf];
	[sflag:s0] =	ssyncadd.s32 $0xFFFFD900  }
0x116: {  	[hbm:s24], [sflag:s8] =	dma.local @!p0 [spmem:s28], $0x100  }
0x117: {  	s8 =	simm.s32 @!p0 $0x9  }
0x118: {  	_ =	swait.ge @!p0 [sflag:s8], $0x100  }
0x119: {  	s26 =	sadd.s32 $0x1, s26;
	s30 =	rddreg [dreg:$0xc]  }
0x11a: {  	p1 =	sne.s32 s26, s30  }
.Ltmp4:
0x11b: {  	_ = 	snop;
	(pc) =	sbr.rel @p1 .LBB2_1-.Ltmp4, $3  }
0x11c: {  	_ =	sdelay $0x1  }
0x11d: {  	[sflag:s8] =	ssyncset.done @!p0 $0x0  }
0x11e: {  	[sflag:s8] =	ssyncadd.s32 @!p0 $0xFFFFFF00  }
0x11f: {  	_ =	sfence.sel $0x180000  }
0x120: {  	[bflag:$0x0] =	sbarrier.arrive $0xFFFF  }
0x121: {  	_ =	strace $0x9000004D  }
0x122: {  	[bflag:$0x2] =	sbarrier.arrive $0xFFFF  }
0x123: {  	s0 =	rddreg [dreg:$0x2]  }
0x124: {  	s0 =	sadd.s32 @!p0 $0x100000, s0  }
0x125: {  	[sflag:s0] =	ssyncadd.tile.s32 @!p0 $0x1;
	_ =	shalt  }
.Lfunc_end2:
_tile_overlayer_lowered:
.L_overlay_start_2:
0x126: {  	(tag) =	ssettag $0x2  }
0x127: {  	s0 =	rddreg [dreg:$0x0];
	s2 =	stileid.u32  }
0x128: {  	s1 =	rddreg [dreg:$0x1];
	p0 =	sne.s32 s2, $0x0  }
0x129: {  	s3 =	rddreg [dreg:$0x2];
	[bflag:$0x3] =	sbarrier.arrive $0xFFFF;
	s2 =	simm.s32 @!p0 $0x1C09  }
0x12a: {  	[timem:s3], [sflag:s2] =	dma.local @!p0 [hbm:s0], s1  }
0x12b: {  	s0 =	simm.s32 @!p0 $0x9  }
0x12c: {  	_ =	swait.ge @!p0 [sflag:s0], s1  }
0x12d: {  	s1 =	ssub.s32 @!p0 $0x0, s1;
	[sflag:s0] =	ssyncset.done @!p0 $0x0  }
0x12e: {  	[sflag:s0] =	ssyncadd.s32 @!p0 s1  }
0x12f: {  	[bflag:$0x3] =	sbarrier.arrive $0xFFFF  }
0x130: {  	_ =	shalt  }

// kernel: kernel.20.cloned.1.call-start
scs
__scs_entry_jumppad:
0x0: {  	(pc) =	sbr.rel $0x88, $3  }
0x1: {  	(tag) =	ssettag $0x0;
	lr =	simm.s32 $0x1  }
0x2: {  	[smem:$0x3F7B] =	sst lr;
	_ =	strace $0xD0000000  }
0x3: {  	_ = 	snop  }
0x4: {  	_ = 	snop  }
0x5: {  	_ = 	snop  }
0x6: {  	_ = 	snop  }
0x7: {  	_ = 	snop  }
__scs_overlays_trampoline_lowered:
0x8: {  	[smem:$0x3F8A] =	sst s0  }
0x9: {  	[smem:$0x3F8B] =	sst s1  }
0xa: {  	[smem:$0x3F8C] =	sst s2  }
0xb: {  	[smem:$0x3F8D] =	sst s3  }
0xc: {  	[smem:$0x3F8E] =	sst s4  }
0xd: {  	[smem:$0x3F8F] =	sst s5  }
0xe: {  	[smem:$0x3F90] =	sst s6  }
0xf: {  	[smem:$0x3F91] =	sst s7  }
0x10: {  	[smem:$0x3F92] =	sst s8  }
0x11: {  	[smem:$0x3F93] =	sst s9;
	s0 =	simm.s32 @!p0 $0x0  }
0x12: {  	s1 =	sld [smem:$0x3F79];
	s0 =	simm.s32 @p0 $0x1  }
0x13: {  	[smem:$0x3F94] =	sst s0;
	s0 =	simm.s32 @!p1 $0x0  }
0x14: {  	s2 =	sld [smem:$0x3F78];
	s0 =	simm.s32 @p1 $0x1  }
0x15: {  	[smem:$0x3F95] =	sst s0;
	s0 =	simm.s32 @!p2 $0x0  }
0x16: {  	s3 =	sld [smem:$0x3FDB];
	s0 =	simm.s32 @p2 $0x1  }
0x17: {  	s4 =	simm.s32 $0x1BF5;
	[smem:$0x3F97] =	sst s0  }
0x18: {  	s0 =	sld [smem:$0x3F7A];
	_ =	swait.ge [sflag:s4], $0x0  }
0x19: {  	s7 =	sld [smem:$0x3F7B]  }
0x1a: {  	s8 =	sadd.s32 $0xFFFFE003, lr  }
0x1b: {  	s9 =	sadd.s32 $0xFFFFFEF7, lr;
	s5 =	simm.s32 $0xFFFFFFFF;
	p2 =	slt.u32 s8, $0xFFFFF086  }
0x1c: {  	p1 =	slt.u32 s9, $0xF7A;
	s5 =	simm.s32 @!p2 $0x0  }
0x1d: {  	s5 =	simm.s32 @p1 $0x1;
	p0 =	seq.s32 s7, s2  }
0x1e: {  	s7 =	smul.u32 @!p0 $0xF7A, s2;
	p2 =	seq.s32 @!p0 s5, $0x0  }
0x1f: {  	s9 =	smul.u32 $0xF7A, s1;
	s8 =	simm.s32 @!p0 $0x1BF5;
	p2 =	por !p2, p0  }
0x20: {  	[sflag:s8] =	ssyncset.s32 @!p0 $0xFFFFF086;
	s6 =	sadd.s32 @!p0 s3, s7;
	s7 =	simm.s32 @!p0 $0x108  }
0x21: {  	s3 =	sadd.s32 s3, s9;
	s6 =	sadd.s32 @!p0 $0x88, s6;
	s7 =	simm.s32 @p2 $0x1082  }
0x22: {  	[simem:s7], [sflag:s8] =	dma.local @!p0 [hbm:s6], $0xF7A  }
0x23: {  	s9 =	sor.u32 $0xD0000000, s2;
	s6 =	simm.s32 $0x108;
	_ =	swait.ge @!p0 [sflag:s8], $0x0  }
0x24: {  	s3 =	sadd.s32 $0x88, s3;
	s6 =	simm.s32 @!p1 $0x1082;
	[sflag:s4] =	ssyncset.s32 $0xFFFFF086  }
0x25: {  	[simem:s6], [sflag:s4] =	dma.local [hbm:s3], $0xF7A  }
0x26: {  	[smem:$0x3F7B] =	sst s1;
	(tag) =	ssettag s2;
	_ =	strace s9  }
0x27: {  	s1 =	sld [smem:$0x3F8B]  }
0x28: {  	s2 =	sld [smem:$0x3F8C]  }
0x29: {  	s4 =	sld [smem:$0x3F8E]  }
0x2a: {  	p0 =	seq.s32 s5, $0x0;
	s5 =	sld [smem:$0x3F8F]  }
0x2b: {  	s6 =	sld [smem:$0x3F90]  }
0x2c: {  	s7 =	sld [smem:$0x3F91]  }
0x2d: {  	s3 =	simm.s32 $0x108;
	s8 =	sld [smem:$0x3F92]  }
0x2e: {  	s3 =	simm.s32 @!p0 $0x1082;
	s9 =	sld [smem:$0x3F93]  }
0x2f: {  	lr =	sadd.s32 s0, s3;
	s0 =	sld [smem:$0x3F8A]  }
0x30: {  	s3 =	sld [smem:$0x3F8D]  }
0x31: {  	[smem:$0x3F96] =	sst s10  }
0x32: {  	s10 =	sld [smem:$0x3F94];
	_ =	sdelay $0x3  }
0x33: {  	p0 =	seq.s32 s10, $0x1;
	s10 =	sld [smem:$0x3F96];
	_ =	sdelay $0x3  }
0x34: {  	[smem:$0x3F96] =	sst s10  }
0x35: {  	s10 =	sld [smem:$0x3F95];
	_ =	sdelay $0x3  }
0x36: {  	p1 =	seq.s32 s10, $0x1;
	s10 =	sld [smem:$0x3F96];
	_ =	sdelay $0x3  }
0x37: {  	[smem:$0x3F96] =	sst s10  }
0x38: {  	s10 =	sld [smem:$0x3F97]  }
0x39: {  	_ = 	snop;
	(pc) =	sbr.ind lr, $3  }
0x3a: {  	_ = 	snop  }
0x3b: {  	_ = 	snop  }
0x3c: {  	p2 =	seq.s32 s10, $0x1;
	s10 =	sld [smem:$0x3F96]  }
0x3d: {  	_ =	shalt  }
0x3e: {  	_ =	shalt  }
0x3f: {  	_ =	shalt  }
0x40: {  	_ =	shalt  }
0x41: {  	_ =	shalt  }
0x42: {  	_ =	shalt  }
0x43: {  	_ =	shalt  }
0x44: {  	_ =	shalt  }
0x45: {  	_ =	shalt  }
0x46: {  	_ =	shalt  }
0x47: {  	_ =	shalt  }
0x48: {  	_ =	shalt  }
0x49: {  	_ =	shalt  }
0x4a: {  	_ =	shalt  }
0x4b: {  	_ =	shalt  }
0x4c: {  	_ =	shalt  }
0x4d: {  	_ =	shalt  }
0x4e: {  	_ =	shalt  }
0x4f: {  	_ =	shalt  }
0x50: {  	_ =	shalt  }
0x51: {  	_ =	shalt  }
0x52: {  	_ =	shalt  }
0x53: {  	_ =	shalt  }
0x54: {  	_ =	shalt  }
0x55: {  	_ =	shalt  }
0x56: {  	_ =	shalt  }
0x57: {  	_ =	shalt  }
0x58: {  	_ =	shalt  }
0x59: {  	_ =	shalt  }
0x5a: {  	_ =	shalt  }
0x5b: {  	_ =	shalt  }
0x5c: {  	_ =	shalt  }
0x5d: {  	_ =	shalt  }
0x5e: {  	_ =	shalt  }
0x5f: {  	_ =	shalt  }
0x60: {  	_ =	shalt  }
0x61: {  	_ =	shalt  }
0x62: {  	_ =	shalt  }
0x63: {  	_ =	shalt  }
0x64: {  	_ =	shalt  }
0x65: {  	_ =	shalt  }
0x66: {  	_ =	shalt  }
0x67: {  	_ =	shalt  }
0x68: {  	_ =	shalt  }
0x69: {  	_ =	shalt  }
0x6a: {  	_ =	shalt  }
0x6b: {  	_ =	shalt  }
0x6c: {  	_ =	shalt  }
0x6d: {  	_ =	shalt  }
0x6e: {  	_ =	shalt  }
0x6f: {  	_ =	shalt  }
0x70: {  	_ =	shalt  }
0x71: {  	_ =	shalt  }
0x72: {  	_ =	shalt  }
0x73: {  	_ =	shalt  }
0x74: {  	_ =	shalt  }
0x75: {  	_ =	shalt  }
0x76: {  	_ =	shalt  }
0x77: {  	_ =	shalt  }
0x78: {  	_ =	shalt  }
0x79: {  	_ =	shalt  }
0x7a: {  	_ =	shalt  }
0x7b: {  	_ =	shalt  }
0x7c: {  	_ =	shalt  }
0x7d: {  	_ =	shalt  }
0x7e: {  	_ =	shalt  }
0x7f: {  	_ =	shalt  }
0x80: {  	_ =	shalt  }
0x81: {  	_ =	shalt  }
0x82: {  	_ =	shalt  }
0x83: {  	_ =	shalt  }
0x84: {  	_ =	shalt  }
0x85: {  	_ =	shalt  }
0x86: {  	_ =	shalt  }
0x87: {  	_ =	shalt  }
.Lfunc_end0:
.L_simem_size_0:
called_computation.3_lowered:
.L_overlay_start_0:
0x88: {  	s2 =	sld [smem:$0x3FD9]  }
0x89: {  	s3 =	sld [smem:$0x3FFE];
	_ =	sdelay $0x1  }
0x8a: {  	s1 =	srdreg.scid  }
0x8b: {  	s0 =	sand.u32 $0x1, s1  }
0x8c: {  	s16 =	sshll.u32 s0, $0xA;
	s2 =	sadd.s32 s3, s2  }
0x8d: {  	s2 =	sadd.s32 s2, s16  }
0x8e: {  	[smem:$0x3FA2] =	sst s2  }
0x8f: {  	_ = 	snop  }
0x90: {  	(tm) =	ssettm $0x1  }
0x91: {  	s17 =	sld [smem:$0x3FFB];
	_ =	sdelay $0x3  }
0x92: {  	_ =	strace s17  }
0x93: {  	s2 =	sld [smem:$0x3FFC];
	_ =	sdelay $0x3  }
0x94: {  	_ =	strace s2  }
0x95: {  	s2 =	sld [smem:$0x3FFD];
	_ =	sdelay $0x3  }
0x96: {  	_ =	strace s2  }
0x97: {  	_ =	strace $0x8FFFFFFF  }
0x98: {  	s18 =	sld [smem:$0x3FDB];
	_ =	sdelay $0x1  }
0x99: {  	s19 =	simm.s32 $_scs_section_size  }
0x9a: {  	s4 =	simm.s32 $_size__tile_overlayer_lowered;
	s5 =	simm.s32 $_tile_overlayer_lowered  }
0x9b: {  	s22 =	simm.s32 $0x1BFF;
	s21 =	sshll.u32 s5, $0x1;
	s2 =	sadd.s32 s19, s18  }
0x9c: {  	s6 =	simm.s32 $0x0;
	s20 =	sshll.u32 s4, $0x1;
	s4 =	sadd.s32 s21, s2  }
0x9d: {  	[timem:s6], [sflag:s22] =	dma.local [hbm:s4], s20  }
0x9e: {  	_ =	swait.ge [sflag:s22], s20  }
0x9f: {  	s3 =	ssub.s32 $0x0, s20;
	[sflag:s22] =	ssyncset.done $0x0  }
0xa0: {  	[sflag:s22] =	ssyncadd.s32 s3;
	_ =	sdelay $0x1  }
0xa1: {  	s23 =	simm.s32 $0x1B8B  }
0xa2: {  	_ =	swait.ge [sflag:s23], $0x1  }
0xa3: {  	[sflag:s23] =	ssyncset.done $0x0  }
0xa4: {  	s25 =	simm.s32 $0x1B8E;
	s24 =	sld [smem:$0x3FFE];
	[sflag:s23] =	ssyncadd.s32 $0xFFFFFFFF  }
0xa5: {  	s26 =	simm.s32 $execute0_lowered;
	[smem:$0x3FD2] =	sst s25  }
0xa6: {  	s4 =	sshll.u32 s26, $0x1;
	_ =	strace $0x8000004F;
	[dreg:$0x1] =	wrdreg $0xFFFFFFFF  }
0xa7: {  	s28 =	simm.s32 $_size_execute0_lowered;
	s2 =	sadd.s32 s2, s4;
	[dreg:$0x0] =	wrdreg $0x0  }
0xa8: {  	s4 =	sshll.u32 s28, $0x1;
	[dreg:$0x2] =	wrdreg s2  }
0xa9: {  	[dreg:$0x3] =	wrdreg s4  }
0xaa: {  	[dreg:$0x4] =	wrdreg $0xC0  }
0xab: {  	_ =	task [dreg:s6], $0x5FFFF  }
0xac: {  	[dreg:$0x1] =	wrdreg $0xFFFFFFFF  }
0xad: {  	[dreg:$0x0] =	wrdreg $0x60  }
0xae: {  	[dreg:$0x2] =	wrdreg s24  }
0xaf: {  	[dreg:$0x3] =	wrdreg $0xA4000  }
0xb0: {  	[dreg:$0x4] =	wrdreg $0x9  }
0xb1: {  	_ =	task.clear_ibuf [dreg:s6], $0x5FFFF;
	_ =	strace $0x9000004F  }
0xb2: {  	s29 =	simm.s32 $0x9;
	_ =	strace $0x80000051  }
0xb3: {  	_ =	swait.ge [sflag:s29], $0x1  }
0xb4: {  	[sflag:s29] =	ssyncadd.s32 $0xFFFFFFFF  }
0xb5: {  	_ =	strace $0x90000051  }
0xb6: {  	_ =	sfence  }
0xb7: {  	s30 =	sld [smem:$0x0];
	_ =	sdelay $0x2  }
0xb8: {  	s31 =	sshll.u32 s1, $0xD;
	s1 =	sshrl.u32 s1, $0x2  }
0xb9: {  	s3 =	sand.u32 $0x4000, s31;
	s1 =	sadd.s32 s1, s30  }
0xba: {  	s0 =	sor.u32 s3, s0;
	s1 =	sshll.u32 s1, $0x11  }
0xbb: {  	s0 =	sor.u32 s1, s0  }
0xbc: {  	s0 =	sadd.s32 $0x8F2B, s0  }
0xbd: {  	[sflag:s0] =	ssyncadd.remote.s32 $0x1  }
0xbe: {  	_ =	sfence.sel $0xFFFF  }
0xbf: {  	[dreg:$0x0] =	wrdreg $0xFFFFFFFF;
	(pc) =	sbr.abs _section_cstart, $3  }
0xc0: {  	[dreg:$0x1] =	wrdreg $0xFFFFFFFF  }
0xc1: {  	_ =	task.clear_ibuf [dreg:s6], $0x2FFFF;
	_ =	strace $0x9FFFFFFF  }
0xc2: {  	(tm) =	ssettm $0x7FFFFFFF  }
0xc3: {  	_ =	shalt  }
tec
execute0_lowered:
.L_overlay_start_1:
0x0: {  	(tag) =	ssettag $0x1  }
0x1: {  	s0 =	rddreg [dreg:$0x0]  }
0x2: {  	s1 =	rddreg [dreg:$0x1]  }
0x3: {  	s2 =	simm.s32 $0x0;
	s4 =	srdreg.scid;
	s13 =	stileid.u32  }
0x4: {  	s31 =	simm.s32 $0x200;
	[smem:$0x7FF] =	sst s2;
	s8 =	smul.u32 $0x4E200, s13  }
0x5: {  	s3 =	sadd.s32 $0x1AC00, s0;
	s5 =	sadd.s32 $0xFAB200, s0;
	s11 =	smul.u32 $0x4E20, s13  }
0x6: {  	s4 =	sand.u32 $0x1, s4;
	s6 =	sadd.s32 $0x7000, s0;
	s30 =	smul.u32 $0x4E000, s13  }
0x7: {  	s7 =	sadd.s32 $0x10E00, s0;
	s0 =	sadd.s32 $0x68E00, s0;
	s19 =	smul.u32 $0x270, s13  }
0x8: {  	p0 =	sne.s32 s13, $0x0;
	s13 =	simm.s32 $0x7C00;
	s22 =	smul.u32 $0x4E200, s4  }
0x9: {  	_ =	strace $0x80000050;
	s9 =	ssub.s32 $0x2, s4;
	s24 =	smul.u32 $0x2710, s4  }
0xa: {  	s4 =	smul.u32 $0x138800, s4;
	s10 =	sshrl.u32 s9, $0x1;
	s8 =	sshrl.u32 s8, $0x2  }
0xb: {  	s23 =	sshrl.u32 s11, $0x3;
	s16 =	sadd.s32 $0xA0, s11;
	s18 =	sadd.s32 $0xF0, s11  }
0xc: {  	s20 =	sshrl.u32 s30, $0x2;
	s9 =	ssub.s32 s9, s10;
	s12 =	sadd.s32 s6, s23  }
0xd: {  	s14 =	sadd.s32 s8, s1;
	s10 =	sadd.s32 s7, s23;
	[dreg:$0x5] =	wrdreg s12  }
0xe: {  	s25 =	sadd.s32 $0xA, s23;
	s4 =	sshrl.u32 s4, $0x3;
	[dreg:$0x6] =	wrdreg s10  }
0xf: {  	s8 =	sadd.s32 $0x11800, s14;
	s26 =	sadd.s32 s6, s25;
	[dreg:$0x3] =	wrdreg s14  }
0x10: {  	s28 =	sadd.s32 s7, s25;
	s21 =	smax.u32 s9, $0x1;
	[dreg:$0x4] =	wrdreg s8  }
0x11: {  	s25 =	sadd.s32 $0x5000, s14;
	s30 =	sadd.s32 $0xF000, s14;
	[dreg:$0x7] =	wrdreg s26  }
0x12: {  	s9 =	simm.s32 $0x50;
	s12 =	simm.s32 $0x5400;
	[dreg:$0x8] =	wrdreg s28  }
0x13: {  	s8 =	sadd.s32 s11, s22;
	[dreg:$0xc] =	wrdreg s21;
	s22 =	sadd.s32 $0x2800, s14  }
0x14: {  	[dreg:$0x10] =	wrdreg s25;
	s26 =	sadd.s32 $0x7800, s14;
	s28 =	sadd.s32 $0xA000, s14  }
0x15: {  	[dreg:$0x14] =	wrdreg s30;
	s11 =	simm.s32 $0x5300;
	s21 =	simm.s32 $0x6  }
0x16: {  	s25 =	simm.s32 $0x8;
	s29 =	sshll.u32 s8, $0x4;
	[dreg:$0xd] =	wrdreg s22  }
0x17: {  	s15 =	sadd.s32 $0x50, s8;
	s17 =	sadd.s32 $0xA0, s8;
	[dreg:$0x11] =	wrdreg s26  }
0x18: {  	s8 =	sadd.s32 s20, s1;
	[dreg:$0x12] =	wrdreg s28;
	s20 =	simm.s32 $0x180  }
0x19: {  	s22 =	simm.s32 $0x7;
	s26 =	simm.s32 $0x0;
	s10 =	sadd.s32 s5, s29  }
0x1a: {  	s23 =	sshrl.u32 s8, $0x3;
	s29 =	sadd.s32 $0xC800, s14;
	[dreg:$0x9] =	wrdreg s10  }
0x1b: {  	s14 =	simm.s32 $0x2;
	s10 =	sadd.s32 s19, s24;
	[dreg:$0xe] =	wrdreg s23  }
0x1c: {  	[dreg:$0x13] =	wrdreg s29;
	s19 =	simm.s32 $0x3;
	s10 =	sshll.u32 s10, $0x4  }
0x1d: {  	s23 =	simm.s32 $0x5380;
	s10 =	sadd.s32 s0, s10;
	s0 =	sadd.s32 s0, s4  }
0x1e: {  	[dreg:$0xa] =	wrdreg s10;
	s10 =	sadd.s32 $0x138000, s1;
	s0 =	sadd.s32 $0x27000, s0  }
0x1f: {  	s4 =	simm.s32 $0x1;
	[dreg:$0xb] =	wrdreg s0;
	s0 =	sshrl.u32 @!p0 s10, $0x3  }
0x20: {  	v1 =	vimm.f32 $0.0e+00;
	v0 =	vmov s24;
	s10 =	simm.s32 $0x5;
	[dreg:$0xf] =	wrdreg s0;
	s0 =	simm.s32 $0x9  }
.LBB2_1:
0x21: {  	s8 =	simm.s32 $0x0;
	s28 =	simm.s32 $0x200  }
.LBB2_2:
0x22: {  	p1 =	sne.s32 s28, $0x9E00;
	[tilespmem:s8+$0x270] =	vst v1  }
0x23: {  	[tilespmem:s8+$0x200] =	vst v1  }
0x24: {  	[tilespmem:s8+$0x210] =	vst v1  }
.Ltmp0:
0x25: {  	[tilespmem:s8+$0x220] =	vst v1;
	(pc) =	sbr.rel @p1 .LBB2_2-.Ltmp0, $4  }
0x26: {  	[tilespmem:s8+$0x230] =	vst v1  }
0x27: {  	[tilespmem:s8+$0x240] =	vst v1  }
0x28: {  	[tilespmem:s8+$0x250] =	vst v1  }
0x29: {  	[tilespmem:s8+$0x260] =	vst v1;
	s8 =	sshra.s32 s28, $0x2;
	s28 =	sadd.s32 $0x200, s28  }
0x2a: {  	[tilespmem:s8+$0x270] =	vst v1  }
0x2b: {  	[tilespmem:s8+$0x200] =	vst v1  }
0x2c: {  	[tilespmem:s8+$0x210] =	vst v1  }
0x2d: {  	[tilespmem:s8+$0x220] =	vst v1  }
0x2e: {  	[tilespmem:s8+$0x230] =	vst v1  }
0x2f: {  	[tilespmem:s8+$0x240] =	vst v1  }
0x30: {  	[tilespmem:s8+$0x250] =	vst v1  }
0x31: {  	[tilespmem:s8+$0x260] =	vst v1;
	s30 =	rddreg [dreg:$0x3]  }
0x32: {  	[spmem:s30] =	stream.linear.scatter [tilespmem:s31], [sflag:$0x9], $0x2800, $0x38;
	[tilespmem:$0x1DC80] =	vst v63  }
0x33: {  	_ =	swait.ge [sflag:s0], $0x2800  }
0x34: {  	[sflag:s0] =	ssyncset.done $0x0  }
0x35: {  	s24 =	rddreg [dreg:$0xd];
	[sflag:s0] =	ssyncadd.s32 $0xFFFFD800  }
0x36: {  	[spmem:s24] =	stream.linear.scatter [tilespmem:s31], [sflag:$0x9], $0x2800, $0x38;
	[tilespmem:$0x1DC80] =	vst v63  }
0x37: {  	_ =	swait.ge [sflag:s0], $0x2800  }
0x38: {  	[sflag:s0] =	ssyncset.done $0x0  }
0x39: {  	s29 =	rddreg [dreg:$0x10];
	[sflag:s0] =	ssyncadd.s32 $0xFFFFD800  }
0x3a: {  	[spmem:s29] =	stream.linear.scatter [tilespmem:s31], [sflag:$0x9], $0x2800, $0x38;
	[tilespmem:$0x1DC80] =	vst v63  }
0x3b: {  	_ =	swait.ge [sflag:s0], $0x2800  }
0x3c: {  	[sflag:s0] =	ssyncset.done $0x0  }
0x3d: {  	s30 =	rddreg [dreg:$0x11];
	[sflag:s0] =	ssyncadd.s32 $0xFFFFD800  }
0x3e: {  	[spmem:s30] =	stream.linear.scatter [tilespmem:s31], [sflag:$0x9], $0x2800, $0x38;
	[tilespmem:$0x1DC80] =	vst v63  }
0x3f: {  	_ =	swait.ge [sflag:s0], $0x2800  }
0x40: {  	[sflag:s0] =	ssyncset.done $0x0  }
0x41: {  	s24 =	rddreg [dreg:$0x12];
	[sflag:s0] =	ssyncadd.s32 $0xFFFFD800  }
0x42: {  	[spmem:s24] =	stream.linear.scatter [tilespmem:s31], [sflag:$0x9], $0x2800, $0x38;
	[tilespmem:$0x1DC80] =	vst v63  }
0x43: {  	_ =	swait.ge [sflag:s0], $0x2800  }
0x44: {  	[sflag:s0] =	ssyncset.done $0x0  }
0x45: {  	s29 =	rddreg [dreg:$0x13];
	[sflag:s0] =	ssyncadd.s32 $0xFFFFD800  }
0x46: {  	[spmem:s29] =	stream.linear.scatter [tilespmem:s31], [sflag:$0x9], $0x2800, $0x38;
	[tilespmem:$0x1DC80] =	vst v63  }
0x47: {  	_ =	swait.ge [sflag:s0], $0x2800  }
0x48: {  	[sflag:s0] =	ssyncset.done $0x0  }
0x49: {  	s30 =	rddreg [dreg:$0x14];
	[sflag:s0] =	ssyncadd.s32 $0xFFFFD800  }
0x4a: {  	[spmem:s30] =	stream.linear.scatter [tilespmem:s31], [sflag:$0x9], $0x2800, $0x38;
	[tilespmem:$0x1DC80] =	vst v63  }
0x4b: {  	_ =	swait.ge [sflag:s0], $0x2800  }
0x4c: {  	[sflag:s0] =	ssyncset.done $0x0  }
0x4d: {  	s24 =	rddreg [dreg:$0x4];
	[sflag:s0] =	ssyncadd.s32 $0xFFFFD800  }
0x4e: {  	[spmem:s24] =	stream.linear.scatter [tilespmem:s31], [sflag:$0x9], $0x2080, $0x38;
	[tilespmem:$0x1DC80] =	vst v63  }
0x4f: {  	_ =	swait.ge [sflag:s0], $0x2080  }
0x50: {  	[sflag:s0] =	ssyncset.done $0x0  }
0x51: {  	[sflag:s0] =	ssyncadd.s32 $0xFFFFDF80  }
0x52: {  	[bflag:$0x0] =	sbarrier.arrive $0xFFFF  }
0x53: {  	s28 =	simm.s32 $0x0;
	s29 =	rddreg [dreg:$0x5]  }
0x54: {  	[tilespmem:s28], [sflag:$0x1] =	stream.linear.gather [hbm4b:s29+s28], $0x50, $0x38;
	[tilespmem:$0x1DC80] =	vst v63  }
0x55: {  	s24 =	simm.s32 $0x80;
	s30 =	rddreg [dreg:$0x6]  }
0x56: {  	[tilespmem:s24], [sflag:$0x1] =	stream.linear.gather [hbm4b:s30+s28], $0x50, $0x38;
	[tilespmem:$0x1DC80] =	vst v63  }
0x57: {  	s29 =	rddreg [dreg:$0x7];
	s30 =	simm.s32 $0x5200  }
0x58: {  	[tilespmem:s30], [sflag:$0x5] =	stream.linear.gather [hbm4b:s29+s28], $0x50, $0x38;
	[tilespmem:$0x1DC80] =	vst v63  }
0x59: {  	s29 =	rddreg [dreg:$0x8];
	s30 =	simm.s32 $0x5280  }
0x5a: {  	[tilespmem:s30], [sflag:$0x5] =	stream.linear.gather [hbm4b:s29+s28], $0x50, $0x38;
	[tilespmem:$0x1DC80] =	vst v63  }
0x5b: {  	_ =	swait.ge [sflag:s4], $0x50  }
0x5c: {  	[sflag:s4] =	ssyncset.done $0x0  }
0x5d: {  	[sflag:s4] =	ssyncadd.s32 $0xFFFFFFB0  }
0x5e: {  	_ =	swait.ge [sflag:s4], $0x50  }
0x5f: {  	[sflag:s4] =	ssyncset.done $0x0  }
0x60: {  	[sflag:s4] =	ssyncadd.s32 $0xFFFFFFB0  }
0x61: {  	v2 =	vld [tilespmem:$0x0]  }
0x62: {  	v3 =	vld [tilespmem:$0x80]  }
0x63: {  	v5 =	vld [tilespmem:$0x90]  }
0x64: {  	v4 =	vld [tilespmem:$0x10]  }
0x65: {  	v6 =	vld [tilespmem:$0x20]  }
0x66: {  	v7 =	vld [tilespmem:$0xA0]  }
0x67: {  	v61 =	vld [tilespmem:$0xB0];
	[tilespmem:$0x180] =	vst v3  }
0x68: {  	v63 =	vld [tilespmem:$0xC0];
	v2 =	vadd.s32 v0, v2;
	[tilespmem:$0x190] =	vst v5  }
0x69: {  	v3 =	vadd.s32 v0, v4;
	[tilespmem:$0x100] =	vst v2;
	v2 =	vld [tilespmem:$0x30]  }
0x6a: {  	[tilespmem:$0x110] =	vst v3;
	v3 =	vld [tilespmem:$0x40]  }
0x6b: {  	[tilespmem:$0x1A0] =	vst v7  }
0x6c: {  	[tilespmem:$0x1B0] =	vst v61  }
0x6d: {  	v62 =	vadd.s32 v0, v6;
	[tilespmem:$0x1C0] =	vst v63  }
0x6e: {  	[tilespmem:$0x120] =	vst v62;
	v2 =	vadd.s32 v0, v2  }
0x6f: {  	[tilespmem:$0x130] =	vst v2;
	v2 =	vadd.s32 v0, v3  }
0x70: {  	s24 =	simm.s32 $0x100;
	[tilespmem:$0x140] =	vst v2  }
0x71: {  	[tilespmem:s31], [sflag:$0x2] =	stream.indirect.gather [hbm4b:s3+s9], $0x80, s24, s9, $0xb8;
	[tilespmem:$0x1DC80] =	vst v63  }
0x72: {  	s30 =	simm.s32 $0x2A00;
	s29 =	rddreg [dreg:$0x9]  }
0x73: {  	[tilespmem:s30], [sflag:$0x3] =	stream.linear.gather [hbm4b:s29+s28], $0x2800, $0x38;
	[tilespmem:$0x1DC80] =	vst v63  }
.LBB2_4:
0x74: {  	p1 =	seq.s32 s28, $0x0  }
0x75: {  	s8 =	simm.s32 @!p1 $0x8  }
0x76: {  	_ =	swait.ge @!p1 [sflag:s8], $0x2800  }
0x77: {  	[sflag:s8] =	ssyncset.done @!p1 $0x0  }
0x78: {  	[sflag:s8] =	ssyncadd.s32 @!p1 $0xFFFFD800  }
0x79: {  	_ =	swait.ge [sflag:s10], $0x50  }
0x7a: {  	[sflag:s10] =	ssyncset.done $0x0  }
0x7b: {  	[sflag:s10] =	ssyncadd.s32 $0xFFFFFFB0  }
0x7c: {  	_ =	swait.ge [sflag:s10], $0x50  }
0x7d: {  	[sflag:s10] =	ssyncset.done $0x0  }
0x7e: {  	[sflag:s10] =	ssyncadd.s32 $0xFFFFFFB0  }
0x7f: {  	v2 =	vld [tilespmem:$0x5200]  }
0x80: {  	v3 =	vld [tilespmem:$0x5280]  }
0x81: {  	v4 =	vld [tilespmem:$0x5210]  }
0x82: {  	v5 =	vld [tilespmem:$0x5290]  }
0x83: {  	v6 =	vld [tilespmem:$0x5220];
	_ =	sdelay $0x2  }
0x84: {  	v7 =	vld [tilespmem:$0x52A0];
	[tilespmem:$0x5380] =	vst v3  }
0x85: {  	v2 =	vadd.s32 v0, v2;
	v3 =	vadd.s32 v0, v4;
	v4 =	vld [tilespmem:$0x52B0];
	[tilespmem:$0x5390] =	vst v5  }
0x86: {  	v5 =	vadd.s32 v0, v6;
	[tilespmem:$0x5300] =	vst v2;
	v2 =	vld [tilespmem:$0x5230]  }
0x87: {  	[tilespmem:$0x5320] =	vst v5;
	v5 =	vld [tilespmem:$0x52C0]  }
0x88: {  	[tilespmem:$0x5310] =	vst v3;
	v3 =	vld [tilespmem:$0x5240];
	_ =	sdelay $0x1  }
0x89: {  	[tilespmem:$0x53A0] =	vst v7  }
0x8a: {  	s29 =	smul.u32 $0xA0, s28;
	[tilespmem:$0x53B0] =	vst v4  }
0x8b: {  	v2 =	vadd.s32 v0, v2;
	[tilespmem:$0x53C0] =	vst v5  }
0x8c: {  	s24 =	sadd.s32 s29, s15;
	[tilespmem:$0x5330] =	vst v2;
	v2 =	vadd.s32 v0, v3  }
0x8d: {  	s8 =	sshll.u32 s24, $0x4;
	[tilespmem:$0x5340] =	vst v2  }
0x8e: {  	[tilespmem:s12], [sflag:$0x6] =	stream.indirect.gather [hbm4b:s3+s9], $0x80, s11, s9, $0xb8;
	[tilespmem:$0x1DC80] =	vst v63  }
0x8f: {  	p1 =	seq.s32 s28, $0x7C;
	s8 =	sadd.s32 s5, s8  }
0x90: {  	[tilespmem:s13], [sflag:$0x7] =	stream.linear.gather [hbm4b:s8+s2], $0x2800, $0x38;
	[tilespmem:$0x1DC80] =	vst v63  }
0x91: {  	s8 =	sadd.s32 @!p1 s29, s16  }
0x92: {  	s8 =	sshrl.u32 @!p1 s8, $0x3  }
0x93: {  	s24 =	simm.s32 @!p1 $0x0;
	s30 =	sadd.s32 @!p1 s6, s8  }
0x94: {  	[tilespmem:s24], [sflag:$0x1] =	stream.linear.gather @!p1 [hbm4b:s30+s24], $0x50, $0x38;
	[tilespmem:$0x1DC80] =	vst v63  }
0x95: {  	s8 =	sadd.s32 @!p1 s7, s8;
	s30 =	simm.s32 @!p1 $0x80  }
0x96: {  	[tilespmem:s30], [sflag:$0x1] =	stream.linear.gather @!p1 [hbm4b:s8+s24], $0x50, $0x38;
	[tilespmem:$0x1DC80] =	vst v63  }
0x97: {  	_ =	swait.ge [sflag:s14], $0x2800  }
0x98: {  	[sflag:s14] =	ssyncset.done $0x0  }
0x99: {  	[sflag:s14] =	ssyncadd.s32 $0xFFFFD800  }
0x9a: {  	_ =	swait.ge [sflag:s19], $0x2800  }
0x9b: {  	[sflag:s19] =	ssyncset.done $0x0  }
0x9c: {  	s30 =	simm.s32 $0x0;
	[sflag:s19] =	ssyncadd.s32 $0xFFFFD800  }
0x9d: {  	v5 =	vld [tilespmem:s30+$0x2A00]  }
0x9e: {  	v4 =	vld [tilespmem:s30+$0x2A10]  }
0x9f: {  	v3 =	vld [tilespmem:s30+$0x2A20]  }
0xa0: {  	v2 =	vld [tilespmem:s30+$0x2A30]  }
0xa1: {  	v10 =	vld [tilespmem:s30+$0x200]  }
0xa2: {  	v9 =	vld [tilespmem:s30+$0x210]  }
0xa3: {  	v8 =	vld [tilespmem:s30+$0x220]  }
0xa4: {  	v7 =	vld [tilespmem:s30+$0x230]  }
0xa5: {  	v6 =	vld [tilespmem:s30+$0x240];
	v12 =	vshll.u32 v5, $0x10  }
0xa6: {  	s8 =	simm.s32 $0x200;
	v11 =	vand.u32 $0xFFFF0000, v5;
	v5 =	vld [tilespmem:s30+$0x250];
	v10 =	vadd.f32 v12, v10  }
.LBB2_5:
0xa7: {  	p2 =	sne.s32 s8, $0x9E00;
	v9 =	vadd.f32 v11, v9;
	v11 =	vshll.u32 v4, $0x10;
	v12 =	vld [tilespmem:s30+$0x260]  }
0xa8: {  	s24 =	sshra.s32 s8, $0x2;
	v4 =	vand.u32 $0xFFFF0000, v4;
	v10 =	vmax.f32 v10, $0.0e+00;
	v8 =	vadd.f32 v11, v8;
	v11 =	vld [tilespmem:s30+$0x270]  }
0xa9: {  	v13 =	vld [tilespmem:s24+$0x2A00];
	[tilespmem:s30+$0x200] =	vst v10;
	v9 =	vmax.f32 v9, $0.0e+00;
	v7 =	vadd.f32 v4, v7;
	v10 =	vshll.u32 v3, $0x10  }
0xaa: {  	v4 =	vld [tilespmem:s24+$0x2A10];
	[tilespmem:s30+$0x210] =	vst v9;
	v8 =	vmax.f32 v8, $0.0e+00;
	v9 =	vand.u32 $0xFFFF0000, v3;
	v6 =	vadd.f32 v10, v6  }
0xab: {  	v3 =	vld [tilespmem:s24+$0x2A20];
	[tilespmem:s30+$0x220] =	vst v8;
	v7 =	vmax.f32 v7, $0.0e+00;
	v5 =	vadd.f32 v9, v5;
	v8 =	vshll.u32 v2, $0x10  }
0xac: {  	[tilespmem:s30+$0x230] =	vst v7;
	v6 =	vmax.f32 v6, $0.0e+00;
	v7 =	vand.u32 $0xFFFF0000, v2;
	v2 =	vld [tilespmem:s24+$0x2A30];
	v8 =	vadd.f32 v8, v12  }
0xad: {  	v10 =	vld [tilespmem:s24+$0x200];
	[tilespmem:s30+$0x240] =	vst v6;
	v5 =	vmax.f32 v5, $0.0e+00;
	v6 =	vadd.f32 v7, v11  }
.Ltmp1:
0xae: {  	v9 =	vld [tilespmem:s24+$0x210];
	[tilespmem:s30+$0x250] =	vst v5;
	v5 =	vmax.f32 v8, $0.0e+00;
	(pc) =	sbr.rel @p2 .LBB2_5-.Ltmp1, $4  }
0xaf: {  	v8 =	vld [tilespmem:s24+$0x220];
	[tilespmem:s30+$0x260] =	vst v5;
	v5 =	vmax.f32 v6, $0.0e+00  }
0xb0: {  	v7 =	vld [tilespmem:s24+$0x230];
	[tilespmem:s30+$0x270] =	vst v5;
	s30 =	smov.u32 s24  }
0xb1: {  	v5 =	vshll.u32 v13, $0x10;
	v6 =	vld [tilespmem:s30+$0x240]  }
0xb2: {  	s8 =	sadd.s32 $0x200, s8;
	v11 =	vand.u32 $0xFFFF0000, v13;
	v10 =	vadd.f32 v5, v10;
	v5 =	vld [tilespmem:s30+$0x250]  }
0xb3: {  	v9 =	vadd.f32 v11, v9;
	v11 =	vshll.u32 v4, $0x10;
	v12 =	vld [tilespmem:s30+$0x260]  }
0xb4: {  	v4 =	vand.u32 $0xFFFF0000, v4;
	v10 =	vmax.f32 v10, $0.0e+00;
	v8 =	vadd.f32 v11, v8;
	v11 =	vld [tilespmem:s30+$0x270]  }
0xb5: {  	[tilespmem:s30+$0x200] =	vst v10;
	v9 =	vmax.f32 v9, $0.0e+00;
	v4 =	vadd.f32 v4, v7;
	v7 =	vshll.u32 v3, $0x10  }
0xb6: {  	v3 =	vand.u32 $0xFFFF0000, v3;
	[tilespmem:s30+$0x210] =	vst v9;
	v8 =	vmax.f32 v8, $0.0e+00;
	v6 =	vadd.f32 v7, v6  }
0xb7: {  	[tilespmem:s30+$0x220] =	vst v8;
	v4 =	vmax.f32 v4, $0.0e+00;
	v3 =	vadd.f32 v3, v5;
	v5 =	vshll.u32 v2, $0x10  }
0xb8: {  	v2 =	vand.u32 $0xFFFF0000, v2;
	[tilespmem:s30+$0x230] =	vst v4;
	v4 =	vmax.f32 v6, $0.0e+00;
	v5 =	vadd.f32 v5, v12  }
0xb9: {  	[tilespmem:s30+$0x240] =	vst v4;
	v3 =	vmax.f32 v3, $0.0e+00;
	v2 =	vadd.f32 v2, v11  }
0xba: {  	[tilespmem:s30+$0x250] =	vst v3;
	v3 =	vmax.f32 v5, $0.0e+00  }
0xbb: {  	[tilespmem:s30+$0x260] =	vst v3;
	v2 =	vmax.f32 v2, $0.0e+00  }
0xbc: {  	s8 =	simm.s32 @!p1 $0x4;
	[tilespmem:s30+$0x270] =	vst v2  }
0xbd: {  	[spmem:s1] =	stream.indirect.scatter.add.f32 [tilespmem:s31], [sflag:$0x4], $0x80, s20, s9, $0xb8;
	[tilespmem:$0x1DC80] =	vst v63  }
0xbe: {  	_ =	swait.ge @!p1 [sflag:s8], $0x2800  }
0xbf: {  	[sflag:s8] =	ssyncset.done @!p1 $0x0  }
0xc0: {  	[sflag:s8] =	ssyncadd.s32 @!p1 $0xFFFFD800;
	s8 =	simm.s32 @!p1 $0x1  }
0xc1: {  	_ =	swait.ge @!p1 [sflag:s8], $0x50  }
0xc2: {  	[sflag:s8] =	ssyncset.done @!p1 $0x0  }
0xc3: {  	[sflag:s8] =	ssyncadd.s32 @!p1 $0xFFFFFFB0  }
0xc4: {  	_ =	swait.ge @!p1 [sflag:s8], $0x50  }
0xc5: {  	[sflag:s8] =	ssyncset.done @!p1 $0x0  }
0xc6: {  	[sflag:s8] =	ssyncadd.s32 @!p1 $0xFFFFFFB0  }
0xc7: {  	v2 =	vld @!p1 [tilespmem:$0x0]  }
0xc8: {  	v3 =	vld @!p1 [tilespmem:$0x80]  }
0xc9: {  	v4 =	vld @!p1 [tilespmem:$0x10]  }
0xca: {  	v5 =	vld @!p1 [tilespmem:$0x90]  }
0xcb: {  	v6 =	vld @!p1 [tilespmem:$0x20];
	_ =	sdelay $0x2  }
0xcc: {  	v7 =	vld @!p1 [tilespmem:$0xA0];
	[tilespmem:$0x180] =	vst @!p1 v3  }
0xcd: {  	v2 =	vadd.s32 @!p1 v0, v2;
	v3 =	vadd.s32 @!p1 v0, v4;
	v4 =	vld @!p1 [tilespmem:$0xB0];
	[tilespmem:$0x190] =	vst @!p1 v5  }
0xce: {  	v5 =	vadd.s32 @!p1 v0, v6;
	[tilespmem:$0x100] =	vst @!p1 v2;
	v2 =	vld @!p1 [tilespmem:$0x30]  }
0xcf: {  	[tilespmem:$0x120] =	vst @!p1 v5;
	v5 =	vld @!p1 [tilespmem:$0xC0]  }
0xd0: {  	[tilespmem:$0x110] =	vst @!p1 v3;
	v3 =	vld @!p1 [tilespmem:$0x40];
	_ =	sdelay $0x1  }
0xd1: {  	[tilespmem:$0x1A0] =	vst @!p1 v7  }
0xd2: {  	[tilespmem:$0x1B0] =	vst @!p1 v4  }
0xd3: {  	v2 =	vadd.s32 @!p1 v0, v2;
	[tilespmem:$0x1C0] =	vst @!p1 v5  }
0xd4: {  	[tilespmem:$0x130] =	vst @!p1 v2;
	v2 =	vadd.s32 @!p1 v0, v3  }
0xd5: {  	s24 =	simm.s32 @!p1 $0x100;
	s30 =	simm.s32 @!p1 $0x200;
	s8 =	simm.s32 @!p1 $0x50;
	[tilespmem:$0x140] =	vst @!p1 v2  }
0xd6: {  	[tilespmem:s30], [sflag:$0x2] =	stream.indirect.gather @!p1 [hbm4b:s3+s8], $0x80, s24, s8, $0xb8;
	[tilespmem:$0x1DC80] =	vst v63  }
0xd7: {  	s8 =	sadd.s32 @!p1 s29, s17  }
0xd8: {  	s8 =	sshll.u32 @!p1 s8, $0x4  }
0xd9: {  	s24 =	simm.s32 @!p1 $0x0;
	s30 =	simm.s32 @!p1 $0x2A00;
	s8 =	sadd.s32 @!p1 s5, s8  }
0xda: {  	[tilespmem:s30], [sflag:$0x3] =	stream.linear.gather @!p1 [hbm4b:s8+s24], $0x2800, $0x38;
	[tilespmem:$0x1DC80] =	vst v63  }
0xdb: {  	s8 =	sadd.s32 @!p1 s29, s18  }
0xdc: {  	s8 =	sshrl.u32 @!p1 s8, $0x3  }
0xdd: {  	s30 =	simm.s32 @!p1 $0x5200;
	s29 =	sadd.s32 @!p1 s6, s8  }
0xde: {  	[tilespmem:s30], [sflag:$0x5] =	stream.linear.gather @!p1 [hbm4b:s29+s24], $0x50, $0x38;
	[tilespmem:$0x1DC80] =	vst v63  }
0xdf: {  	s8 =	sadd.s32 @!p1 s7, s8;
	s29 =	simm.s32 @!p1 $0x5280  }
0xe0: {  	[tilespmem:s29], [sflag:$0x5] =	stream.linear.gather @!p1 [hbm4b:s8+s24], $0x50, $0x38;
	[tilespmem:$0x1DC80] =	vst v63  }
0xe1: {  	_ =	swait.ge [sflag:s21], $0x2800  }
0xe2: {  	[sflag:s21] =	ssyncset.done $0x0  }
0xe3: {  	[sflag:s21] =	ssyncadd.s32 $0xFFFFD800  }
0xe4: {  	_ =	swait.ge [sflag:s22], $0x2800  }
0xe5: {  	[sflag:s22] =	ssyncset.done $0x0  }
0xe6: {  	s29 =	simm.s32 $0x0;
	[sflag:s22] =	ssyncadd.s32 $0xFFFFD800  }
0xe7: {  	v5 =	vld [tilespmem:s29+$0x7C00]  }
0xe8: {  	v4 =	vld [tilespmem:s29+$0x7C10]  }
0xe9: {  	v3 =	vld [tilespmem:s29+$0x7C20]  }
0xea: {  	v2 =	vld [tilespmem:s29+$0x7C30]  }
0xeb: {  	v10 =	vld [tilespmem:s29+$0x5400]  }
0xec: {  	v9 =	vld [tilespmem:s29+$0x5410]  }
0xed: {  	v8 =	vld [tilespmem:s29+$0x5420]  }
0xee: {  	v7 =	vld [tilespmem:s29+$0x5430]  }
0xef: {  	v6 =	vld [tilespmem:s29+$0x5440];
	v63 =	vshll.u32 v5, $0x10  }
0xf0: {  	s8 =	simm.s32 $0x200;
	v11 =	vand.u32 $0xFFFF0000, v5;
	v5 =	vld [tilespmem:s29+$0x5450];
	v10 =	vadd.f32 v63, v10  }
.LBB2_7:
0xf1: {  	p1 =	sne.s32 s8, $0x9E00;
	v9 =	vadd.f32 v11, v9;
	v11 =	vshll.u32 v4, $0x10;
	v12 =	vld [tilespmem:s29+$0x5460]  }
0xf2: {  	s24 =	sshra.s32 s8, $0x2;
	v4 =	vand.u32 $0xFFFF0000, v4;
	v10 =	vmax.f32 v10, $0.0e+00;
	v8 =	vadd.f32 v11, v8;
	v11 =	vld [tilespmem:s29+$0x5470]  }
0xf3: {  	v13 =	vld [tilespmem:s24+$0x7C00];
	[tilespmem:s29+$0x5400] =	vst v10;
	v9 =	vmax.f32 v9, $0.0e+00;
	v7 =	vadd.f32 v4, v7;
	v10 =	vshll.u32 v3, $0x10  }
0xf4: {  	v4 =	vld [tilespmem:s24+$0x7C10];
	[tilespmem:s29+$0x5410] =	vst v9;
	v8 =	vmax.f32 v8, $0.0e+00;
	v9 =	vand.u32 $0xFFFF0000, v3;
	v6 =	vadd.f32 v10, v6  }
0xf5: {  	v3 =	vld [tilespmem:s24+$0x7C20];
	[tilespmem:s29+$0x5420] =	vst v8;
	v7 =	vmax.f32 v7, $0.0e+00;
	v5 =	vadd.f32 v9, v5;
	v8 =	vshll.u32 v2, $0x10  }
0xf6: {  	[tilespmem:s29+$0x5430] =	vst v7;
	v6 =	vmax.f32 v6, $0.0e+00;
	v7 =	vand.u32 $0xFFFF0000, v2;
	v2 =	vld [tilespmem:s24+$0x7C30];
	v8 =	vadd.f32 v8, v12  }
0xf7: {  	v10 =	vld [tilespmem:s24+$0x5400];
	[tilespmem:s29+$0x5440] =	vst v6;
	v5 =	vmax.f32 v5, $0.0e+00;
	v6 =	vadd.f32 v7, v11  }
.Ltmp2:
0xf8: {  	v9 =	vld [tilespmem:s24+$0x5410];
	[tilespmem:s29+$0x5450] =	vst v5;
	v5 =	vmax.f32 v8, $0.0e+00;
	(pc) =	sbr.rel @p1 .LBB2_7-.Ltmp2, $4  }
0xf9: {  	v8 =	vld [tilespmem:s24+$0x5420];
	[tilespmem:s29+$0x5460] =	vst v5;
	v5 =	vmax.f32 v6, $0.0e+00  }
0xfa: {  	v7 =	vld [tilespmem:s24+$0x5430];
	[tilespmem:s29+$0x5470] =	vst v5;
	s29 =	smov.u32 s24  }
0xfb: {  	v5 =	vshll.u32 v13, $0x10;
	v6 =	vld [tilespmem:s29+$0x5440]  }
0xfc: {  	s8 =	sadd.s32 $0x200, s8;
	v11 =	vand.u32 $0xFFFF0000, v13;
	v10 =	vadd.f32 v5, v10;
	v5 =	vld [tilespmem:s29+$0x5450]  }
0xfd: {  	v9 =	vadd.f32 v11, v9;
	v58 =	vshll.u32 v4, $0x10;
	v12 =	vld [tilespmem:s29+$0x5460]  }
0xfe: {  	v59 =	vand.u32 $0xFFFF0000, v4;
	v60 =	vld [tilespmem:s29+$0x5470];
	v10 =	vmax.f32 v10, $0.0e+00;
	v8 =	vadd.f32 v58, v8  }
0xff: {  	v61 =	vshll.u32 v3, $0x10;
	[tilespmem:s29+$0x5400] =	vst v10;
	v9 =	vmax.f32 v9, $0.0e+00;
	v4 =	vadd.f32 v59, v7  }
0x100: {  	v3 =	vand.u32 $0xFFFF0000, v3;
	[tilespmem:s29+$0x5410] =	vst v9;
	v8 =	vmax.f32 v8, $0.0e+00;
	v6 =	vadd.f32 v61, v6  }
0x101: {  	v62 =	vshll.u32 v2, $0x10;
	s28 =	sadd.s32 $0x1, s28;
	[tilespmem:s29+$0x5420] =	vst v8;
	v4 =	vmax.f32 v4, $0.0e+00;
	v3 =	vadd.f32 v3, v5  }
0x102: {  	v2 =	vand.u32 $0xFFFF0000, v2;
	p1 =	sne.s32 s28, $0x7D;
	[tilespmem:s29+$0x5430] =	vst v4;
	v63 =	vmax.f32 v6, $0.0e+00;
	v5 =	vadd.f32 v62, v12  }
.Ltmp3:
0x103: {  	v2 =	vadd.f32 v2, v60;
	[tilespmem:s29+$0x5440] =	vst v63;
	v3 =	vmax.f32 v3, $0.0e+00;
	(pc) =	sbr.rel @p1 .LBB2_4-.Ltmp3, $4  }
0x104: {  	[tilespmem:s29+$0x5450] =	vst v3;
	v3 =	vmax.f32 v5, $0.0e+00  }
0x105: {  	v2 =	vmax.f32 v2, $0.0e+00;
	[tilespmem:s29+$0x5460] =	vst v3  }
0x106: {  	[tilespmem:s29+$0x5470] =	vst v2  }
0x107: {  	[spmem:s1] =	stream.indirect.scatter.add.f32 [tilespmem:s12], [sflag:$0x8], $0x80, s23, s9, $0xb8;
	[tilespmem:$0x1DC80] =	vst v63  }
0x108: {  	s8 =	simm.s32 $0x4  }
0x109: {  	_ =	swait.ge [sflag:s8], $0x2800  }
0x10a: {  	[sflag:s8] =	ssyncset.done $0x0  }
0x10b: {  	[sflag:s8] =	ssyncadd.s32 $0xFFFFD800  }
0x10c: {  	_ =	swait.ge [sflag:s25], $0x2800  }
0x10d: {  	[sflag:s25] =	ssyncset.done $0x0  }
0x10e: {  	[sflag:s25] =	ssyncadd.s32 $0xFFFFD800  }
0x10f: {  	s29 =	stileid.u32;
	[bflag:$0x0] =	sbarrier.arrive $0xFFFF  }
0x110: {  	s8 =	sshll.u32 s29, $0x6;
	s24 =	rddreg [dreg:$0xa]  }
0x111: {  	s8 =	sor.u32 $0x1C09, s8;
	s28 =	rddreg [dreg:$0xe]  }
0x112: {  	[hbm:s24], [sflag:s8] =	dma.local [spmem:s28], $0x2700  }
0x113: {  	_ =	swait.ge [sflag:s0], $0x2700  }
0x114: {  	[sflag:s0] =	ssyncset.done $0x0;
	s24 =	rddreg [dreg:$0xb]  }
0x115: {  	s28 =	rddreg [dreg:$0xf];
	[sflag:s0] =	ssyncadd.s32 $0xFFFFD900  }
0x116: {  	[hbm:s24], [sflag:s8] =	dma.local @!p0 [spmem:s28], $0x100  }
0x117: {  	s8 =	simm.s32 @!p0 $0x9  }
0x118: {  	_ =	swait.ge @!p0 [sflag:s8], $0x100  }
0x119: {  	s26 =	sadd.s32 $0x1, s26;
	s30 =	rddreg [dreg:$0xc]  }
0x11a: {  	p1 =	sne.s32 s26, s30  }
.Ltmp4:
0x11b: {  	_ = 	snop;
	(pc) =	sbr.rel @p1 .LBB2_1-.Ltmp4, $3  }
0x11c: {  	_ =	sdelay $0x1  }
0x11d: {  	[sflag:s8] =	ssyncset.done @!p0 $0x0  }
0x11e: {  	[sflag:s8] =	ssyncadd.s32 @!p0 $0xFFFFFF00  }
0x11f: {  	_ =	sfence.sel $0x180000  }
0x120: {  	[bflag:$0x0] =	sbarrier.arrive $0xFFFF  }
0x121: {  	_ =	strace $0x90000050  }
0x122: {  	[bflag:$0x2] =	sbarrier.arrive $0xFFFF  }
0x123: {  	s0 =	rddreg [dreg:$0x2]  }
0x124: {  	s0 =	sadd.s32 @!p0 $0x100000, s0  }
0x125: {  	[sflag:s0] =	ssyncadd.tile.s32 @!p0 $0x1;
	_ =	shalt  }
.Lfunc_end2:
_tile_overlayer_lowered:
.L_overlay_start_2:
0x126: {  	(tag) =	ssettag $0x2  }
0x127: {  	s0 =	rddreg [dreg:$0x0];
	s2 =	stileid.u32  }
0x128: {  	s1 =	rddreg [dreg:$0x1];
	p0 =	sne.s32 s2, $0x0  }
0x129: {  	s3 =	rddreg [dreg:$0x2];
	[bflag:$0x3] =	sbarrier.arrive $0xFFFF;
	s2 =	simm.s32 @!p0 $0x1C09  }
0x12a: {  	[timem:s3], [sflag:s2] =	dma.local @!p0 [hbm:s0], s1  }
0x12b: {  	s0 =	simm.s32 @!p0 $0x9  }
0x12c: {  	_ =	swait.ge @!p0 [sflag:s0], s1  }
0x12d: {  	s1 =	ssub.s32 @!p0 $0x0, s1;
	[sflag:s0] =	ssyncset.done @!p0 $0x0  }
0x12e: {  	[sflag:s0] =	ssyncadd.s32 @!p0 s1  }
0x12f: {  	[bflag:$0x3] =	sbarrier.arrive $0xFFFF  }
0x130: {  	_ =	shalt  }

</sc_bundles>
